<compile_context>
chip_gen: v7x
topology: tpu7x:2x2x1
jax: 0.10.2.dev20260603
libtpu: 0.0.44.dev20260713+nightly
codegen_flags: <defaults>
</compile_context>

<pallas_src>
import functools

import jax
import jax.numpy as jnp
from jax import lax
from jax.experimental import pallas as pl
from jax.experimental.pallas import tpu as pltpu
from jax.experimental.pallas import tpu_sc as plsc

_N = 10000
_E = 320000
_G = 64
_D = 128
_H = 128
_OUT = 64

_NC = 2
_NS = 16
_NW = _NC * _NS

_B = 2000
_GRID = _N // _B

_BN_SCALE = 1.0 / (1.0 + 1e-5) ** 0.5



def _make_sc_agg(n, d, e):
    epw = e // _NW
    chunk = 128
    nchunks = epw // chunk
    tailc = epw - nchunks * chunk
    nt = nchunks // 6
    rpt = 624
    tail = n - _NS * rpt
    mesh = plsc.VectorSubcoreMesh(core_axis_name="c", subcore_axis_name="s",
                                  num_cores=_NC, num_subcores=_NS)

    @functools.partial(
        pl.kernel,
        out_type=jax.ShapeDtypeStruct((_NC, n, d), jnp.float32),
        mesh=mesh,
        scratch_types=[
            pltpu.VMEM((chunk, d), jnp.float32),
            pltpu.VMEM((chunk, d), jnp.float32),
            pltpu.VMEM((chunk, d), jnp.float32),
            pltpu.VMEM((2, chunk), jnp.int32),
            pltpu.VMEM((2, chunk), jnp.int32),
            pltpu.VMEM((2, chunk), jnp.int32),
            pltpu.VMEM((2, chunk), jnp.int32),
            pltpu.VMEM((2, chunk), jnp.int32),
            pltpu.VMEM((2, chunk), jnp.int32),
            pltpu.VMEM((2, tailc), jnp.int32),
            pltpu.VMEM_SHARED((n, d), jnp.float32),
            pltpu.SemaphoreType.DMA,
            pltpu.SemaphoreType.DMA,
            pltpu.SemaphoreType.DMA,
            pltpu.SemaphoreType.DMA,
            pltpu.SemaphoreType.DMA,
            pltpu.SemaphoreType.DMA,
            pltpu.SemaphoreType.DMA,
            pltpu.SemaphoreType.DMA,
            pltpu.SemaphoreType.DMA,
            pltpu.SemaphoreType.DMA,
            pltpu.SemaphoreType.DMA,
            pltpu.SemaphoreType.DMA,
            pltpu.SemaphoreType.DMA,
            pltpu.SemaphoreType.DMA,
        ],
    )
    def agg(table_hbm, src_hbm, dst_hbm, out_hbm,
            rows0, rows1, rows2, idx0, idx1, idx2, idx3, idx4, idx5, tidx, acc,
            gsem0, gsem1, gsem2, ssem0, ssem1, ssem2,
            isem0, isem1, isem2, isem3, isem4, isem5, tsem, zsem):
        cid = lax.axis_index("c")
        sid = lax.axis_index("s")
        wid = cid * _NS + sid
        base = wid * epw

        bufs = (rows0, rows1, rows2)
        idxs = (idx0, idx1, idx2, idx3, idx4, idx5)
        gsems = (gsem0, gsem1, gsem2)
        ssems = (ssem0, ssem1, ssem2)
        isems = (isem0, isem1, isem2, isem3, isem4, isem5)

        def idx_fire(slot, c):
            off = base + c * chunk
            pltpu.async_copy(src_hbm.at[pl.ds(off, chunk)], idxs[slot].at[0],
                             isems[slot])
            pltpu.async_copy(dst_hbm.at[pl.ds(off, chunk)], idxs[slot].at[1],
                             isems[slot])

        def idx_wait(slot, c):
            off = base + c * chunk
            pltpu.make_async_copy(src_hbm.at[pl.ds(off, chunk)],
                                  idxs[slot].at[0], isems[slot]).wait()
            pltpu.make_async_copy(dst_hbm.at[pl.ds(off, chunk)],
                                  idxs[slot].at[1], isems[slot]).wait()

        for m in range(6):
            idx_fire(m, m)
        toff = base + nchunks * chunk
        pltpu.async_copy(src_hbm.at[pl.ds(toff, tailc)], tidx.at[0], tsem)
        pltpu.async_copy(dst_hbm.at[pl.ds(toff, tailc)], tidx.at[1], tsem)

        zr = 16
        def zrow(i, _):
            def zlane(l, _):
                rows0[i, pl.ds(l * 16, 16)] = jnp.zeros((16,), jnp.float32)
                return 0
            return lax.fori_loop(0, d // 16, zlane, 0)
        lax.fori_loop(0, zr, zrow, 0)
        zsrc = rows0.at[pl.ds(0, zr)]

        def zacc(i, _):
            pltpu.async_copy(zsrc, acc.at[pl.ds(sid * rpt + i * zr, zr)], zsem)
            return 0
        lax.fori_loop(0, rpt // zr, zacc, 0)

        @pl.when(sid == _NS - 1)
        def _():
            pltpu.async_copy(zsrc, acc.at[pl.ds(_NS * rpt, tail)], zsem)

        def zdrain(i, _):
            pltpu.make_async_copy(
                zsrc, acc.at[pl.ds(sid * rpt, zr)], zsem).wait()
            return 0
        lax.fori_loop(0, rpt // zr, zdrain, 0)

        @pl.when(sid == _NS - 1)
        def _():
            pltpu.make_async_copy(
                zsrc, acc.at[pl.ds(_NS * rpt, tail)], zsem).wait()

        plsc.subcore_barrier()

        def gather(slot, jslot):
            return pltpu.async_copy(
                table_hbm.at[idxs[slot].at[0]], bufs[jslot], gsems[jslot])

        def gwait(slot, jslot):
            pltpu.make_async_copy(
                table_hbm.at[idxs[slot].at[0]], bufs[jslot],
                gsems[jslot]).wait()

        def sfire(slot, jslot):
            pltpu.async_copy(bufs[jslot], acc.at[idxs[slot].at[1]],
                             ssems[jslot], add=True)

        def swait(slot, jslot):
            pltpu.make_async_copy(bufs[jslot], acc.at[idxs[slot].at[1]],
                                  ssems[jslot]).wait()

        for m in range(3):
            idx_wait(m, m)
            gather(m, m)

        def six(t, _):
            for k in range(6):
                c = 6 * t + k
                jslot = k % 3
                gwait(k, jslot)
                sfire(k, jslot)
                jp = (k + 2) % 3
                ip = (k + 5) % 6
                g = (k + 2) % 6
                if k == 0:
                    @pl.when(t > 0)
                    def _():
                        swait(ip, jp)
                        idx_wait(g, c + 2)
                        gather(g, jp)
                        idx_fire(ip, c + 5)
                elif k <= 3:
                    swait(ip, jp)
                    idx_wait(g, c + 2)
                    gather(g, jp)

                    @pl.when(t < nt - 1)
                    def _():
                        idx_fire(ip, c + 5)
                else:
                    swait(ip, jp)

                    @pl.when(t < nt - 1)
                    def _():
                        idx_wait(g, c + 2)
                        gather(g, jp)
                        idx_fire(ip, c + 5)
            return 0

        lax.fori_loop(0, nt, six, 0)
        swait(5, 2)

        pltpu.make_async_copy(src_hbm.at[pl.ds(toff, tailc)],
                              tidx.at[0], tsem).wait()
        pltpu.make_async_copy(dst_hbm.at[pl.ds(toff, tailc)],
                              tidx.at[1], tsem).wait()
        pltpu.async_copy(table_hbm.at[tidx.at[0]], rows0.at[pl.ds(0, tailc)],
                         gsem0)
        pltpu.make_async_copy(table_hbm.at[tidx.at[0]],
                              rows0.at[pl.ds(0, tailc)], gsem0).wait()
        pltpu.sync_copy(rows0.at[pl.ds(0, tailc)], acc.at[tidx.at[1]],
                        add=True)
        plsc.subcore_barrier()

        pltpu.sync_copy(
            acc.at[pl.ds(sid * rpt, rpt)],
            out_hbm.at[cid, pl.ds(sid * rpt, rpt)],
        )

        @pl.when(sid == _NS - 1)
        def _():
            pltpu.sync_copy(
                acc.at[pl.ds(_NS * rpt, tail)],
                out_hbm.at[cid, pl.ds(_NS * rpt, tail)],
            )

    return agg


_sc_agg_cache = []


def _sc_agg(table, src, dst):
    if not _sc_agg_cache:
        _sc_agg_cache.append(_make_sc_agg(_N, _D, _E))
    return _sc_agg_cache[0](table, src, dst)



def _gin_block(x_ref, a0_ref, a1_ref, w1_ref, b1_ref, g1_ref, t1_ref,
               w2_ref, b2_ref, g2_ref, t2_ref):
    z = x_ref[...] + a0_ref[0] + a1_ref[0]
    h = jnp.dot(z, w1_ref[...], preferred_element_type=jnp.float32) + b1_ref[...]
    h = h * (g1_ref[...] * _BN_SCALE) + t1_ref[...]
    h = jnp.maximum(h, 0.0)
    h = jnp.dot(h, w2_ref[...], preferred_element_type=jnp.float32) + b2_ref[...]
    h = h * (g2_ref[...] * _BN_SCALE) + t2_ref[...]
    return jnp.maximum(h, 0.0)


def _onehot(b3_ref):
    b = b3_ref[0, 0, :]
    gid = lax.broadcasted_iota(jnp.int32, (_G, _B), 0)
    return (b[None, :] == gid).astype(jnp.float32)


def _layer1_body(x_ref, a0_ref, a1_ref, b3_ref,
                 w1_ref, b1_ref, g1_ref, t1_ref,
                 w2_ref, b2_ref, g2_ref, t2_ref,
                 h_ref, sums_ref, cnt_ref):
    pid = pl.program_id(0)
    h = _gin_block(x_ref, a0_ref, a1_ref, w1_ref, b1_ref, g1_ref, t1_ref,
                   w2_ref, b2_ref, g2_ref, t2_ref)
    h_ref[...] = h
    oh = _onehot(b3_ref)

    @pl.when(pid == 0)
    def _():
        sums_ref[...] = jnp.zeros_like(sums_ref)
        cnt_ref[...] = jnp.zeros_like(cnt_ref)

    sums_ref[...] += jnp.dot(oh, h, preferred_element_type=jnp.float32)
    cnt_ref[...] += jnp.broadcast_to(
        jnp.sum(oh, axis=1, keepdims=True), cnt_ref.shape)


def _layer2_body(x_ref, a0_ref, a1_ref, b3_ref,
                 w1_ref, b1_ref, g1_ref, t1_ref,
                 w2_ref, b2_ref, g2_ref, t2_ref,
                 m1_ref, cnt_ref, wl0_ref, wl1_ref, bl_ref,
                 out_ref, m2_ref):
    pid = pl.program_id(0)
    h = _gin_block(x_ref, a0_ref, a1_ref, w1_ref, b1_ref, g1_ref, t1_ref,
                   w2_ref, b2_ref, g2_ref, t2_ref)
    oh = _onehot(b3_ref)

    @pl.when(pid == 0)
    def _():
        m2_ref[...] = jnp.zeros_like(m2_ref)

    m2_ref[...] += jnp.dot(oh, h, preferred_element_type=jnp.float32)

    @pl.when(pid == _GRID - 1)
    def _():
        c = jnp.maximum(cnt_ref[...], 1.0)
        m1 = m1_ref[...] / c
        m2 = m2_ref[...] / c
        out_ref[...] = (jnp.dot(m1, wl0_ref[0], preferred_element_type=jnp.float32)
                        + jnp.dot(m2, wl1_ref[0], preferred_element_type=jnp.float32)
                        + bl_ref[...])


_row_spec = pl.BlockSpec((_B, _D), lambda i: (i, 0))
_agg0_spec = pl.BlockSpec((1, _B, _D), lambda i: (0, i, 0))
_agg1_spec = pl.BlockSpec((1, _B, _D), lambda i: (1, i, 0))
_b3_spec = pl.BlockSpec((1, 1, _B), lambda i: (i, 0, 0))
_w_spec = pl.BlockSpec((_D, _H), lambda i: (0, 0))
_v_spec = pl.BlockSpec((1, _H), lambda i: (0, 0))
_g_spec = pl.BlockSpec((_G, _H), lambda i: (0, 0))

_layer1 = pl.pallas_call(
    _layer1_body,
    grid=(_GRID,),
    in_specs=[_row_spec, _agg0_spec, _agg1_spec, _b3_spec,
              _w_spec, _v_spec, _v_spec, _v_spec,
              _w_spec, _v_spec, _v_spec, _v_spec],
    out_specs=[_row_spec, _g_spec, _g_spec],
    out_shape=[jax.ShapeDtypeStruct((_N, _H), jnp.float32),
               jax.ShapeDtypeStruct((_G, _H), jnp.float32),
               jax.ShapeDtypeStruct((_G, _H), jnp.float32)],
)

_wl_spec = pl.BlockSpec((1, _H, _OUT), lambda i: (0, 0, 0))
_wl1_spec = pl.BlockSpec((1, _H, _OUT), lambda i: (1, 0, 0))
_bl_spec = pl.BlockSpec((1, _OUT), lambda i: (0, 0))

_layer2 = pl.pallas_call(
    _layer2_body,
    grid=(_GRID,),
    in_specs=[_row_spec, _agg0_spec, _agg1_spec, _b3_spec,
              _w_spec, _v_spec, _v_spec, _v_spec,
              _w_spec, _v_spec, _v_spec, _v_spec,
              _g_spec, _g_spec, _wl_spec, _wl1_spec, _bl_spec],
    out_specs=pl.BlockSpec((_G, _OUT), lambda i: (0, 0)),
    out_shape=jax.ShapeDtypeStruct((_G, _OUT), jnp.float32),
    scratch_shapes=[pltpu.VMEM((_G, _H), jnp.float32)],
)


def kernel(x, edge_index, batch,
           W1a, b1a, g1a, t1a, W2a, b2a, g2a, t2a,
           W1b, b1b, g1b, t1b, W2b, b2b, g2b, t2b,
           Wl, bl):
    src = edge_index[0]
    dst = edge_index[1]
    b3 = batch.reshape(_GRID, 1, _B)
    r = lambda v: v.reshape(1, -1)

    agg1 = _sc_agg(x, src, dst)
    h1, m1s, cnt = _layer1(x, agg1, agg1, b3,
                           W1a, r(b1a), r(g1a), r(t1a),
                           W2a, r(b2a), r(g2a), r(t2a))
    agg2 = _sc_agg(h1, src, dst)
    wlr = Wl.reshape(2, _H, _OUT)
    return _layer2(h1, agg2, agg2, b3,
                   W1b, r(b1b), r(g1b), r(t1b),
                   W2b, r(b2b), r(g2b), r(t2b),
                   m1s, cnt, wlr, wlr, r(bl))

# --- scband reference (transcript-rebuilt; emitter-appended) ---
"""Pipeline reference for scband-gcn-87299505258672 (READ-ONLY COPY).

The authoritative reference and input builder live on the scoring server;
editing this copy changes nothing except your own understanding.
"""

import jax, jax.numpy as jnp
import numpy as np

N = 10000
E = 320000
G = 64
D = 128
H = 128
OUT = 64


def _bn(x, gamma, beta):
    # BatchNorm1d in eval mode: running_mean=0, running_var=1, eps=1e-5
    return x * (gamma / jnp.sqrt(1.0 + 1e-5)) + beta


def _mlp(x, p):
    W1, b1, g1, t1, W2, b2, g2, t2 = p
    h = x @ W1 + b1
    h = _bn(h, g1, t1)
    h = jax.nn.relu(h)
    h = h @ W2 + b2
    h = _bn(h, g2, t2)
    return h


def _gmp(x, batch):
    s = jax.ops.segment_sum(x, batch, num_segments=G)
    c = jax.ops.segment_sum(jnp.ones((x.shape[0], 1), x.dtype), batch, num_segments=G)
    return s / jnp.maximum(c, 1.0)


def setup_inputs(seed: int = 0):
    key = jax.random.key(seed)
    ks = jax.random.split(key, 8)
    x = jax.random.normal(ks[0], (N, D), dtype=jnp.float32)
    edge_index = jax.random.randint(ks[1], (2, E), 0, N, dtype=jnp.int32)
    batch = jnp.sort(jax.random.randint(ks[2], (N,), 0, G, dtype=jnp.int32))

    def lin(k, i, o):
        lim = 1.0 / np.sqrt(i)
        kw, kb = jax.random.split(k)
        return (jax.random.uniform(kw, (i, o), jnp.float32, -lim, lim),
                jax.random.uniform(kb, (o,), jnp.float32, -lim, lim))

    W1a, b1a = lin(ks[3], D, H)
    W2a, b2a = lin(ks[4], H, H)
    W1b, b1b = lin(ks[5], H, H)
    W2b, b2b = lin(ks[6], H, H)
    Wl, bl = lin(ks[7], 2 * H, OUT)
    ones = jnp.ones((H,), jnp.float32)
    zeros = jnp.zeros((H,), jnp.float32)
    return {"x": x, "edge_index": edge_index, "batch": batch,
            "W1a": W1a, "b1a": b1a, "g1a": ones, "t1a": zeros,
            "W2a": W2a, "b2a": b2a, "g2a": ones, "t2a": zeros,
            "W1b": W1b, "b1b": b1b, "g1b": ones, "t1b": zeros,
            "W2b": W2b, "b2b": b2b, "g2b": ones, "t2b": zeros,
            "Wl": Wl, "bl": bl}


def reference(x, edge_index, batch,
              W1a, b1a, g1a, t1a, W2a, b2a, g2a, t2a,
              W1b, b1b, g1b, t1b, W2b, b2b, g2b, t2b,
              Wl, bl):
    src, dst = edge_index[0], edge_index[1]
    # GINConv layer 1: out = MLP((1+eps)*x + sum_{j->i} x_j), eps=0
    agg1 = jax.ops.segment_sum(x[src], dst, num_segments=N)
    h1 = _mlp(x + agg1, (W1a, b1a, g1a, t1a, W2a, b2a, g2a, t2a))
    h1 = jax.nn.relu(h1)
    m1 = _gmp(h1, batch)
    # GINConv layer 2
    agg2 = jax.ops.segment_sum(h1[src], dst, num_segments=N)
    h2 = _mlp(h1 + agg2, (W1b, b1b, g1b, t1b, W2b, b2b, g2b, t2b))
    h2 = jax.nn.relu(h2)
    m2 = _gmp(h2, batch)
    n = jnp.concatenate([m1, m2], axis=1)
    # dropout p=0.2 is identity in eval mode
    return n @ Wl + bl

if __name__ == "__main__":
    import jax
    _d = setup_inputs()
    print(jax.jit(kernel)(*tuple(_d.values())))

</pallas_src>

<mosaic_0001>
#map = affine_map<(d0, d1) -> (0, 0)>
#map1 = affine_map<(d0, d1) -> (0)>
#map2 = affine_map<(d0, d1) -> (0, 0, 0)>
module attributes {stable_mosaic.version = 14 : i64} {
  func.func @agg(%arg0: i32, %arg1: i32, %arg2: memref<10000x128xf32, #tpu.memory_space<hbm>>, %arg3: memref<320000xi32, #tpu.memory_space<hbm>>, %arg4: memref<320000xi32, #tpu.memory_space<hbm>>, %arg5: memref<2x10000x128xf32, #tpu.memory_space<hbm>>, %arg6: memref<128x128xf32, #tpu.memory_space<vmem>>, %arg7: memref<128x128xf32, #tpu.memory_space<vmem>>, %arg8: memref<128x128xf32, #tpu.memory_space<vmem>>, %arg9: memref<2x128xi32, #tpu.memory_space<vmem>>, %arg10: memref<2x128xi32, #tpu.memory_space<vmem>>, %arg11: memref<2x128xi32, #tpu.memory_space<vmem>>, %arg12: memref<2x128xi32, #tpu.memory_space<vmem>>, %arg13: memref<2x128xi32, #tpu.memory_space<vmem>>, %arg14: memref<2x128xi32, #tpu.memory_space<vmem>>, %arg15: memref<2x16xi32, #tpu.memory_space<vmem>>, %arg16: memref<10000x128xf32, #tpu.memory_space<vmem_shared>>, %arg17: memref<!tpu.dma_semaphore, #tpu.memory_space<semaphore_mem>>, %arg18: memref<!tpu.dma_semaphore, #tpu.memory_space<semaphore_mem>>, %arg19: memref<!tpu.dma_semaphore, #tpu.memory_space<semaphore_mem>>, %arg20: memref<!tpu.dma_semaphore, #tpu.memory_space<semaphore_mem>>, %arg21: memref<!tpu.dma_semaphore, #tpu.memory_space<semaphore_mem>>, %arg22: memref<!tpu.dma_semaphore, #tpu.memory_space<semaphore_mem>>, %arg23: memref<!tpu.dma_semaphore, #tpu.memory_space<semaphore_mem>>, %arg24: memref<!tpu.dma_semaphore, #tpu.memory_space<semaphore_mem>>, %arg25: memref<!tpu.dma_semaphore, #tpu.memory_space<semaphore_mem>>, %arg26: memref<!tpu.dma_semaphore, #tpu.memory_space<semaphore_mem>>, %arg27: memref<!tpu.dma_semaphore, #tpu.memory_space<semaphore_mem>>, %arg28: memref<!tpu.dma_semaphore, #tpu.memory_space<semaphore_mem>>, %arg29: memref<!tpu.dma_semaphore, #tpu.memory_space<semaphore_mem>>, %arg30: memref<!tpu.dma_semaphore, #tpu.memory_space<semaphore_mem>>) attributes {dimension_semantics = [#tpu.dimension_semantics<core_parallel>, #tpu.dimension_semantics<subcore_parallel>], iteration_bounds = array<i64: 2, 16>, scalar_prefetch = 0 : i64, scratch_operands = 25 : i64, tpu.core_type = #tpu.core_type<sc_vector_subcore>, window_params = [{transform_indices = #map}, {transform_indices = #map1}, {transform_indices = #map1}, {transform_indices = #map2}]} {
    %mul3A = arith.constant 16 : i32
    %mul3A_0 = arith.muli %arg0, %mul3A : i32
    %add3A = arith.addi %mul3A_0, %arg1 : i32
    %mul3A_1 = arith.constant 10000 : i32
    %mul3A_2 = arith.muli %add3A, %mul3A_1 : i32
    %add3A_3 = arith.constant 0 : i32
    %add3A_4 = arith.addi %mul3A_2, %add3A_3 : i32
    %dma_start3A = arith.constant 0 : i32
    %dma_start3A_5 = arith.constant 0 : i32
    %dma_start3A_6 = tpu.memref_slice %arg9[%dma_start3A, %dma_start3A_5] : memref<2x128xi32, #tpu.memory_space<vmem>> -> memref<1x128xi32, #tpu.memory_space<vmem>>
    %dma_start3A_7 = tpu.memref_squeeze %dma_start3A_6 : memref<1x128xi32, #tpu.memory_space<vmem>> -> memref<128xi32, #tpu.memory_space<vmem>>
    %dma_start3A_8 = tpu.memref_slice %arg3[%add3A_4] : memref<320000xi32, #tpu.memory_space<hbm>> -> memref<128xi32, #tpu.memory_space<hbm>>
    %dma_start3A_9 = arith.constant 0 : i32
    %dma_start3A_10 = tpu.memref_slice %arg9[%dma_start3A, %dma_start3A_9] : memref<2x128xi32, #tpu.memory_space<vmem>> -> memref<1x128xi32, #tpu.memory_space<vmem>>
    %dma_start3A_11 = tpu.memref_squeeze %dma_start3A_10 : memref<1x128xi32, #tpu.memory_space<vmem>> -> memref<128xi32, #tpu.memory_space<vmem>>
    %dma_start3A_12 = tpu.memref_slice %arg3[%add3A_4] : memref<320000xi32, #tpu.memory_space<hbm>> -> memref<128xi32, #tpu.memory_space<hbm>>
    tpu.enqueue_dma source(%dma_start3A_12 : memref<128xi32, #tpu.memory_space<hbm>>) target(%dma_start3A_11 : memref<128xi32, #tpu.memory_space<vmem>>) target_semaphore(%arg23 : memref<!tpu.dma_semaphore, #tpu.memory_space<semaphore_mem>>)
    %dma_start3A_13 = arith.constant 1 : i32
    %dma_start3A_14 = arith.constant 0 : i32
    %dma_start3A_15 = tpu.memref_slice %arg9[%dma_start3A_13, %dma_start3A_14] : memref<2x128xi32, #tpu.memory_space<vmem>> -> memref<1x128xi32, #tpu.memory_space<vmem>>
    %dma_start3A_16 = tpu.memref_squeeze %dma_start3A_15 : memref<1x128xi32, #tpu.memory_space<vmem>> -> memref<128xi32, #tpu.memory_space<vmem>>
    %dma_start3A_17 = tpu.memref_slice %arg4[%add3A_4] : memref<320000xi32, #tpu.memory_space<hbm>> -> memref<128xi32, #tpu.memory_space<hbm>>
    %dma_start3A_18 = arith.constant 0 : i32
    %dma_start3A_19 = tpu.memref_slice %arg9[%dma_start3A_13, %dma_start3A_18] : memref<2x128xi32, #tpu.memory_space<vmem>> -> memref<1x128xi32, #tpu.memory_space<vmem>>
    %dma_start3A_20 = tpu.memref_squeeze %dma_start3A_19 : memref<1x128xi32, #tpu.memory_space<vmem>> -> memref<128xi32, #tpu.memory_space<vmem>>
    %dma_start3A_21 = tpu.memref_slice %arg4[%add3A_4] : memref<320000xi32, #tpu.memory_space<hbm>> -> memref<128xi32, #tpu.memory_space<hbm>>
    tpu.enqueue_dma source(%dma_start3A_21 : memref<128xi32, #tpu.memory_space<hbm>>) target(%dma_start3A_20 : memref<128xi32, #tpu.memory_space<vmem>>) target_semaphore(%arg23 : memref<!tpu.dma_semaphore, #tpu.memory_space<semaphore_mem>>)
    %add3A_22 = arith.constant 128 : i32
    %add3A_23 = arith.addi %mul3A_2, %add3A_22 : i32
    %dma_start3A_24 = arith.constant 0 : i32
    %dma_start3A_25 = arith.constant 0 : i32
    %dma_start3A_26 = tpu.memref_slice %arg10[%dma_start3A_24, %dma_start3A_25] : memref<2x128xi32, #tpu.memory_space<vmem>> -> memref<1x128xi32, #tpu.memory_space<vmem>>
    %dma_start3A_27 = tpu.memref_squeeze %dma_start3A_26 : memref<1x128xi32, #tpu.memory_space<vmem>> -> memref<128xi32, #tpu.memory_space<vmem>>
    %dma_start3A_28 = tpu.memref_slice %arg3[%add3A_23] : memref<320000xi32, #tpu.memory_space<hbm>> -> memref<128xi32, #tpu.memory_space<hbm>>
    %dma_start3A_29 = arith.constant 0 : i32
    %dma_start3A_30 = tpu.memref_slice %arg10[%dma_start3A_24, %dma_start3A_29] : memref<2x128xi32, #tpu.memory_space<vmem>> -> memref<1x128xi32, #tpu.memory_space<vmem>>
    %dma_start3A_31 = tpu.memref_squeeze %dma_start3A_30 : memref<1x128xi32, #tpu.memory_space<vmem>> -> memref<128xi32, #tpu.memory_space<vmem>>
    %dma_start3A_32 = tpu.memref_slice %arg3[%add3A_23] : memref<320000xi32, #tpu.memory_space<hbm>> -> memref<128xi32, #tpu.memory_space<hbm>>
    tpu.enqueue_dma source(%dma_start3A_32 : memref<128xi32, #tpu.memory_space<hbm>>) target(%dma_start3A_31 : memref<128xi32, #tpu.memory_space<vmem>>) target_semaphore(%arg24 : memref<!tpu.dma_semaphore, #tpu.memory_space<semaphore_mem>>)
    %dma_start3A_33 = arith.constant 1 : i32
    %dma_start3A_34 = arith.constant 0 : i32
    %dma_start3A_35 = tpu.memref_slice %arg10[%dma_start3A_33, %dma_start3A_34] : memref<2x128xi32, #tpu.memory_space<vmem>> -> memref<1x128xi32, #tpu.memory_space<vmem>>
    %dma_start3A_36 = tpu.memref_squeeze %dma_start3A_35 : memref<1x128xi32, #tpu.memory_space<vmem>> -> memref<128xi32, #tpu.memory_space<vmem>>
    %dma_start3A_37 = tpu.memref_slice %arg4[%add3A_23] : memref<320000xi32, #tpu.memory_space<hbm>> -> memref<128xi32, #tpu.memory_space<hbm>>
    %dma_start3A_38 = arith.constant 0 : i32
    %dma_start3A_39 = tpu.memref_slice %arg10[%dma_start3A_33, %dma_start3A_38] : memref<2x128xi32, #tpu.memory_space<vmem>> -> memref<1x128xi32, #tpu.memory_space<vmem>>
    %dma_start3A_40 = tpu.memref_squeeze %dma_start3A_39 : memref<1x128xi32, #tpu.memory_space<vmem>> -> memref<128xi32, #tpu.memory_space<vmem>>
    %dma_start3A_41 = tpu.memref_slice %arg4[%add3A_23] : memref<320000xi32, #tpu.memory_space<hbm>> -> memref<128xi32, #tpu.memory_space<hbm>>
    tpu.enqueue_dma source(%dma_start3A_41 : memref<128xi32, #tpu.memory_space<hbm>>) target(%dma_start3A_40 : memref<128xi32, #tpu.memory_space<vmem>>) target_semaphore(%arg24 : memref<!tpu.dma_semaphore, #tpu.memory_space<semaphore_mem>>)
    %add3A_42 = arith.constant 256 : i32
    %add3A_43 = arith.addi %mul3A_2, %add3A_42 : i32
    %dma_start3A_44 = arith.constant 0 : i32
    %dma_start3A_45 = arith.constant 0 : i32
    %dma_start3A_46 = tpu.memref_slice %arg11[%dma_start3A_44, %dma_start3A_45] : memref<2x128xi32, #tpu.memory_space<vmem>> -> memref<1x128xi32, #tpu.memory_space<vmem>>
    %dma_start3A_47 = tpu.memref_squeeze %dma_start3A_46 : memref<1x128xi32, #tpu.memory_space<vmem>> -> memref<128xi32, #tpu.memory_space<vmem>>
    %dma_start3A_48 = tpu.memref_slice %arg3[%add3A_43] : memref<320000xi32, #tpu.memory_space<hbm>> -> memref<128xi32, #tpu.memory_space<hbm>>
    %dma_start3A_49 = arith.constant 0 : i32
    %dma_start3A_50 = tpu.memref_slice %arg11[%dma_start3A_44, %dma_start3A_49] : memref<2x128xi32, #tpu.memory_space<vmem>> -> memref<1x128xi32, #tpu.memory_space<vmem>>
    %dma_start3A_51 = tpu.memref_squeeze %dma_start3A_50 : memref<1x128xi32, #tpu.memory_space<vmem>> -> memref<128xi32, #tpu.memory_space<vmem>>
    %dma_start3A_52 = tpu.memref_slice %arg3[%add3A_43] : memref<320000xi32, #tpu.memory_space<hbm>> -> memref<128xi32, #tpu.memory_space<hbm>>
    tpu.enqueue_dma source(%dma_start3A_52 : memref<128xi32, #tpu.memory_space<hbm>>) target(%dma_start3A_51 : memref<128xi32, #tpu.memory_space<vmem>>) target_semaphore(%arg25 : memref<!tpu.dma_semaphore, #tpu.memory_space<semaphore_mem>>)
    %dma_start3A_53 = arith.constant 1 : i32
    %dma_start3A_54 = arith.constant 0 : i32
    %dma_start3A_55 = tpu.memref_slice %arg11[%dma_start3A_53, %dma_start3A_54] : memref<2x128xi32, #tpu.memory_space<vmem>> -> memref<1x128xi32, #tpu.memory_space<vmem>>
    %dma_start3A_56 = tpu.memref_squeeze %dma_start3A_55 : memref<1x128xi32, #tpu.memory_space<vmem>> -> memref<128xi32, #tpu.memory_space<vmem>>
    %dma_start3A_57 = tpu.memref_slice %arg4[%add3A_43] : memref<320000xi32, #tpu.memory_space<hbm>> -> memref<128xi32, #tpu.memory_space<hbm>>
    %dma_start3A_58 = arith.constant 0 : i32
    %dma_start3A_59 = tpu.memref_slice %arg11[%dma_start3A_53, %dma_start3A_58] : memref<2x128xi32, #tpu.memory_space<vmem>> -> memref<1x128xi32, #tpu.memory_space<vmem>>
    %dma_start3A_60 = tpu.memref_squeeze %dma_start3A_59 : memref<1x128xi32, #tpu.memory_space<vmem>> -> memref<128xi32, #tpu.memory_space<vmem>>
    %dma_start3A_61 = tpu.memref_slice %arg4[%add3A_43] : memref<320000xi32, #tpu.memory_space<hbm>> -> memref<128xi32, #tpu.memory_space<hbm>>
    tpu.enqueue_dma source(%dma_start3A_61 : memref<128xi32, #tpu.memory_space<hbm>>) target(%dma_start3A_60 : memref<128xi32, #tpu.memory_space<vmem>>) target_semaphore(%arg25 : memref<!tpu.dma_semaphore, #tpu.memory_space<semaphore_mem>>)
    %add3A_62 = arith.constant 384 : i32
    %add3A_63 = arith.addi %mul3A_2, %add3A_62 : i32
    %dma_start3A_64 = arith.constant 0 : i32
    %dma_start3A_65 = arith.constant 0 : i32
    %dma_start3A_66 = tpu.memref_slice %arg12[%dma_start3A_64, %dma_start3A_65] : memref<2x128xi32, #tpu.memory_space<vmem>> -> memref<1x128xi32, #tpu.memory_space<vmem>>
    %dma_start3A_67 = tpu.memref_squeeze %dma_start3A_66 : memref<1x128xi32, #tpu.memory_space<vmem>> -> memref<128xi32, #tpu.memory_space<vmem>>
    %dma_start3A_68 = tpu.memref_slice %arg3[%add3A_63] : memref<320000xi32, #tpu.memory_space<hbm>> -> memref<128xi32, #tpu.memory_space<hbm>>
    %dma_start3A_69 = arith.constant 0 : i32
    %dma_start3A_70 = tpu.memref_slice %arg12[%dma_start3A_64, %dma_start3A_69] : memref<2x128xi32, #tpu.memory_space<vmem>> -> memref<1x128xi32, #tpu.memory_space<vmem>>
    %dma_start3A_71 = tpu.memref_squeeze %dma_start3A_70 : memref<1x128xi32, #tpu.memory_space<vmem>> -> memref<128xi32, #tpu.memory_space<vmem>>
    %dma_start3A_72 = tpu.memref_slice %arg3[%add3A_63] : memref<320000xi32, #tpu.memory_space<hbm>> -> memref<128xi32, #tpu.memory_space<hbm>>
    tpu.enqueue_dma source(%dma_start3A_72 : memref<128xi32, #tpu.memory_space<hbm>>) target(%dma_start3A_71 : memref<128xi32, #tpu.memory_space<vmem>>) target_semaphore(%arg26 : memref<!tpu.dma_semaphore, #tpu.memory_space<semaphore_mem>>)
    %dma_start3A_73 = arith.constant 1 : i32
    %dma_start3A_74 = arith.constant 0 : i32
    %dma_start3A_75 = tpu.memref_slice %arg12[%dma_start3A_73, %dma_start3A_74] : memref<2x128xi32, #tpu.memory_space<vmem>> -> memref<1x128xi32, #tpu.memory_space<vmem>>
    %dma_start3A_76 = tpu.memref_squeeze %dma_start3A_75 : memref<1x128xi32, #tpu.memory_space<vmem>> -> memref<128xi32, #tpu.memory_space<vmem>>
    %dma_start3A_77 = tpu.memref_slice %arg4[%add3A_63] : memref<320000xi32, #tpu.memory_space<hbm>> -> memref<128xi32, #tpu.memory_space<hbm>>
    %dma_start3A_78 = arith.constant 0 : i32
    %dma_start3A_79 = tpu.memref_slice %arg12[%dma_start3A_73, %dma_start3A_78] : memref<2x128xi32, #tpu.memory_space<vmem>> -> memref<1x128xi32, #tpu.memory_space<vmem>>
    %dma_start3A_80 = tpu.memref_squeeze %dma_start3A_79 : memref<1x128xi32, #tpu.memory_space<vmem>> -> memref<128xi32, #tpu.memory_space<vmem>>
    %dma_start3A_81 = tpu.memref_slice %arg4[%add3A_63] : memref<320000xi32, #tpu.memory_space<hbm>> -> memref<128xi32, #tpu.memory_space<hbm>>
    tpu.enqueue_dma source(%dma_start3A_81 : memref<128xi32, #tpu.memory_space<hbm>>) target(%dma_start3A_80 : memref<128xi32, #tpu.memory_space<vmem>>) target_semaphore(%arg26 : memref<!tpu.dma_semaphore, #tpu.memory_space<semaphore_mem>>)
    %add3A_82 = arith.constant 512 : i32
    %add3A_83 = arith.addi %mul3A_2, %add3A_82 : i32
    %dma_start3A_84 = arith.constant 0 : i32
    %dma_start3A_85 = arith.constant 0 : i32
    %dma_start3A_86 = tpu.memref_slice %arg13[%dma_start3A_84, %dma_start3A_85] : memref<2x128xi32, #tpu.memory_space<vmem>> -> memref<1x128xi32, #tpu.memory_space<vmem>>
    %dma_start3A_87 = tpu.memref_squeeze %dma_start3A_86 : memref<1x128xi32, #tpu.memory_space<vmem>> -> memref<128xi32, #tpu.memory_space<vmem>>
    %dma_start3A_88 = tpu.memref_slice %arg3[%add3A_83] : memref<320000xi32, #tpu.memory_space<hbm>> -> memref<128xi32, #tpu.memory_space<hbm>>
    %dma_start3A_89 = arith.constant 0 : i32
    %dma_start3A_90 = tpu.memref_slice %arg13[%dma_start3A_84, %dma_start3A_89] : memref<2x128xi32, #tpu.memory_space<vmem>> -> memref<1x128xi32, #tpu.memory_space<vmem>>
    %dma_start3A_91 = tpu.memref_squeeze %dma_start3A_90 : memref<1x128xi32, #tpu.memory_space<vmem>> -> memref<128xi32, #tpu.memory_space<vmem>>
    %dma_start3A_92 = tpu.memref_slice %arg3[%add3A_83] : memref<320000xi32, #tpu.memory_space<hbm>> -> memref<128xi32, #tpu.memory_space<hbm>>
    tpu.enqueue_dma source(%dma_start3A_92 : memref<128xi32, #tpu.memory_space<hbm>>) target(%dma_start3A_91 : memref<128xi32, #tpu.memory_space<vmem>>) target_semaphore(%arg27 : memref<!tpu.dma_semaphore, #tpu.memory_space<semaphore_mem>>)
    %dma_start3A_93 = arith.constant 1 : i32
    %dma_start3A_94 = arith.constant 0 : i32
    %dma_start3A_95 = tpu.memref_slice %arg13[%dma_start3A_93, %dma_start3A_94] : memref<2x128xi32, #tpu.memory_space<vmem>> -> memref<1x128xi32, #tpu.memory_space<vmem>>
    %dma_start3A_96 = tpu.memref_squeeze %dma_start3A_95 : memref<1x128xi32, #tpu.memory_space<vmem>> -> memref<128xi32, #tpu.memory_space<vmem>>
    %dma_start3A_97 = tpu.memref_slice %arg4[%add3A_83] : memref<320000xi32, #tpu.memory_space<hbm>> -> memref<128xi32, #tpu.memory_space<hbm>>
    %dma_start3A_98 = arith.constant 0 : i32
    %dma_start3A_99 = tpu.memref_slice %arg13[%dma_start3A_93, %dma_start3A_98] : memref<2x128xi32, #tpu.memory_space<vmem>> -> memref<1x128xi32, #tpu.memory_space<vmem>>
    %dma_start3A_100 = tpu.memref_squeeze %dma_start3A_99 : memref<1x128xi32, #tpu.memory_space<vmem>> -> memref<128xi32, #tpu.memory_space<vmem>>
    %dma_start3A_101 = tpu.memref_slice %arg4[%add3A_83] : memref<320000xi32, #tpu.memory_space<hbm>> -> memref<128xi32, #tpu.memory_space<hbm>>
    tpu.enqueue_dma source(%dma_start3A_101 : memref<128xi32, #tpu.memory_space<hbm>>) target(%dma_start3A_100 : memref<128xi32, #tpu.memory_space<vmem>>) target_semaphore(%arg27 : memref<!tpu.dma_semaphore, #tpu.memory_space<semaphore_mem>>)
    %add3A_102 = arith.constant 640 : i32
    %add3A_103 = arith.addi %mul3A_2, %add3A_102 : i32
    %dma_start3A_104 = arith.constant 0 : i32
    %dma_start3A_105 = arith.constant 0 : i32
    %dma_start3A_106 = tpu.memref_slice %arg14[%dma_start3A_104, %dma_start3A_105] : memref<2x128xi32, #tpu.memory_space<vmem>> -> memref<1x128xi32, #tpu.memory_space<vmem>>
    %dma_start3A_107 = tpu.memref_squeeze %dma_start3A_106 : memref<1x128xi32, #tpu.memory_space<vmem>> -> memref<128xi32, #tpu.memory_space<vmem>>
    %dma_start3A_108 = tpu.memref_slice %arg3[%add3A_103] : memref<320000xi32, #tpu.memory_space<hbm>> -> memref<128xi32, #tpu.memory_space<hbm>>
    %dma_start3A_109 = arith.constant 0 : i32
    %dma_start3A_110 = tpu.memref_slice %arg14[%dma_start3A_104, %dma_start3A_109] : memref<2x128xi32, #tpu.memory_space<vmem>> -> memref<1x128xi32, #tpu.memory_space<vmem>>
    %dma_start3A_111 = tpu.memref_squeeze %dma_start3A_110 : memref<1x128xi32, #tpu.memory_space<vmem>> -> memref<128xi32, #tpu.memory_space<vmem>>
    %dma_start3A_112 = tpu.memref_slice %arg3[%add3A_103] : memref<320000xi32, #tpu.memory_space<hbm>> -> memref<128xi32, #tpu.memory_space<hbm>>
    tpu.enqueue_dma source(%dma_start3A_112 : memref<128xi32, #tpu.memory_space<hbm>>) target(%dma_start3A_111 : memref<128xi32, #tpu.memory_space<vmem>>) target_semaphore(%arg28 : memref<!tpu.dma_semaphore, #tpu.memory_space<semaphore_mem>>)
    %dma_start3A_113 = arith.constant 1 : i32
    %dma_start3A_114 = arith.constant 0 : i32
    %dma_start3A_115 = tpu.memref_slice %arg14[%dma_start3A_113, %dma_start3A_114] : memref<2x128xi32, #tpu.memory_space<vmem>> -> memref<1x128xi32, #tpu.memory_space<vmem>>
    %dma_start3A_116 = tpu.memref_squeeze %dma_start3A_115 : memref<1x128xi32, #tpu.memory_space<vmem>> -> memref<128xi32, #tpu.memory_space<vmem>>
    %dma_start3A_117 = tpu.memref_slice %arg4[%add3A_103] : memref<320000xi32, #tpu.memory_space<hbm>> -> memref<128xi32, #tpu.memory_space<hbm>>
    %dma_start3A_118 = arith.constant 0 : i32
    %dma_start3A_119 = tpu.memref_slice %arg14[%dma_start3A_113, %dma_start3A_118] : memref<2x128xi32, #tpu.memory_space<vmem>> -> memref<1x128xi32, #tpu.memory_space<vmem>>
    %dma_start3A_120 = tpu.memref_squeeze %dma_start3A_119 : memref<1x128xi32, #tpu.memory_space<vmem>> -> memref<128xi32, #tpu.memory_space<vmem>>
    %dma_start3A_121 = tpu.memref_slice %arg4[%add3A_103] : memref<320000xi32, #tpu.memory_space<hbm>> -> memref<128xi32, #tpu.memory_space<hbm>>
    tpu.enqueue_dma source(%dma_start3A_121 : memref<128xi32, #tpu.memory_space<hbm>>) target(%dma_start3A_120 : memref<128xi32, #tpu.memory_space<vmem>>) target_semaphore(%arg28 : memref<!tpu.dma_semaphore, #tpu.memory_space<semaphore_mem>>)
    %add3A_122 = arith.constant 9984 : i32
    %add3A_123 = arith.addi %mul3A_2, %add3A_122 : i32
    %dma_start3A_124 = arith.constant 0 : i32
    %dma_start3A_125 = arith.constant 0 : i32
    %dma_start3A_126 = tpu.memref_slice %arg15[%dma_start3A_124, %dma_start3A_125] : memref<2x16xi32, #tpu.memory_space<vmem>> -> memref<1x16xi32, #tpu.memory_space<vmem>>
    %dma_start3A_127 = tpu.memref_squeeze %dma_start3A_126 : memref<1x16xi32, #tpu.memory_space<vmem>> -> memref<16xi32, #tpu.memory_space<vmem>>
    %dma_start3A_128 = tpu.memref_slice %arg3[%add3A_123] : memref<320000xi32, #tpu.memory_space<hbm>> -> memref<16xi32, #tpu.memory_space<hbm>>
    %dma_start3A_129 = arith.constant 0 : i32
    %dma_start3A_130 = tpu.memref_slice %arg15[%dma_start3A_124, %dma_start3A_129] : memref<2x16xi32, #tpu.memory_space<vmem>> -> memref<1x16xi32, #tpu.memory_space<vmem>>
    %dma_start3A_131 = tpu.memref_squeeze %dma_start3A_130 : memref<1x16xi32, #tpu.memory_space<vmem>> -> memref<16xi32, #tpu.memory_space<vmem>>
    %dma_start3A_132 = tpu.memref_slice %arg3[%add3A_123] : memref<320000xi32, #tpu.memory_space<hbm>> -> memref<16xi32, #tpu.memory_space<hbm>>
    tpu.enqueue_dma source(%dma_start3A_132 : memref<16xi32, #tpu.memory_space<hbm>>) target(%dma_start3A_131 : memref<16xi32, #tpu.memory_space<vmem>>) target_semaphore(%arg29 : memref<!tpu.dma_semaphore, #tpu.memory_space<semaphore_mem>>)
    %dma_start3A_133 = arith.constant 1 : i32
    %dma_start3A_134 = arith.constant 0 : i32
    %dma_start3A_135 = tpu.memref_slice %arg15[%dma_start3A_133, %dma_start3A_134] : memref<2x16xi32, #tpu.memory_space<vmem>> -> memref<1x16xi32, #tpu.memory_space<vmem>>
    %dma_start3A_136 = tpu.memref_squeeze %dma_start3A_135 : memref<1x16xi32, #tpu.memory_space<vmem>> -> memref<16xi32, #tpu.memory_space<vmem>>
    %dma_start3A_137 = tpu.memref_slice %arg4[%add3A_123] : memref<320000xi32, #tpu.memory_space<hbm>> -> memref<16xi32, #tpu.memory_space<hbm>>
    %dma_start3A_138 = arith.constant 0 : i32
    %dma_start3A_139 = tpu.memref_slice %arg15[%dma_start3A_133, %dma_start3A_138] : memref<2x16xi32, #tpu.memory_space<vmem>> -> memref<1x16xi32, #tpu.memory_space<vmem>>
    %dma_start3A_140 = tpu.memref_squeeze %dma_start3A_139 : memref<1x16xi32, #tpu.memory_space<vmem>> -> memref<16xi32, #tpu.memory_space<vmem>>
    %dma_start3A_141 = tpu.memref_slice %arg4[%add3A_123] : memref<320000xi32, #tpu.memory_space<hbm>> -> memref<16xi32, #tpu.memory_space<hbm>>
    tpu.enqueue_dma source(%dma_start3A_141 : memref<16xi32, #tpu.memory_space<hbm>>) target(%dma_start3A_140 : memref<16xi32, #tpu.memory_space<vmem>>) target_semaphore(%arg29 : memref<!tpu.dma_semaphore, #tpu.memory_space<semaphore_mem>>)
    %scan3A = arith.constant 0 : i32
    %scan3A_142 = arith.constant 0 : i32
    %scan3A_143 = arith.constant 16 : i32
    %scan3A_144 = arith.addi %scan3A_142, %scan3A_143 : i32
    %scan3A_145 = arith.constant 1 : i32
    %scan3A_146 = scf.for %scan3A_311 = %scan3A_142 to %scan3A_144 step %scan3A_145 iter_args(%scan3A_312 = %scan3A) -> (i32)  : i32 {
      %scan3A_313 = arith.constant 0 : i32
      %scan3A_314 = arith.constant 0 : i32
      %scan3A_315 = arith.constant 8 : i32
      %scan3A_316 = arith.addi %scan3A_314, %scan3A_315 : i32
      %scan3A_317 = arith.constant 1 : i32
      %scan3A_318 = scf.for %scan3A_320 = %scan3A_314 to %scan3A_316 step %scan3A_317 iter_args(%scan3A_321 = %scan3A_313) -> (i32)  : i32 {
        %broadcast_in_dim3A = arith.constant 0.000000e+00 : f32
        %broadcast_in_dim3A_322 = vector.broadcast %broadcast_in_dim3A : f32 to vector<16xf32>
        %mul3A_323 = arith.constant 16 : i32
        %mul3A_324 = arith.muli %scan3A_320, %mul3A_323 : i32
        %swap3A = arith.index_cast %scan3A_311 : i32 to index
        %swap3A_325 = arith.index_cast %mul3A_324 : i32 to index
        %swap3A_326 = tpu.vector_load %arg6[%swap3A, %swap3A_325] {strides = array<i32>} : memref<128x128xf32, #tpu.memory_space<vmem>>, vector<1x16xf32>,
        %swap3A_327 = vector.shape_cast %swap3A_326 : vector<1x16xf32> to vector<16xf32>
        %swap3A_328 = vector.shape_cast %broadcast_in_dim3A_322 : vector<16xf32> to vector<1x16xf32>
        tpu.vector_store %arg6[%swap3A, %swap3A_325], %swap3A_328 {strides = array<i32>} : memref<128x128xf32, #tpu.memory_space<vmem>>, vector<1x16xf32>,
        %scan3A_329 = arith.constant 0 : i32
        scf.yield %scan3A_329 : i32
      }
      %scan3A_319 = arith.constant 8 : i32
      scf.yield %scan3A_318 : i32
    }
    %scan3A_147 = arith.constant 16 : i32
    %scan3A_148 = arith.constant 0 : i32
    %scan3A_149 = arith.constant 0 : i32
    %scan3A_150 = arith.constant 39 : i32
    %scan3A_151 = arith.addi %scan3A_149, %scan3A_150 : i32
    %scan3A_152 = arith.constant 1 : i32
    %scan3A_153 = scf.for %scan3A_311 = %scan3A_149 to %scan3A_151 step %scan3A_152 iter_args(%scan3A_312 = %scan3A_148) -> (i32)  : i32 {
      %mul3A_313 = arith.constant 624 : i32
      %mul3A_314 = arith.muli %arg1, %mul3A_313 : i32
      %mul3A_315 = arith.constant 16 : i32
      %mul3A_316 = arith.muli %scan3A_311, %mul3A_315 : i32
      %add3A_317 = arith.addi %mul3A_314, %mul3A_316 : i32
      %dma_start3A_318 = arith.constant 0 : i32
      %dma_start3A_319 = arith.constant 0 : i32
      %dma_start3A_320 = tpu.memref_slice %arg6[%dma_start3A_318, %dma_start3A_319] : memref<128x128xf32, #tpu.memory_space<vmem>> -> memref<16x128xf32, #tpu.memory_space<vmem>>
      %dma_start3A_321 = arith.constant 0 : i32
      %dma_start3A_322 = tpu.memref_slice %arg16[%add3A_317, %dma_start3A_321] : memref<10000x128xf32, #tpu.memory_space<vmem_shared>> -> memref<16x128xf32, #tpu.memory_space<vmem_shared>>
      %dma_start3A_323 = arith.constant 0 : i32
      %dma_start3A_324 = tpu.memref_slice %arg16[%add3A_317, %dma_start3A_323] : memref<10000x128xf32, #tpu.memory_space<vmem_shared>> -> memref<16x128xf32, #tpu.memory_space<vmem_shared>>
      %dma_start3A_325 = arith.constant 0 : i32
      %dma_start3A_326 = arith.constant 0 : i32
      %dma_start3A_327 = tpu.memref_slice %arg6[%dma_start3A_325, %dma_start3A_326] : memref<128x128xf32, #tpu.memory_space<vmem>> -> memref<16x128xf32, #tpu.memory_space<vmem>>
      tpu.enqueue_dma source(%dma_start3A_327 : memref<16x128xf32, #tpu.memory_space<vmem>>) target(%dma_start3A_324 : memref<16x128xf32, #tpu.memory_space<vmem_shared>>) target_semaphore(%arg30 : memref<!tpu.dma_semaphore, #tpu.memory_space<semaphore_mem>>)
      %scan3A_328 = arith.constant 0 : i32
      scf.yield %scan3A_328 : i32
    }
    %scan3A_154 = arith.constant 39 : i32
    %eq3A = arith.constant 15 : i32
    %eq3A_155 = arith.cmpi eq, %arg1, %eq3A : i32
    %convert_element_type3A = arith.extui %eq3A_155 : i1 to i32
    %cond3A = arith.constant 0 : i32
    %cond3A_156 = arith.cmpi ne, %convert_element_type3A, %cond3A : i32
    scf.if %cond3A_156 {
      %dma_start3A_311 = arith.constant 0 : i32
      %dma_start3A_312 = arith.constant 0 : i32
      %dma_start3A_313 = tpu.memref_slice %arg6[%dma_start3A_311, %dma_start3A_312] : memref<128x128xf32, #tpu.memory_space<vmem>> -> memref<16x128xf32, #tpu.memory_space<vmem>>
      %dma_start3A_314 = arith.constant 9984 : i32
      %dma_start3A_315 = arith.constant 0 : i32
      %dma_start3A_316 = tpu.memref_slice %arg16[%dma_start3A_314, %dma_start3A_315] : memref<10000x128xf32, #tpu.memory_space<vmem_shared>> -> memref<16x128xf32, #tpu.memory_space<vmem_shared>>
      %dma_start3A_317 = arith.constant 9984 : i32
      %dma_start3A_318 = arith.constant 0 : i32
      %dma_start3A_319 = tpu.memref_slice %arg16[%dma_start3A_317, %dma_start3A_318] : memref<10000x128xf32, #tpu.memory_space<vmem_shared>> -> memref<16x128xf32, #tpu.memory_space<vmem_shared>>
      %dma_start3A_320 = arith.constant 0 : i32
      %dma_start3A_321 = arith.constant 0 : i32
      %dma_start3A_322 = tpu.memref_slice %arg6[%dma_start3A_320, %dma_start3A_321] : memref<128x128xf32, #tpu.memory_space<vmem>> -> memref<16x128xf32, #tpu.memory_space<vmem>>
      tpu.enqueue_dma source(%dma_start3A_322 : memref<16x128xf32, #tpu.memory_space<vmem>>) target(%dma_start3A_319 : memref<16x128xf32, #tpu.memory_space<vmem_shared>>) target_semaphore(%arg30 : memref<!tpu.dma_semaphore, #tpu.memory_space<semaphore_mem>>)
    } else {
    }
    %scan3A_157 = arith.constant 0 : i32
    %scan3A_158 = arith.constant 0 : i32
    %scan3A_159 = arith.constant 39 : i32
    %scan3A_160 = arith.addi %scan3A_158, %scan3A_159 : i32
    %scan3A_161 = arith.constant 1 : i32
    %scan3A_162 = scf.for %scan3A_311 = %scan3A_158 to %scan3A_160 step %scan3A_161 iter_args(%scan3A_312 = %scan3A_157) -> (i32)  : i32 {
      %mul3A_313 = arith.constant 624 : i32
      %mul3A_314 = arith.muli %arg1, %mul3A_313 : i32
      %dma_wait3A_315 = arith.constant 0 : i32
      %dma_wait3A_316 = arith.constant 0 : i32
      %dma_wait3A_317 = tpu.memref_slice %arg6[%dma_wait3A_315, %dma_wait3A_316] : memref<128x128xf32, #tpu.memory_space<vmem>> -> memref<16x128xf32, #tpu.memory_space<vmem>>
      %dma_wait3A_318 = arith.constant 0 : i32
      %dma_wait3A_319 = tpu.memref_slice %arg16[%mul3A_314, %dma_wait3A_318] : memref<10000x128xf32, #tpu.memory_space<vmem_shared>> -> memref<16x128xf32, #tpu.memory_space<vmem_shared>>
      %dma_wait3A_320 = arith.constant 0 : i32
      %dma_wait3A_321 = tpu.memref_slice %arg16[%mul3A_314, %dma_wait3A_320] : memref<10000x128xf32, #tpu.memory_space<vmem_shared>> -> memref<16x128xf32, #tpu.memory_space<vmem_shared>>
      %dma_wait3A_322 = arith.constant 0 : i32
      %dma_wait3A_323 = arith.constant 0 : i32
      %dma_wait3A_324 = tpu.memref_slice %arg6[%dma_wait3A_322, %dma_wait3A_323] : memref<128x128xf32, #tpu.memory_space<vmem>> -> memref<16x128xf32, #tpu.memory_space<vmem>>
      tpu.wait_dma2 semaphore(%arg30 : memref<!tpu.dma_semaphore, #tpu.memory_space<semaphore_mem>>) src(%dma_wait3A_324 : memref<16x128xf32, #tpu.memory_space<vmem>>) dst(%dma_wait3A_321 : memref<16x128xf32, #tpu.memory_space<vmem_shared>>)
      %scan3A_325 = arith.constant 0 : i32
      scf.yield %scan3A_325 : i32
    }
    %scan3A_163 = arith.constant 39 : i32
    %eq3A_164 = arith.constant 15 : i32
    %eq3A_165 = arith.cmpi eq, %arg1, %eq3A_164 : i32
    %convert_element_type3A_166 = arith.extui %eq3A_165 : i1 to i32
    %cond3A_167 = arith.constant 0 : i32
    %cond3A_168 = arith.cmpi ne, %convert_element_type3A_166, %cond3A_167 : i32
    scf.if %cond3A_168 {
      %dma_wait3A_311 = arith.constant 0 : i32
      %dma_wait3A_312 = arith.constant 0 : i32
      %dma_wait3A_313 = tpu.memref_slice %arg6[%dma_wait3A_311, %dma_wait3A_312] : memref<128x128xf32, #tpu.memory_space<vmem>> -> memref<16x128xf32, #tpu.memory_space<vmem>>
      %dma_wait3A_314 = arith.constant 9984 : i32
      %dma_wait3A_315 = arith.constant 0 : i32
      %dma_wait3A_316 = tpu.memref_slice %arg16[%dma_wait3A_314, %dma_wait3A_315] : memref<10000x128xf32, #tpu.memory_space<vmem_shared>> -> memref<16x128xf32, #tpu.memory_space<vmem_shared>>
      %dma_wait3A_317 = arith.constant 9984 : i32
      %dma_wait3A_318 = arith.constant 0 : i32
      %dma_wait3A_319 = tpu.memref_slice %arg16[%dma_wait3A_317, %dma_wait3A_318] : memref<10000x128xf32, #tpu.memory_space<vmem_shared>> -> memref<16x128xf32, #tpu.memory_space<vmem_shared>>
      %dma_wait3A_320 = arith.constant 0 : i32
      %dma_wait3A_321 = arith.constant 0 : i32
      %dma_wait3A_322 = tpu.memref_slice %arg6[%dma_wait3A_320, %dma_wait3A_321] : memref<128x128xf32, #tpu.memory_space<vmem>> -> memref<16x128xf32, #tpu.memory_space<vmem>>
      tpu.wait_dma2 semaphore(%arg30 : memref<!tpu.dma_semaphore, #tpu.memory_space<semaphore_mem>>) src(%dma_wait3A_322 : memref<16x128xf32, #tpu.memory_space<vmem>>) dst(%dma_wait3A_319 : memref<16x128xf32, #tpu.memory_space<vmem_shared>>)
    } else {
    }
    %barrier3A = arith.constant 0 : index
    tpu.barrier barrier_id(%barrier3A)
    %add3A_169 = arith.constant 0 : i32
    %add3A_170 = arith.addi %mul3A_2, %add3A_169 : i32
    %dma_wait3A = arith.constant 0 : i32
    %dma_wait3A_171 = arith.constant 0 : i32
    %dma_wait3A_172 = tpu.memref_slice %arg9[%dma_wait3A, %dma_wait3A_171] : memref<2x128xi32, #tpu.memory_space<vmem>> -> memref<1x128xi32, #tpu.memory_space<vmem>>
    %dma_wait3A_173 = tpu.memref_squeeze %dma_wait3A_172 : memref<1x128xi32, #tpu.memory_space<vmem>> -> memref<128xi32, #tpu.memory_space<vmem>>
    %dma_wait3A_174 = tpu.memref_slice %arg3[%add3A_170] : memref<320000xi32, #tpu.memory_space<hbm>> -> memref<128xi32, #tpu.memory_space<hbm>>
    %dma_wait3A_175 = arith.constant 0 : i32
    %dma_wait3A_176 = tpu.memref_slice %arg9[%dma_wait3A, %dma_wait3A_175] : memref<2x128xi32, #tpu.memory_space<vmem>> -> memref<1x128xi32, #tpu.memory_space<vmem>>
    %dma_wait3A_177 = tpu.memref_squeeze %dma_wait3A_176 : memref<1x128xi32, #tpu.memory_space<vmem>> -> memref<128xi32, #tpu.memory_space<vmem>>
    %dma_wait3A_178 = tpu.memref_slice %arg3[%add3A_170] : memref<320000xi32, #tpu.memory_space<hbm>> -> memref<128xi32, #tpu.memory_space<hbm>>
    tpu.wait_dma2 semaphore(%arg23 : memref<!tpu.dma_semaphore, #tpu.memory_space<semaphore_mem>>) src(%dma_wait3A_178 : memref<128xi32, #tpu.memory_space<hbm>>) dst(%dma_wait3A_177 : memref<128xi32, #tpu.memory_space<vmem>>)
    %dma_wait3A_179 = arith.constant 1 : i32
    %dma_wait3A_180 = arith.constant 0 : i32
    %dma_wait3A_181 = tpu.memref_slice %arg9[%dma_wait3A_179, %dma_wait3A_180] : memref<2x128xi32, #tpu.memory_space<vmem>> -> memref<1x128xi32, #tpu.memory_space<vmem>>
    %dma_wait3A_182 = tpu.memref_squeeze %dma_wait3A_181 : memref<1x128xi32, #tpu.memory_space<vmem>> -> memref<128xi32, #tpu.memory_space<vmem>>
    %dma_wait3A_183 = tpu.memref_slice %arg4[%add3A_170] : memref<320000xi32, #tpu.memory_space<hbm>> -> memref<128xi32, #tpu.memory_space<hbm>>
    %dma_wait3A_184 = arith.constant 0 : i32
    %dma_wait3A_185 = tpu.memref_slice %arg9[%dma_wait3A_179, %dma_wait3A_184] : memref<2x128xi32, #tpu.memory_space<vmem>> -> memref<1x128xi32, #tpu.memory_space<vmem>>
    %dma_wait3A_186 = tpu.memref_squeeze %dma_wait3A_185 : memref<1x128xi32, #tpu.memory_space<vmem>> -> memref<128xi32, #tpu.memory_space<vmem>>
    %dma_wait3A_187 = tpu.memref_slice %arg4[%add3A_170] : memref<320000xi32, #tpu.memory_space<hbm>> -> memref<128xi32, #tpu.memory_space<hbm>>
    tpu.wait_dma2 semaphore(%arg23 : memref<!tpu.dma_semaphore, #tpu.memory_space<semaphore_mem>>) src(%dma_wait3A_187 : memref<128xi32, #tpu.memory_space<hbm>>) dst(%dma_wait3A_186 : memref<128xi32, #tpu.memory_space<vmem>>)
    %dma_start3A_188 = arith.constant 0 : i32
    %dma_start3A_189 = arith.constant 0 : i32
    %dma_start3A_190 = tpu.memref_slice %arg9[%dma_start3A_188, %dma_start3A_189] : memref<2x128xi32, #tpu.memory_space<vmem>> -> memref<1x128xi32, #tpu.memory_space<vmem>>
    %dma_start3A_191 = tpu.memref_squeeze %dma_start3A_190 : memref<1x128xi32, #tpu.memory_space<vmem>> -> memref<128xi32, #tpu.memory_space<vmem>>
    %dma_start3A_192 = arith.constant 0 : i32
    %dma_start3A_193 = arith.constant 0 : i32
    %dma_start3A_194 = tpu.memref_slice %arg2[%dma_start3A_192, %dma_start3A_193] : memref<10000x128xf32, #tpu.memory_space<hbm>> -> memref<10000x128xf32, #tpu.memory_space<hbm>>
    tpu.enqueue_indirect_dma source(%dma_start3A_194 : memref<10000x128xf32, #tpu.memory_space<hbm>>) target(%arg6 : memref<128x128xf32, #tpu.memory_space<vmem>>) offsets(%dma_start3A_191 : memref<128xi32, #tpu.memory_space<vmem>>) semaphore(%arg17 : memref<!tpu.dma_semaphore, #tpu.memory_space<semaphore_mem>>)
    %add3A_195 = arith.constant 128 : i32
    %add3A_196 = arith.addi %mul3A_2, %add3A_195 : i32
    %dma_wait3A_197 = arith.constant 0 : i32
    %dma_wait3A_198 = arith.constant 0 : i32
    %dma_wait3A_199 = tpu.memref_slice %arg10[%dma_wait3A_197, %dma_wait3A_198] : memref<2x128xi32, #tpu.memory_space<vmem>> -> memref<1x128xi32, #tpu.memory_space<vmem>>
    %dma_wait3A_200 = tpu.memref_squeeze %dma_wait3A_199 : memref<1x128xi32, #tpu.memory_space<vmem>> -> memref<128xi32, #tpu.memory_space<vmem>>
    %dma_wait3A_201 = tpu.memref_slice %arg3[%add3A_196] : memref<320000xi32, #tpu.memory_space<hbm>> -> memref<128xi32, #tpu.memory_space<hbm>>
    %dma_wait3A_202 = arith.constant 0 : i32
    %dma_wait3A_203 = tpu.memref_slice %arg10[%dma_wait3A_197, %dma_wait3A_202] : memref<2x128xi32, #tpu.memory_space<vmem>> -> memref<1x128xi32, #tpu.memory_space<vmem>>
    %dma_wait3A_204 = tpu.memref_squeeze %dma_wait3A_203 : memref<1x128xi32, #tpu.memory_space<vmem>> -> memref<128xi32, #tpu.memory_space<vmem>>
    %dma_wait3A_205 = tpu.memref_slice %arg3[%add3A_196] : memref<320000xi32, #tpu.memory_space<hbm>> -> memref<128xi32, #tpu.memory_space<hbm>>
    tpu.wait_dma2 semaphore(%arg24 : memref<!tpu.dma_semaphore, #tpu.memory_space<semaphore_mem>>) src(%dma_wait3A_205 : memref<128xi32, #tpu.memory_space<hbm>>) dst(%dma_wait3A_204 : memref<128xi32, #tpu.memory_space<vmem>>)
    %dma_wait3A_206 = arith.constant 1 : i32
    %dma_wait3A_207 = arith.constant 0 : i32
    %dma_wait3A_208 = tpu.memref_slice %arg10[%dma_wait3A_206, %dma_wait3A_207] : memref<2x128xi32, #tpu.memory_space<vmem>> -> memref<1x128xi32, #tpu.memory_space<vmem>>
    %dma_wait3A_209 = tpu.memref_squeeze %dma_wait3A_208 : memref<1x128xi32, #tpu.memory_space<vmem>> -> memref<128xi32, #tpu.memory_space<vmem>>
    %dma_wait3A_210 = tpu.memref_slice %arg4[%add3A_196] : memref<320000xi32, #tpu.memory_space<hbm>> -> memref<128xi32, #tpu.memory_space<hbm>>
    %dma_wait3A_211 = arith.constant 0 : i32
    %dma_wait3A_212 = tpu.memref_slice %arg10[%dma_wait3A_206, %dma_wait3A_211] : memref<2x128xi32, #tpu.memory_space<vmem>> -> memref<1x128xi32, #tpu.memory_space<vmem>>
    %dma_wait3A_213 = tpu.memref_squeeze %dma_wait3A_212 : memref<1x128xi32, #tpu.memory_space<vmem>> -> memref<128xi32, #tpu.memory_space<vmem>>
    %dma_wait3A_214 = tpu.memref_slice %arg4[%add3A_196] : memref<320000xi32, #tpu.memory_space<hbm>> -> memref<128xi32, #tpu.memory_space<hbm>>
    tpu.wait_dma2 semaphore(%arg24 : memref<!tpu.dma_semaphore, #tpu.memory_space<semaphore_mem>>) src(%dma_wait3A_214 : memref<128xi32, #tpu.memory_space<hbm>>) dst(%dma_wait3A_213 : memref<128xi32, #tpu.memory_space<vmem>>)
    %dma_start3A_215 = arith.constant 0 : i32
    %dma_start3A_216 = arith.constant 0 : i32
    %dma_start3A_217 = tpu.memref_slice %arg10[%dma_start3A_215, %dma_start3A_216] : memref<2x128xi32, #tpu.memory_space<vmem>> -> memref<1x128xi32, #tpu.memory_space<vmem>>
    %dma_start3A_218 = tpu.memref_squeeze %dma_start3A_217 : memref<1x128xi32, #tpu.memory_space<vmem>> -> memref<128xi32, #tpu.memory_space<vmem>>
    %dma_start3A_219 = arith.constant 0 : i32
    %dma_start3A_220 = arith.constant 0 : i32
    %dma_start3A_221 = tpu.memref_slice %arg2[%dma_start3A_219, %dma_start3A_220] : memref<10000x128xf32, #tpu.memory_space<hbm>> -> memref<10000x128xf32, #tpu.memory_space<hbm>>
    tpu.enqueue_indirect_dma source(%dma_start3A_221 : memref<10000x128xf32, #tpu.memory_space<hbm>>) target(%arg7 : memref<128x128xf32, #tpu.memory_space<vmem>>) offsets(%dma_start3A_218 : memref<128xi32, #tpu.memory_space<vmem>>) semaphore(%arg18 : memref<!tpu.dma_semaphore, #tpu.memory_space<semaphore_mem>>)
    %add3A_222 = arith.constant 256 : i32
    %add3A_223 = arith.addi %mul3A_2, %add3A_222 : i32
    %dma_wait3A_224 = arith.constant 0 : i32
    %dma_wait3A_225 = arith.constant 0 : i32
    %dma_wait3A_226 = tpu.memref_slice %arg11[%dma_wait3A_224, %dma_wait3A_225] : memref<2x128xi32, #tpu.memory_space<vmem>> -> memref<1x128xi32, #tpu.memory_space<vmem>>
    %dma_wait3A_227 = tpu.memref_squeeze %dma_wait3A_226 : memref<1x128xi32, #tpu.memory_space<vmem>> -> memref<128xi32, #tpu.memory_space<vmem>>
    %dma_wait3A_228 = tpu.memref_slice %arg3[%add3A_223] : memref<320000xi32, #tpu.memory_space<hbm>> -> memref<128xi32, #tpu.memory_space<hbm>>
    %dma_wait3A_229 = arith.constant 0 : i32
    %dma_wait3A_230 = tpu.memref_slice %arg11[%dma_wait3A_224, %dma_wait3A_229] : memref<2x128xi32, #tpu.memory_space<vmem>> -> memref<1x128xi32, #tpu.memory_space<vmem>>
    %dma_wait3A_231 = tpu.memref_squeeze %dma_wait3A_230 : memref<1x128xi32, #tpu.memory_space<vmem>> -> memref<128xi32, #tpu.memory_space<vmem>>
    %dma_wait3A_232 = tpu.memref_slice %arg3[%add3A_223] : memref<320000xi32, #tpu.memory_space<hbm>> -> memref<128xi32, #tpu.memory_space<hbm>>
    tpu.wait_dma2 semaphore(%arg25 : memref<!tpu.dma_semaphore, #tpu.memory_space<semaphore_mem>>) src(%dma_wait3A_232 : memref<128xi32, #tpu.memory_space<hbm>>) dst(%dma_wait3A_231 : memref<128xi32, #tpu.memory_space<vmem>>)
    %dma_wait3A_233 = arith.constant 1 : i32
    %dma_wait3A_234 = arith.constant 0 : i32
    %dma_wait3A_235 = tpu.memref_slice %arg11[%dma_wait3A_233, %dma_wait3A_234] : memref<2x128xi32, #tpu.memory_space<vmem>> -> memref<1x128xi32, #tpu.memory_space<vmem>>
    %dma_wait3A_236 = tpu.memref_squeeze %dma_wait3A_235 : memref<1x128xi32, #tpu.memory_space<vmem>> -> memref<128xi32, #tpu.memory_space<vmem>>
    %dma_wait3A_237 = tpu.memref_slice %arg4[%add3A_223] : memref<320000xi32, #tpu.memory_space<hbm>> -> memref<128xi32, #tpu.memory_space<hbm>>
    %dma_wait3A_238 = arith.constant 0 : i32
    %dma_wait3A_239 = tpu.memref_slice %arg11[%dma_wait3A_233, %dma_wait3A_238] : memref<2x128xi32, #tpu.memory_space<vmem>> -> memref<1x128xi32, #tpu.memory_space<vmem>>
    %dma_wait3A_240 = tpu.memref_squeeze %dma_wait3A_239 : memref<1x128xi32, #tpu.memory_space<vmem>> -> memref<128xi32, #tpu.memory_space<vmem>>
    %dma_wait3A_241 = tpu.memref_slice %arg4[%add3A_223] : memref<320000xi32, #tpu.memory_space<hbm>> -> memref<128xi32, #tpu.memory_space<hbm>>
    tpu.wait_dma2 semaphore(%arg25 : memref<!tpu.dma_semaphore, #tpu.memory_space<semaphore_mem>>) src(%dma_wait3A_241 : memref<128xi32, #tpu.memory_space<hbm>>) dst(%dma_wait3A_240 : memref<128xi32, #tpu.memory_space<vmem>>)
    %dma_start3A_242 = arith.constant 0 : i32
    %dma_start3A_243 = arith.constant 0 : i32
    %dma_start3A_244 = tpu.memref_slice %arg11[%dma_start3A_242, %dma_start3A_243] : memref<2x128xi32, #tpu.memory_space<vmem>> -> memref<1x128xi32, #tpu.memory_space<vmem>>
    %dma_start3A_245 = tpu.memref_squeeze %dma_start3A_244 : memref<1x128xi32, #tpu.memory_space<vmem>> -> memref<128xi32, #tpu.memory_space<vmem>>
    %dma_start3A_246 = arith.constant 0 : i32
    %dma_start3A_247 = arith.constant 0 : i32
    %dma_start3A_248 = tpu.memref_slice %arg2[%dma_start3A_246, %dma_start3A_247] : memref<10000x128xf32, #tpu.memory_space<hbm>> -> memref<10000x128xf32, #tpu.memory_space<hbm>>
    tpu.enqueue_indirect_dma source(%dma_start3A_248 : memref<10000x128xf32, #tpu.memory_space<hbm>>) target(%arg8 : memref<128x128xf32, #tpu.memory_space<vmem>>) offsets(%dma_start3A_245 : memref<128xi32, #tpu.memory_space<vmem>>) semaphore(%arg19 : memref<!tpu.dma_semaphore, #tpu.memory_space<semaphore_mem>>)
    %scan3A_249 = arith.constant 0 : i32
    %scan3A_250 = arith.constant 0 : i32
    %scan3A_251 = arith.constant 13 : i32
    %scan3A_252 = arith.addi %scan3A_250, %scan3A_251 : i32
    %scan3A_253 = arith.constant 1 : i32
    %scan3A_254 = scf.for %scan3A_311 = %scan3A_250 to %scan3A_252 step %scan3A_253 iter_args(%scan3A_312 = %scan3A_249) -> (i32)  : i32 {
      %mul3A_313 = arith.constant 6 : i32
      %mul3A_314 = arith.muli %mul3A_313, %scan3A_311 : i32
      %add3A_315 = arith.constant 0 : i32
      %add3A_316 = arith.addi %mul3A_314, %add3A_315 : i32
      %dma_wait3A_317 = arith.constant 0 : i32
      %dma_wait3A_318 = arith.constant 0 : i32
      %dma_wait3A_319 = tpu.memref_slice %arg9[%dma_wait3A_317, %dma_wait3A_318] : memref<2x128xi32, #tpu.memory_space<vmem>> -> memref<1x128xi32, #tpu.memory_space<vmem>>
      %dma_wait3A_320 = tpu.memref_squeeze %dma_wait3A_319 : memref<1x128xi32, #tpu.memory_space<vmem>> -> memref<128xi32, #tpu.memory_space<vmem>>
      %dma_wait3A_321 = arith.constant 0 : i32
      %dma_wait3A_322 = arith.constant 0 : i32
      %dma_wait3A_323 = tpu.memref_slice %arg2[%dma_wait3A_321, %dma_wait3A_322] : memref<10000x128xf32, #tpu.memory_space<hbm>> -> memref<10000x128xf32, #tpu.memory_space<hbm>>
      tpu.wait_indirect_dma semaphore(%arg17 : memref<!tpu.dma_semaphore, #tpu.memory_space<semaphore_mem>>) src(%dma_wait3A_323 : memref<10000x128xf32, #tpu.memory_space<hbm>>) dst(%arg6 : memref<128x128xf32, #tpu.memory_space<vmem>>)
      %dma_start3A_324 = arith.constant 1 : i32
      %dma_start3A_325 = arith.constant 0 : i32
      %dma_start3A_326 = tpu.memref_slice %arg9[%dma_start3A_324, %dma_start3A_325] : memref<2x128xi32, #tpu.memory_space<vmem>> -> memref<1x128xi32, #tpu.memory_space<vmem>>
      %dma_start3A_327 = tpu.memref_squeeze %dma_start3A_326 : memref<1x128xi32, #tpu.memory_space<vmem>> -> memref<128xi32, #tpu.memory_space<vmem>>
      %dma_start3A_328 = arith.constant 0 : i32
      %dma_start3A_329 = arith.constant 0 : i32
      %dma_start3A_330 = tpu.memref_slice %arg16[%dma_start3A_328, %dma_start3A_329] : memref<10000x128xf32, #tpu.memory_space<vmem_shared>> -> memref<10000x128xf32, #tpu.memory_space<vmem_shared>>
      tpu.enqueue_indirect_dma source(%arg6 : memref<128x128xf32, #tpu.memory_space<vmem>>) target(%dma_start3A_330 : memref<10000x128xf32, #tpu.memory_space<vmem_shared>>) offsets(%dma_start3A_327 : memref<128xi32, #tpu.memory_space<vmem>>) semaphore(%arg20 : memref<!tpu.dma_semaphore, #tpu.memory_space<semaphore_mem>>) {add = true}
      %gt3A = arith.constant 0 : i32
      %gt3A_331 = arith.cmpi sgt, %scan3A_311, %gt3A : i32
      %convert_element_type3A_332 = arith.extui %gt3A_331 : i1 to i32
      %cond3A_333 = arith.constant 0 : i32
      %cond3A_334 = arith.cmpi ne, %convert_element_type3A_332, %cond3A_333 : i32
      scf.if %cond3A_334 {
        %dma_wait3A_575 = arith.constant 1 : i32
        %dma_wait3A_576 = arith.constant 0 : i32
        %dma_wait3A_577 = tpu.memref_slice %arg14[%dma_wait3A_575, %dma_wait3A_576] : memref<2x128xi32, #tpu.memory_space<vmem>> -> memref<1x128xi32, #tpu.memory_space<vmem>>
        %dma_wait3A_578 = tpu.memref_squeeze %dma_wait3A_577 : memref<1x128xi32, #tpu.memory_space<vmem>> -> memref<128xi32, #tpu.memory_space<vmem>>
        %dma_wait3A_579 = arith.constant 0 : i32
        %dma_wait3A_580 = arith.constant 0 : i32
        %dma_wait3A_581 = tpu.memref_slice %arg16[%dma_wait3A_579, %dma_wait3A_580] : memref<10000x128xf32, #tpu.memory_space<vmem_shared>> -> memref<10000x128xf32, #tpu.memory_space<vmem_shared>>
        tpu.wait_indirect_dma semaphore(%arg22 : memref<!tpu.dma_semaphore, #tpu.memory_space<semaphore_mem>>) src(%arg8 : memref<128x128xf32, #tpu.memory_space<vmem>>) dst(%dma_wait3A_581 : memref<10000x128xf32, #tpu.memory_space<vmem_shared>>)
        %add3A_582 = arith.constant 2 : i32
        %add3A_583 = arith.addi %add3A_316, %add3A_582 : i32
        %mul3A_584 = arith.constant 128 : i32
        %mul3A_585 = arith.muli %add3A_583, %mul3A_584 : i32
        %add3A_586 = arith.addi %mul3A_2, %mul3A_585 : i32
        %dma_wait3A_587 = arith.constant 0 : i32
        %dma_wait3A_588 = arith.constant 0 : i32
        %dma_wait3A_589 = tpu.memref_slice %arg11[%dma_wait3A_587, %dma_wait3A_588] : memref<2x128xi32, #tpu.memory_space<vmem>> -> memref<1x128xi32, #tpu.memory_space<vmem>>
        %dma_wait3A_590 = tpu.memref_squeeze %dma_wait3A_589 : memref<1x128xi32, #tpu.memory_space<vmem>> -> memref<128xi32, #tpu.memory_space<vmem>>
        %dma_wait3A_591 = tpu.memref_slice %arg3[%add3A_586] : memref<320000xi32, #tpu.memory_space<hbm>> -> memref<128xi32, #tpu.memory_space<hbm>>
        %dma_wait3A_592 = arith.constant 0 : i32
        %dma_wait3A_593 = tpu.memref_slice %arg11[%dma_wait3A_587, %dma_wait3A_592] : memref<2x128xi32, #tpu.memory_space<vmem>> -> memref<1x128xi32, #tpu.memory_space<vmem>>
        %dma_wait3A_594 = tpu.memref_squeeze %dma_wait3A_593 : memref<1x128xi32, #tpu.memory_space<vmem>> -> memref<128xi32, #tpu.memory_space<vmem>>
        %dma_wait3A_595 = tpu.memref_slice %arg3[%add3A_586] : memref<320000xi32, #tpu.memory_space<hbm>> -> memref<128xi32, #tpu.memory_space<hbm>>
        tpu.wait_dma2 semaphore(%arg25 : memref<!tpu.dma_semaphore, #tpu.memory_space<semaphore_mem>>) src(%dma_wait3A_595 : memref<128xi32, #tpu.memory_space<hbm>>) dst(%dma_wait3A_594 : memref<128xi32, #tpu.memory_space<vmem>>)
        %dma_wait3A_596 = arith.constant 1 : i32
        %dma_wait3A_597 = arith.constant 0 : i32
        %dma_wait3A_598 = tpu.memref_slice %arg11[%dma_wait3A_596, %dma_wait3A_597] : memref<2x128xi32, #tpu.memory_space<vmem>> -> memref<1x128xi32, #tpu.memory_space<vmem>>
        %dma_wait3A_599 = tpu.memref_squeeze %dma_wait3A_598 : memref<1x128xi32, #tpu.memory_space<vmem>> -> memref<128xi32, #tpu.memory_space<vmem>>
        %dma_wait3A_600 = tpu.memref_slice %arg4[%add3A_586] : memref<320000xi32, #tpu.memory_space<hbm>> -> memref<128xi32, #tpu.memory_space<hbm>>
        %dma_wait3A_601 = arith.constant 0 : i32
        %dma_wait3A_602 = tpu.memref_slice %arg11[%dma_wait3A_596, %dma_wait3A_601] : memref<2x128xi32, #tpu.memory_space<vmem>> -> memref<1x128xi32, #tpu.memory_space<vmem>>
        %dma_wait3A_603 = tpu.memref_squeeze %dma_wait3A_602 : memref<1x128xi32, #tpu.memory_space<vmem>> -> memref<128xi32, #tpu.memory_space<vmem>>
        %dma_wait3A_604 = tpu.memref_slice %arg4[%add3A_586] : memref<320000xi32, #tpu.memory_space<hbm>> -> memref<128xi32, #tpu.memory_space<hbm>>
        tpu.wait_dma2 semaphore(%arg25 : memref<!tpu.dma_semaphore, #tpu.memory_space<semaphore_mem>>) src(%dma_wait3A_604 : memref<128xi32, #tpu.memory_space<hbm>>) dst(%dma_wait3A_603 : memref<128xi32, #tpu.memory_space<vmem>>)
        %dma_start3A_605 = arith.constant 0 : i32
        %dma_start3A_606 = arith.constant 0 : i32
        %dma_start3A_607 = tpu.memref_slice %arg11[%dma_start3A_605, %dma_start3A_606] : memref<2x128xi32, #tpu.memory_space<vmem>> -> memref<1x128xi32, #tpu.memory_space<vmem>>
        %dma_start3A_608 = tpu.memref_squeeze %dma_start3A_607 : memref<1x128xi32, #tpu.memory_space<vmem>> -> memref<128xi32, #tpu.memory_space<vmem>>
        %dma_start3A_609 = arith.constant 0 : i32
        %dma_start3A_610 = arith.constant 0 : i32
        %dma_start3A_611 = tpu.memref_slice %arg2[%dma_start3A_609, %dma_start3A_610] : memref<10000x128xf32, #tpu.memory_space<hbm>> -> memref<10000x128xf32, #tpu.memory_space<hbm>>
        tpu.enqueue_indirect_dma source(%dma_start3A_611 : memref<10000x128xf32, #tpu.memory_space<hbm>>) target(%arg8 : memref<128x128xf32, #tpu.memory_space<vmem>>) offsets(%dma_start3A_608 : memref<128xi32, #tpu.memory_space<vmem>>) semaphore(%arg19 : memref<!tpu.dma_semaphore, #tpu.memory_space<semaphore_mem>>)
        %add3A_612 = arith.constant 5 : i32
        %add3A_613 = arith.addi %add3A_316, %add3A_612 : i32
        %mul3A_614 = arith.constant 128 : i32
        %mul3A_615 = arith.muli %add3A_613, %mul3A_614 : i32
        %add3A_616 = arith.addi %mul3A_2, %mul3A_615 : i32
        %dma_start3A_617 = arith.constant 0 : i32
        %dma_start3A_618 = arith.constant 0 : i32
        %dma_start3A_619 = tpu.memref_slice %arg14[%dma_start3A_617, %dma_start3A_618] : memref<2x128xi32, #tpu.memory_space<vmem>> -> memref<1x128xi32, #tpu.memory_space<vmem>>
        %dma_start3A_620 = tpu.memref_squeeze %dma_start3A_619 : memref<1x128xi32, #tpu.memory_space<vmem>> -> memref<128xi32, #tpu.memory_space<vmem>>
        %dma_start3A_621 = tpu.memref_slice %arg3[%add3A_616] : memref<320000xi32, #tpu.memory_space<hbm>> -> memref<128xi32, #tpu.memory_space<hbm>>
        %dma_start3A_622 = arith.constant 0 : i32
        %dma_start3A_623 = tpu.memref_slice %arg14[%dma_start3A_617, %dma_start3A_622] : memref<2x128xi32, #tpu.memory_space<vmem>> -> memref<1x128xi32, #tpu.memory_space<vmem>>
        %dma_start3A_624 = tpu.memref_squeeze %dma_start3A_623 : memref<1x128xi32, #tpu.memory_space<vmem>> -> memref<128xi32, #tpu.memory_space<vmem>>
        %dma_start3A_625 = tpu.memref_slice %arg3[%add3A_616] : memref<320000xi32, #tpu.memory_space<hbm>> -> memref<128xi32, #tpu.memory_space<hbm>>
        tpu.enqueue_dma source(%dma_start3A_625 : memref<128xi32, #tpu.memory_space<hbm>>) target(%dma_start3A_624 : memref<128xi32, #tpu.memory_space<vmem>>) target_semaphore(%arg28 : memref<!tpu.dma_semaphore, #tpu.memory_space<semaphore_mem>>)
        %dma_start3A_626 = arith.constant 1 : i32
        %dma_start3A_627 = arith.constant 0 : i32
        %dma_start3A_628 = tpu.memref_slice %arg14[%dma_start3A_626, %dma_start3A_627] : memref<2x128xi32, #tpu.memory_space<vmem>> -> memref<1x128xi32, #tpu.memory_space<vmem>>
        %dma_start3A_629 = tpu.memref_squeeze %dma_start3A_628 : memref<1x128xi32, #tpu.memory_space<vmem>> -> memref<128xi32, #tpu.memory_space<vmem>>
        %dma_start3A_630 = tpu.memref_slice %arg4[%add3A_616] : memref<320000xi32, #tpu.memory_space<hbm>> -> memref<128xi32, #tpu.memory_space<hbm>>
        %dma_start3A_631 = arith.constant 0 : i32
        %dma_start3A_632 = tpu.memref_slice %arg14[%dma_start3A_626, %dma_start3A_631] : memref<2x128xi32, #tpu.memory_space<vmem>> -> memref<1x128xi32, #tpu.memory_space<vmem>>
        %dma_start3A_633 = tpu.memref_squeeze %dma_start3A_632 : memref<1x128xi32, #tpu.memory_space<vmem>> -> memref<128xi32, #tpu.memory_space<vmem>>
        %dma_start3A_634 = tpu.memref_slice %arg4[%add3A_616] : memref<320000xi32, #tpu.memory_space<hbm>> -> memref<128xi32, #tpu.memory_space<hbm>>
        tpu.enqueue_dma source(%dma_start3A_634 : memref<128xi32, #tpu.memory_space<hbm>>) target(%dma_start3A_633 : memref<128xi32, #tpu.memory_space<vmem>>) target_semaphore(%arg28 : memref<!tpu.dma_semaphore, #tpu.memory_space<semaphore_mem>>)
      } else {
      }
      %mul3A_335 = arith.constant 6 : i32
      %mul3A_336 = arith.muli %mul3A_335, %scan3A_311 : i32
      %add3A_337 = arith.constant 1 : i32
      %add3A_338 = arith.addi %mul3A_336, %add3A_337 : i32
      %dma_wait3A_339 = arith.constant 0 : i32
      %dma_wait3A_340 = arith.constant 0 : i32
      %dma_wait3A_341 = tpu.memref_slice %arg10[%dma_wait3A_339, %dma_wait3A_340] : memref<2x128xi32, #tpu.memory_space<vmem>> -> memref<1x128xi32, #tpu.memory_space<vmem>>
      %dma_wait3A_342 = tpu.memref_squeeze %dma_wait3A_341 : memref<1x128xi32, #tpu.memory_space<vmem>> -> memref<128xi32, #tpu.memory_space<vmem>>
      %dma_wait3A_343 = arith.constant 0 : i32
      %dma_wait3A_344 = arith.constant 0 : i32
      %dma_wait3A_345 = tpu.memref_slice %arg2[%dma_wait3A_343, %dma_wait3A_344] : memref<10000x128xf32, #tpu.memory_space<hbm>> -> memref<10000x128xf32, #tpu.memory_space<hbm>>
      tpu.wait_indirect_dma semaphore(%arg18 : memref<!tpu.dma_semaphore, #tpu.memory_space<semaphore_mem>>) src(%dma_wait3A_345 : memref<10000x128xf32, #tpu.memory_space<hbm>>) dst(%arg7 : memref<128x128xf32, #tpu.memory_space<vmem>>)
      %dma_start3A_346 = arith.constant 1 : i32
      %dma_start3A_347 = arith.constant 0 : i32
      %dma_start3A_348 = tpu.memref_slice %arg10[%dma_start3A_346, %dma_start3A_347] : memref<2x128xi32, #tpu.memory_space<vmem>> -> memref<1x128xi32, #tpu.memory_space<vmem>>
      %dma_start3A_349 = tpu.memref_squeeze %dma_start3A_348 : memref<1x128xi32, #tpu.memory_space<vmem>> -> memref<128xi32, #tpu.memory_space<vmem>>
      %dma_start3A_350 = arith.constant 0 : i32
      %dma_start3A_351 = arith.constant 0 : i32
      %dma_start3A_352 = tpu.memref_slice %arg16[%dma_start3A_350, %dma_start3A_351] : memref<10000x128xf32, #tpu.memory_space<vmem_shared>> -> memref<10000x128xf32, #tpu.memory_space<vmem_shared>>
      tpu.enqueue_indirect_dma source(%arg7 : memref<128x128xf32, #tpu.memory_space<vmem>>) target(%dma_start3A_352 : memref<10000x128xf32, #tpu.memory_space<vmem_shared>>) offsets(%dma_start3A_349 : memref<128xi32, #tpu.memory_space<vmem>>) semaphore(%arg21 : memref<!tpu.dma_semaphore, #tpu.memory_space<semaphore_mem>>) {add = true}
      %dma_wait3A_353 = arith.constant 1 : i32
      %dma_wait3A_354 = arith.constant 0 : i32
      %dma_wait3A_355 = tpu.memref_slice %arg9[%dma_wait3A_353, %dma_wait3A_354] : memref<2x128xi32, #tpu.memory_space<vmem>> -> memref<1x128xi32, #tpu.memory_space<vmem>>
      %dma_wait3A_356 = tpu.memref_squeeze %dma_wait3A_355 : memref<1x128xi32, #tpu.memory_space<vmem>> -> memref<128xi32, #tpu.memory_space<vmem>>
      %dma_wait3A_357 = arith.constant 0 : i32
      %dma_wait3A_358 = arith.constant 0 : i32
      %dma_wait3A_359 = tpu.memref_slice %arg16[%dma_wait3A_357, %dma_wait3A_358] : memref<10000x128xf32, #tpu.memory_space<vmem_shared>> -> memref<10000x128xf32, #tpu.memory_space<vmem_shared>>
      tpu.wait_indirect_dma semaphore(%arg20 : memref<!tpu.dma_semaphore, #tpu.memory_space<semaphore_mem>>) src(%arg6 : memref<128x128xf32, #tpu.memory_space<vmem>>) dst(%dma_wait3A_359 : memref<10000x128xf32, #tpu.memory_space<vmem_shared>>)
      %add3A_360 = arith.constant 2 : i32
      %add3A_361 = arith.addi %add3A_338, %add3A_360 : i32
      %mul3A_362 = arith.constant 128 : i32
      %mul3A_363 = arith.muli %add3A_361, %mul3A_362 : i32
      %add3A_364 = arith.addi %mul3A_2, %mul3A_363 : i32
      %dma_wait3A_365 = arith.constant 0 : i32
      %dma_wait3A_366 = arith.constant 0 : i32
      %dma_wait3A_367 = tpu.memref_slice %arg12[%dma_wait3A_365, %dma_wait3A_366] : memref<2x128xi32, #tpu.memory_space<vmem>> -> memref<1x128xi32, #tpu.memory_space<vmem>>
      %dma_wait3A_368 = tpu.memref_squeeze %dma_wait3A_367 : memref<1x128xi32, #tpu.memory_space<vmem>> -> memref<128xi32, #tpu.memory_space<vmem>>
      %dma_wait3A_369 = tpu.memref_slice %arg3[%add3A_364] : memref<320000xi32, #tpu.memory_space<hbm>> -> memref<128xi32, #tpu.memory_space<hbm>>
      %dma_wait3A_370 = arith.constant 0 : i32
      %dma_wait3A_371 = tpu.memref_slice %arg12[%dma_wait3A_365, %dma_wait3A_370] : memref<2x128xi32, #tpu.memory_space<vmem>> -> memref<1x128xi32, #tpu.memory_space<vmem>>
      %dma_wait3A_372 = tpu.memref_squeeze %dma_wait3A_371 : memref<1x128xi32, #tpu.memory_space<vmem>> -> memref<128xi32, #tpu.memory_space<vmem>>
      %dma_wait3A_373 = tpu.memref_slice %arg3[%add3A_364] : memref<320000xi32, #tpu.memory_space<hbm>> -> memref<128xi32, #tpu.memory_space<hbm>>
      tpu.wait_dma2 semaphore(%arg26 : memref<!tpu.dma_semaphore, #tpu.memory_space<semaphore_mem>>) src(%dma_wait3A_373 : memref<128xi32, #tpu.memory_space<hbm>>) dst(%dma_wait3A_372 : memref<128xi32, #tpu.memory_space<vmem>>)
      %dma_wait3A_374 = arith.constant 1 : i32
      %dma_wait3A_375 = arith.constant 0 : i32
      %dma_wait3A_376 = tpu.memref_slice %arg12[%dma_wait3A_374, %dma_wait3A_375] : memref<2x128xi32, #tpu.memory_space<vmem>> -> memref<1x128xi32, #tpu.memory_space<vmem>>
      %dma_wait3A_377 = tpu.memref_squeeze %dma_wait3A_376 : memref<1x128xi32, #tpu.memory_space<vmem>> -> memref<128xi32, #tpu.memory_space<vmem>>
      %dma_wait3A_378 = tpu.memref_slice %arg4[%add3A_364] : memref<320000xi32, #tpu.memory_space<hbm>> -> memref<128xi32, #tpu.memory_space<hbm>>
      %dma_wait3A_379 = arith.constant 0 : i32
      %dma_wait3A_380 = tpu.memref_slice %arg12[%dma_wait3A_374, %dma_wait3A_379] : memref<2x128xi32, #tpu.memory_space<vmem>> -> memref<1x128xi32, #tpu.memory_space<vmem>>
      %dma_wait3A_381 = tpu.memref_squeeze %dma_wait3A_380 : memref<1x128xi32, #tpu.memory_space<vmem>> -> memref<128xi32, #tpu.memory_space<vmem>>
      %dma_wait3A_382 = tpu.memref_slice %arg4[%add3A_364] : memref<320000xi32, #tpu.memory_space<hbm>> -> memref<128xi32, #tpu.memory_space<hbm>>
      tpu.wait_dma2 semaphore(%arg26 : memref<!tpu.dma_semaphore, #tpu.memory_space<semaphore_mem>>) src(%dma_wait3A_382 : memref<128xi32, #tpu.memory_space<hbm>>) dst(%dma_wait3A_381 : memref<128xi32, #tpu.memory_space<vmem>>)
      %dma_start3A_383 = arith.constant 0 : i32
      %dma_start3A_384 = arith.constant 0 : i32
      %dma_start3A_385 = tpu.memref_slice %arg12[%dma_start3A_383, %dma_start3A_384] : memref<2x128xi32, #tpu.memory_space<vmem>> -> memref<1x128xi32, #tpu.memory_space<vmem>>
      %dma_start3A_386 = tpu.memref_squeeze %dma_start3A_385 : memref<1x128xi32, #tpu.memory_space<vmem>> -> memref<128xi32, #tpu.memory_space<vmem>>
      %dma_start3A_387 = arith.constant 0 : i32
      %dma_start3A_388 = arith.constant 0 : i32
      %dma_start3A_389 = tpu.memref_slice %arg2[%dma_start3A_387, %dma_start3A_388] : memref<10000x128xf32, #tpu.memory_space<hbm>> -> memref<10000x128xf32, #tpu.memory_space<hbm>>
      tpu.enqueue_indirect_dma source(%dma_start3A_389 : memref<10000x128xf32, #tpu.memory_space<hbm>>) target(%arg6 : memref<128x128xf32, #tpu.memory_space<vmem>>) offsets(%dma_start3A_386 : memref<128xi32, #tpu.memory_space<vmem>>) semaphore(%arg17 : memref<!tpu.dma_semaphore, #tpu.memory_space<semaphore_mem>>)
      %lt3A = arith.constant 12 : i32
      %lt3A_390 = arith.cmpi slt, %scan3A_311, %lt3A : i32
      %convert_element_type3A_391 = arith.extui %lt3A_390 : i1 to i32
      %cond3A_392 = arith.constant 0 : i32
      %cond3A_393 = arith.cmpi ne, %convert_element_type3A_391, %cond3A_392 : i32
      scf.if %cond3A_393 {
        %add3A_575 = arith.constant 5 : i32
        %add3A_576 = arith.addi %add3A_338, %add3A_575 : i32
        %mul3A_577 = arith.constant 128 : i32
        %mul3A_578 = arith.muli %add3A_576, %mul3A_577 : i32
        %add3A_579 = arith.addi %mul3A_2, %mul3A_578 : i32
        %dma_start3A_580 = arith.constant 0 : i32
        %dma_start3A_581 = arith.constant 0 : i32
        %dma_start3A_582 = tpu.memref_slice %arg9[%dma_start3A_580, %dma_start3A_581] : memref<2x128xi32, #tpu.memory_space<vmem>> -> memref<1x128xi32, #tpu.memory_space<vmem>>
        %dma_start3A_583 = tpu.memref_squeeze %dma_start3A_582 : memref<1x128xi32, #tpu.memory_space<vmem>> -> memref<128xi32, #tpu.memory_space<vmem>>
        %dma_start3A_584 = tpu.memref_slice %arg3[%add3A_579] : memref<320000xi32, #tpu.memory_space<hbm>> -> memref<128xi32, #tpu.memory_space<hbm>>
        %dma_start3A_585 = arith.constant 0 : i32
        %dma_start3A_586 = tpu.memref_slice %arg9[%dma_start3A_580, %dma_start3A_585] : memref<2x128xi32, #tpu.memory_space<vmem>> -> memref<1x128xi32, #tpu.memory_space<vmem>>
        %dma_start3A_587 = tpu.memref_squeeze %dma_start3A_586 : memref<1x128xi32, #tpu.memory_space<vmem>> -> memref<128xi32, #tpu.memory_space<vmem>>
        %dma_start3A_588 = tpu.memref_slice %arg3[%add3A_579] : memref<320000xi32, #tpu.memory_space<hbm>> -> memref<128xi32, #tpu.memory_space<hbm>>
        tpu.enqueue_dma source(%dma_start3A_588 : memref<128xi32, #tpu.memory_space<hbm>>) target(%dma_start3A_587 : memref<128xi32, #tpu.memory_space<vmem>>) target_semaphore(%arg23 : memref<!tpu.dma_semaphore, #tpu.memory_space<semaphore_mem>>)
        %dma_start3A_589 = arith.constant 1 : i32
        %dma_start3A_590 = arith.constant 0 : i32
        %dma_start3A_591 = tpu.memref_slice %arg9[%dma_start3A_589, %dma_start3A_590] : memref<2x128xi32, #tpu.memory_space<vmem>> -> memref<1x128xi32, #tpu.memory_space<vmem>>
        %dma_start3A_592 = tpu.memref_squeeze %dma_start3A_591 : memref<1x128xi32, #tpu.memory_space<vmem>> -> memref<128xi32, #tpu.memory_space<vmem>>
        %dma_start3A_593 = tpu.memref_slice %arg4[%add3A_579] : memref<320000xi32, #tpu.memory_space<hbm>> -> memref<128xi32, #tpu.memory_space<hbm>>
        %dma_start3A_594 = arith.constant 0 : i32
        %dma_start3A_595 = tpu.memref_slice %arg9[%dma_start3A_589, %dma_start3A_594] : memref<2x128xi32, #tpu.memory_space<vmem>> -> memref<1x128xi32, #tpu.memory_space<vmem>>
        %dma_start3A_596 = tpu.memref_squeeze %dma_start3A_595 : memref<1x128xi32, #tpu.memory_space<vmem>> -> memref<128xi32, #tpu.memory_space<vmem>>
        %dma_start3A_597 = tpu.memref_slice %arg4[%add3A_579] : memref<320000xi32, #tpu.memory_space<hbm>> -> memref<128xi32, #tpu.memory_space<hbm>>
        tpu.enqueue_dma source(%dma_start3A_597 : memref<128xi32, #tpu.memory_space<hbm>>) target(%dma_start3A_596 : memref<128xi32, #tpu.memory_space<vmem>>) target_semaphore(%arg23 : memref<!tpu.dma_semaphore, #tpu.memory_space<semaphore_mem>>)
      } else {
      }
      %mul3A_394 = arith.constant 6 : i32
      %mul3A_395 = arith.muli %mul3A_394, %scan3A_311 : i32
      %add3A_396 = arith.constant 2 : i32
      %add3A_397 = arith.addi %mul3A_395, %add3A_396 : i32
      %dma_wait3A_398 = arith.constant 0 : i32
      %dma_wait3A_399 = arith.constant 0 : i32
      %dma_wait3A_400 = tpu.memref_slice %arg11[%dma_wait3A_398, %dma_wait3A_399] : memref<2x128xi32, #tpu.memory_space<vmem>> -> memref<1x128xi32, #tpu.memory_space<vmem>>
      %dma_wait3A_401 = tpu.memref_squeeze %dma_wait3A_400 : memref<1x128xi32, #tpu.memory_space<vmem>> -> memref<128xi32, #tpu.memory_space<vmem>>
      %dma_wait3A_402 = arith.constant 0 : i32
      %dma_wait3A_403 = arith.constant 0 : i32
      %dma_wait3A_404 = tpu.memref_slice %arg2[%dma_wait3A_402, %dma_wait3A_403] : memref<10000x128xf32, #tpu.memory_space<hbm>> -> memref<10000x128xf32, #tpu.memory_space<hbm>>
      tpu.wait_indirect_dma semaphore(%arg19 : memref<!tpu.dma_semaphore, #tpu.memory_space<semaphore_mem>>) src(%dma_wait3A_404 : memref<10000x128xf32, #tpu.memory_space<hbm>>) dst(%arg8 : memref<128x128xf32, #tpu.memory_space<vmem>>)
      %dma_start3A_405 = arith.constant 1 : i32
      %dma_start3A_406 = arith.constant 0 : i32
      %dma_start3A_407 = tpu.memref_slice %arg11[%dma_start3A_405, %dma_start3A_406] : memref<2x128xi32, #tpu.memory_space<vmem>> -> memref<1x128xi32, #tpu.memory_space<vmem>>
      %dma_start3A_408 = tpu.memref_squeeze %dma_start3A_407 : memref<1x128xi32, #tpu.memory_space<vmem>> -> memref<128xi32, #tpu.memory_space<vmem>>
      %dma_start3A_409 = arith.constant 0 : i32
      %dma_start3A_410 = arith.constant 0 : i32
      %dma_start3A_411 = tpu.memref_slice %arg16[%dma_start3A_409, %dma_start3A_410] : memref<10000x128xf32, #tpu.memory_space<vmem_shared>> -> memref<10000x128xf32, #tpu.memory_space<vmem_shared>>
      tpu.enqueue_indirect_dma source(%arg8 : memref<128x128xf32, #tpu.memory_space<vmem>>) target(%dma_start3A_411 : memref<10000x128xf32, #tpu.memory_space<vmem_shared>>) offsets(%dma_start3A_408 : memref<128xi32, #tpu.memory_space<vmem>>) semaphore(%arg22 : memref<!tpu.dma_semaphore, #tpu.memory_space<semaphore_mem>>) {add = true}
      %dma_wait3A_412 = arith.constant 1 : i32
      %dma_wait3A_413 = arith.constant 0 : i32
      %dma_wait3A_414 = tpu.memref_slice %arg10[%dma_wait3A_412, %dma_wait3A_413] : memref<2x128xi32, #tpu.memory_space<vmem>> -> memref<1x128xi32, #tpu.memory_space<vmem>>
      %dma_wait3A_415 = tpu.memref_squeeze %dma_wait3A_414 : memref<1x128xi32, #tpu.memory_space<vmem>> -> memref<128xi32, #tpu.memory_space<vmem>>
      %dma_wait3A_416 = arith.constant 0 : i32
      %dma_wait3A_417 = arith.constant 0 : i32
      %dma_wait3A_418 = tpu.memref_slice %arg16[%dma_wait3A_416, %dma_wait3A_417] : memref<10000x128xf32, #tpu.memory_space<vmem_shared>> -> memref<10000x128xf32, #tpu.memory_space<vmem_shared>>
      tpu.wait_indirect_dma semaphore(%arg21 : memref<!tpu.dma_semaphore, #tpu.memory_space<semaphore_mem>>) src(%arg7 : memref<128x128xf32, #tpu.memory_space<vmem>>) dst(%dma_wait3A_418 : memref<10000x128xf32, #tpu.memory_space<vmem_shared>>)
      %add3A_419 = arith.constant 2 : i32
      %add3A_420 = arith.addi %add3A_397, %add3A_419 : i32
      %mul3A_421 = arith.constant 128 : i32
      %mul3A_422 = arith.muli %add3A_420, %mul3A_421 : i32
      %add3A_423 = arith.addi %mul3A_2, %mul3A_422 : i32
      %dma_wait3A_424 = arith.constant 0 : i32
      %dma_wait3A_425 = arith.constant 0 : i32
      %dma_wait3A_426 = tpu.memref_slice %arg13[%dma_wait3A_424, %dma_wait3A_425] : memref<2x128xi32, #tpu.memory_space<vmem>> -> memref<1x128xi32, #tpu.memory_space<vmem>>
      %dma_wait3A_427 = tpu.memref_squeeze %dma_wait3A_426 : memref<1x128xi32, #tpu.memory_space<vmem>> -> memref<128xi32, #tpu.memory_space<vmem>>
      %dma_wait3A_428 = tpu.memref_slice %arg3[%add3A_423] : memref<320000xi32, #tpu.memory_space<hbm>> -> memref<128xi32, #tpu.memory_space<hbm>>
      %dma_wait3A_429 = arith.constant 0 : i32
      %dma_wait3A_430 = tpu.memref_slice %arg13[%dma_wait3A_424, %dma_wait3A_429] : memref<2x128xi32, #tpu.memory_space<vmem>> -> memref<1x128xi32, #tpu.memory_space<vmem>>
      %dma_wait3A_431 = tpu.memref_squeeze %dma_wait3A_430 : memref<1x128xi32, #tpu.memory_space<vmem>> -> memref<128xi32, #tpu.memory_space<vmem>>
      %dma_wait3A_432 = tpu.memref_slice %arg3[%add3A_423] : memref<320000xi32, #tpu.memory_space<hbm>> -> memref<128xi32, #tpu.memory_space<hbm>>
      tpu.wait_dma2 semaphore(%arg27 : memref<!tpu.dma_semaphore, #tpu.memory_space<semaphore_mem>>) src(%dma_wait3A_432 : memref<128xi32, #tpu.memory_space<hbm>>) dst(%dma_wait3A_431 : memref<128xi32, #tpu.memory_space<vmem>>)
      %dma_wait3A_433 = arith.constant 1 : i32
      %dma_wait3A_434 = arith.constant 0 : i32
      %dma_wait3A_435 = tpu.memref_slice %arg13[%dma_wait3A_433, %dma_wait3A_434] : memref<2x128xi32, #tpu.memory_space<vmem>> -> memref<1x128xi32, #tpu.memory_space<vmem>>
      %dma_wait3A_436 = tpu.memref_squeeze %dma_wait3A_435 : memref<1x128xi32, #tpu.memory_space<vmem>> -> memref<128xi32, #tpu.memory_space<vmem>>
      %dma_wait3A_437 = tpu.memref_slice %arg4[%add3A_423] : memref<320000xi32, #tpu.memory_space<hbm>> -> memref<128xi32, #tpu.memory_space<hbm>>
      %dma_wait3A_438 = arith.constant 0 : i32
      %dma_wait3A_439 = tpu.memref_slice %arg13[%dma_wait3A_433, %dma_wait3A_438] : memref<2x128xi32, #tpu.memory_space<vmem>> -> memref<1x128xi32, #tpu.memory_space<vmem>>
      %dma_wait3A_440 = tpu.memref_squeeze %dma_wait3A_439 : memref<1x128xi32, #tpu.memory_space<vmem>> -> memref<128xi32, #tpu.memory_space<vmem>>
      %dma_wait3A_441 = tpu.memref_slice %arg4[%add3A_423] : memref<320000xi32, #tpu.memory_space<hbm>> -> memref<128xi32, #tpu.memory_space<hbm>>
      tpu.wait_dma2 semaphore(%arg27 : memref<!tpu.dma_semaphore, #tpu.memory_space<semaphore_mem>>) src(%dma_wait3A_441 : memref<128xi32, #tpu.memory_space<hbm>>) dst(%dma_wait3A_440 : memref<128xi32, #tpu.memory_space<vmem>>)
      %dma_start3A_442 = arith.constant 0 : i32
      %dma_start3A_443 = arith.constant 0 : i32
      %dma_start3A_444 = tpu.memref_slice %arg13[%dma_start3A_442, %dma_start3A_443] : memref<2x128xi32, #tpu.memory_space<vmem>> -> memref<1x128xi32, #tpu.memory_space<vmem>>
      %dma_start3A_445 = tpu.memref_squeeze %dma_start3A_444 : memref<1x128xi32, #tpu.memory_space<vmem>> -> memref<128xi32, #tpu.memory_space<vmem>>
      %dma_start3A_446 = arith.constant 0 : i32
      %dma_start3A_447 = arith.constant 0 : i32
      %dma_start3A_448 = tpu.memref_slice %arg2[%dma_start3A_446, %dma_start3A_447] : memref<10000x128xf32, #tpu.memory_space<hbm>> -> memref<10000x128xf32, #tpu.memory_space<hbm>>
      tpu.enqueue_indirect_dma source(%dma_start3A_448 : memref<10000x128xf32, #tpu.memory_space<hbm>>) target(%arg7 : memref<128x128xf32, #tpu.memory_space<vmem>>) offsets(%dma_start3A_445 : memref<128xi32, #tpu.memory_space<vmem>>) semaphore(%arg18 : memref<!tpu.dma_semaphore, #tpu.memory_space<semaphore_mem>>)
      %lt3A_449 = arith.constant 12 : i32
      %lt3A_450 = arith.cmpi slt, %scan3A_311, %lt3A_449 : i32
      %convert_element_type3A_451 = arith.extui %lt3A_450 : i1 to i32
      %cond3A_452 = arith.constant 0 : i32
      %cond3A_453 = arith.cmpi ne, %convert_element_type3A_451, %cond3A_452 : i32
      scf.if %cond3A_453 {
        %add3A_575 = arith.constant 5 : i32
        %add3A_576 = arith.addi %add3A_397, %add3A_575 : i32
        %mul3A_577 = arith.constant 128 : i32
        %mul3A_578 = arith.muli %add3A_576, %mul3A_577 : i32
        %add3A_579 = arith.addi %mul3A_2, %mul3A_578 : i32
        %dma_start3A_580 = arith.constant 0 : i32
        %dma_start3A_581 = arith.constant 0 : i32
        %dma_start3A_582 = tpu.memref_slice %arg10[%dma_start3A_580, %dma_start3A_581] : memref<2x128xi32, #tpu.memory_space<vmem>> -> memref<1x128xi32, #tpu.memory_space<vmem>>
        %dma_start3A_583 = tpu.memref_squeeze %dma_start3A_582 : memref<1x128xi32, #tpu.memory_space<vmem>> -> memref<128xi32, #tpu.memory_space<vmem>>
        %dma_start3A_584 = tpu.memref_slice %arg3[%add3A_579] : memref<320000xi32, #tpu.memory_space<hbm>> -> memref<128xi32, #tpu.memory_space<hbm>>
        %dma_start3A_585 = arith.constant 0 : i32
        %dma_start3A_586 = tpu.memref_slice %arg10[%dma_start3A_580, %dma_start3A_585] : memref<2x128xi32, #tpu.memory_space<vmem>> -> memref<1x128xi32, #tpu.memory_space<vmem>>
        %dma_start3A_587 = tpu.memref_squeeze %dma_start3A_586 : memref<1x128xi32, #tpu.memory_space<vmem>> -> memref<128xi32, #tpu.memory_space<vmem>>
        %dma_start3A_588 = tpu.memref_slice %arg3[%add3A_579] : memref<320000xi32, #tpu.memory_space<hbm>> -> memref<128xi32, #tpu.memory_space<hbm>>
        tpu.enqueue_dma source(%dma_start3A_588 : memref<128xi32, #tpu.memory_space<hbm>>) target(%dma_start3A_587 : memref<128xi32, #tpu.memory_space<vmem>>) target_semaphore(%arg24 : memref<!tpu.dma_semaphore, #tpu.memory_space<semaphore_mem>>)
        %dma_start3A_589 = arith.constant 1 : i32
        %dma_start3A_590 = arith.constant 0 : i32
        %dma_start3A_591 = tpu.memref_slice %arg10[%dma_start3A_589, %dma_start3A_590] : memref<2x128xi32, #tpu.memory_space<vmem>> -> memref<1x128xi32, #tpu.memory_space<vmem>>
        %dma_start3A_592 = tpu.memref_squeeze %dma_start3A_591 : memref<1x128xi32, #tpu.memory_space<vmem>> -> memref<128xi32, #tpu.memory_space<vmem>>
        %dma_start3A_593 = tpu.memref_slice %arg4[%add3A_579] : memref<320000xi32, #tpu.memory_space<hbm>> -> memref<128xi32, #tpu.memory_space<hbm>>
        %dma_start3A_594 = arith.constant 0 : i32
        %dma_start3A_595 = tpu.memref_slice %arg10[%dma_start3A_589, %dma_start3A_594] : memref<2x128xi32, #tpu.memory_space<vmem>> -> memref<1x128xi32, #tpu.memory_space<vmem>>
        %dma_start3A_596 = tpu.memref_squeeze %dma_start3A_595 : memref<1x128xi32, #tpu.memory_space<vmem>> -> memref<128xi32, #tpu.memory_space<vmem>>
        %dma_start3A_597 = tpu.memref_slice %arg4[%add3A_579] : memref<320000xi32, #tpu.memory_space<hbm>> -> memref<128xi32, #tpu.memory_space<hbm>>
        tpu.enqueue_dma source(%dma_start3A_597 : memref<128xi32, #tpu.memory_space<hbm>>) target(%dma_start3A_596 : memref<128xi32, #tpu.memory_space<vmem>>) target_semaphore(%arg24 : memref<!tpu.dma_semaphore, #tpu.memory_space<semaphore_mem>>)
      } else {
      }
      %mul3A_454 = arith.constant 6 : i32
      %mul3A_455 = arith.muli %mul3A_454, %scan3A_311 : i32
      %add3A_456 = arith.constant 3 : i32
      %add3A_457 = arith.addi %mul3A_455, %add3A_456 : i32
      %dma_wait3A_458 = arith.constant 0 : i32
      %dma_wait3A_459 = arith.constant 0 : i32
      %dma_wait3A_460 = tpu.memref_slice %arg12[%dma_wait3A_458, %dma_wait3A_459] : memref<2x128xi32, #tpu.memory_space<vmem>> -> memref<1x128xi32, #tpu.memory_space<vmem>>
      %dma_wait3A_461 = tpu.memref_squeeze %dma_wait3A_460 : memref<1x128xi32, #tpu.memory_space<vmem>> -> memref<128xi32, #tpu.memory_space<vmem>>
      %dma_wait3A_462 = arith.constant 0 : i32
      %dma_wait3A_463 = arith.constant 0 : i32
      %dma_wait3A_464 = tpu.memref_slice %arg2[%dma_wait3A_462, %dma_wait3A_463] : memref<10000x128xf32, #tpu.memory_space<hbm>> -> memref<10000x128xf32, #tpu.memory_space<hbm>>
      tpu.wait_indirect_dma semaphore(%arg17 : memref<!tpu.dma_semaphore, #tpu.memory_space<semaphore_mem>>) src(%dma_wait3A_464 : memref<10000x128xf32, #tpu.memory_space<hbm>>) dst(%arg6 : memref<128x128xf32, #tpu.memory_space<vmem>>)
      %dma_start3A_465 = arith.constant 1 : i32
      %dma_start3A_466 = arith.constant 0 : i32
      %dma_start3A_467 = tpu.memref_slice %arg12[%dma_start3A_465, %dma_start3A_466] : memref<2x128xi32, #tpu.memory_space<vmem>> -> memref<1x128xi32, #tpu.memory_space<vmem>>
      %dma_start3A_468 = tpu.memref_squeeze %dma_start3A_467 : memref<1x128xi32, #tpu.memory_space<vmem>> -> memref<128xi32, #tpu.memory_space<vmem>>
      %dma_start3A_469 = arith.constant 0 : i32
      %dma_start3A_470 = arith.constant 0 : i32
      %dma_start3A_471 = tpu.memref_slice %arg16[%dma_start3A_469, %dma_start3A_470] : memref<10000x128xf32, #tpu.memory_space<vmem_shared>> -> memref<10000x128xf32, #tpu.memory_space<vmem_shared>>
      tpu.enqueue_indirect_dma source(%arg6 : memref<128x128xf32, #tpu.memory_space<vmem>>) target(%dma_start3A_471 : memref<10000x128xf32, #tpu.memory_space<vmem_shared>>) offsets(%dma_start3A_468 : memref<128xi32, #tpu.memory_space<vmem>>) semaphore(%arg20 : memref<!tpu.dma_semaphore, #tpu.memory_space<semaphore_mem>>) {add = true}
      %dma_wait3A_472 = arith.constant 1 : i32
      %dma_wait3A_473 = arith.constant 0 : i32
      %dma_wait3A_474 = tpu.memref_slice %arg11[%dma_wait3A_472, %dma_wait3A_473] : memref<2x128xi32, #tpu.memory_space<vmem>> -> memref<1x128xi32, #tpu.memory_space<vmem>>
      %dma_wait3A_475 = tpu.memref_squeeze %dma_wait3A_474 : memref<1x128xi32, #tpu.memory_space<vmem>> -> memref<128xi32, #tpu.memory_space<vmem>>
      %dma_wait3A_476 = arith.constant 0 : i32
      %dma_wait3A_477 = arith.constant 0 : i32
      %dma_wait3A_478 = tpu.memref_slice %arg16[%dma_wait3A_476, %dma_wait3A_477] : memref<10000x128xf32, #tpu.memory_space<vmem_shared>> -> memref<10000x128xf32, #tpu.memory_space<vmem_shared>>
      tpu.wait_indirect_dma semaphore(%arg22 : memref<!tpu.dma_semaphore, #tpu.memory_space<semaphore_mem>>) src(%arg8 : memref<128x128xf32, #tpu.memory_space<vmem>>) dst(%dma_wait3A_478 : memref<10000x128xf32, #tpu.memory_space<vmem_shared>>)
      %add3A_479 = arith.constant 2 : i32
      %add3A_480 = arith.addi %add3A_457, %add3A_479 : i32
      %mul3A_481 = arith.constant 128 : i32
      %mul3A_482 = arith.muli %add3A_480, %mul3A_481 : i32
      %add3A_483 = arith.addi %mul3A_2, %mul3A_482 : i32
      %dma_wait3A_484 = arith.constant 0 : i32
      %dma_wait3A_485 = arith.constant 0 : i32
      %dma_wait3A_486 = tpu.memref_slice %arg14[%dma_wait3A_484, %dma_wait3A_485] : memref<2x128xi32, #tpu.memory_space<vmem>> -> memref<1x128xi32, #tpu.memory_space<vmem>>
      %dma_wait3A_487 = tpu.memref_squeeze %dma_wait3A_486 : memref<1x128xi32, #tpu.memory_space<vmem>> -> memref<128xi32, #tpu.memory_space<vmem>>
      %dma_wait3A_488 = tpu.memref_slice %arg3[%add3A_483] : memref<320000xi32, #tpu.memory_space<hbm>> -> memref<128xi32, #tpu.memory_space<hbm>>
      %dma_wait3A_489 = arith.constant 0 : i32
      %dma_wait3A_490 = tpu.memref_slice %arg14[%dma_wait3A_484, %dma_wait3A_489] : memref<2x128xi32, #tpu.memory_space<vmem>> -> memref<1x128xi32, #tpu.memory_space<vmem>>
      %dma_wait3A_491 = tpu.memref_squeeze %dma_wait3A_490 : memref<1x128xi32, #tpu.memory_space<vmem>> -> memref<128xi32, #tpu.memory_space<vmem>>
      %dma_wait3A_492 = tpu.memref_slice %arg3[%add3A_483] : memref<320000xi32, #tpu.memory_space<hbm>> -> memref<128xi32, #tpu.memory_space<hbm>>
      tpu.wait_dma2 semaphore(%arg28 : memref<!tpu.dma_semaphore, #tpu.memory_space<semaphore_mem>>) src(%dma_wait3A_492 : memref<128xi32, #tpu.memory_space<hbm>>) dst(%dma_wait3A_491 : memref<128xi32, #tpu.memory_space<vmem>>)
      %dma_wait3A_493 = arith.constant 1 : i32
      %dma_wait3A_494 = arith.constant 0 : i32
      %dma_wait3A_495 = tpu.memref_slice %arg14[%dma_wait3A_493, %dma_wait3A_494] : memref<2x128xi32, #tpu.memory_space<vmem>> -> memref<1x128xi32, #tpu.memory_space<vmem>>
      %dma_wait3A_496 = tpu.memref_squeeze %dma_wait3A_495 : memref<1x128xi32, #tpu.memory_space<vmem>> -> memref<128xi32, #tpu.memory_space<vmem>>
      %dma_wait3A_497 = tpu.memref_slice %arg4[%add3A_483] : memref<320000xi32, #tpu.memory_space<hbm>> -> memref<128xi32, #tpu.memory_space<hbm>>
      %dma_wait3A_498 = arith.constant 0 : i32
      %dma_wait3A_499 = tpu.memref_slice %arg14[%dma_wait3A_493, %dma_wait3A_498] : memref<2x128xi32, #tpu.memory_space<vmem>> -> memref<1x128xi32, #tpu.memory_space<vmem>>
      %dma_wait3A_500 = tpu.memref_squeeze %dma_wait3A_499 : memref<1x128xi32, #tpu.memory_space<vmem>> -> memref<128xi32, #tpu.memory_space<vmem>>
      %dma_wait3A_501 = tpu.memref_slice %arg4[%add3A_483] : memref<320000xi32, #tpu.memory_space<hbm>> -> memref<128xi32, #tpu.memory_space<hbm>>
      tpu.wait_dma2 semaphore(%arg28 : memref<!tpu.dma_semaphore, #tpu.memory_space<semaphore_mem>>) src(%dma_wait3A_501 : memref<128xi32, #tpu.memory_space<hbm>>) dst(%dma_wait3A_500 : memref<128xi32, #tpu.memory_space<vmem>>)
      %dma_start3A_502 = arith.constant 0 : i32
      %dma_start3A_503 = arith.constant 0 : i32
      %dma_start3A_504 = tpu.memref_slice %arg14[%dma_start3A_502, %dma_start3A_503] : memref<2x128xi32, #tpu.memory_space<vmem>> -> memref<1x128xi32, #tpu.memory_space<vmem>>
      %dma_start3A_505 = tpu.memref_squeeze %dma_start3A_504 : memref<1x128xi32, #tpu.memory_space<vmem>> -> memref<128xi32, #tpu.memory_space<vmem>>
      %dma_start3A_506 = arith.constant 0 : i32
      %dma_start3A_507 = arith.constant 0 : i32
      %dma_start3A_508 = tpu.memref_slice %arg2[%dma_start3A_506, %dma_start3A_507] : memref<10000x128xf32, #tpu.memory_space<hbm>> -> memref<10000x128xf32, #tpu.memory_space<hbm>>
      tpu.enqueue_indirect_dma source(%dma_start3A_508 : memref<10000x128xf32, #tpu.memory_space<hbm>>) target(%arg8 : memref<128x128xf32, #tpu.memory_space<vmem>>) offsets(%dma_start3A_505 : memref<128xi32, #tpu.memory_space<vmem>>) semaphore(%arg19 : memref<!tpu.dma_semaphore, #tpu.memory_space<semaphore_mem>>)
      %lt3A_509 = arith.constant 12 : i32
      %lt3A_510 = arith.cmpi slt, %scan3A_311, %lt3A_509 : i32
      %convert_element_type3A_511 = arith.extui %lt3A_510 : i1 to i32
      %cond3A_512 = arith.constant 0 : i32
      %cond3A_513 = arith.cmpi ne, %convert_element_type3A_511, %cond3A_512 : i32
      scf.if %cond3A_513 {
        %add3A_575 = arith.constant 5 : i32
        %add3A_576 = arith.addi %add3A_457, %add3A_575 : i32
        %mul3A_577 = arith.constant 128 : i32
        %mul3A_578 = arith.muli %add3A_576, %mul3A_577 : i32
        %add3A_579 = arith.addi %mul3A_2, %mul3A_578 : i32
        %dma_start3A_580 = arith.constant 0 : i32
        %dma_start3A_581 = arith.constant 0 : i32
        %dma_start3A_582 = tpu.memref_slice %arg11[%dma_start3A_580, %dma_start3A_581] : memref<2x128xi32, #tpu.memory_space<vmem>> -> memref<1x128xi32, #tpu.memory_space<vmem>>
        %dma_start3A_583 = tpu.memref_squeeze %dma_start3A_582 : memref<1x128xi32, #tpu.memory_space<vmem>> -> memref<128xi32, #tpu.memory_space<vmem>>
        %dma_start3A_584 = tpu.memref_slice %arg3[%add3A_579] : memref<320000xi32, #tpu.memory_space<hbm>> -> memref<128xi32, #tpu.memory_space<hbm>>
        %dma_start3A_585 = arith.constant 0 : i32
        %dma_start3A_586 = tpu.memref_slice %arg11[%dma_start3A_580, %dma_start3A_585] : memref<2x128xi32, #tpu.memory_space<vmem>> -> memref<1x128xi32, #tpu.memory_space<vmem>>
        %dma_start3A_587 = tpu.memref_squeeze %dma_start3A_586 : memref<1x128xi32, #tpu.memory_space<vmem>> -> memref<128xi32, #tpu.memory_space<vmem>>
        %dma_start3A_588 = tpu.memref_slice %arg3[%add3A_579] : memref<320000xi32, #tpu.memory_space<hbm>> -> memref<128xi32, #tpu.memory_space<hbm>>
        tpu.enqueue_dma source(%dma_start3A_588 : memref<128xi32, #tpu.memory_space<hbm>>) target(%dma_start3A_587 : memref<128xi32, #tpu.memory_space<vmem>>) target_semaphore(%arg25 : memref<!tpu.dma_semaphore, #tpu.memory_space<semaphore_mem>>)
        %dma_start3A_589 = arith.constant 1 : i32
        %dma_start3A_590 = arith.constant 0 : i32
        %dma_start3A_591 = tpu.memref_slice %arg11[%dma_start3A_589, %dma_start3A_590] : memref<2x128xi32, #tpu.memory_space<vmem>> -> memref<1x128xi32, #tpu.memory_space<vmem>>
        %dma_start3A_592 = tpu.memref_squeeze %dma_start3A_591 : memref<1x128xi32, #tpu.memory_space<vmem>> -> memref<128xi32, #tpu.memory_space<vmem>>
        %dma_start3A_593 = tpu.memref_slice %arg4[%add3A_579] : memref<320000xi32, #tpu.memory_space<hbm>> -> memref<128xi32, #tpu.memory_space<hbm>>
        %dma_start3A_594 = arith.constant 0 : i32
        %dma_start3A_595 = tpu.memref_slice %arg11[%dma_start3A_589, %dma_start3A_594] : memref<2x128xi32, #tpu.memory_space<vmem>> -> memref<1x128xi32, #tpu.memory_space<vmem>>
        %dma_start3A_596 = tpu.memref_squeeze %dma_start3A_595 : memref<1x128xi32, #tpu.memory_space<vmem>> -> memref<128xi32, #tpu.memory_space<vmem>>
        %dma_start3A_597 = tpu.memref_slice %arg4[%add3A_579] : memref<320000xi32, #tpu.memory_space<hbm>> -> memref<128xi32, #tpu.memory_space<hbm>>
        tpu.enqueue_dma source(%dma_start3A_597 : memref<128xi32, #tpu.memory_space<hbm>>) target(%dma_start3A_596 : memref<128xi32, #tpu.memory_space<vmem>>) target_semaphore(%arg25 : memref<!tpu.dma_semaphore, #tpu.memory_space<semaphore_mem>>)
      } else {
      }
      %mul3A_514 = arith.constant 6 : i32
      %mul3A_515 = arith.muli %mul3A_514, %scan3A_311 : i32
      %add3A_516 = arith.constant 4 : i32
      %add3A_517 = arith.addi %mul3A_515, %add3A_516 : i32
      %dma_wait3A_518 = arith.constant 0 : i32
      %dma_wait3A_519 = arith.constant 0 : i32
      %dma_wait3A_520 = tpu.memref_slice %arg13[%dma_wait3A_518, %dma_wait3A_519] : memref<2x128xi32, #tpu.memory_space<vmem>> -> memref<1x128xi32, #tpu.memory_space<vmem>>
      %dma_wait3A_521 = tpu.memref_squeeze %dma_wait3A_520 : memref<1x128xi32, #tpu.memory_space<vmem>> -> memref<128xi32, #tpu.memory_space<vmem>>
      %dma_wait3A_522 = arith.constant 0 : i32
      %dma_wait3A_523 = arith.constant 0 : i32
      %dma_wait3A_524 = tpu.memref_slice %arg2[%dma_wait3A_522, %dma_wait3A_523] : memref<10000x128xf32, #tpu.memory_space<hbm>> -> memref<10000x128xf32, #tpu.memory_space<hbm>>
      tpu.wait_indirect_dma semaphore(%arg18 : memref<!tpu.dma_semaphore, #tpu.memory_space<semaphore_mem>>) src(%dma_wait3A_524 : memref<10000x128xf32, #tpu.memory_space<hbm>>) dst(%arg7 : memref<128x128xf32, #tpu.memory_space<vmem>>)
      %dma_start3A_525 = arith.constant 1 : i32
      %dma_start3A_526 = arith.constant 0 : i32
      %dma_start3A_527 = tpu.memref_slice %arg13[%dma_start3A_525, %dma_start3A_526] : memref<2x128xi32, #tpu.memory_space<vmem>> -> memref<1x128xi32, #tpu.memory_space<vmem>>
      %dma_start3A_528 = tpu.memref_squeeze %dma_start3A_527 : memref<1x128xi32, #tpu.memory_space<vmem>> -> memref<128xi32, #tpu.memory_space<vmem>>
      %dma_start3A_529 = arith.constant 0 : i32
      %dma_start3A_530 = arith.constant 0 : i32
      %dma_start3A_531 = tpu.memref_slice %arg16[%dma_start3A_529, %dma_start3A_530] : memref<10000x128xf32, #tpu.memory_space<vmem_shared>> -> memref<10000x128xf32, #tpu.memory_space<vmem_shared>>
      tpu.enqueue_indirect_dma source(%arg7 : memref<128x128xf32, #tpu.memory_space<vmem>>) target(%dma_start3A_531 : memref<10000x128xf32, #tpu.memory_space<vmem_shared>>) offsets(%dma_start3A_528 : memref<128xi32, #tpu.memory_space<vmem>>) semaphore(%arg21 : memref<!tpu.dma_semaphore, #tpu.memory_space<semaphore_mem>>) {add = true}
      %dma_wait3A_532 = arith.constant 1 : i32
      %dma_wait3A_533 = arith.constant 0 : i32
      %dma_wait3A_534 = tpu.memref_slice %arg12[%dma_wait3A_532, %dma_wait3A_533] : memref<2x128xi32, #tpu.memory_space<vmem>> -> memref<1x128xi32, #tpu.memory_space<vmem>>
      %dma_wait3A_535 = tpu.memref_squeeze %dma_wait3A_534 : memref<1x128xi32, #tpu.memory_space<vmem>> -> memref<128xi32, #tpu.memory_space<vmem>>
      %dma_wait3A_536 = arith.constant 0 : i32
      %dma_wait3A_537 = arith.constant 0 : i32
      %dma_wait3A_538 = tpu.memref_slice %arg16[%dma_wait3A_536, %dma_wait3A_537] : memref<10000x128xf32, #tpu.memory_space<vmem_shared>> -> memref<10000x128xf32, #tpu.memory_space<vmem_shared>>
      tpu.wait_indirect_dma semaphore(%arg20 : memref<!tpu.dma_semaphore, #tpu.memory_space<semaphore_mem>>) src(%arg6 : memref<128x128xf32, #tpu.memory_space<vmem>>) dst(%dma_wait3A_538 : memref<10000x128xf32, #tpu.memory_space<vmem_shared>>)
      %lt3A_539 = arith.constant 12 : i32
      %lt3A_540 = arith.cmpi slt, %scan3A_311, %lt3A_539 : i32
      %convert_element_type3A_541 = arith.extui %lt3A_540 : i1 to i32
      %cond3A_542 = arith.constant 0 : i32
      %cond3A_543 = arith.cmpi ne, %convert_element_type3A_541, %cond3A_542 : i32
      scf.if %cond3A_543 {
        %add3A_575 = arith.constant 2 : i32
        %add3A_576 = arith.addi %add3A_517, %add3A_575 : i32
        %mul3A_577 = arith.constant 128 : i32
        %mul3A_578 = arith.muli %add3A_576, %mul3A_577 : i32
        %add3A_579 = arith.addi %mul3A_2, %mul3A_578 : i32
        %dma_wait3A_580 = arith.constant 0 : i32
        %dma_wait3A_581 = arith.constant 0 : i32
        %dma_wait3A_582 = tpu.memref_slice %arg9[%dma_wait3A_580, %dma_wait3A_581] : memref<2x128xi32, #tpu.memory_space<vmem>> -> memref<1x128xi32, #tpu.memory_space<vmem>>
        %dma_wait3A_583 = tpu.memref_squeeze %dma_wait3A_582 : memref<1x128xi32, #tpu.memory_space<vmem>> -> memref<128xi32, #tpu.memory_space<vmem>>
        %dma_wait3A_584 = tpu.memref_slice %arg3[%add3A_579] : memref<320000xi32, #tpu.memory_space<hbm>> -> memref<128xi32, #tpu.memory_space<hbm>>
        %dma_wait3A_585 = arith.constant 0 : i32
        %dma_wait3A_586 = tpu.memref_slice %arg9[%dma_wait3A_580, %dma_wait3A_585] : memref<2x128xi32, #tpu.memory_space<vmem>> -> memref<1x128xi32, #tpu.memory_space<vmem>>
        %dma_wait3A_587 = tpu.memref_squeeze %dma_wait3A_586 : memref<1x128xi32, #tpu.memory_space<vmem>> -> memref<128xi32, #tpu.memory_space<vmem>>
        %dma_wait3A_588 = tpu.memref_slice %arg3[%add3A_579] : memref<320000xi32, #tpu.memory_space<hbm>> -> memref<128xi32, #tpu.memory_space<hbm>>
        tpu.wait_dma2 semaphore(%arg23 : memref<!tpu.dma_semaphore, #tpu.memory_space<semaphore_mem>>) src(%dma_wait3A_588 : memref<128xi32, #tpu.memory_space<hbm>>) dst(%dma_wait3A_587 : memref<128xi32, #tpu.memory_space<vmem>>)
        %dma_wait3A_589 = arith.constant 1 : i32
        %dma_wait3A_590 = arith.constant 0 : i32
        %dma_wait3A_591 = tpu.memref_slice %arg9[%dma_wait3A_589, %dma_wait3A_590] : memref<2x128xi32, #tpu.memory_space<vmem>> -> memref<1x128xi32, #tpu.memory_space<vmem>>
        %dma_wait3A_592 = tpu.memref_squeeze %dma_wait3A_591 : memref<1x128xi32, #tpu.memory_space<vmem>> -> memref<128xi32, #tpu.memory_space<vmem>>
        %dma_wait3A_593 = tpu.memref_slice %arg4[%add3A_579] : memref<320000xi32, #tpu.memory_space<hbm>> -> memref<128xi32, #tpu.memory_space<hbm>>
        %dma_wait3A_594 = arith.constant 0 : i32
        %dma_wait3A_595 = tpu.memref_slice %arg9[%dma_wait3A_589, %dma_wait3A_594] : memref<2x128xi32, #tpu.memory_space<vmem>> -> memref<1x128xi32, #tpu.memory_space<vmem>>
        %dma_wait3A_596 = tpu.memref_squeeze %dma_wait3A_595 : memref<1x128xi32, #tpu.memory_space<vmem>> -> memref<128xi32, #tpu.memory_space<vmem>>
        %dma_wait3A_597 = tpu.memref_slice %arg4[%add3A_579] : memref<320000xi32, #tpu.memory_space<hbm>> -> memref<128xi32, #tpu.memory_space<hbm>>
        tpu.wait_dma2 semaphore(%arg23 : memref<!tpu.dma_semaphore, #tpu.memory_space<semaphore_mem>>) src(%dma_wait3A_597 : memref<128xi32, #tpu.memory_space<hbm>>) dst(%dma_wait3A_596 : memref<128xi32, #tpu.memory_space<vmem>>)
        %dma_start3A_598 = arith.constant 0 : i32
        %dma_start3A_599 = arith.constant 0 : i32
        %dma_start3A_600 = tpu.memref_slice %arg9[%dma_start3A_598, %dma_start3A_599] : memref<2x128xi32, #tpu.memory_space<vmem>> -> memref<1x128xi32, #tpu.memory_space<vmem>>
        %dma_start3A_601 = tpu.memref_squeeze %dma_start3A_600 : memref<1x128xi32, #tpu.memory_space<vmem>> -> memref<128xi32, #tpu.memory_space<vmem>>
        %dma_start3A_602 = arith.constant 0 : i32
        %dma_start3A_603 = arith.constant 0 : i32
        %dma_start3A_604 = tpu.memref_slice %arg2[%dma_start3A_602, %dma_start3A_603] : memref<10000x128xf32, #tpu.memory_space<hbm>> -> memref<10000x128xf32, #tpu.memory_space<hbm>>
        tpu.enqueue_indirect_dma source(%dma_start3A_604 : memref<10000x128xf32, #tpu.memory_space<hbm>>) target(%arg6 : memref<128x128xf32, #tpu.memory_space<vmem>>) offsets(%dma_start3A_601 : memref<128xi32, #tpu.memory_space<vmem>>) semaphore(%arg17 : memref<!tpu.dma_semaphore, #tpu.memory_space<semaphore_mem>>)
        %add3A_605 = arith.constant 5 : i32
        %add3A_606 = arith.addi %add3A_517, %add3A_605 : i32
        %mul3A_607 = arith.constant 128 : i32
        %mul3A_608 = arith.muli %add3A_606, %mul3A_607 : i32
        %add3A_609 = arith.addi %mul3A_2, %mul3A_608 : i32
        %dma_start3A_610 = arith.constant 0 : i32
        %dma_start3A_611 = arith.constant 0 : i32
        %dma_start3A_612 = tpu.memref_slice %arg12[%dma_start3A_610, %dma_start3A_611] : memref<2x128xi32, #tpu.memory_space<vmem>> -> memref<1x128xi32, #tpu.memory_space<vmem>>
        %dma_start3A_613 = tpu.memref_squeeze %dma_start3A_612 : memref<1x128xi32, #tpu.memory_space<vmem>> -> memref<128xi32, #tpu.memory_space<vmem>>
        %dma_start3A_614 = tpu.memref_slice %arg3[%add3A_609] : memref<320000xi32, #tpu.memory_space<hbm>> -> memref<128xi32, #tpu.memory_space<hbm>>
        %dma_start3A_615 = arith.constant 0 : i32
        %dma_start3A_616 = tpu.memref_slice %arg12[%dma_start3A_610, %dma_start3A_615] : memref<2x128xi32, #tpu.memory_space<vmem>> -> memref<1x128xi32, #tpu.memory_space<vmem>>
        %dma_start3A_617 = tpu.memref_squeeze %dma_start3A_616 : memref<1x128xi32, #tpu.memory_space<vmem>> -> memref<128xi32, #tpu.memory_space<vmem>>
        %dma_start3A_618 = tpu.memref_slice %arg3[%add3A_609] : memref<320000xi32, #tpu.memory_space<hbm>> -> memref<128xi32, #tpu.memory_space<hbm>>
        tpu.enqueue_dma source(%dma_start3A_618 : memref<128xi32, #tpu.memory_space<hbm>>) target(%dma_start3A_617 : memref<128xi32, #tpu.memory_space<vmem>>) target_semaphore(%arg26 : memref<!tpu.dma_semaphore, #tpu.memory_space<semaphore_mem>>)
        %dma_start3A_619 = arith.constant 1 : i32
        %dma_start3A_620 = arith.constant 0 : i32
        %dma_start3A_621 = tpu.memref_slice %arg12[%dma_start3A_619, %dma_start3A_620] : memref<2x128xi32, #tpu.memory_space<vmem>> -> memref<1x128xi32, #tpu.memory_space<vmem>>
        %dma_start3A_622 = tpu.memref_squeeze %dma_start3A_621 : memref<1x128xi32, #tpu.memory_space<vmem>> -> memref<128xi32, #tpu.memory_space<vmem>>
        %dma_start3A_623 = tpu.memref_slice %arg4[%add3A_609] : memref<320000xi32, #tpu.memory_space<hbm>> -> memref<128xi32, #tpu.memory_space<hbm>>
        %dma_start3A_624 = arith.constant 0 : i32
        %dma_start3A_625 = tpu.memref_slice %arg12[%dma_start3A_619, %dma_start3A_624] : memref<2x128xi32, #tpu.memory_space<vmem>> -> memref<1x128xi32, #tpu.memory_space<vmem>>
        %dma_start3A_626 = tpu.memref_squeeze %dma_start3A_625 : memref<1x128xi32, #tpu.memory_space<vmem>> -> memref<128xi32, #tpu.memory_space<vmem>>
        %dma_start3A_627 = tpu.memref_slice %arg4[%add3A_609] : memref<320000xi32, #tpu.memory_space<hbm>> -> memref<128xi32, #tpu.memory_space<hbm>>
        tpu.enqueue_dma source(%dma_start3A_627 : memref<128xi32, #tpu.memory_space<hbm>>) target(%dma_start3A_626 : memref<128xi32, #tpu.memory_space<vmem>>) target_semaphore(%arg26 : memref<!tpu.dma_semaphore, #tpu.memory_space<semaphore_mem>>)
      } else {
      }
      %mul3A_544 = arith.constant 6 : i32
      %mul3A_545 = arith.muli %mul3A_544, %scan3A_311 : i32
      %add3A_546 = arith.constant 5 : i32
      %add3A_547 = arith.addi %mul3A_545, %add3A_546 : i32
      %dma_wait3A_548 = arith.constant 0 : i32
      %dma_wait3A_549 = arith.constant 0 : i32
      %dma_wait3A_550 = tpu.memref_slice %arg14[%dma_wait3A_548, %dma_wait3A_549] : memref<2x128xi32, #tpu.memory_space<vmem>> -> memref<1x128xi32, #tpu.memory_space<vmem>>
      %dma_wait3A_551 = tpu.memref_squeeze %dma_wait3A_550 : memref<1x128xi32, #tpu.memory_space<vmem>> -> memref<128xi32, #tpu.memory_space<vmem>>
      %dma_wait3A_552 = arith.constant 0 : i32
      %dma_wait3A_553 = arith.constant 0 : i32
      %dma_wait3A_554 = tpu.memref_slice %arg2[%dma_wait3A_552, %dma_wait3A_553] : memref<10000x128xf32, #tpu.memory_space<hbm>> -> memref<10000x128xf32, #tpu.memory_space<hbm>>
      tpu.wait_indirect_dma semaphore(%arg19 : memref<!tpu.dma_semaphore, #tpu.memory_space<semaphore_mem>>) src(%dma_wait3A_554 : memref<10000x128xf32, #tpu.memory_space<hbm>>) dst(%arg8 : memref<128x128xf32, #tpu.memory_space<vmem>>)
      %dma_start3A_555 = arith.constant 1 : i32
      %dma_start3A_556 = arith.constant 0 : i32
      %dma_start3A_557 = tpu.memref_slice %arg14[%dma_start3A_555, %dma_start3A_556] : memref<2x128xi32, #tpu.memory_space<vmem>> -> memref<1x128xi32, #tpu.memory_space<vmem>>
      %dma_start3A_558 = tpu.memref_squeeze %dma_start3A_557 : memref<1x128xi32, #tpu.memory_space<vmem>> -> memref<128xi32, #tpu.memory_space<vmem>>
      %dma_start3A_559 = arith.constant 0 : i32
      %dma_start3A_560 = arith.constant 0 : i32
      %dma_start3A_561 = tpu.memref_slice %arg16[%dma_start3A_559, %dma_start3A_560] : memref<10000x128xf32, #tpu.memory_space<vmem_shared>> -> memref<10000x128xf32, #tpu.memory_space<vmem_shared>>
      tpu.enqueue_indirect_dma source(%arg8 : memref<128x128xf32, #tpu.memory_space<vmem>>) target(%dma_start3A_561 : memref<10000x128xf32, #tpu.memory_space<vmem_shared>>) offsets(%dma_start3A_558 : memref<128xi32, #tpu.memory_space<vmem>>) semaphore(%arg22 : memref<!tpu.dma_semaphore, #tpu.memory_space<semaphore_mem>>) {add = true}
      %dma_wait3A_562 = arith.constant 1 : i32
      %dma_wait3A_563 = arith.constant 0 : i32
      %dma_wait3A_564 = tpu.memref_slice %arg13[%dma_wait3A_562, %dma_wait3A_563] : memref<2x128xi32, #tpu.memory_space<vmem>> -> memref<1x128xi32, #tpu.memory_space<vmem>>
      %dma_wait3A_565 = tpu.memref_squeeze %dma_wait3A_564 : memref<1x128xi32, #tpu.memory_space<vmem>> -> memref<128xi32, #tpu.memory_space<vmem>>
      %dma_wait3A_566 = arith.constant 0 : i32
      %dma_wait3A_567 = arith.constant 0 : i32
      %dma_wait3A_568 = tpu.memref_slice %arg16[%dma_wait3A_566, %dma_wait3A_567] : memref<10000x128xf32, #tpu.memory_space<vmem_shared>> -> memref<10000x128xf32, #tpu.memory_space<vmem_shared>>
      tpu.wait_indirect_dma semaphore(%arg21 : memref<!tpu.dma_semaphore, #tpu.memory_space<semaphore_mem>>) src(%arg7 : memref<128x128xf32, #tpu.memory_space<vmem>>) dst(%dma_wait3A_568 : memref<10000x128xf32, #tpu.memory_space<vmem_shared>>)
      %lt3A_569 = arith.constant 12 : i32
      %lt3A_570 = arith.cmpi slt, %scan3A_311, %lt3A_569 : i32
      %convert_element_type3A_571 = arith.extui %lt3A_570 : i1 to i32
      %cond3A_572 = arith.constant 0 : i32
      %cond3A_573 = arith.cmpi ne, %convert_element_type3A_571, %cond3A_572 : i32
      scf.if %cond3A_573 {
        %add3A_575 = arith.constant 2 : i32
        %add3A_576 = arith.addi %add3A_547, %add3A_575 : i32
        %mul3A_577 = arith.constant 128 : i32
        %mul3A_578 = arith.muli %add3A_576, %mul3A_577 : i32
        %add3A_579 = arith.addi %mul3A_2, %mul3A_578 : i32
        %dma_wait3A_580 = arith.constant 0 : i32
        %dma_wait3A_581 = arith.constant 0 : i32
        %dma_wait3A_582 = tpu.memref_slice %arg10[%dma_wait3A_580, %dma_wait3A_581] : memref<2x128xi32, #tpu.memory_space<vmem>> -> memref<1x128xi32, #tpu.memory_space<vmem>>
        %dma_wait3A_583 = tpu.memref_squeeze %dma_wait3A_582 : memref<1x128xi32, #tpu.memory_space<vmem>> -> memref<128xi32, #tpu.memory_space<vmem>>
        %dma_wait3A_584 = tpu.memref_slice %arg3[%add3A_579] : memref<320000xi32, #tpu.memory_space<hbm>> -> memref<128xi32, #tpu.memory_space<hbm>>
        %dma_wait3A_585 = arith.constant 0 : i32
        %dma_wait3A_586 = tpu.memref_slice %arg10[%dma_wait3A_580, %dma_wait3A_585] : memref<2x128xi32, #tpu.memory_space<vmem>> -> memref<1x128xi32, #tpu.memory_space<vmem>>
        %dma_wait3A_587 = tpu.memref_squeeze %dma_wait3A_586 : memref<1x128xi32, #tpu.memory_space<vmem>> -> memref<128xi32, #tpu.memory_space<vmem>>
        %dma_wait3A_588 = tpu.memref_slice %arg3[%add3A_579] : memref<320000xi32, #tpu.memory_space<hbm>> -> memref<128xi32, #tpu.memory_space<hbm>>
        tpu.wait_dma2 semaphore(%arg24 : memref<!tpu.dma_semaphore, #tpu.memory_space<semaphore_mem>>) src(%dma_wait3A_588 : memref<128xi32, #tpu.memory_space<hbm>>) dst(%dma_wait3A_587 : memref<128xi32, #tpu.memory_space<vmem>>)
        %dma_wait3A_589 = arith.constant 1 : i32
        %dma_wait3A_590 = arith.constant 0 : i32
        %dma_wait3A_591 = tpu.memref_slice %arg10[%dma_wait3A_589, %dma_wait3A_590] : memref<2x128xi32, #tpu.memory_space<vmem>> -> memref<1x128xi32, #tpu.memory_space<vmem>>
        %dma_wait3A_592 = tpu.memref_squeeze %dma_wait3A_591 : memref<1x128xi32, #tpu.memory_space<vmem>> -> memref<128xi32, #tpu.memory_space<vmem>>
        %dma_wait3A_593 = tpu.memref_slice %arg4[%add3A_579] : memref<320000xi32, #tpu.memory_space<hbm>> -> memref<128xi32, #tpu.memory_space<hbm>>
        %dma_wait3A_594 = arith.constant 0 : i32
        %dma_wait3A_595 = tpu.memref_slice %arg10[%dma_wait3A_589, %dma_wait3A_594] : memref<2x128xi32, #tpu.memory_space<vmem>> -> memref<1x128xi32, #tpu.memory_space<vmem>>
        %dma_wait3A_596 = tpu.memref_squeeze %dma_wait3A_595 : memref<1x128xi32, #tpu.memory_space<vmem>> -> memref<128xi32, #tpu.memory_space<vmem>>
        %dma_wait3A_597 = tpu.memref_slice %arg4[%add3A_579] : memref<320000xi32, #tpu.memory_space<hbm>> -> memref<128xi32, #tpu.memory_space<hbm>>
        tpu.wait_dma2 semaphore(%arg24 : memref<!tpu.dma_semaphore, #tpu.memory_space<semaphore_mem>>) src(%dma_wait3A_597 : memref<128xi32, #tpu.memory_space<hbm>>) dst(%dma_wait3A_596 : memref<128xi32, #tpu.memory_space<vmem>>)
        %dma_start3A_598 = arith.constant 0 : i32
        %dma_start3A_599 = arith.constant 0 : i32
        %dma_start3A_600 = tpu.memref_slice %arg10[%dma_start3A_598, %dma_start3A_599] : memref<2x128xi32, #tpu.memory_space<vmem>> -> memref<1x128xi32, #tpu.memory_space<vmem>>
        %dma_start3A_601 = tpu.memref_squeeze %dma_start3A_600 : memref<1x128xi32, #tpu.memory_space<vmem>> -> memref<128xi32, #tpu.memory_space<vmem>>
        %dma_start3A_602 = arith.constant 0 : i32
        %dma_start3A_603 = arith.constant 0 : i32
        %dma_start3A_604 = tpu.memref_slice %arg2[%dma_start3A_602, %dma_start3A_603] : memref<10000x128xf32, #tpu.memory_space<hbm>> -> memref<10000x128xf32, #tpu.memory_space<hbm>>
        tpu.enqueue_indirect_dma source(%dma_start3A_604 : memref<10000x128xf32, #tpu.memory_space<hbm>>) target(%arg7 : memref<128x128xf32, #tpu.memory_space<vmem>>) offsets(%dma_start3A_601 : memref<128xi32, #tpu.memory_space<vmem>>) semaphore(%arg18 : memref<!tpu.dma_semaphore, #tpu.memory_space<semaphore_mem>>)
        %add3A_605 = arith.constant 5 : i32
        %add3A_606 = arith.addi %add3A_547, %add3A_605 : i32
        %mul3A_607 = arith.constant 128 : i32
        %mul3A_608 = arith.muli %add3A_606, %mul3A_607 : i32
        %add3A_609 = arith.addi %mul3A_2, %mul3A_608 : i32
        %dma_start3A_610 = arith.constant 0 : i32
        %dma_start3A_611 = arith.constant 0 : i32
        %dma_start3A_612 = tpu.memref_slice %arg13[%dma_start3A_610, %dma_start3A_611] : memref<2x128xi32, #tpu.memory_space<vmem>> -> memref<1x128xi32, #tpu.memory_space<vmem>>
        %dma_start3A_613 = tpu.memref_squeeze %dma_start3A_612 : memref<1x128xi32, #tpu.memory_space<vmem>> -> memref<128xi32, #tpu.memory_space<vmem>>
        %dma_start3A_614 = tpu.memref_slice %arg3[%add3A_609] : memref<320000xi32, #tpu.memory_space<hbm>> -> memref<128xi32, #tpu.memory_space<hbm>>
        %dma_start3A_615 = arith.constant 0 : i32
        %dma_start3A_616 = tpu.memref_slice %arg13[%dma_start3A_610, %dma_start3A_615] : memref<2x128xi32, #tpu.memory_space<vmem>> -> memref<1x128xi32, #tpu.memory_space<vmem>>
        %dma_start3A_617 = tpu.memref_squeeze %dma_start3A_616 : memref<1x128xi32, #tpu.memory_space<vmem>> -> memref<128xi32, #tpu.memory_space<vmem>>
        %dma_start3A_618 = tpu.memref_slice %arg3[%add3A_609] : memref<320000xi32, #tpu.memory_space<hbm>> -> memref<128xi32, #tpu.memory_space<hbm>>
        tpu.enqueue_dma source(%dma_start3A_618 : memref<128xi32, #tpu.memory_space<hbm>>) target(%dma_start3A_617 : memref<128xi32, #tpu.memory_space<vmem>>) target_semaphore(%arg27 : memref<!tpu.dma_semaphore, #tpu.memory_space<semaphore_mem>>)
        %dma_start3A_619 = arith.constant 1 : i32
        %dma_start3A_620 = arith.constant 0 : i32
        %dma_start3A_621 = tpu.memref_slice %arg13[%dma_start3A_619, %dma_start3A_620] : memref<2x128xi32, #tpu.memory_space<vmem>> -> memref<1x128xi32, #tpu.memory_space<vmem>>
        %dma_start3A_622 = tpu.memref_squeeze %dma_start3A_621 : memref<1x128xi32, #tpu.memory_space<vmem>> -> memref<128xi32, #tpu.memory_space<vmem>>
        %dma_start3A_623 = tpu.memref_slice %arg4[%add3A_609] : memref<320000xi32, #tpu.memory_space<hbm>> -> memref<128xi32, #tpu.memory_space<hbm>>
        %dma_start3A_624 = arith.constant 0 : i32
        %dma_start3A_625 = tpu.memref_slice %arg13[%dma_start3A_619, %dma_start3A_624] : memref<2x128xi32, #tpu.memory_space<vmem>> -> memref<1x128xi32, #tpu.memory_space<vmem>>
        %dma_start3A_626 = tpu.memref_squeeze %dma_start3A_625 : memref<1x128xi32, #tpu.memory_space<vmem>> -> memref<128xi32, #tpu.memory_space<vmem>>
        %dma_start3A_627 = tpu.memref_slice %arg4[%add3A_609] : memref<320000xi32, #tpu.memory_space<hbm>> -> memref<128xi32, #tpu.memory_space<hbm>>
        tpu.enqueue_dma source(%dma_start3A_627 : memref<128xi32, #tpu.memory_space<hbm>>) target(%dma_start3A_626 : memref<128xi32, #tpu.memory_space<vmem>>) target_semaphore(%arg27 : memref<!tpu.dma_semaphore, #tpu.memory_space<semaphore_mem>>)
      } else {
      }
      %scan3A_574 = arith.constant 0 : i32
      scf.yield %scan3A_574 : i32
    }
    %scan3A_255 = arith.constant 13 : i32
    %dma_wait3A_256 = arith.constant 1 : i32
    %dma_wait3A_257 = arith.constant 0 : i32
    %dma_wait3A_258 = tpu.memref_slice %arg14[%dma_wait3A_256, %dma_wait3A_257] : memref<2x128xi32, #tpu.memory_space<vmem>> -> memref<1x128xi32, #tpu.memory_space<vmem>>
    %dma_wait3A_259 = tpu.memref_squeeze %dma_wait3A_258 : memref<1x128xi32, #tpu.memory_space<vmem>> -> memref<128xi32, #tpu.memory_space<vmem>>
    %dma_wait3A_260 = arith.constant 0 : i32
    %dma_wait3A_261 = arith.constant 0 : i32
    %dma_wait3A_262 = tpu.memref_slice %arg16[%dma_wait3A_260, %dma_wait3A_261] : memref<10000x128xf32, #tpu.memory_space<vmem_shared>> -> memref<10000x128xf32, #tpu.memory_space<vmem_shared>>
    tpu.wait_indirect_dma semaphore(%arg22 : memref<!tpu.dma_semaphore, #tpu.memory_space<semaphore_mem>>) src(%arg8 : memref<128x128xf32, #tpu.memory_space<vmem>>) dst(%dma_wait3A_262 : memref<10000x128xf32, #tpu.memory_space<vmem_shared>>)
    %dma_wait3A_263 = arith.constant 0 : i32
    %dma_wait3A_264 = arith.constant 0 : i32
    %dma_wait3A_265 = tpu.memref_slice %arg15[%dma_wait3A_263, %dma_wait3A_264] : memref<2x16xi32, #tpu.memory_space<vmem>> -> memref<1x16xi32, #tpu.memory_space<vmem>>
    %dma_wait3A_266 = tpu.memref_squeeze %dma_wait3A_265 : memref<1x16xi32, #tpu.memory_space<vmem>> -> memref<16xi32, #tpu.memory_space<vmem>>
    %dma_wait3A_267 = tpu.memref_slice %arg3[%add3A_123] : memref<320000xi32, #tpu.memory_space<hbm>> -> memref<16xi32, #tpu.memory_space<hbm>>
    %dma_wait3A_268 = arith.constant 0 : i32
    %dma_wait3A_269 = tpu.memref_slice %arg15[%dma_wait3A_263, %dma_wait3A_268] : memref<2x16xi32, #tpu.memory_space<vmem>> -> memref<1x16xi32, #tpu.memory_space<vmem>>
    %dma_wait3A_270 = tpu.memref_squeeze %dma_wait3A_269 : memref<1x16xi32, #tpu.memory_space<vmem>> -> memref<16xi32, #tpu.memory_space<vmem>>
    %dma_wait3A_271 = tpu.memref_slice %arg3[%add3A_123] : memref<320000xi32, #tpu.memory_space<hbm>> -> memref<16xi32, #tpu.memory_space<hbm>>
    tpu.wait_dma2 semaphore(%arg29 : memref<!tpu.dma_semaphore, #tpu.memory_space<semaphore_mem>>) src(%dma_wait3A_271 : memref<16xi32, #tpu.memory_space<hbm>>) dst(%dma_wait3A_270 : memref<16xi32, #tpu.memory_space<vmem>>)
    %dma_wait3A_272 = arith.constant 1 : i32
    %dma_wait3A_273 = arith.constant 0 : i32
    %dma_wait3A_274 = tpu.memref_slice %arg15[%dma_wait3A_272, %dma_wait3A_273] : memref<2x16xi32, #tpu.memory_space<vmem>> -> memref<1x16xi32, #tpu.memory_space<vmem>>
    %dma_wait3A_275 = tpu.memref_squeeze %dma_wait3A_274 : memref<1x16xi32, #tpu.memory_space<vmem>> -> memref<16xi32, #tpu.memory_space<vmem>>
    %dma_wait3A_276 = tpu.memref_slice %arg4[%add3A_123] : memref<320000xi32, #tpu.memory_space<hbm>> -> memref<16xi32, #tpu.memory_space<hbm>>
    %dma_wait3A_277 = arith.constant 0 : i32
    %dma_wait3A_278 = tpu.memref_slice %arg15[%dma_wait3A_272, %dma_wait3A_277] : memref<2x16xi32, #tpu.memory_space<vmem>> -> memref<1x16xi32, #tpu.memory_space<vmem>>
    %dma_wait3A_279 = tpu.memref_squeeze %dma_wait3A_278 : memref<1x16xi32, #tpu.memory_space<vmem>> -> memref<16xi32, #tpu.memory_space<vmem>>
    %dma_wait3A_280 = tpu.memref_slice %arg4[%add3A_123] : memref<320000xi32, #tpu.memory_space<hbm>> -> memref<16xi32, #tpu.memory_space<hbm>>
    tpu.wait_dma2 semaphore(%arg29 : memref<!tpu.dma_semaphore, #tpu.memory_space<semaphore_mem>>) src(%dma_wait3A_280 : memref<16xi32, #tpu.memory_space<hbm>>) dst(%dma_wait3A_279 : memref<16xi32, #tpu.memory_space<vmem>>)
    %dma_start3A_281 = arith.constant 0 : i32
    %dma_start3A_282 = arith.constant 0 : i32
    %dma_start3A_283 = arith.constant 0 : i32
    %dma_start3A_284 = tpu.memref_slice %arg6[%dma_start3A_282, %dma_start3A_283] : memref<128x128xf32, #tpu.memory_space<vmem>> -> memref<16x128xf32, #tpu.memory_space<vmem>>
    %dma_start3A_285 = arith.constant 0 : i32
    %dma_start3A_286 = tpu.memref_slice %arg15[%dma_start3A_281, %dma_start3A_285] : memref<2x16xi32, #tpu.memory_space<vmem>> -> memref<1x16xi32, #tpu.memory_space<vmem>>
    %dma_start3A_287 = tpu.memref_squeeze %dma_start3A_286 : memref<1x16xi32, #tpu.memory_space<vmem>> -> memref<16xi32, #tpu.memory_space<vmem>>
    %dma_start3A_288 = arith.constant 0 : i32
    %dma_start3A_289 = arith.constant 0 : i32
    %dma_start3A_290 = tpu.memref_slice %arg2[%dma_start3A_288, %dma_start3A_289] : memref<10000x128xf32, #tpu.memory_space<hbm>> -> memref<10000x128xf32, #tpu.memory_space<hbm>>
    tpu.enqueue_indirect_dma source(%dma_start3A_290 : memref<10000x128xf32, #tpu.memory_space<hbm>>) target(%dma_start3A_284 : memref<16x128xf32, #tpu.memory_space<vmem>>) offsets(%dma_start3A_287 : memref<16xi32, #tpu.memory_space<vmem>>) semaphore(%arg17 : memref<!tpu.dma_semaphore, #tpu.memory_space<semaphore_mem>>)
    %dma_wait3A_291 = arith.constant 0 : i32
    %dma_wait3A_292 = arith.constant 0 : i32
    %dma_wait3A_293 = arith.constant 0 : i32
    %dma_wait3A_294 = tpu.memref_slice %arg6[%dma_wait3A_292, %dma_wait3A_293] : memref<128x128xf32, #tpu.memory_space<vmem>> -> memref<16x128xf32, #tpu.memory_space<vmem>>
    %dma_wait3A_295 = arith.constant 0 : i32
    %dma_wait3A_296 = tpu.memref_slice %arg15[%dma_wait3A_291, %dma_wait3A_295] : memref<2x16xi32, #tpu.memory_space<vmem>> -> memref<1x16xi32, #tpu.memory_space<vmem>>
    %dma_wait3A_297 = tpu.memref_squeeze %dma_wait3A_296 : memref<1x16xi32, #tpu.memory_space<vmem>> -> memref<16xi32, #tpu.memory_space<vmem>>
    %dma_wait3A_298 = arith.constant 0 : i32
    %dma_wait3A_299 = arith.constant 0 : i32
    %dma_wait3A_300 = tpu.memref_slice %arg2[%dma_wait3A_298, %dma_wait3A_299] : memref<10000x128xf32, #tpu.memory_space<hbm>> -> memref<10000x128xf32, #tpu.memory_space<hbm>>
    tpu.wait_indirect_dma semaphore(%arg17 : memref<!tpu.dma_semaphore, #tpu.memory_space<semaphore_mem>>) src(%dma_wait3A_300 : memref<10000x128xf32, #tpu.memory_space<hbm>>) dst(%dma_wait3A_294 : memref<16x128xf32, #tpu.memory_space<vmem>>)
    %run_scoped3A = arith.constant 1 : i32
    "tpu.region"() ({
      %run_scoped3A_311 = tpu.sem_alloc : memref<!tpu.dma_semaphore, #tpu.memory_space<semaphore_mem>>
      %dma_start3A_312 = arith.constant 0 : i32
      %dma_start3A_313 = arith.constant 0 : i32
      %dma_start3A_314 = tpu.memref_slice %arg6[%dma_start3A_312, %dma_start3A_313] : memref<128x128xf32, #tpu.memory_space<vmem>> -> memref<16x128xf32, #tpu.memory_space<vmem>>
      %dma_start3A_315 = arith.constant 0 : i32
      %dma_start3A_316 = tpu.memref_slice %arg15[%run_scoped3A, %dma_start3A_315] : memref<2x16xi32, #tpu.memory_space<vmem>> -> memref<1x16xi32, #tpu.memory_space<vmem>>
      %dma_start3A_317 = tpu.memref_squeeze %dma_start3A_316 : memref<1x16xi32, #tpu.memory_space<vmem>> -> memref<16xi32, #tpu.memory_space<vmem>>
      %dma_start3A_318 = arith.constant 0 : i32
      %dma_start3A_319 = arith.constant 0 : i32
      %dma_start3A_320 = tpu.memref_slice %arg16[%dma_start3A_318, %dma_start3A_319] : memref<10000x128xf32, #tpu.memory_space<vmem_shared>> -> memref<10000x128xf32, #tpu.memory_space<vmem_shared>>
      tpu.enqueue_indirect_dma source(%dma_start3A_314 : memref<16x128xf32, #tpu.memory_space<vmem>>) target(%dma_start3A_320 : memref<10000x128xf32, #tpu.memory_space<vmem_shared>>) offsets(%dma_start3A_317 : memref<16xi32, #tpu.memory_space<vmem>>) semaphore(%run_scoped3A_311 : memref<!tpu.dma_semaphore, #tpu.memory_space<semaphore_mem>>) {add = true}
      %dma_wait3A_321 = arith.constant 0 : i32
      %dma_wait3A_322 = arith.constant 0 : i32
      %dma_wait3A_323 = tpu.memref_slice %arg6[%dma_wait3A_321, %dma_wait3A_322] : memref<128x128xf32, #tpu.memory_space<vmem>> -> memref<16x128xf32, #tpu.memory_space<vmem>>
      %dma_wait3A_324 = arith.constant 0 : i32
      %dma_wait3A_325 = tpu.memref_slice %arg15[%run_scoped3A, %dma_wait3A_324] : memref<2x16xi32, #tpu.memory_space<vmem>> -> memref<1x16xi32, #tpu.memory_space<vmem>>
      %dma_wait3A_326 = tpu.memref_squeeze %dma_wait3A_325 : memref<1x16xi32, #tpu.memory_space<vmem>> -> memref<16xi32, #tpu.memory_space<vmem>>
      %dma_wait3A_327 = arith.constant 0 : i32
      %dma_wait3A_328 = arith.constant 0 : i32
      %dma_wait3A_329 = tpu.memref_slice %arg16[%dma_wait3A_327, %dma_wait3A_328] : memref<10000x128xf32, #tpu.memory_space<vmem_shared>> -> memref<10000x128xf32, #tpu.memory_space<vmem_shared>>
      tpu.wait_indirect_dma semaphore(%run_scoped3A_311 : memref<!tpu.dma_semaphore, #tpu.memory_space<semaphore_mem>>) src(%dma_wait3A_323 : memref<16x128xf32, #tpu.memory_space<vmem>>) dst(%dma_wait3A_329 : memref<10000x128xf32, #tpu.memory_space<vmem_shared>>)
      tpu.yield
    }) : () -> ()
    %barrier3A_301 = arith.constant 0 : index
    tpu.barrier barrier_id(%barrier3A_301)
    %mul3A_302 = arith.constant 624 : i32
    %mul3A_303 = arith.muli %arg1, %mul3A_302 : i32
    %mul3A_304 = arith.constant 624 : i32
    %mul3A_305 = arith.muli %arg1, %mul3A_304 : i32
    "tpu.region"() ({
      %run_scoped3A_311 = tpu.sem_alloc : memref<!tpu.dma_semaphore, #tpu.memory_space<semaphore_mem>>
      %dma_start3A_312 = arith.constant 0 : i32
      %dma_start3A_313 = tpu.memref_slice %arg5[%arg0, %mul3A_305, %dma_start3A_312] : memref<2x10000x128xf32, #tpu.memory_space<hbm>> -> memref<1x624x128xf32, #tpu.memory_space<hbm>>
      %dma_start3A_314 = tpu.memref_squeeze %dma_start3A_313 : memref<1x624x128xf32, #tpu.memory_space<hbm>> -> memref<624x128xf32, #tpu.memory_space<hbm>>
      %dma_start3A_315 = arith.constant 0 : i32
      %dma_start3A_316 = tpu.memref_slice %arg16[%mul3A_303, %dma_start3A_315] : memref<10000x128xf32, #tpu.memory_space<vmem_shared>> -> memref<624x128xf32, #tpu.memory_space<vmem_shared>>
      tpu.enqueue_dma source(%dma_start3A_316 : memref<624x128xf32, #tpu.memory_space<vmem_shared>>) target(%dma_start3A_314 : memref<624x128xf32, #tpu.memory_space<hbm>>) target_semaphore(%run_scoped3A_311 : memref<!tpu.dma_semaphore, #tpu.memory_space<semaphore_mem>>)
      %dma_wait3A_317 = arith.constant 0 : i32
      %dma_wait3A_318 = tpu.memref_slice %arg5[%arg0, %mul3A_305, %dma_wait3A_317] : memref<2x10000x128xf32, #tpu.memory_space<hbm>> -> memref<1x624x128xf32, #tpu.memory_space<hbm>>
      %dma_wait3A_319 = tpu.memref_squeeze %dma_wait3A_318 : memref<1x624x128xf32, #tpu.memory_space<hbm>> -> memref<624x128xf32, #tpu.memory_space<hbm>>
      %dma_wait3A_320 = arith.constant 0 : i32
      %dma_wait3A_321 = tpu.memref_slice %arg16[%mul3A_303, %dma_wait3A_320] : memref<10000x128xf32, #tpu.memory_space<vmem_shared>> -> memref<624x128xf32, #tpu.memory_space<vmem_shared>>
      tpu.wait_dma2 semaphore(%run_scoped3A_311 : memref<!tpu.dma_semaphore, #tpu.memory_space<semaphore_mem>>) src(%dma_wait3A_321 : memref<624x128xf32, #tpu.memory_space<vmem_shared>>) dst(%dma_wait3A_319 : memref<624x128xf32, #tpu.memory_space<hbm>>)
      tpu.yield
    }) : () -> ()
    %eq3A_306 = arith.constant 15 : i32
    %eq3A_307 = arith.cmpi eq, %arg1, %eq3A_306 : i32
    %convert_element_type3A_308 = arith.extui %eq3A_307 : i1 to i32
    %cond3A_309 = arith.constant 0 : i32
    %cond3A_310 = arith.cmpi ne, %convert_element_type3A_308, %cond3A_309 : i32
    scf.if %cond3A_310 {
      "tpu.region"() ({
        %run_scoped3A_311 = tpu.sem_alloc : memref<!tpu.dma_semaphore, #tpu.memory_space<semaphore_mem>>
        %dma_start3A_312 = arith.constant 9984 : i32
        %dma_start3A_313 = arith.constant 0 : i32
        %dma_start3A_314 = tpu.memref_slice %arg5[%arg0, %dma_start3A_312, %dma_start3A_313] : memref<2x10000x128xf32, #tpu.memory_space<hbm>> -> memref<1x16x128xf32, #tpu.memory_space<hbm>>
        %dma_start3A_315 = tpu.memref_squeeze %dma_start3A_314 : memref<1x16x128xf32, #tpu.memory_space<hbm>> -> memref<16x128xf32, #tpu.memory_space<hbm>>
        %dma_start3A_316 = arith.constant 9984 : i32
        %dma_start3A_317 = arith.constant 0 : i32
        %dma_start3A_318 = tpu.memref_slice %arg16[%dma_start3A_316, %dma_start3A_317] : memref<10000x128xf32, #tpu.memory_space<vmem_shared>> -> memref<16x128xf32, #tpu.memory_space<vmem_shared>>
        tpu.enqueue_dma source(%dma_start3A_318 : memref<16x128xf32, #tpu.memory_space<vmem_shared>>) target(%dma_start3A_315 : memref<16x128xf32, #tpu.memory_space<hbm>>) target_semaphore(%run_scoped3A_311 : memref<!tpu.dma_semaphore, #tpu.memory_space<semaphore_mem>>)
        %dma_wait3A_319 = arith.constant 9984 : i32
        %dma_wait3A_320 = arith.constant 0 : i32
        %dma_wait3A_321 = tpu.memref_slice %arg5[%arg0, %dma_wait3A_319, %dma_wait3A_320] : memref<2x10000x128xf32, #tpu.memory_space<hbm>> -> memref<1x16x128xf32, #tpu.memory_space<hbm>>
        %dma_wait3A_322 = tpu.memref_squeeze %dma_wait3A_321 : memref<1x16x128xf32, #tpu.memory_space<hbm>> -> memref<16x128xf32, #tpu.memory_space<hbm>>
        %dma_wait3A_323 = arith.constant 9984 : i32
        %dma_wait3A_324 = arith.constant 0 : i32
        %dma_wait3A_325 = tpu.memref_slice %arg16[%dma_wait3A_323, %dma_wait3A_324] : memref<10000x128xf32, #tpu.memory_space<vmem_shared>> -> memref<16x128xf32, #tpu.memory_space<vmem_shared>>
        tpu.wait_dma2 semaphore(%run_scoped3A_311 : memref<!tpu.dma_semaphore, #tpu.memory_space<semaphore_mem>>) src(%dma_wait3A_325 : memref<16x128xf32, #tpu.memory_space<vmem_shared>>) dst(%dma_wait3A_322 : memref<16x128xf32, #tpu.memory_space<hbm>>)
        tpu.yield
      }) : () -> ()
    } else {
    }
    return
  }
}

#map = affine_map<(d0, d1) -> (0, 0)>
#map1 = affine_map<(d0, d1) -> (0)>
#map2 = affine_map<(d0, d1) -> (0, 0, 0)>
module attributes {stable_mosaic.version = 14 : i64} {
  func.func @agg(%arg0: i32, %arg1: i32, %arg2: memref<10000x128xf32, #tpu.memory_space<hbm>>, %arg3: memref<320000xi32, #tpu.memory_space<hbm>>, %arg4: memref<320000xi32, #tpu.memory_space<hbm>>, %arg5: memref<2x10000x128xf32, #tpu.memory_space<hbm>>, %arg6: memref<128x128xf32, #tpu.memory_space<vmem>>, %arg7: memref<128x128xf32, #tpu.memory_space<vmem>>, %arg8: memref<128x128xf32, #tpu.memory_space<vmem>>, %arg9: memref<2x128xi32, #tpu.memory_space<vmem>>, %arg10: memref<2x128xi32, #tpu.memory_space<vmem>>, %arg11: memref<2x128xi32, #tpu.memory_space<vmem>>, %arg12: memref<2x128xi32, #tpu.memory_space<vmem>>, %arg13: memref<2x128xi32, #tpu.memory_space<vmem>>, %arg14: memref<2x128xi32, #tpu.memory_space<vmem>>, %arg15: memref<2x16xi32, #tpu.memory_space<vmem>>, %arg16: memref<10000x128xf32, #tpu.memory_space<vmem_shared>>, %arg17: memref<!tpu.dma_semaphore, #tpu.memory_space<semaphore_mem>>, %arg18: memref<!tpu.dma_semaphore, #tpu.memory_space<semaphore_mem>>, %arg19: memref<!tpu.dma_semaphore, #tpu.memory_space<semaphore_mem>>, %arg20: memref<!tpu.dma_semaphore, #tpu.memory_space<semaphore_mem>>, %arg21: memref<!tpu.dma_semaphore, #tpu.memory_space<semaphore_mem>>, %arg22: memref<!tpu.dma_semaphore, #tpu.memory_space<semaphore_mem>>, %arg23: memref<!tpu.dma_semaphore, #tpu.memory_space<semaphore_mem>>, %arg24: memref<!tpu.dma_semaphore, #tpu.memory_space<semaphore_mem>>, %arg25: memref<!tpu.dma_semaphore, #tpu.memory_space<semaphore_mem>>, %arg26: memref<!tpu.dma_semaphore, #tpu.memory_space<semaphore_mem>>, %arg27: memref<!tpu.dma_semaphore, #tpu.memory_space<semaphore_mem>>, %arg28: memref<!tpu.dma_semaphore, #tpu.memory_space<semaphore_mem>>, %arg29: memref<!tpu.dma_semaphore, #tpu.memory_space<semaphore_mem>>, %arg30: memref<!tpu.dma_semaphore, #tpu.memory_space<semaphore_mem>>) attributes {dimension_semantics = [#tpu.dimension_semantics<core_parallel>, #tpu.dimension_semantics<subcore_parallel>], iteration_bounds = array<i64: 2, 16>, scalar_prefetch = 0 : i64, scratch_operands = 25 : i64, tpu.core_type = #tpu.core_type<sc_vector_subcore>, window_params = [{transform_indices = #map}, {transform_indices = #map1}, {transform_indices = #map1}, {transform_indices = #map2}]} {
    %mul3A = arith.constant 16 : i32
    %mul3A_0 = arith.muli %arg0, %mul3A : i32
    %add3A = arith.addi %mul3A_0, %arg1 : i32
    %mul3A_1 = arith.constant 10000 : i32
    %mul3A_2 = arith.muli %add3A, %mul3A_1 : i32
    %add3A_3 = arith.constant 0 : i32
    %add3A_4 = arith.addi %mul3A_2, %add3A_3 : i32
    %dma_start3A = arith.constant 0 : i32
    %dma_start3A_5 = arith.constant 0 : i32
    %dma_start3A_6 = tpu.memref_slice %arg9[%dma_start3A, %dma_start3A_5] : memref<2x128xi32, #tpu.memory_space<vmem>> -> memref<1x128xi32, #tpu.memory_space<vmem>>
    %dma_start3A_7 = tpu.memref_squeeze %dma_start3A_6 : memref<1x128xi32, #tpu.memory_space<vmem>> -> memref<128xi32, #tpu.memory_space<vmem>>
    %dma_start3A_8 = tpu.memref_slice %arg3[%add3A_4] : memref<320000xi32, #tpu.memory_space<hbm>> -> memref<128xi32, #tpu.memory_space<hbm>>
    %dma_start3A_9 = arith.constant 0 : i32
    %dma_start3A_10 = tpu.memref_slice %arg9[%dma_start3A, %dma_start3A_9] : memref<2x128xi32, #tpu.memory_space<vmem>> -> memref<1x128xi32, #tpu.memory_space<vmem>>
    %dma_start3A_11 = tpu.memref_squeeze %dma_start3A_10 : memref<1x128xi32, #tpu.memory_space<vmem>> -> memref<128xi32, #tpu.memory_space<vmem>>
    %dma_start3A_12 = tpu.memref_slice %arg3[%add3A_4] : memref<320000xi32, #tpu.memory_space<hbm>> -> memref<128xi32, #tpu.memory_space<hbm>>
    tpu.enqueue_dma source(%dma_start3A_12 : memref<128xi32, #tpu.memory_space<hbm>>) target(%dma_start3A_11 : memref<128xi32, #tpu.memory_space<vmem>>) target_semaphore(%arg23 : memref<!tpu.dma_semaphore, #tpu.memory_space<semaphore_mem>>)
    %dma_start3A_13 = arith.constant 1 : i32
    %dma_start3A_14 = arith.constant 0 : i32
    %dma_start3A_15 = tpu.memref_slice %arg9[%dma_start3A_13, %dma_start3A_14] : memref<2x128xi32, #tpu.memory_space<vmem>> -> memref<1x128xi32, #tpu.memory_space<vmem>>
    %dma_start3A_16 = tpu.memref_squeeze %dma_start3A_15 : memref<1x128xi32, #tpu.memory_space<vmem>> -> memref<128xi32, #tpu.memory_space<vmem>>
    %dma_start3A_17 = tpu.memref_slice %arg4[%add3A_4] : memref<320000xi32, #tpu.memory_space<hbm>> -> memref<128xi32, #tpu.memory_space<hbm>>
    %dma_start3A_18 = arith.constant 0 : i32
    %dma_start3A_19 = tpu.memref_slice %arg9[%dma_start3A_13, %dma_start3A_18] : memref<2x128xi32, #tpu.memory_space<vmem>> -> memref<1x128xi32, #tpu.memory_space<vmem>>
    %dma_start3A_20 = tpu.memref_squeeze %dma_start3A_19 : memref<1x128xi32, #tpu.memory_space<vmem>> -> memref<128xi32, #tpu.memory_space<vmem>>
    %dma_start3A_21 = tpu.memref_slice %arg4[%add3A_4] : memref<320000xi32, #tpu.memory_space<hbm>> -> memref<128xi32, #tpu.memory_space<hbm>>
    tpu.enqueue_dma source(%dma_start3A_21 : memref<128xi32, #tpu.memory_space<hbm>>) target(%dma_start3A_20 : memref<128xi32, #tpu.memory_space<vmem>>) target_semaphore(%arg23 : memref<!tpu.dma_semaphore, #tpu.memory_space<semaphore_mem>>)
    %add3A_22 = arith.constant 128 : i32
    %add3A_23 = arith.addi %mul3A_2, %add3A_22 : i32
    %dma_start3A_24 = arith.constant 0 : i32
    %dma_start3A_25 = arith.constant 0 : i32
    %dma_start3A_26 = tpu.memref_slice %arg10[%dma_start3A_24, %dma_start3A_25] : memref<2x128xi32, #tpu.memory_space<vmem>> -> memref<1x128xi32, #tpu.memory_space<vmem>>
    %dma_start3A_27 = tpu.memref_squeeze %dma_start3A_26 : memref<1x128xi32, #tpu.memory_space<vmem>> -> memref<128xi32, #tpu.memory_space<vmem>>
    %dma_start3A_28 = tpu.memref_slice %arg3[%add3A_23] : memref<320000xi32, #tpu.memory_space<hbm>> -> memref<128xi32, #tpu.memory_space<hbm>>
    %dma_start3A_29 = arith.constant 0 : i32
    %dma_start3A_30 = tpu.memref_slice %arg10[%dma_start3A_24, %dma_start3A_29] : memref<2x128xi32, #tpu.memory_space<vmem>> -> memref<1x128xi32, #tpu.memory_space<vmem>>
    %dma_start3A_31 = tpu.memref_squeeze %dma_start3A_30 : memref<1x128xi32, #tpu.memory_space<vmem>> -> memref<128xi32, #tpu.memory_space<vmem>>
    %dma_start3A_32 = tpu.memref_slice %arg3[%add3A_23] : memref<320000xi32, #tpu.memory_space<hbm>> -> memref<128xi32, #tpu.memory_space<hbm>>
    tpu.enqueue_dma source(%dma_start3A_32 : memref<128xi32, #tpu.memory_space<hbm>>) target(%dma_start3A_31 : memref<128xi32, #tpu.memory_space<vmem>>) target_semaphore(%arg24 : memref<!tpu.dma_semaphore, #tpu.memory_space<semaphore_mem>>)
    %dma_start3A_33 = arith.constant 1 : i32
    %dma_start3A_34 = arith.constant 0 : i32
    %dma_start3A_35 = tpu.memref_slice %arg10[%dma_start3A_33, %dma_start3A_34] : memref<2x128xi32, #tpu.memory_space<vmem>> -> memref<1x128xi32, #tpu.memory_space<vmem>>
    %dma_start3A_36 = tpu.memref_squeeze %dma_start3A_35 : memref<1x128xi32, #tpu.memory_space<vmem>> -> memref<128xi32, #tpu.memory_space<vmem>>
    %dma_start3A_37 = tpu.memref_slice %arg4[%add3A_23] : memref<320000xi32, #tpu.memory_space<hbm>> -> memref<128xi32, #tpu.memory_space<hbm>>
    %dma_start3A_38 = arith.constant 0 : i32
    %dma_start3A_39 = tpu.memref_slice %arg10[%dma_start3A_33, %dma_start3A_38] : memref<2x128xi32, #tpu.memory_space<vmem>> -> memref<1x128xi32, #tpu.memory_space<vmem>>
    %dma_start3A_40 = tpu.memref_squeeze %dma_start3A_39 : memref<1x128xi32, #tpu.memory_space<vmem>> -> memref<128xi32, #tpu.memory_space<vmem>>
    %dma_start3A_41 = tpu.memref_slice %arg4[%add3A_23] : memref<320000xi32, #tpu.memory_space<hbm>> -> memref<128xi32, #tpu.memory_space<hbm>>
    tpu.enqueue_dma source(%dma_start3A_41 : memref<128xi32, #tpu.memory_space<hbm>>) target(%dma_start3A_40 : memref<128xi32, #tpu.memory_space<vmem>>) target_semaphore(%arg24 : memref<!tpu.dma_semaphore, #tpu.memory_space<semaphore_mem>>)
    %add3A_42 = arith.constant 256 : i32
    %add3A_43 = arith.addi %mul3A_2, %add3A_42 : i32
    %dma_start3A_44 = arith.constant 0 : i32
    %dma_start3A_45 = arith.constant 0 : i32
    %dma_start3A_46 = tpu.memref_slice %arg11[%dma_start3A_44, %dma_start3A_45] : memref<2x128xi32, #tpu.memory_space<vmem>> -> memref<1x128xi32, #tpu.memory_space<vmem>>
    %dma_start3A_47 = tpu.memref_squeeze %dma_start3A_46 : memref<1x128xi32, #tpu.memory_space<vmem>> -> memref<128xi32, #tpu.memory_space<vmem>>
    %dma_start3A_48 = tpu.memref_slice %arg3[%add3A_43] : memref<320000xi32, #tpu.memory_space<hbm>> -> memref<128xi32, #tpu.memory_space<hbm>>
    %dma_start3A_49 = arith.constant 0 : i32
    %dma_start3A_50 = tpu.memref_slice %arg11[%dma_start3A_44, %dma_start3A_49] : memref<2x128xi32, #tpu.memory_space<vmem>> -> memref<1x128xi32, #tpu.memory_space<vmem>>
    %dma_start3A_51 = tpu.memref_squeeze %dma_start3A_50 : memref<1x128xi32, #tpu.memory_space<vmem>> -> memref<128xi32, #tpu.memory_space<vmem>>
    %dma_start3A_52 = tpu.memref_slice %arg3[%add3A_43] : memref<320000xi32, #tpu.memory_space<hbm>> -> memref<128xi32, #tpu.memory_space<hbm>>
    tpu.enqueue_dma source(%dma_start3A_52 : memref<128xi32, #tpu.memory_space<hbm>>) target(%dma_start3A_51 : memref<128xi32, #tpu.memory_space<vmem>>) target_semaphore(%arg25 : memref<!tpu.dma_semaphore, #tpu.memory_space<semaphore_mem>>)
    %dma_start3A_53 = arith.constant 1 : i32
    %dma_start3A_54 = arith.constant 0 : i32
    %dma_start3A_55 = tpu.memref_slice %arg11[%dma_start3A_53, %dma_start3A_54] : memref<2x128xi32, #tpu.memory_space<vmem>> -> memref<1x128xi32, #tpu.memory_space<vmem>>
    %dma_start3A_56 = tpu.memref_squeeze %dma_start3A_55 : memref<1x128xi32, #tpu.memory_space<vmem>> -> memref<128xi32, #tpu.memory_space<vmem>>
    %dma_start3A_57 = tpu.memref_slice %arg4[%add3A_43] : memref<320000xi32, #tpu.memory_space<hbm>> -> memref<128xi32, #tpu.memory_space<hbm>>
    %dma_start3A_58 = arith.constant 0 : i32
    %dma_start3A_59 = tpu.memref_slice %arg11[%dma_start3A_53, %dma_start3A_58] : memref<2x128xi32, #tpu.memory_space<vmem>> -> memref<1x128xi32, #tpu.memory_space<vmem>>
    %dma_start3A_60 = tpu.memref_squeeze %dma_start3A_59 : memref<1x128xi32, #tpu.memory_space<vmem>> -> memref<128xi32, #tpu.memory_space<vmem>>
    %dma_start3A_61 = tpu.memref_slice %arg4[%add3A_43] : memref<320000xi32, #tpu.memory_space<hbm>> -> memref<128xi32, #tpu.memory_space<hbm>>
    tpu.enqueue_dma source(%dma_start3A_61 : memref<128xi32, #tpu.memory_space<hbm>>) target(%dma_start3A_60 : memref<128xi32, #tpu.memory_space<vmem>>) target_semaphore(%arg25 : memref<!tpu.dma_semaphore, #tpu.memory_space<semaphore_mem>>)
    %add3A_62 = arith.constant 384 : i32
    %add3A_63 = arith.addi %mul3A_2, %add3A_62 : i32
    %dma_start3A_64 = arith.constant 0 : i32
    %dma_start3A_65 = arith.constant 0 : i32
    %dma_start3A_66 = tpu.memref_slice %arg12[%dma_start3A_64, %dma_start3A_65] : memref<2x128xi32, #tpu.memory_space<vmem>> -> memref<1x128xi32, #tpu.memory_space<vmem>>
    %dma_start3A_67 = tpu.memref_squeeze %dma_start3A_66 : memref<1x128xi32, #tpu.memory_space<vmem>> -> memref<128xi32, #tpu.memory_space<vmem>>
    %dma_start3A_68 = tpu.memref_slice %arg3[%add3A_63] : memref<320000xi32, #tpu.memory_space<hbm>> -> memref<128xi32, #tpu.memory_space<hbm>>
    %dma_start3A_69 = arith.constant 0 : i32
    %dma_start3A_70 = tpu.memref_slice %arg12[%dma_start3A_64, %dma_start3A_69] : memref<2x128xi32, #tpu.memory_space<vmem>> -> memref<1x128xi32, #tpu.memory_space<vmem>>
    %dma_start3A_71 = tpu.memref_squeeze %dma_start3A_70 : memref<1x128xi32, #tpu.memory_space<vmem>> -> memref<128xi32, #tpu.memory_space<vmem>>
    %dma_start3A_72 = tpu.memref_slice %arg3[%add3A_63] : memref<320000xi32, #tpu.memory_space<hbm>> -> memref<128xi32, #tpu.memory_space<hbm>>
    tpu.enqueue_dma source(%dma_start3A_72 : memref<128xi32, #tpu.memory_space<hbm>>) target(%dma_start3A_71 : memref<128xi32, #tpu.memory_space<vmem>>) target_semaphore(%arg26 : memref<!tpu.dma_semaphore, #tpu.memory_space<semaphore_mem>>)
    %dma_start3A_73 = arith.constant 1 : i32
    %dma_start3A_74 = arith.constant 0 : i32
    %dma_start3A_75 = tpu.memref_slice %arg12[%dma_start3A_73, %dma_start3A_74] : memref<2x128xi32, #tpu.memory_space<vmem>> -> memref<1x128xi32, #tpu.memory_space<vmem>>
    %dma_start3A_76 = tpu.memref_squeeze %dma_start3A_75 : memref<1x128xi32, #tpu.memory_space<vmem>> -> memref<128xi32, #tpu.memory_space<vmem>>
    %dma_start3A_77 = tpu.memref_slice %arg4[%add3A_63] : memref<320000xi32, #tpu.memory_space<hbm>> -> memref<128xi32, #tpu.memory_space<hbm>>
    %dma_start3A_78 = arith.constant 0 : i32
    %dma_start3A_79 = tpu.memref_slice %arg12[%dma_start3A_73, %dma_start3A_78] : memref<2x128xi32, #tpu.memory_space<vmem>> -> memref<1x128xi32, #tpu.memory_space<vmem>>
    %dma_start3A_80 = tpu.memref_squeeze %dma_start3A_79 : memref<1x128xi32, #tpu.memory_space<vmem>> -> memref<128xi32, #tpu.memory_space<vmem>>
    %dma_start3A_81 = tpu.memref_slice %arg4[%add3A_63] : memref<320000xi32, #tpu.memory_space<hbm>> -> memref<128xi32, #tpu.memory_space<hbm>>
    tpu.enqueue_dma source(%dma_start3A_81 : memref<128xi32, #tpu.memory_space<hbm>>) target(%dma_start3A_80 : memref<128xi32, #tpu.memory_space<vmem>>) target_semaphore(%arg26 : memref<!tpu.dma_semaphore, #tpu.memory_space<semaphore_mem>>)
    %add3A_82 = arith.constant 512 : i32
    %add3A_83 = arith.addi %mul3A_2, %add3A_82 : i32
    %dma_start3A_84 = arith.constant 0 : i32
    %dma_start3A_85 = arith.constant 0 : i32
    %dma_start3A_86 = tpu.memref_slice %arg13[%dma_start3A_84, %dma_start3A_85] : memref<2x128xi32, #tpu.memory_space<vmem>> -> memref<1x128xi32, #tpu.memory_space<vmem>>
    %dma_start3A_87 = tpu.memref_squeeze %dma_start3A_86 : memref<1x128xi32, #tpu.memory_space<vmem>> -> memref<128xi32, #tpu.memory_space<vmem>>
    %dma_start3A_88 = tpu.memref_slice %arg3[%add3A_83] : memref<320000xi32, #tpu.memory_space<hbm>> -> memref<128xi32, #tpu.memory_space<hbm>>
    %dma_start3A_89 = arith.constant 0 : i32
    %dma_start3A_90 = tpu.memref_slice %arg13[%dma_start3A_84, %dma_start3A_89] : memref<2x128xi32, #tpu.memory_space<vmem>> -> memref<1x128xi32, #tpu.memory_space<vmem>>
    %dma_start3A_91 = tpu.memref_squeeze %dma_start3A_90 : memref<1x128xi32, #tpu.memory_space<vmem>> -> memref<128xi32, #tpu.memory_space<vmem>>
    %dma_start3A_92 = tpu.memref_slice %arg3[%add3A_83] : memref<320000xi32, #tpu.memory_space<hbm>> -> memref<128xi32, #tpu.memory_space<hbm>>
    tpu.enqueue_dma source(%dma_start3A_92 : memref<128xi32, #tpu.memory_space<hbm>>) target(%dma_start3A_91 : memref<128xi32, #tpu.memory_space<vmem>>) target_semaphore(%arg27 : memref<!tpu.dma_semaphore, #tpu.memory_space<semaphore_mem>>)
    %dma_start3A_93 = arith.constant 1 : i32
    %dma_start3A_94 = arith.constant 0 : i32
    %dma_start3A_95 = tpu.memref_slice %arg13[%dma_start3A_93, %dma_start3A_94] : memref<2x128xi32, #tpu.memory_space<vmem>> -> memref<1x128xi32, #tpu.memory_space<vmem>>
    %dma_start3A_96 = tpu.memref_squeeze %dma_start3A_95 : memref<1x128xi32, #tpu.memory_space<vmem>> -> memref<128xi32, #tpu.memory_space<vmem>>
    %dma_start3A_97 = tpu.memref_slice %arg4[%add3A_83] : memref<320000xi32, #tpu.memory_space<hbm>> -> memref<128xi32, #tpu.memory_space<hbm>>
    %dma_start3A_98 = arith.constant 0 : i32
    %dma_start3A_99 = tpu.memref_slice %arg13[%dma_start3A_93, %dma_start3A_98] : memref<2x128xi32, #tpu.memory_space<vmem>> -> memref<1x128xi32, #tpu.memory_space<vmem>>
    %dma_start3A_100 = tpu.memref_squeeze %dma_start3A_99 : memref<1x128xi32, #tpu.memory_space<vmem>> -> memref<128xi32, #tpu.memory_space<vmem>>
    %dma_start3A_101 = tpu.memref_slice %arg4[%add3A_83] : memref<320000xi32, #tpu.memory_space<hbm>> -> memref<128xi32, #tpu.memory_space<hbm>>
    tpu.enqueue_dma source(%dma_start3A_101 : memref<128xi32, #tpu.memory_space<hbm>>) target(%dma_start3A_100 : memref<128xi32, #tpu.memory_space<vmem>>) target_semaphore(%arg27 : memref<!tpu.dma_semaphore, #tpu.memory_space<semaphore_mem>>)
    %add3A_102 = arith.constant 640 : i32
    %add3A_103 = arith.addi %mul3A_2, %add3A_102 : i32
    %dma_start3A_104 = arith.constant 0 : i32
    %dma_start3A_105 = arith.constant 0 : i32
    %dma_start3A_106 = tpu.memref_slice %arg14[%dma_start3A_104, %dma_start3A_105] : memref<2x128xi32, #tpu.memory_space<vmem>> -> memref<1x128xi32, #tpu.memory_space<vmem>>
    %dma_start3A_107 = tpu.memref_squeeze %dma_start3A_106 : memref<1x128xi32, #tpu.memory_space<vmem>> -> memref<128xi32, #tpu.memory_space<vmem>>
    %dma_start3A_108 = tpu.memref_slice %arg3[%add3A_103] : memref<320000xi32, #tpu.memory_space<hbm>> -> memref<128xi32, #tpu.memory_space<hbm>>
    %dma_start3A_109 = arith.constant 0 : i32
    %dma_start3A_110 = tpu.memref_slice %arg14[%dma_start3A_104, %dma_start3A_109] : memref<2x128xi32, #tpu.memory_space<vmem>> -> memref<1x128xi32, #tpu.memory_space<vmem>>
    %dma_start3A_111 = tpu.memref_squeeze %dma_start3A_110 : memref<1x128xi32, #tpu.memory_space<vmem>> -> memref<128xi32, #tpu.memory_space<vmem>>
    %dma_start3A_112 = tpu.memref_slice %arg3[%add3A_103] : memref<320000xi32, #tpu.memory_space<hbm>> -> memref<128xi32, #tpu.memory_space<hbm>>
    tpu.enqueue_dma source(%dma_start3A_112 : memref<128xi32, #tpu.memory_space<hbm>>) target(%dma_start3A_111 : memref<128xi32, #tpu.memory_space<vmem>>) target_semaphore(%arg28 : memref<!tpu.dma_semaphore, #tpu.memory_space<semaphore_mem>>)
    %dma_start3A_113 = arith.constant 1 : i32
    %dma_start3A_114 = arith.constant 0 : i32
    %dma_start3A_115 = tpu.memref_slice %arg14[%dma_start3A_113, %dma_start3A_114] : memref<2x128xi32, #tpu.memory_space<vmem>> -> memref<1x128xi32, #tpu.memory_space<vmem>>
    %dma_start3A_116 = tpu.memref_squeeze %dma_start3A_115 : memref<1x128xi32, #tpu.memory_space<vmem>> -> memref<128xi32, #tpu.memory_space<vmem>>
    %dma_start3A_117 = tpu.memref_slice %arg4[%add3A_103] : memref<320000xi32, #tpu.memory_space<hbm>> -> memref<128xi32, #tpu.memory_space<hbm>>
    %dma_start3A_118 = arith.constant 0 : i32
    %dma_start3A_119 = tpu.memref_slice %arg14[%dma_start3A_113, %dma_start3A_118] : memref<2x128xi32, #tpu.memory_space<vmem>> -> memref<1x128xi32, #tpu.memory_space<vmem>>
    %dma_start3A_120 = tpu.memref_squeeze %dma_start3A_119 : memref<1x128xi32, #tpu.memory_space<vmem>> -> memref<128xi32, #tpu.memory_space<vmem>>
    %dma_start3A_121 = tpu.memref_slice %arg4[%add3A_103] : memref<320000xi32, #tpu.memory_space<hbm>> -> memref<128xi32, #tpu.memory_space<hbm>>
    tpu.enqueue_dma source(%dma_start3A_121 : memref<128xi32, #tpu.memory_space<hbm>>) target(%dma_start3A_120 : memref<128xi32, #tpu.memory_space<vmem>>) target_semaphore(%arg28 : memref<!tpu.dma_semaphore, #tpu.memory_space<semaphore_mem>>)
    %add3A_122 = arith.constant 9984 : i32
    %add3A_123 = arith.addi %mul3A_2, %add3A_122 : i32
    %dma_start3A_124 = arith.constant 0 : i32
    %dma_start3A_125 = arith.constant 0 : i32
    %dma_start3A_126 = tpu.memref_slice %arg15[%dma_start3A_124, %dma_start3A_125] : memref<2x16xi32, #tpu.memory_space<vmem>> -> memref<1x16xi32, #tpu.memory_space<vmem>>
    %dma_start3A_127 = tpu.memref_squeeze %dma_start3A_126 : memref<1x16xi32, #tpu.memory_space<vmem>> -> memref<16xi32, #tpu.memory_space<vmem>>
    %dma_start3A_128 = tpu.memref_slice %arg3[%add3A_123] : memref<320000xi32, #tpu.memory_space<hbm>> -> memref<16xi32, #tpu.memory_space<hbm>>
    %dma_start3A_129 = arith.constant 0 : i32
    %dma_start3A_130 = tpu.memref_slice %arg15[%dma_start3A_124, %dma_start3A_129] : memref<2x16xi32, #tpu.memory_space<vmem>> -> memref<1x16xi32, #tpu.memory_space<vmem>>
    %dma_start3A_131 = tpu.memref_squeeze %dma_start3A_130 : memref<1x16xi32, #tpu.memory_space<vmem>> -> memref<16xi32, #tpu.memory_space<vmem>>
    %dma_start3A_132 = tpu.memref_slice %arg3[%add3A_123] : memref<320000xi32, #tpu.memory_space<hbm>> -> memref<16xi32, #tpu.memory_space<hbm>>
    tpu.enqueue_dma source(%dma_start3A_132 : memref<16xi32, #tpu.memory_space<hbm>>) target(%dma_start3A_131 : memref<16xi32, #tpu.memory_space<vmem>>) target_semaphore(%arg29 : memref<!tpu.dma_semaphore, #tpu.memory_space<semaphore_mem>>)
    %dma_start3A_133 = arith.constant 1 : i32
    %dma_start3A_134 = arith.constant 0 : i32
    %dma_start3A_135 = tpu.memref_slice %arg15[%dma_start3A_133, %dma_start3A_134] : memref<2x16xi32, #tpu.memory_space<vmem>> -> memref<1x16xi32, #tpu.memory_space<vmem>>
    %dma_start3A_136 = tpu.memref_squeeze %dma_start3A_135 : memref<1x16xi32, #tpu.memory_space<vmem>> -> memref<16xi32, #tpu.memory_space<vmem>>
    %dma_start3A_137 = tpu.memref_slice %arg4[%add3A_123] : memref<320000xi32, #tpu.memory_space<hbm>> -> memref<16xi32, #tpu.memory_space<hbm>>
    %dma_start3A_138 = arith.constant 0 : i32
    %dma_start3A_139 = tpu.memref_slice %arg15[%dma_start3A_133, %dma_start3A_138] : memref<2x16xi32, #tpu.memory_space<vmem>> -> memref<1x16xi32, #tpu.memory_space<vmem>>
    %dma_start3A_140 = tpu.memref_squeeze %dma_start3A_139 : memref<1x16xi32, #tpu.memory_space<vmem>> -> memref<16xi32, #tpu.memory_space<vmem>>
    %dma_start3A_141 = tpu.memref_slice %arg4[%add3A_123] : memref<320000xi32, #tpu.memory_space<hbm>> -> memref<16xi32, #tpu.memory_space<hbm>>
    tpu.enqueue_dma source(%dma_start3A_141 : memref<16xi32, #tpu.memory_space<hbm>>) target(%dma_start3A_140 : memref<16xi32, #tpu.memory_space<vmem>>) target_semaphore(%arg29 : memref<!tpu.dma_semaphore, #tpu.memory_space<semaphore_mem>>)
    %scan3A = arith.constant 0 : i32
    %scan3A_142 = arith.constant 0 : i32
    %scan3A_143 = arith.constant 16 : i32
    %scan3A_144 = arith.addi %scan3A_142, %scan3A_143 : i32
    %scan3A_145 = arith.constant 1 : i32
    %scan3A_146 = scf.for %scan3A_311 = %scan3A_142 to %scan3A_144 step %scan3A_145 iter_args(%scan3A_312 = %scan3A) -> (i32)  : i32 {
      %scan3A_313 = arith.constant 0 : i32
      %scan3A_314 = arith.constant 0 : i32
      %scan3A_315 = arith.constant 8 : i32
      %scan3A_316 = arith.addi %scan3A_314, %scan3A_315 : i32
      %scan3A_317 = arith.constant 1 : i32
      %scan3A_318 = scf.for %scan3A_320 = %scan3A_314 to %scan3A_316 step %scan3A_317 iter_args(%scan3A_321 = %scan3A_313) -> (i32)  : i32 {
        %broadcast_in_dim3A = arith.constant 0.000000e+00 : f32
        %broadcast_in_dim3A_322 = vector.broadcast %broadcast_in_dim3A : f32 to vector<16xf32>
        %mul3A_323 = arith.constant 16 : i32
        %mul3A_324 = arith.muli %scan3A_320, %mul3A_323 : i32
        %swap3A = arith.index_cast %scan3A_311 : i32 to index
        %swap3A_325 = arith.index_cast %mul3A_324 : i32 to index
        %swap3A_326 = tpu.vector_load %arg6[%swap3A, %swap3A_325] {strides = array<i32>} : memref<128x128xf32, #tpu.memory_space<vmem>>, vector<1x16xf32>,
        %swap3A_327 = vector.shape_cast %swap3A_326 : vector<1x16xf32> to vector<16xf32>
        %swap3A_328 = vector.shape_cast %broadcast_in_dim3A_322 : vector<16xf32> to vector<1x16xf32>
        tpu.vector_store %arg6[%swap3A, %swap3A_325], %swap3A_328 {strides = array<i32>} : memref<128x128xf32, #tpu.memory_space<vmem>>, vector<1x16xf32>,
        %scan3A_329 = arith.constant 0 : i32
        scf.yield %scan3A_329 : i32
      }
      %scan3A_319 = arith.constant 8 : i32
      scf.yield %scan3A_318 : i32
    }
    %scan3A_147 = arith.constant 16 : i32
    %scan3A_148 = arith.constant 0 : i32
    %scan3A_149 = arith.constant 0 : i32
    %scan3A_150 = arith.constant 39 : i32
    %scan3A_151 = arith.addi %scan3A_149, %scan3A_150 : i32
    %scan3A_152 = arith.constant 1 : i32
    %scan3A_153 = scf.for %scan3A_311 = %scan3A_149 to %scan3A_151 step %scan3A_152 iter_args(%scan3A_312 = %scan3A_148) -> (i32)  : i32 {
      %mul3A_313 = arith.constant 624 : i32
      %mul3A_314 = arith.muli %arg1, %mul3A_313 : i32
      %mul3A_315 = arith.constant 16 : i32
      %mul3A_316 = arith.muli %scan3A_311, %mul3A_315 : i32
      %add3A_317 = arith.addi %mul3A_314, %mul3A_316 : i32
      %dma_start3A_318 = arith.constant 0 : i32
      %dma_start3A_319 = arith.constant 0 : i32
      %dma_start3A_320 = tpu.memref_slice %arg6[%dma_start3A_318, %dma_start3A_319] : memref<128x128xf32, #tpu.memory_space<vmem>> -> memref<16x128xf32, #tpu.memory_space<vmem>>
      %dma_start3A_321 = arith.constant 0 : i32
      %dma_start3A_322 = tpu.memref_slice %arg16[%add3A_317, %dma_start3A_321] : memref<10000x128xf32, #tpu.memory_space<vmem_shared>> -> memref<16x128xf32, #tpu.memory_space<vmem_shared>>
      %dma_start3A_323 = arith.constant 0 : i32
      %dma_start3A_324 = tpu.memref_slice %arg16[%add3A_317, %dma_start3A_323] : memref<10000x128xf32, #tpu.memory_space<vmem_shared>> -> memref<16x128xf32, #tpu.memory_space<vmem_shared>>
      %dma_start3A_325 = arith.constant 0 : i32
      %dma_start3A_326 = arith.constant 0 : i32
      %dma_start3A_327 = tpu.memref_slice %arg6[%dma_start3A_325, %dma_start3A_326] : memref<128x128xf32, #tpu.memory_space<vmem>> -> memref<16x128xf32, #tpu.memory_space<vmem>>
      tpu.enqueue_dma source(%dma_start3A_327 : memref<16x128xf32, #tpu.memory_space<vmem>>) target(%dma_start3A_324 : memref<16x128xf32, #tpu.memory_space<vmem_shared>>) target_semaphore(%arg30 : memref<!tpu.dma_semaphore, #tpu.memory_space<semaphore_mem>>)
      %scan3A_328 = arith.constant 0 : i32
      scf.yield %scan3A_328 : i32
    }
    %scan3A_154 = arith.constant 39 : i32
    %eq3A = arith.constant 15 : i32
    %eq3A_155 = arith.cmpi eq, %arg1, %eq3A : i32
    %convert_element_type3A = arith.extui %eq3A_155 : i1 to i32
    %cond3A = arith.constant 0 : i32
    %cond3A_156 = arith.cmpi ne, %convert_element_type3A, %cond3A : i32
    scf.if %cond3A_156 {
      %dma_start3A_311 = arith.constant 0 : i32
      %dma_start3A_312 = arith.constant 0 : i32
      %dma_start3A_313 = tpu.memref_slice %arg6[%dma_start3A_311, %dma_start3A_312] : memref<128x128xf32, #tpu.memory_space<vmem>> -> memref<16x128xf32, #tpu.memory_space<vmem>>
      %dma_start3A_314 = arith.constant 9984 : i32
      %dma_start3A_315 = arith.constant 0 : i32
      %dma_start3A_316 = tpu.memref_slice %arg16[%dma_start3A_314, %dma_start3A_315] : memref<10000x128xf32, #tpu.memory_space<vmem_shared>> -> memref<16x128xf32, #tpu.memory_space<vmem_shared>>
      %dma_start3A_317 = arith.constant 9984 : i32
      %dma_start3A_318 = arith.constant 0 : i32
      %dma_start3A_319 = tpu.memref_slice %arg16[%dma_start3A_317, %dma_start3A_318] : memref<10000x128xf32, #tpu.memory_space<vmem_shared>> -> memref<16x128xf32, #tpu.memory_space<vmem_shared>>
      %dma_start3A_320 = arith.constant 0 : i32
      %dma_start3A_321 = arith.constant 0 : i32
      %dma_start3A_322 = tpu.memref_slice %arg6[%dma_start3A_320, %dma_start3A_321] : memref<128x128xf32, #tpu.memory_space<vmem>> -> memref<16x128xf32, #tpu.memory_space<vmem>>
      tpu.enqueue_dma source(%dma_start3A_322 : memref<16x128xf32, #tpu.memory_space<vmem>>) target(%dma_start3A_319 : memref<16x128xf32, #tpu.memory_space<vmem_shared>>) target_semaphore(%arg30 : memref<!tpu.dma_semaphore, #tpu.memory_space<semaphore_mem>>)
    } else {
    }
    %scan3A_157 = arith.constant 0 : i32
    %scan3A_158 = arith.constant 0 : i32
    %scan3A_159 = arith.constant 39 : i32
    %scan3A_160 = arith.addi %scan3A_158, %scan3A_159 : i32
    %scan3A_161 = arith.constant 1 : i32
    %scan3A_162 = scf.for %scan3A_311 = %scan3A_158 to %scan3A_160 step %scan3A_161 iter_args(%scan3A_312 = %scan3A_157) -> (i32)  : i32 {
      %mul3A_313 = arith.constant 624 : i32
      %mul3A_314 = arith.muli %arg1, %mul3A_313 : i32
      %dma_wait3A_315 = arith.constant 0 : i32
      %dma_wait3A_316 = arith.constant 0 : i32
      %dma_wait3A_317 = tpu.memref_slice %arg6[%dma_wait3A_315, %dma_wait3A_316] : memref<128x128xf32, #tpu.memory_space<vmem>> -> memref<16x128xf32, #tpu.memory_space<vmem>>
      %dma_wait3A_318 = arith.constant 0 : i32
      %dma_wait3A_319 = tpu.memref_slice %arg16[%mul3A_314, %dma_wait3A_318] : memref<10000x128xf32, #tpu.memory_space<vmem_shared>> -> memref<16x128xf32, #tpu.memory_space<vmem_shared>>
      %dma_wait3A_320 = arith.constant 0 : i32
      %dma_wait3A_321 = tpu.memref_slice %arg16[%mul3A_314, %dma_wait3A_320] : memref<10000x128xf32, #tpu.memory_space<vmem_shared>> -> memref<16x128xf32, #tpu.memory_space<vmem_shared>>
      %dma_wait3A_322 = arith.constant 0 : i32
      %dma_wait3A_323 = arith.constant 0 : i32
      %dma_wait3A_324 = tpu.memref_slice %arg6[%dma_wait3A_322, %dma_wait3A_323] : memref<128x128xf32, #tpu.memory_space<vmem>> -> memref<16x128xf32, #tpu.memory_space<vmem>>
      tpu.wait_dma2 semaphore(%arg30 : memref<!tpu.dma_semaphore, #tpu.memory_space<semaphore_mem>>) src(%dma_wait3A_324 : memref<16x128xf32, #tpu.memory_space<vmem>>) dst(%dma_wait3A_321 : memref<16x128xf32, #tpu.memory_space<vmem_shared>>)
      %scan3A_325 = arith.constant 0 : i32
      scf.yield %scan3A_325 : i32
    }
    %scan3A_163 = arith.constant 39 : i32
    %eq3A_164 = arith.constant 15 : i32
    %eq3A_165 = arith.cmpi eq, %arg1, %eq3A_164 : i32
    %convert_element_type3A_166 = arith.extui %eq3A_165 : i1 to i32
    %cond3A_167 = arith.constant 0 : i32
    %cond3A_168 = arith.cmpi ne, %convert_element_type3A_166, %cond3A_167 : i32
    scf.if %cond3A_168 {
      %dma_wait3A_311 = arith.constant 0 : i32
      %dma_wait3A_312 = arith.constant 0 : i32
      %dma_wait3A_313 = tpu.memref_slice %arg6[%dma_wait3A_311, %dma_wait3A_312] : memref<128x128xf32, #tpu.memory_space<vmem>> -> memref<16x128xf32, #tpu.memory_space<vmem>>
      %dma_wait3A_314 = arith.constant 9984 : i32
      %dma_wait3A_315 = arith.constant 0 : i32
      %dma_wait3A_316 = tpu.memref_slice %arg16[%dma_wait3A_314, %dma_wait3A_315] : memref<10000x128xf32, #tpu.memory_space<vmem_shared>> -> memref<16x128xf32, #tpu.memory_space<vmem_shared>>
      %dma_wait3A_317 = arith.constant 9984 : i32
      %dma_wait3A_318 = arith.constant 0 : i32
      %dma_wait3A_319 = tpu.memref_slice %arg16[%dma_wait3A_317, %dma_wait3A_318] : memref<10000x128xf32, #tpu.memory_space<vmem_shared>> -> memref<16x128xf32, #tpu.memory_space<vmem_shared>>
      %dma_wait3A_320 = arith.constant 0 : i32
      %dma_wait3A_321 = arith.constant 0 : i32
      %dma_wait3A_322 = tpu.memref_slice %arg6[%dma_wait3A_320, %dma_wait3A_321] : memref<128x128xf32, #tpu.memory_space<vmem>> -> memref<16x128xf32, #tpu.memory_space<vmem>>
      tpu.wait_dma2 semaphore(%arg30 : memref<!tpu.dma_semaphore, #tpu.memory_space<semaphore_mem>>) src(%dma_wait3A_322 : memref<16x128xf32, #tpu.memory_space<vmem>>) dst(%dma_wait3A_319 : memref<16x128xf32, #tpu.memory_space<vmem_shared>>)
    } else {
    }
    %barrier3A = arith.constant 0 : index
    tpu.barrier barrier_id(%barrier3A)
    %add3A_169 = arith.constant 0 : i32
    %add3A_170 = arith.addi %mul3A_2, %add3A_169 : i32
    %dma_wait3A = arith.constant 0 : i32
    %dma_wait3A_171 = arith.constant 0 : i32
    %dma_wait3A_172 = tpu.memref_slice %arg9[%dma_wait3A, %dma_wait3A_171] : memref<2x128xi32, #tpu.memory_space<vmem>> -> memref<1x128xi32, #tpu.memory_space<vmem>>
    %dma_wait3A_173 = tpu.memref_squeeze %dma_wait3A_172 : memref<1x128xi32, #tpu.memory_space<vmem>> -> memref<128xi32, #tpu.memory_space<vmem>>
    %dma_wait3A_174 = tpu.memref_slice %arg3[%add3A_170] : memref<320000xi32, #tpu.memory_space<hbm>> -> memref<128xi32, #tpu.memory_space<hbm>>
    %dma_wait3A_175 = arith.constant 0 : i32
    %dma_wait3A_176 = tpu.memref_slice %arg9[%dma_wait3A, %dma_wait3A_175] : memref<2x128xi32, #tpu.memory_space<vmem>> -> memref<1x128xi32, #tpu.memory_space<vmem>>
    %dma_wait3A_177 = tpu.memref_squeeze %dma_wait3A_176 : memref<1x128xi32, #tpu.memory_space<vmem>> -> memref<128xi32, #tpu.memory_space<vmem>>
    %dma_wait3A_178 = tpu.memref_slice %arg3[%add3A_170] : memref<320000xi32, #tpu.memory_space<hbm>> -> memref<128xi32, #tpu.memory_space<hbm>>
    tpu.wait_dma2 semaphore(%arg23 : memref<!tpu.dma_semaphore, #tpu.memory_space<semaphore_mem>>) src(%dma_wait3A_178 : memref<128xi32, #tpu.memory_space<hbm>>) dst(%dma_wait3A_177 : memref<128xi32, #tpu.memory_space<vmem>>)
    %dma_wait3A_179 = arith.constant 1 : i32
    %dma_wait3A_180 = arith.constant 0 : i32
    %dma_wait3A_181 = tpu.memref_slice %arg9[%dma_wait3A_179, %dma_wait3A_180] : memref<2x128xi32, #tpu.memory_space<vmem>> -> memref<1x128xi32, #tpu.memory_space<vmem>>
    %dma_wait3A_182 = tpu.memref_squeeze %dma_wait3A_181 : memref<1x128xi32, #tpu.memory_space<vmem>> -> memref<128xi32, #tpu.memory_space<vmem>>
    %dma_wait3A_183 = tpu.memref_slice %arg4[%add3A_170] : memref<320000xi32, #tpu.memory_space<hbm>> -> memref<128xi32, #tpu.memory_space<hbm>>
    %dma_wait3A_184 = arith.constant 0 : i32
    %dma_wait3A_185 = tpu.memref_slice %arg9[%dma_wait3A_179, %dma_wait3A_184] : memref<2x128xi32, #tpu.memory_space<vmem>> -> memref<1x128xi32, #tpu.memory_space<vmem>>
    %dma_wait3A_186 = tpu.memref_squeeze %dma_wait3A_185 : memref<1x128xi32, #tpu.memory_space<vmem>> -> memref<128xi32, #tpu.memory_space<vmem>>
    %dma_wait3A_187 = tpu.memref_slice %arg4[%add3A_170] : memref<320000xi32, #tpu.memory_space<hbm>> -> memref<128xi32, #tpu.memory_space<hbm>>
    tpu.wait_dma2 semaphore(%arg23 : memref<!tpu.dma_semaphore, #tpu.memory_space<semaphore_mem>>) src(%dma_wait3A_187 : memref<128xi32, #tpu.memory_space<hbm>>) dst(%dma_wait3A_186 : memref<128xi32, #tpu.memory_space<vmem>>)
    %dma_start3A_188 = arith.constant 0 : i32
    %dma_start3A_189 = arith.constant 0 : i32
    %dma_start3A_190 = tpu.memref_slice %arg9[%dma_start3A_188, %dma_start3A_189] : memref<2x128xi32, #tpu.memory_space<vmem>> -> memref<1x128xi32, #tpu.memory_space<vmem>>
    %dma_start3A_191 = tpu.memref_squeeze %dma_start3A_190 : memref<1x128xi32, #tpu.memory_space<vmem>> -> memref<128xi32, #tpu.memory_space<vmem>>
    %dma_start3A_192 = arith.constant 0 : i32
    %dma_start3A_193 = arith.constant 0 : i32
    %dma_start3A_194 = tpu.memref_slice %arg2[%dma_start3A_192, %dma_start3A_193] : memref<10000x128xf32, #tpu.memory_space<hbm>> -> memref<10000x128xf32, #tpu.memory_space<hbm>>
    tpu.enqueue_indirect_dma source(%dma_start3A_194 : memref<10000x128xf32, #tpu.memory_space<hbm>>) target(%arg6 : memref<128x128xf32, #tpu.memory_space<vmem>>) offsets(%dma_start3A_191 : memref<128xi32, #tpu.memory_space<vmem>>) semaphore(%arg17 : memref<!tpu.dma_semaphore, #tpu.memory_space<semaphore_mem>>)
    %add3A_195 = arith.constant 128 : i32
    %add3A_196 = arith.addi %mul3A_2, %add3A_195 : i32
    %dma_wait3A_197 = arith.constant 0 : i32
    %dma_wait3A_198 = arith.constant 0 : i32
    %dma_wait3A_199 = tpu.memref_slice %arg10[%dma_wait3A_197, %dma_wait3A_198] : memref<2x128xi32, #tpu.memory_space<vmem>> -> memref<1x128xi32, #tpu.memory_space<vmem>>
    %dma_wait3A_200 = tpu.memref_squeeze %dma_wait3A_199 : memref<1x128xi32, #tpu.memory_space<vmem>> -> memref<128xi32, #tpu.memory_space<vmem>>
    %dma_wait3A_201 = tpu.memref_slice %arg3[%add3A_196] : memref<320000xi32, #tpu.memory_space<hbm>> -> memref<128xi32, #tpu.memory_space<hbm>>
    %dma_wait3A_202 = arith.constant 0 : i32
    %dma_wait3A_203 = tpu.memref_slice %arg10[%dma_wait3A_197, %dma_wait3A_202] : memref<2x128xi32, #tpu.memory_space<vmem>> -> memref<1x128xi32, #tpu.memory_space<vmem>>
    %dma_wait3A_204 = tpu.memref_squeeze %dma_wait3A_203 : memref<1x128xi32, #tpu.memory_space<vmem>> -> memref<128xi32, #tpu.memory_space<vmem>>
    %dma_wait3A_205 = tpu.memref_slice %arg3[%add3A_196] : memref<320000xi32, #tpu.memory_space<hbm>> -> memref<128xi32, #tpu.memory_space<hbm>>
    tpu.wait_dma2 semaphore(%arg24 : memref<!tpu.dma_semaphore, #tpu.memory_space<semaphore_mem>>) src(%dma_wait3A_205 : memref<128xi32, #tpu.memory_space<hbm>>) dst(%dma_wait3A_204 : memref<128xi32, #tpu.memory_space<vmem>>)
    %dma_wait3A_206 = arith.constant 1 : i32
    %dma_wait3A_207 = arith.constant 0 : i32
    %dma_wait3A_208 = tpu.memref_slice %arg10[%dma_wait3A_206, %dma_wait3A_207] : memref<2x128xi32, #tpu.memory_space<vmem>> -> memref<1x128xi32, #tpu.memory_space<vmem>>
    %dma_wait3A_209 = tpu.memref_squeeze %dma_wait3A_208 : memref<1x128xi32, #tpu.memory_space<vmem>> -> memref<128xi32, #tpu.memory_space<vmem>>
    %dma_wait3A_210 = tpu.memref_slice %arg4[%add3A_196] : memref<320000xi32, #tpu.memory_space<hbm>> -> memref<128xi32, #tpu.memory_space<hbm>>
    %dma_wait3A_211 = arith.constant 0 : i32
    %dma_wait3A_212 = tpu.memref_slice %arg10[%dma_wait3A_206, %dma_wait3A_211] : memref<2x128xi32, #tpu.memory_space<vmem>> -> memref<1x128xi32, #tpu.memory_space<vmem>>
    %dma_wait3A_213 = tpu.memref_squeeze %dma_wait3A_212 : memref<1x128xi32, #tpu.memory_space<vmem>> -> memref<128xi32, #tpu.memory_space<vmem>>
    %dma_wait3A_214 = tpu.memref_slice %arg4[%add3A_196] : memref<320000xi32, #tpu.memory_space<hbm>> -> memref<128xi32, #tpu.memory_space<hbm>>
    tpu.wait_dma2 semaphore(%arg24 : memref<!tpu.dma_semaphore, #tpu.memory_space<semaphore_mem>>) src(%dma_wait3A_214 : memref<128xi32, #tpu.memory_space<hbm>>) dst(%dma_wait3A_213 : memref<128xi32, #tpu.memory_space<vmem>>)
    %dma_start3A_215 = arith.constant 0 : i32
    %dma_start3A_216 = arith.constant 0 : i32
    %dma_start3A_217 = tpu.memref_slice %arg10[%dma_start3A_215, %dma_start3A_216] : memref<2x128xi32, #tpu.memory_space<vmem>> -> memref<1x128xi32, #tpu.memory_space<vmem>>
    %dma_start3A_218 = tpu.memref_squeeze %dma_start3A_217 : memref<1x128xi32, #tpu.memory_space<vmem>> -> memref<128xi32, #tpu.memory_space<vmem>>
    %dma_start3A_219 = arith.constant 0 : i32
    %dma_start3A_220 = arith.constant 0 : i32
    %dma_start3A_221 = tpu.memref_slice %arg2[%dma_start3A_219, %dma_start3A_220] : memref<10000x128xf32, #tpu.memory_space<hbm>> -> memref<10000x128xf32, #tpu.memory_space<hbm>>
    tpu.enqueue_indirect_dma source(%dma_start3A_221 : memref<10000x128xf32, #tpu.memory_space<hbm>>) target(%arg7 : memref<128x128xf32, #tpu.memory_space<vmem>>) offsets(%dma_start3A_218 : memref<128xi32, #tpu.memory_space<vmem>>) semaphore(%arg18 : memref<!tpu.dma_semaphore, #tpu.memory_space<semaphore_mem>>)
    %add3A_222 = arith.constant 256 : i32
    %add3A_223 = arith.addi %mul3A_2, %add3A_222 : i32
    %dma_wait3A_224 = arith.constant 0 : i32
    %dma_wait3A_225 = arith.constant 0 : i32
    %dma_wait3A_226 = tpu.memref_slice %arg11[%dma_wait3A_224, %dma_wait3A_225] : memref<2x128xi32, #tpu.memory_space<vmem>> -> memref<1x128xi32, #tpu.memory_space<vmem>>
    %dma_wait3A_227 = tpu.memref_squeeze %dma_wait3A_226 : memref<1x128xi32, #tpu.memory_space<vmem>> -> memref<128xi32, #tpu.memory_space<vmem>>
    %dma_wait3A_228 = tpu.memref_slice %arg3[%add3A_223] : memref<320000xi32, #tpu.memory_space<hbm>> -> memref<128xi32, #tpu.memory_space<hbm>>
    %dma_wait3A_229 = arith.constant 0 : i32
    %dma_wait3A_230 = tpu.memref_slice %arg11[%dma_wait3A_224, %dma_wait3A_229] : memref<2x128xi32, #tpu.memory_space<vmem>> -> memref<1x128xi32, #tpu.memory_space<vmem>>
    %dma_wait3A_231 = tpu.memref_squeeze %dma_wait3A_230 : memref<1x128xi32, #tpu.memory_space<vmem>> -> memref<128xi32, #tpu.memory_space<vmem>>
    %dma_wait3A_232 = tpu.memref_slice %arg3[%add3A_223] : memref<320000xi32, #tpu.memory_space<hbm>> -> memref<128xi32, #tpu.memory_space<hbm>>
    tpu.wait_dma2 semaphore(%arg25 : memref<!tpu.dma_semaphore, #tpu.memory_space<semaphore_mem>>) src(%dma_wait3A_232 : memref<128xi32, #tpu.memory_space<hbm>>) dst(%dma_wait3A_231 : memref<128xi32, #tpu.memory_space<vmem>>)
    %dma_wait3A_233 = arith.constant 1 : i32
    %dma_wait3A_234 = arith.constant 0 : i32
    %dma_wait3A_235 = tpu.memref_slice %arg11[%dma_wait3A_233, %dma_wait3A_234] : memref<2x128xi32, #tpu.memory_space<vmem>> -> memref<1x128xi32, #tpu.memory_space<vmem>>
    %dma_wait3A_236 = tpu.memref_squeeze %dma_wait3A_235 : memref<1x128xi32, #tpu.memory_space<vmem>> -> memref<128xi32, #tpu.memory_space<vmem>>
    %dma_wait3A_237 = tpu.memref_slice %arg4[%add3A_223] : memref<320000xi32, #tpu.memory_space<hbm>> -> memref<128xi32, #tpu.memory_space<hbm>>
    %dma_wait3A_238 = arith.constant 0 : i32
    %dma_wait3A_239 = tpu.memref_slice %arg11[%dma_wait3A_233, %dma_wait3A_238] : memref<2x128xi32, #tpu.memory_space<vmem>> -> memref<1x128xi32, #tpu.memory_space<vmem>>
    %dma_wait3A_240 = tpu.memref_squeeze %dma_wait3A_239 : memref<1x128xi32, #tpu.memory_space<vmem>> -> memref<128xi32, #tpu.memory_space<vmem>>
    %dma_wait3A_241 = tpu.memref_slice %arg4[%add3A_223] : memref<320000xi32, #tpu.memory_space<hbm>> -> memref<128xi32, #tpu.memory_space<hbm>>
    tpu.wait_dma2 semaphore(%arg25 : memref<!tpu.dma_semaphore, #tpu.memory_space<semaphore_mem>>) src(%dma_wait3A_241 : memref<128xi32, #tpu.memory_space<hbm>>) dst(%dma_wait3A_240 : memref<128xi32, #tpu.memory_space<vmem>>)
    %dma_start3A_242 = arith.constant 0 : i32
    %dma_start3A_243 = arith.constant 0 : i32
    %dma_start3A_244 = tpu.memref_slice %arg11[%dma_start3A_242, %dma_start3A_243] : memref<2x128xi32, #tpu.memory_space<vmem>> -> memref<1x128xi32, #tpu.memory_space<vmem>>
    %dma_start3A_245 = tpu.memref_squeeze %dma_start3A_244 : memref<1x128xi32, #tpu.memory_space<vmem>> -> memref<128xi32, #tpu.memory_space<vmem>>
    %dma_start3A_246 = arith.constant 0 : i32
    %dma_start3A_247 = arith.constant 0 : i32
    %dma_start3A_248 = tpu.memref_slice %arg2[%dma_start3A_246, %dma_start3A_247] : memref<10000x128xf32, #tpu.memory_space<hbm>> -> memref<10000x128xf32, #tpu.memory_space<hbm>>
    tpu.enqueue_indirect_dma source(%dma_start3A_248 : memref<10000x128xf32, #tpu.memory_space<hbm>>) target(%arg8 : memref<128x128xf32, #tpu.memory_space<vmem>>) offsets(%dma_start3A_245 : memref<128xi32, #tpu.memory_space<vmem>>) semaphore(%arg19 : memref<!tpu.dma_semaphore, #tpu.memory_space<semaphore_mem>>)
    %scan3A_249 = arith.constant 0 : i32
    %scan3A_250 = arith.constant 0 : i32
    %scan3A_251 = arith.constant 13 : i32
    %scan3A_252 = arith.addi %scan3A_250, %scan3A_251 : i32
    %scan3A_253 = arith.constant 1 : i32
    %scan3A_254 = scf.for %scan3A_311 = %scan3A_250 to %scan3A_252 step %scan3A_253 iter_args(%scan3A_312 = %scan3A_249) -> (i32)  : i32 {
      %mul3A_313 = arith.constant 6 : i32
      %mul3A_314 = arith.muli %mul3A_313, %scan3A_311 : i32
      %add3A_315 = arith.constant 0 : i32
      %add3A_316 = arith.addi %mul3A_314, %add3A_315 : i32
      %dma_wait3A_317 = arith.constant 0 : i32
      %dma_wait3A_318 = arith.constant 0 : i32
      %dma_wait3A_319 = tpu.memref_slice %arg9[%dma_wait3A_317, %dma_wait3A_318] : memref<2x128xi32, #tpu.memory_space<vmem>> -> memref<1x128xi32, #tpu.memory_space<vmem>>
      %dma_wait3A_320 = tpu.memref_squeeze %dma_wait3A_319 : memref<1x128xi32, #tpu.memory_space<vmem>> -> memref<128xi32, #tpu.memory_space<vmem>>
      %dma_wait3A_321 = arith.constant 0 : i32
      %dma_wait3A_322 = arith.constant 0 : i32
      %dma_wait3A_323 = tpu.memref_slice %arg2[%dma_wait3A_321, %dma_wait3A_322] : memref<10000x128xf32, #tpu.memory_space<hbm>> -> memref<10000x128xf32, #tpu.memory_space<hbm>>
      tpu.wait_indirect_dma semaphore(%arg17 : memref<!tpu.dma_semaphore, #tpu.memory_space<semaphore_mem>>) src(%dma_wait3A_323 : memref<10000x128xf32, #tpu.memory_space<hbm>>) dst(%arg6 : memref<128x128xf32, #tpu.memory_space<vmem>>)
      %dma_start3A_324 = arith.constant 1 : i32
      %dma_start3A_325 = arith.constant 0 : i32
      %dma_start3A_326 = tpu.memref_slice %arg9[%dma_start3A_324, %dma_start3A_325] : memref<2x128xi32, #tpu.memory_space<vmem>> -> memref<1x128xi32, #tpu.memory_space<vmem>>
      %dma_start3A_327 = tpu.memref_squeeze %dma_start3A_326 : memref<1x128xi32, #tpu.memory_space<vmem>> -> memref<128xi32, #tpu.memory_space<vmem>>
      %dma_start3A_328 = arith.constant 0 : i32
      %dma_start3A_329 = arith.constant 0 : i32
      %dma_start3A_330 = tpu.memref_slice %arg16[%dma_start3A_328, %dma_start3A_329] : memref<10000x128xf32, #tpu.memory_space<vmem_shared>> -> memref<10000x128xf32, #tpu.memory_space<vmem_shared>>
      tpu.enqueue_indirect_dma source(%arg6 : memref<128x128xf32, #tpu.memory_space<vmem>>) target(%dma_start3A_330 : memref<10000x128xf32, #tpu.memory_space<vmem_shared>>) offsets(%dma_start3A_327 : memref<128xi32, #tpu.memory_space<vmem>>) semaphore(%arg20 : memref<!tpu.dma_semaphore, #tpu.memory_space<semaphore_mem>>) {add = true}
      %gt3A = arith.constant 0 : i32
      %gt3A_331 = arith.cmpi sgt, %scan3A_311, %gt3A : i32
      %convert_element_type3A_332 = arith.extui %gt3A_331 : i1 to i32
      %cond3A_333 = arith.constant 0 : i32
      %cond3A_334 = arith.cmpi ne, %convert_element_type3A_332, %cond3A_333 : i32
      scf.if %cond3A_334 {
        %dma_wait3A_575 = arith.constant 1 : i32
        %dma_wait3A_576 = arith.constant 0 : i32
        %dma_wait3A_577 = tpu.memref_slice %arg14[%dma_wait3A_575, %dma_wait3A_576] : memref<2x128xi32, #tpu.memory_space<vmem>> -> memref<1x128xi32, #tpu.memory_space<vmem>>
        %dma_wait3A_578 = tpu.memref_squeeze %dma_wait3A_577 : memref<1x128xi32, #tpu.memory_space<vmem>> -> memref<128xi32, #tpu.memory_space<vmem>>
        %dma_wait3A_579 = arith.constant 0 : i32
        %dma_wait3A_580 = arith.constant 0 : i32
        %dma_wait3A_581 = tpu.memref_slice %arg16[%dma_wait3A_579, %dma_wait3A_580] : memref<10000x128xf32, #tpu.memory_space<vmem_shared>> -> memref<10000x128xf32, #tpu.memory_space<vmem_shared>>
        tpu.wait_indirect_dma semaphore(%arg22 : memref<!tpu.dma_semaphore, #tpu.memory_space<semaphore_mem>>) src(%arg8 : memref<128x128xf32, #tpu.memory_space<vmem>>) dst(%dma_wait3A_581 : memref<10000x128xf32, #tpu.memory_space<vmem_shared>>)
        %add3A_582 = arith.constant 2 : i32
        %add3A_583 = arith.addi %add3A_316, %add3A_582 : i32
        %mul3A_584 = arith.constant 128 : i32
        %mul3A_585 = arith.muli %add3A_583, %mul3A_584 : i32
        %add3A_586 = arith.addi %mul3A_2, %mul3A_585 : i32
        %dma_wait3A_587 = arith.constant 0 : i32
        %dma_wait3A_588 = arith.constant 0 : i32
        %dma_wait3A_589 = tpu.memref_slice %arg11[%dma_wait3A_587, %dma_wait3A_588] : memref<2x128xi32, #tpu.memory_space<vmem>> -> memref<1x128xi32, #tpu.memory_space<vmem>>
        %dma_wait3A_590 = tpu.memref_squeeze %dma_wait3A_589 : memref<1x128xi32, #tpu.memory_space<vmem>> -> memref<128xi32, #tpu.memory_space<vmem>>
        %dma_wait3A_591 = tpu.memref_slice %arg3[%add3A_586] : memref<320000xi32, #tpu.memory_space<hbm>> -> memref<128xi32, #tpu.memory_space<hbm>>
        %dma_wait3A_592 = arith.constant 0 : i32
        %dma_wait3A_593 = tpu.memref_slice %arg11[%dma_wait3A_587, %dma_wait3A_592] : memref<2x128xi32, #tpu.memory_space<vmem>> -> memref<1x128xi32, #tpu.memory_space<vmem>>
        %dma_wait3A_594 = tpu.memref_squeeze %dma_wait3A_593 : memref<1x128xi32, #tpu.memory_space<vmem>> -> memref<128xi32, #tpu.memory_space<vmem>>
        %dma_wait3A_595 = tpu.memref_slice %arg3[%add3A_586] : memref<320000xi32, #tpu.memory_space<hbm>> -> memref<128xi32, #tpu.memory_space<hbm>>
        tpu.wait_dma2 semaphore(%arg25 : memref<!tpu.dma_semaphore, #tpu.memory_space<semaphore_mem>>) src(%dma_wait3A_595 : memref<128xi32, #tpu.memory_space<hbm>>) dst(%dma_wait3A_594 : memref<128xi32, #tpu.memory_space<vmem>>)
        %dma_wait3A_596 = arith.constant 1 : i32
        %dma_wait3A_597 = arith.constant 0 : i32
        %dma_wait3A_598 = tpu.memref_slice %arg11[%dma_wait3A_596, %dma_wait3A_597] : memref<2x128xi32, #tpu.memory_space<vmem>> -> memref<1x128xi32, #tpu.memory_space<vmem>>
        %dma_wait3A_599 = tpu.memref_squeeze %dma_wait3A_598 : memref<1x128xi32, #tpu.memory_space<vmem>> -> memref<128xi32, #tpu.memory_space<vmem>>
        %dma_wait3A_600 = tpu.memref_slice %arg4[%add3A_586] : memref<320000xi32, #tpu.memory_space<hbm>> -> memref<128xi32, #tpu.memory_space<hbm>>
        %dma_wait3A_601 = arith.constant 0 : i32
        %dma_wait3A_602 = tpu.memref_slice %arg11[%dma_wait3A_596, %dma_wait3A_601] : memref<2x128xi32, #tpu.memory_space<vmem>> -> memref<1x128xi32, #tpu.memory_space<vmem>>
        %dma_wait3A_603 = tpu.memref_squeeze %dma_wait3A_602 : memref<1x128xi32, #tpu.memory_space<vmem>> -> memref<128xi32, #tpu.memory_space<vmem>>
        %dma_wait3A_604 = tpu.memref_slice %arg4[%add3A_586] : memref<320000xi32, #tpu.memory_space<hbm>> -> memref<128xi32, #tpu.memory_space<hbm>>
        tpu.wait_dma2 semaphore(%arg25 : memref<!tpu.dma_semaphore, #tpu.memory_space<semaphore_mem>>) src(%dma_wait3A_604 : memref<128xi32, #tpu.memory_space<hbm>>) dst(%dma_wait3A_603 : memref<128xi32, #tpu.memory_space<vmem>>)
        %dma_start3A_605 = arith.constant 0 : i32
        %dma_start3A_606 = arith.constant 0 : i32
        %dma_start3A_607 = tpu.memref_slice %arg11[%dma_start3A_605, %dma_start3A_606] : memref<2x128xi32, #tpu.memory_space<vmem>> -> memref<1x128xi32, #tpu.memory_space<vmem>>
        %dma_start3A_608 = tpu.memref_squeeze %dma_start3A_607 : memref<1x128xi32, #tpu.memory_space<vmem>> -> memref<128xi32, #tpu.memory_space<vmem>>
        %dma_start3A_609 = arith.constant 0 : i32
        %dma_start3A_610 = arith.constant 0 : i32
        %dma_start3A_611 = tpu.memref_slice %arg2[%dma_start3A_609, %dma_start3A_610] : memref<10000x128xf32, #tpu.memory_space<hbm>> -> memref<10000x128xf32, #tpu.memory_space<hbm>>
        tpu.enqueue_indirect_dma source(%dma_start3A_611 : memref<10000x128xf32, #tpu.memory_space<hbm>>) target(%arg8 : memref<128x128xf32, #tpu.memory_space<vmem>>) offsets(%dma_start3A_608 : memref<128xi32, #tpu.memory_space<vmem>>) semaphore(%arg19 : memref<!tpu.dma_semaphore, #tpu.memory_space<semaphore_mem>>)
        %add3A_612 = arith.constant 5 : i32
        %add3A_613 = arith.addi %add3A_316, %add3A_612 : i32
        %mul3A_614 = arith.constant 128 : i32
        %mul3A_615 = arith.muli %add3A_613, %mul3A_614 : i32
        %add3A_616 = arith.addi %mul3A_2, %mul3A_615 : i32
        %dma_start3A_617 = arith.constant 0 : i32
        %dma_start3A_618 = arith.constant 0 : i32
        %dma_start3A_619 = tpu.memref_slice %arg14[%dma_start3A_617, %dma_start3A_618] : memref<2x128xi32, #tpu.memory_space<vmem>> -> memref<1x128xi32, #tpu.memory_space<vmem>>
        %dma_start3A_620 = tpu.memref_squeeze %dma_start3A_619 : memref<1x128xi32, #tpu.memory_space<vmem>> -> memref<128xi32, #tpu.memory_space<vmem>>
        %dma_start3A_621 = tpu.memref_slice %arg3[%add3A_616] : memref<320000xi32, #tpu.memory_space<hbm>> -> memref<128xi32, #tpu.memory_space<hbm>>
        %dma_start3A_622 = arith.constant 0 : i32
        %dma_start3A_623 = tpu.memref_slice %arg14[%dma_start3A_617, %dma_start3A_622] : memref<2x128xi32, #tpu.memory_space<vmem>> -> memref<1x128xi32, #tpu.memory_space<vmem>>
        %dma_start3A_624 = tpu.memref_squeeze %dma_start3A_623 : memref<1x128xi32, #tpu.memory_space<vmem>> -> memref<128xi32, #tpu.memory_space<vmem>>
        %dma_start3A_625 = tpu.memref_slice %arg3[%add3A_616] : memref<320000xi32, #tpu.memory_space<hbm>> -> memref<128xi32, #tpu.memory_space<hbm>>
        tpu.enqueue_dma source(%dma_start3A_625 : memref<128xi32, #tpu.memory_space<hbm>>) target(%dma_start3A_624 : memref<128xi32, #tpu.memory_space<vmem>>) target_semaphore(%arg28 : memref<!tpu.dma_semaphore, #tpu.memory_space<semaphore_mem>>)
        %dma_start3A_626 = arith.constant 1 : i32
        %dma_start3A_627 = arith.constant 0 : i32
        %dma_start3A_628 = tpu.memref_slice %arg14[%dma_start3A_626, %dma_start3A_627] : memref<2x128xi32, #tpu.memory_space<vmem>> -> memref<1x128xi32, #tpu.memory_space<vmem>>
        %dma_start3A_629 = tpu.memref_squeeze %dma_start3A_628 : memref<1x128xi32, #tpu.memory_space<vmem>> -> memref<128xi32, #tpu.memory_space<vmem>>
        %dma_start3A_630 = tpu.memref_slice %arg4[%add3A_616] : memref<320000xi32, #tpu.memory_space<hbm>> -> memref<128xi32, #tpu.memory_space<hbm>>
        %dma_start3A_631 = arith.constant 0 : i32
        %dma_start3A_632 = tpu.memref_slice %arg14[%dma_start3A_626, %dma_start3A_631] : memref<2x128xi32, #tpu.memory_space<vmem>> -> memref<1x128xi32, #tpu.memory_space<vmem>>
        %dma_start3A_633 = tpu.memref_squeeze %dma_start3A_632 : memref<1x128xi32, #tpu.memory_space<vmem>> -> memref<128xi32, #tpu.memory_space<vmem>>
        %dma_start3A_634 = tpu.memref_slice %arg4[%add3A_616] : memref<320000xi32, #tpu.memory_space<hbm>> -> memref<128xi32, #tpu.memory_space<hbm>>
        tpu.enqueue_dma source(%dma_start3A_634 : memref<128xi32, #tpu.memory_space<hbm>>) target(%dma_start3A_633 : memref<128xi32, #tpu.memory_space<vmem>>) target_semaphore(%arg28 : memref<!tpu.dma_semaphore, #tpu.memory_space<semaphore_mem>>)
      } else {
      }
      %mul3A_335 = arith.constant 6 : i32
      %mul3A_336 = arith.muli %mul3A_335, %scan3A_311 : i32
      %add3A_337 = arith.constant 1 : i32
      %add3A_338 = arith.addi %mul3A_336, %add3A_337 : i32
      %dma_wait3A_339 = arith.constant 0 : i32
      %dma_wait3A_340 = arith.constant 0 : i32
      %dma_wait3A_341 = tpu.memref_slice %arg10[%dma_wait3A_339, %dma_wait3A_340] : memref<2x128xi32, #tpu.memory_space<vmem>> -> memref<1x128xi32, #tpu.memory_space<vmem>>
      %dma_wait3A_342 = tpu.memref_squeeze %dma_wait3A_341 : memref<1x128xi32, #tpu.memory_space<vmem>> -> memref<128xi32, #tpu.memory_space<vmem>>
      %dma_wait3A_343 = arith.constant 0 : i32
      %dma_wait3A_344 = arith.constant 0 : i32
      %dma_wait3A_345 = tpu.memref_slice %arg2[%dma_wait3A_343, %dma_wait3A_344] : memref<10000x128xf32, #tpu.memory_space<hbm>> -> memref<10000x128xf32, #tpu.memory_space<hbm>>
      tpu.wait_indirect_dma semaphore(%arg18 : memref<!tpu.dma_semaphore, #tpu.memory_space<semaphore_mem>>) src(%dma_wait3A_345 : memref<10000x128xf32, #tpu.memory_space<hbm>>) dst(%arg7 : memref<128x128xf32, #tpu.memory_space<vmem>>)
      %dma_start3A_346 = arith.constant 1 : i32
      %dma_start3A_347 = arith.constant 0 : i32
      %dma_start3A_348 = tpu.memref_slice %arg10[%dma_start3A_346, %dma_start3A_347] : memref<2x128xi32, #tpu.memory_space<vmem>> -> memref<1x128xi32, #tpu.memory_space<vmem>>
      %dma_start3A_349 = tpu.memref_squeeze %dma_start3A_348 : memref<1x128xi32, #tpu.memory_space<vmem>> -> memref<128xi32, #tpu.memory_space<vmem>>
      %dma_start3A_350 = arith.constant 0 : i32
      %dma_start3A_351 = arith.constant 0 : i32
      %dma_start3A_352 = tpu.memref_slice %arg16[%dma_start3A_350, %dma_start3A_351] : memref<10000x128xf32, #tpu.memory_space<vmem_shared>> -> memref<10000x128xf32, #tpu.memory_space<vmem_shared>>
      tpu.enqueue_indirect_dma source(%arg7 : memref<128x128xf32, #tpu.memory_space<vmem>>) target(%dma_start3A_352 : memref<10000x128xf32, #tpu.memory_space<vmem_shared>>) offsets(%dma_start3A_349 : memref<128xi32, #tpu.memory_space<vmem>>) semaphore(%arg21 : memref<!tpu.dma_semaphore, #tpu.memory_space<semaphore_mem>>) {add = true}
      %dma_wait3A_353 = arith.constant 1 : i32
      %dma_wait3A_354 = arith.constant 0 : i32
      %dma_wait3A_355 = tpu.memref_slice %arg9[%dma_wait3A_353, %dma_wait3A_354] : memref<2x128xi32, #tpu.memory_space<vmem>> -> memref<1x128xi32, #tpu.memory_space<vmem>>
      %dma_wait3A_356 = tpu.memref_squeeze %dma_wait3A_355 : memref<1x128xi32, #tpu.memory_space<vmem>> -> memref<128xi32, #tpu.memory_space<vmem>>
      %dma_wait3A_357 = arith.constant 0 : i32
      %dma_wait3A_358 = arith.constant 0 : i32
      %dma_wait3A_359 = tpu.memref_slice %arg16[%dma_wait3A_357, %dma_wait3A_358] : memref<10000x128xf32, #tpu.memory_space<vmem_shared>> -> memref<10000x128xf32, #tpu.memory_space<vmem_shared>>
      tpu.wait_indirect_dma semaphore(%arg20 : memref<!tpu.dma_semaphore, #tpu.memory_space<semaphore_mem>>) src(%arg6 : memref<128x128xf32, #tpu.memory_space<vmem>>) dst(%dma_wait3A_359 : memref<10000x128xf32, #tpu.memory_space<vmem_shared>>)
      %add3A_360 = arith.constant 2 : i32
      %add3A_361 = arith.addi %add3A_338, %add3A_360 : i32
      %mul3A_362 = arith.constant 128 : i32
      %mul3A_363 = arith.muli %add3A_361, %mul3A_362 : i32
      %add3A_364 = arith.addi %mul3A_2, %mul3A_363 : i32
      %dma_wait3A_365 = arith.constant 0 : i32
      %dma_wait3A_366 = arith.constant 0 : i32
      %dma_wait3A_367 = tpu.memref_slice %arg12[%dma_wait3A_365, %dma_wait3A_366] : memref<2x128xi32, #tpu.memory_space<vmem>> -> memref<1x128xi32, #tpu.memory_space<vmem>>
      %dma_wait3A_368 = tpu.memref_squeeze %dma_wait3A_367 : memref<1x128xi32, #tpu.memory_space<vmem>> -> memref<128xi32, #tpu.memory_space<vmem>>
      %dma_wait3A_369 = tpu.memref_slice %arg3[%add3A_364] : memref<320000xi32, #tpu.memory_space<hbm>> -> memref<128xi32, #tpu.memory_space<hbm>>
      %dma_wait3A_370 = arith.constant 0 : i32
      %dma_wait3A_371 = tpu.memref_slice %arg12[%dma_wait3A_365, %dma_wait3A_370] : memref<2x128xi32, #tpu.memory_space<vmem>> -> memref<1x128xi32, #tpu.memory_space<vmem>>
      %dma_wait3A_372 = tpu.memref_squeeze %dma_wait3A_371 : memref<1x128xi32, #tpu.memory_space<vmem>> -> memref<128xi32, #tpu.memory_space<vmem>>
      %dma_wait3A_373 = tpu.memref_slice %arg3[%add3A_364] : memref<320000xi32, #tpu.memory_space<hbm>> -> memref<128xi32, #tpu.memory_space<hbm>>
      tpu.wait_dma2 semaphore(%arg26 : memref<!tpu.dma_semaphore, #tpu.memory_space<semaphore_mem>>) src(%dma_wait3A_373 : memref<128xi32, #tpu.memory_space<hbm>>) dst(%dma_wait3A_372 : memref<128xi32, #tpu.memory_space<vmem>>)
      %dma_wait3A_374 = arith.constant 1 : i32
      %dma_wait3A_375 = arith.constant 0 : i32
      %dma_wait3A_376 = tpu.memref_slice %arg12[%dma_wait3A_374, %dma_wait3A_375] : memref<2x128xi32, #tpu.memory_space<vmem>> -> memref<1x128xi32, #tpu.memory_space<vmem>>
      %dma_wait3A_377 = tpu.memref_squeeze %dma_wait3A_376 : memref<1x128xi32, #tpu.memory_space<vmem>> -> memref<128xi32, #tpu.memory_space<vmem>>
      %dma_wait3A_378 = tpu.memref_slice %arg4[%add3A_364] : memref<320000xi32, #tpu.memory_space<hbm>> -> memref<128xi32, #tpu.memory_space<hbm>>
      %dma_wait3A_379 = arith.constant 0 : i32
      %dma_wait3A_380 = tpu.memref_slice %arg12[%dma_wait3A_374, %dma_wait3A_379] : memref<2x128xi32, #tpu.memory_space<vmem>> -> memref<1x128xi32, #tpu.memory_space<vmem>>
      %dma_wait3A_381 = tpu.memref_squeeze %dma_wait3A_380 : memref<1x128xi32, #tpu.memory_space<vmem>> -> memref<128xi32, #tpu.memory_space<vmem>>
      %dma_wait3A_382 = tpu.memref_slice %arg4[%add3A_364] : memref<320000xi32, #tpu.memory_space<hbm>> -> memref<128xi32, #tpu.memory_space<hbm>>
      tpu.wait_dma2 semaphore(%arg26 : memref<!tpu.dma_semaphore, #tpu.memory_space<semaphore_mem>>) src(%dma_wait3A_382 : memref<128xi32, #tpu.memory_space<hbm>>) dst(%dma_wait3A_381 : memref<128xi32, #tpu.memory_space<vmem>>)
      %dma_start3A_383 = arith.constant 0 : i32
      %dma_start3A_384 = arith.constant 0 : i32
      %dma_start3A_385 = tpu.memref_slice %arg12[%dma_start3A_383, %dma_start3A_384] : memref<2x128xi32, #tpu.memory_space<vmem>> -> memref<1x128xi32, #tpu.memory_space<vmem>>
      %dma_start3A_386 = tpu.memref_squeeze %dma_start3A_385 : memref<1x128xi32, #tpu.memory_space<vmem>> -> memref<128xi32, #tpu.memory_space<vmem>>
      %dma_start3A_387 = arith.constant 0 : i32
      %dma_start3A_388 = arith.constant 0 : i32
      %dma_start3A_389 = tpu.memref_slice %arg2[%dma_start3A_387, %dma_start3A_388] : memref<10000x128xf32, #tpu.memory_space<hbm>> -> memref<10000x128xf32, #tpu.memory_space<hbm>>
      tpu.enqueue_indirect_dma source(%dma_start3A_389 : memref<10000x128xf32, #tpu.memory_space<hbm>>) target(%arg6 : memref<128x128xf32, #tpu.memory_space<vmem>>) offsets(%dma_start3A_386 : memref<128xi32, #tpu.memory_space<vmem>>) semaphore(%arg17 : memref<!tpu.dma_semaphore, #tpu.memory_space<semaphore_mem>>)
      %lt3A = arith.constant 12 : i32
      %lt3A_390 = arith.cmpi slt, %scan3A_311, %lt3A : i32
      %convert_element_type3A_391 = arith.extui %lt3A_390 : i1 to i32
      %cond3A_392 = arith.constant 0 : i32
      %cond3A_393 = arith.cmpi ne, %convert_element_type3A_391, %cond3A_392 : i32
      scf.if %cond3A_393 {
        %add3A_575 = arith.constant 5 : i32
        %add3A_576 = arith.addi %add3A_338, %add3A_575 : i32
        %mul3A_577 = arith.constant 128 : i32
        %mul3A_578 = arith.muli %add3A_576, %mul3A_577 : i32
        %add3A_579 = arith.addi %mul3A_2, %mul3A_578 : i32
        %dma_start3A_580 = arith.constant 0 : i32
        %dma_start3A_581 = arith.constant 0 : i32
        %dma_start3A_582 = tpu.memref_slice %arg9[%dma_start3A_580, %dma_start3A_581] : memref<2x128xi32, #tpu.memory_space<vmem>> -> memref<1x128xi32, #tpu.memory_space<vmem>>
        %dma_start3A_583 = tpu.memref_squeeze %dma_start3A_582 : memref<1x128xi32, #tpu.memory_space<vmem>> -> memref<128xi32, #tpu.memory_space<vmem>>
        %dma_start3A_584 = tpu.memref_slice %arg3[%add3A_579] : memref<320000xi32, #tpu.memory_space<hbm>> -> memref<128xi32, #tpu.memory_space<hbm>>
        %dma_start3A_585 = arith.constant 0 : i32
        %dma_start3A_586 = tpu.memref_slice %arg9[%dma_start3A_580, %dma_start3A_585] : memref<2x128xi32, #tpu.memory_space<vmem>> -> memref<1x128xi32, #tpu.memory_space<vmem>>
        %dma_start3A_587 = tpu.memref_squeeze %dma_start3A_586 : memref<1x128xi32, #tpu.memory_space<vmem>> -> memref<128xi32, #tpu.memory_space<vmem>>
        %dma_start3A_588 = tpu.memref_slice %arg3[%add3A_579] : memref<320000xi32, #tpu.memory_space<hbm>> -> memref<128xi32, #tpu.memory_space<hbm>>
        tpu.enqueue_dma source(%dma_start3A_588 : memref<128xi32, #tpu.memory_space<hbm>>) target(%dma_start3A_587 : memref<128xi32, #tpu.memory_space<vmem>>) target_semaphore(%arg23 : memref<!tpu.dma_semaphore, #tpu.memory_space<semaphore_mem>>)
        %dma_start3A_589 = arith.constant 1 : i32
        %dma_start3A_590 = arith.constant 0 : i32
        %dma_start3A_591 = tpu.memref_slice %arg9[%dma_start3A_589, %dma_start3A_590] : memref<2x128xi32, #tpu.memory_space<vmem>> -> memref<1x128xi32, #tpu.memory_space<vmem>>
        %dma_start3A_592 = tpu.memref_squeeze %dma_start3A_591 : memref<1x128xi32, #tpu.memory_space<vmem>> -> memref<128xi32, #tpu.memory_space<vmem>>
        %dma_start3A_593 = tpu.memref_slice %arg4[%add3A_579] : memref<320000xi32, #tpu.memory_space<hbm>> -> memref<128xi32, #tpu.memory_space<hbm>>
        %dma_start3A_594 = arith.constant 0 : i32
        %dma_start3A_595 = tpu.memref_slice %arg9[%dma_start3A_589, %dma_start3A_594] : memref<2x128xi32, #tpu.memory_space<vmem>> -> memref<1x128xi32, #tpu.memory_space<vmem>>
        %dma_start3A_596 = tpu.memref_squeeze %dma_start3A_595 : memref<1x128xi32, #tpu.memory_space<vmem>> -> memref<128xi32, #tpu.memory_space<vmem>>
        %dma_start3A_597 = tpu.memref_slice %arg4[%add3A_579] : memref<320000xi32, #tpu.memory_space<hbm>> -> memref<128xi32, #tpu.memory_space<hbm>>
        tpu.enqueue_dma source(%dma_start3A_597 : memref<128xi32, #tpu.memory_space<hbm>>) target(%dma_start3A_596 : memref<128xi32, #tpu.memory_space<vmem>>) target_semaphore(%arg23 : memref<!tpu.dma_semaphore, #tpu.memory_space<semaphore_mem>>)
      } else {
      }
      %mul3A_394 = arith.constant 6 : i32
      %mul3A_395 = arith.muli %mul3A_394, %scan3A_311 : i32
      %add3A_396 = arith.constant 2 : i32
      %add3A_397 = arith.addi %mul3A_395, %add3A_396 : i32
      %dma_wait3A_398 = arith.constant 0 : i32
      %dma_wait3A_399 = arith.constant 0 : i32
      %dma_wait3A_400 = tpu.memref_slice %arg11[%dma_wait3A_398, %dma_wait3A_399] : memref<2x128xi32, #tpu.memory_space<vmem>> -> memref<1x128xi32, #tpu.memory_space<vmem>>
      %dma_wait3A_401 = tpu.memref_squeeze %dma_wait3A_400 : memref<1x128xi32, #tpu.memory_space<vmem>> -> memref<128xi32, #tpu.memory_space<vmem>>
      %dma_wait3A_402 = arith.constant 0 : i32
      %dma_wait3A_403 = arith.constant 0 : i32
      %dma_wait3A_404 = tpu.memref_slice %arg2[%dma_wait3A_402, %dma_wait3A_403] : memref<10000x128xf32, #tpu.memory_space<hbm>> -> memref<10000x128xf32, #tpu.memory_space<hbm>>
      tpu.wait_indirect_dma semaphore(%arg19 : memref<!tpu.dma_semaphore, #tpu.memory_space<semaphore_mem>>) src(%dma_wait3A_404 : memref<10000x128xf32, #tpu.memory_space<hbm>>) dst(%arg8 : memref<128x128xf32, #tpu.memory_space<vmem>>)
      %dma_start3A_405 = arith.constant 1 : i32
      %dma_start3A_406 = arith.constant 0 : i32
      %dma_start3A_407 = tpu.memref_slice %arg11[%dma_start3A_405, %dma_start3A_406] : memref<2x128xi32, #tpu.memory_space<vmem>> -> memref<1x128xi32, #tpu.memory_space<vmem>>
      %dma_start3A_408 = tpu.memref_squeeze %dma_start3A_407 : memref<1x128xi32, #tpu.memory_space<vmem>> -> memref<128xi32, #tpu.memory_space<vmem>>
      %dma_start3A_409 = arith.constant 0 : i32
      %dma_start3A_410 = arith.constant 0 : i32
      %dma_start3A_411 = tpu.memref_slice %arg16[%dma_start3A_409, %dma_start3A_410] : memref<10000x128xf32, #tpu.memory_space<vmem_shared>> -> memref<10000x128xf32, #tpu.memory_space<vmem_shared>>
      tpu.enqueue_indirect_dma source(%arg8 : memref<128x128xf32, #tpu.memory_space<vmem>>) target(%dma_start3A_411 : memref<10000x128xf32, #tpu.memory_space<vmem_shared>>) offsets(%dma_start3A_408 : memref<128xi32, #tpu.memory_space<vmem>>) semaphore(%arg22 : memref<!tpu.dma_semaphore, #tpu.memory_space<semaphore_mem>>) {add = true}
      %dma_wait3A_412 = arith.constant 1 : i32
      %dma_wait3A_413 = arith.constant 0 : i32
      %dma_wait3A_414 = tpu.memref_slice %arg10[%dma_wait3A_412, %dma_wait3A_413] : memref<2x128xi32, #tpu.memory_space<vmem>> -> memref<1x128xi32, #tpu.memory_space<vmem>>
      %dma_wait3A_415 = tpu.memref_squeeze %dma_wait3A_414 : memref<1x128xi32, #tpu.memory_space<vmem>> -> memref<128xi32, #tpu.memory_space<vmem>>
      %dma_wait3A_416 = arith.constant 0 : i32
      %dma_wait3A_417 = arith.constant 0 : i32
      %dma_wait3A_418 = tpu.memref_slice %arg16[%dma_wait3A_416, %dma_wait3A_417] : memref<10000x128xf32, #tpu.memory_space<vmem_shared>> -> memref<10000x128xf32, #tpu.memory_space<vmem_shared>>
      tpu.wait_indirect_dma semaphore(%arg21 : memref<!tpu.dma_semaphore, #tpu.memory_space<semaphore_mem>>) src(%arg7 : memref<128x128xf32, #tpu.memory_space<vmem>>) dst(%dma_wait3A_418 : memref<10000x128xf32, #tpu.memory_space<vmem_shared>>)
      %add3A_419 = arith.constant 2 : i32
      %add3A_420 = arith.addi %add3A_397, %add3A_419 : i32
      %mul3A_421 = arith.constant 128 : i32
      %mul3A_422 = arith.muli %add3A_420, %mul3A_421 : i32
      %add3A_423 = arith.addi %mul3A_2, %mul3A_422 : i32
      %dma_wait3A_424 = arith.constant 0 : i32
      %dma_wait3A_425 = arith.constant 0 : i32
      %dma_wait3A_426 = tpu.memref_slice %arg13[%dma_wait3A_424, %dma_wait3A_425] : memref<2x128xi32, #tpu.memory_space<vmem>> -> memref<1x128xi32, #tpu.memory_space<vmem>>
      %dma_wait3A_427 = tpu.memref_squeeze %dma_wait3A_426 : memref<1x128xi32, #tpu.memory_space<vmem>> -> memref<128xi32, #tpu.memory_space<vmem>>
      %dma_wait3A_428 = tpu.memref_slice %arg3[%add3A_423] : memref<320000xi32, #tpu.memory_space<hbm>> -> memref<128xi32, #tpu.memory_space<hbm>>
      %dma_wait3A_429 = arith.constant 0 : i32
      %dma_wait3A_430 = tpu.memref_slice %arg13[%dma_wait3A_424, %dma_wait3A_429] : memref<2x128xi32, #tpu.memory_space<vmem>> -> memref<1x128xi32, #tpu.memory_space<vmem>>
      %dma_wait3A_431 = tpu.memref_squeeze %dma_wait3A_430 : memref<1x128xi32, #tpu.memory_space<vmem>> -> memref<128xi32, #tpu.memory_space<vmem>>
      %dma_wait3A_432 = tpu.memref_slice %arg3[%add3A_423] : memref<320000xi32, #tpu.memory_space<hbm>> -> memref<128xi32, #tpu.memory_space<hbm>>
      tpu.wait_dma2 semaphore(%arg27 : memref<!tpu.dma_semaphore, #tpu.memory_space<semaphore_mem>>) src(%dma_wait3A_432 : memref<128xi32, #tpu.memory_space<hbm>>) dst(%dma_wait3A_431 : memref<128xi32, #tpu.memory_space<vmem>>)
      %dma_wait3A_433 = arith.constant 1 : i32
      %dma_wait3A_434 = arith.constant 0 : i32
      %dma_wait3A_435 = tpu.memref_slice %arg13[%dma_wait3A_433, %dma_wait3A_434] : memref<2x128xi32, #tpu.memory_space<vmem>> -> memref<1x128xi32, #tpu.memory_space<vmem>>
      %dma_wait3A_436 = tpu.memref_squeeze %dma_wait3A_435 : memref<1x128xi32, #tpu.memory_space<vmem>> -> memref<128xi32, #tpu.memory_space<vmem>>
      %dma_wait3A_437 = tpu.memref_slice %arg4[%add3A_423] : memref<320000xi32, #tpu.memory_space<hbm>> -> memref<128xi32, #tpu.memory_space<hbm>>
      %dma_wait3A_438 = arith.constant 0 : i32
      %dma_wait3A_439 = tpu.memref_slice %arg13[%dma_wait3A_433, %dma_wait3A_438] : memref<2x128xi32, #tpu.memory_space<vmem>> -> memref<1x128xi32, #tpu.memory_space<vmem>>
      %dma_wait3A_440 = tpu.memref_squeeze %dma_wait3A_439 : memref<1x128xi32, #tpu.memory_space<vmem>> -> memref<128xi32, #tpu.memory_space<vmem>>
      %dma_wait3A_441 = tpu.memref_slice %arg4[%add3A_423] : memref<320000xi32, #tpu.memory_space<hbm>> -> memref<128xi32, #tpu.memory_space<hbm>>
      tpu.wait_dma2 semaphore(%arg27 : memref<!tpu.dma_semaphore, #tpu.memory_space<semaphore_mem>>) src(%dma_wait3A_441 : memref<128xi32, #tpu.memory_space<hbm>>) dst(%dma_wait3A_440 : memref<128xi32, #tpu.memory_space<vmem>>)
      %dma_start3A_442 = arith.constant 0 : i32
      %dma_start3A_443 = arith.constant 0 : i32
      %dma_start3A_444 = tpu.memref_slice %arg13[%dma_start3A_442, %dma_start3A_443] : memref<2x128xi32, #tpu.memory_space<vmem>> -> memref<1x128xi32, #tpu.memory_space<vmem>>
      %dma_start3A_445 = tpu.memref_squeeze %dma_start3A_444 : memref<1x128xi32, #tpu.memory_space<vmem>> -> memref<128xi32, #tpu.memory_space<vmem>>
      %dma_start3A_446 = arith.constant 0 : i32
      %dma_start3A_447 = arith.constant 0 : i32
      %dma_start3A_448 = tpu.memref_slice %arg2[%dma_start3A_446, %dma_start3A_447] : memref<10000x128xf32, #tpu.memory_space<hbm>> -> memref<10000x128xf32, #tpu.memory_space<hbm>>
      tpu.enqueue_indirect_dma source(%dma_start3A_448 : memref<10000x128xf32, #tpu.memory_space<hbm>>) target(%arg7 : memref<128x128xf32, #tpu.memory_space<vmem>>) offsets(%dma_start3A_445 : memref<128xi32, #tpu.memory_space<vmem>>) semaphore(%arg18 : memref<!tpu.dma_semaphore, #tpu.memory_space<semaphore_mem>>)
      %lt3A_449 = arith.constant 12 : i32
      %lt3A_450 = arith.cmpi slt, %scan3A_311, %lt3A_449 : i32
      %convert_element_type3A_451 = arith.extui %lt3A_450 : i1 to i32
      %cond3A_452 = arith.constant 0 : i32
      %cond3A_453 = arith.cmpi ne, %convert_element_type3A_451, %cond3A_452 : i32
      scf.if %cond3A_453 {
        %add3A_575 = arith.constant 5 : i32
        %add3A_576 = arith.addi %add3A_397, %add3A_575 : i32
        %mul3A_577 = arith.constant 128 : i32
        %mul3A_578 = arith.muli %add3A_576, %mul3A_577 : i32
        %add3A_579 = arith.addi %mul3A_2, %mul3A_578 : i32
        %dma_start3A_580 = arith.constant 0 : i32
        %dma_start3A_581 = arith.constant 0 : i32
        %dma_start3A_582 = tpu.memref_slice %arg10[%dma_start3A_580, %dma_start3A_581] : memref<2x128xi32, #tpu.memory_space<vmem>> -> memref<1x128xi32, #tpu.memory_space<vmem>>
        %dma_start3A_583 = tpu.memref_squeeze %dma_start3A_582 : memref<1x128xi32, #tpu.memory_space<vmem>> -> memref<128xi32, #tpu.memory_space<vmem>>
        %dma_start3A_584 = tpu.memref_slice %arg3[%add3A_579] : memref<320000xi32, #tpu.memory_space<hbm>> -> memref<128xi32, #tpu.memory_space<hbm>>
        %dma_start3A_585 = arith.constant 0 : i32
        %dma_start3A_586 = tpu.memref_slice %arg10[%dma_start3A_580, %dma_start3A_585] : memref<2x128xi32, #tpu.memory_space<vmem>> -> memref<1x128xi32, #tpu.memory_space<vmem>>
        %dma_start3A_587 = tpu.memref_squeeze %dma_start3A_586 : memref<1x128xi32, #tpu.memory_space<vmem>> -> memref<128xi32, #tpu.memory_space<vmem>>
        %dma_start3A_588 = tpu.memref_slice %arg3[%add3A_579] : memref<320000xi32, #tpu.memory_space<hbm>> -> memref<128xi32, #tpu.memory_space<hbm>>
        tpu.enqueue_dma source(%dma_start3A_588 : memref<128xi32, #tpu.memory_space<hbm>>) target(%dma_start3A_587 : memref<128xi32, #tpu.memory_space<vmem>>) target_semaphore(%arg24 : memref<!tpu.dma_semaphore, #tpu.memory_space<semaphore_mem>>)
        %dma_start3A_589 = arith.constant 1 : i32
        %dma_start3A_590 = arith.constant 0 : i32
        %dma_start3A_591 = tpu.memref_slice %arg10[%dma_start3A_589, %dma_start3A_590] : memref<2x128xi32, #tpu.memory_space<vmem>> -> memref<1x128xi32, #tpu.memory_space<vmem>>
        %dma_start3A_592 = tpu.memref_squeeze %dma_start3A_591 : memref<1x128xi32, #tpu.memory_space<vmem>> -> memref<128xi32, #tpu.memory_space<vmem>>
        %dma_start3A_593 = tpu.memref_slice %arg4[%add3A_579] : memref<320000xi32, #tpu.memory_space<hbm>> -> memref<128xi32, #tpu.memory_space<hbm>>
        %dma_start3A_594 = arith.constant 0 : i32
        %dma_start3A_595 = tpu.memref_slice %arg10[%dma_start3A_589, %dma_start3A_594] : memref<2x128xi32, #tpu.memory_space<vmem>> -> memref<1x128xi32, #tpu.memory_space<vmem>>
        %dma_start3A_596 = tpu.memref_squeeze %dma_start3A_595 : memref<1x128xi32, #tpu.memory_space<vmem>> -> memref<128xi32, #tpu.memory_space<vmem>>
        %dma_start3A_597 = tpu.memref_slice %arg4[%add3A_579] : memref<320000xi32, #tpu.memory_space<hbm>> -> memref<128xi32, #tpu.memory_space<hbm>>
        tpu.enqueue_dma source(%dma_start3A_597 : memref<128xi32, #tpu.memory_space<hbm>>) target(%dma_start3A_596 : memref<128xi32, #tpu.memory_space<vmem>>) target_semaphore(%arg24 : memref<!tpu.dma_semaphore, #tpu.memory_space<semaphore_mem>>)
      } else {
      }
      %mul3A_454 = arith.constant 6 : i32
      %mul3A_455 = arith.muli %mul3A_454, %scan3A_311 : i32
      %add3A_456 = arith.constant 3 : i32
      %add3A_457 = arith.addi %mul3A_455, %add3A_456 : i32
      %dma_wait3A_458 = arith.constant 0 : i32
      %dma_wait3A_459 = arith.constant 0 : i32
      %dma_wait3A_460 = tpu.memref_slice %arg12[%dma_wait3A_458, %dma_wait3A_459] : memref<2x128xi32, #tpu.memory_space<vmem>> -> memref<1x128xi32, #tpu.memory_space<vmem>>
      %dma_wait3A_461 = tpu.memref_squeeze %dma_wait3A_460 : memref<1x128xi32, #tpu.memory_space<vmem>> -> memref<128xi32, #tpu.memory_space<vmem>>
      %dma_wait3A_462 = arith.constant 0 : i32
      %dma_wait3A_463 = arith.constant 0 : i32
      %dma_wait3A_464 = tpu.memref_slice %arg2[%dma_wait3A_462, %dma_wait3A_463] : memref<10000x128xf32, #tpu.memory_space<hbm>> -> memref<10000x128xf32, #tpu.memory_space<hbm>>
      tpu.wait_indirect_dma semaphore(%arg17 : memref<!tpu.dma_semaphore, #tpu.memory_space<semaphore_mem>>) src(%dma_wait3A_464 : memref<10000x128xf32, #tpu.memory_space<hbm>>) dst(%arg6 : memref<128x128xf32, #tpu.memory_space<vmem>>)
      %dma_start3A_465 = arith.constant 1 : i32
      %dma_start3A_466 = arith.constant 0 : i32
      %dma_start3A_467 = tpu.memref_slice %arg12[%dma_start3A_465, %dma_start3A_466] : memref<2x128xi32, #tpu.memory_space<vmem>> -> memref<1x128xi32, #tpu.memory_space<vmem>>
      %dma_start3A_468 = tpu.memref_squeeze %dma_start3A_467 : memref<1x128xi32, #tpu.memory_space<vmem>> -> memref<128xi32, #tpu.memory_space<vmem>>
      %dma_start3A_469 = arith.constant 0 : i32
      %dma_start3A_470 = arith.constant 0 : i32
      %dma_start3A_471 = tpu.memref_slice %arg16[%dma_start3A_469, %dma_start3A_470] : memref<10000x128xf32, #tpu.memory_space<vmem_shared>> -> memref<10000x128xf32, #tpu.memory_space<vmem_shared>>
      tpu.enqueue_indirect_dma source(%arg6 : memref<128x128xf32, #tpu.memory_space<vmem>>) target(%dma_start3A_471 : memref<10000x128xf32, #tpu.memory_space<vmem_shared>>) offsets(%dma_start3A_468 : memref<128xi32, #tpu.memory_space<vmem>>) semaphore(%arg20 : memref<!tpu.dma_semaphore, #tpu.memory_space<semaphore_mem>>) {add = true}
      %dma_wait3A_472 = arith.constant 1 : i32
      %dma_wait3A_473 = arith.constant 0 : i32
      %dma_wait3A_474 = tpu.memref_slice %arg11[%dma_wait3A_472, %dma_wait3A_473] : memref<2x128xi32, #tpu.memory_space<vmem>> -> memref<1x128xi32, #tpu.memory_space<vmem>>
      %dma_wait3A_475 = tpu.memref_squeeze %dma_wait3A_474 : memref<1x128xi32, #tpu.memory_space<vmem>> -> memref<128xi32, #tpu.memory_space<vmem>>
      %dma_wait3A_476 = arith.constant 0 : i32
      %dma_wait3A_477 = arith.constant 0 : i32
      %dma_wait3A_478 = tpu.memref_slice %arg16[%dma_wait3A_476, %dma_wait3A_477] : memref<10000x128xf32, #tpu.memory_space<vmem_shared>> -> memref<10000x128xf32, #tpu.memory_space<vmem_shared>>
      tpu.wait_indirect_dma semaphore(%arg22 : memref<!tpu.dma_semaphore, #tpu.memory_space<semaphore_mem>>) src(%arg8 : memref<128x128xf32, #tpu.memory_space<vmem>>) dst(%dma_wait3A_478 : memref<10000x128xf32, #tpu.memory_space<vmem_shared>>)
      %add3A_479 = arith.constant 2 : i32
      %add3A_480 = arith.addi %add3A_457, %add3A_479 : i32
      %mul3A_481 = arith.constant 128 : i32
      %mul3A_482 = arith.muli %add3A_480, %mul3A_481 : i32
      %add3A_483 = arith.addi %mul3A_2, %mul3A_482 : i32
      %dma_wait3A_484 = arith.constant 0 : i32
      %dma_wait3A_485 = arith.constant 0 : i32
      %dma_wait3A_486 = tpu.memref_slice %arg14[%dma_wait3A_484, %dma_wait3A_485] : memref<2x128xi32, #tpu.memory_space<vmem>> -> memref<1x128xi32, #tpu.memory_space<vmem>>
      %dma_wait3A_487 = tpu.memref_squeeze %dma_wait3A_486 : memref<1x128xi32, #tpu.memory_space<vmem>> -> memref<128xi32, #tpu.memory_space<vmem>>
      %dma_wait3A_488 = tpu.memref_slice %arg3[%add3A_483] : memref<320000xi32, #tpu.memory_space<hbm>> -> memref<128xi32, #tpu.memory_space<hbm>>
      %dma_wait3A_489 = arith.constant 0 : i32
      %dma_wait3A_490 = tpu.memref_slice %arg14[%dma_wait3A_484, %dma_wait3A_489] : memref<2x128xi32, #tpu.memory_space<vmem>> -> memref<1x128xi32, #tpu.memory_space<vmem>>
      %dma_wait3A_491 = tpu.memref_squeeze %dma_wait3A_490 : memref<1x128xi32, #tpu.memory_space<vmem>> -> memref<128xi32, #tpu.memory_space<vmem>>
      %dma_wait3A_492 = tpu.memref_slice %arg3[%add3A_483] : memref<320000xi32, #tpu.memory_space<hbm>> -> memref<128xi32, #tpu.memory_space<hbm>>
      tpu.wait_dma2 semaphore(%arg28 : memref<!tpu.dma_semaphore, #tpu.memory_space<semaphore_mem>>) src(%dma_wait3A_492 : memref<128xi32, #tpu.memory_space<hbm>>) dst(%dma_wait3A_491 : memref<128xi32, #tpu.memory_space<vmem>>)
      %dma_wait3A_493 = arith.constant 1 : i32
      %dma_wait3A_494 = arith.constant 0 : i32
      %dma_wait3A_495 = tpu.memref_slice %arg14[%dma_wait3A_493, %dma_wait3A_494] : memref<2x128xi32, #tpu.memory_space<vmem>> -> memref<1x128xi32, #tpu.memory_space<vmem>>
      %dma_wait3A_496 = tpu.memref_squeeze %dma_wait3A_495 : memref<1x128xi32, #tpu.memory_space<vmem>> -> memref<128xi32, #tpu.memory_space<vmem>>
      %dma_wait3A_497 = tpu.memref_slice %arg4[%add3A_483] : memref<320000xi32, #tpu.memory_space<hbm>> -> memref<128xi32, #tpu.memory_space<hbm>>
      %dma_wait3A_498 = arith.constant 0 : i32
      %dma_wait3A_499 = tpu.memref_slice %arg14[%dma_wait3A_493, %dma_wait3A_498] : memref<2x128xi32, #tpu.memory_space<vmem>> -> memref<1x128xi32, #tpu.memory_space<vmem>>
      %dma_wait3A_500 = tpu.memref_squeeze %dma_wait3A_499 : memref<1x128xi32, #tpu.memory_space<vmem>> -> memref<128xi32, #tpu.memory_space<vmem>>
      %dma_wait3A_501 = tpu.memref_slice %arg4[%add3A_483] : memref<320000xi32, #tpu.memory_space<hbm>> -> memref<128xi32, #tpu.memory_space<hbm>>
      tpu.wait_dma2 semaphore(%arg28 : memref<!tpu.dma_semaphore, #tpu.memory_space<semaphore_mem>>) src(%dma_wait3A_501 : memref<128xi32, #tpu.memory_space<hbm>>) dst(%dma_wait3A_500 : memref<128xi32, #tpu.memory_space<vmem>>)
      %dma_start3A_502 = arith.constant 0 : i32
      %dma_start3A_503 = arith.constant 0 : i32
      %dma_start3A_504 = tpu.memref_slice %arg14[%dma_start3A_502, %dma_start3A_503] : memref<2x128xi32, #tpu.memory_space<vmem>> -> memref<1x128xi32, #tpu.memory_space<vmem>>
      %dma_start3A_505 = tpu.memref_squeeze %dma_start3A_504 : memref<1x128xi32, #tpu.memory_space<vmem>> -> memref<128xi32, #tpu.memory_space<vmem>>
      %dma_start3A_506 = arith.constant 0 : i32
      %dma_start3A_507 = arith.constant 0 : i32
      %dma_start3A_508 = tpu.memref_slice %arg2[%dma_start3A_506, %dma_start3A_507] : memref<10000x128xf32, #tpu.memory_space<hbm>> -> memref<10000x128xf32, #tpu.memory_space<hbm>>
      tpu.enqueue_indirect_dma source(%dma_start3A_508 : memref<10000x128xf32, #tpu.memory_space<hbm>>) target(%arg8 : memref<128x128xf32, #tpu.memory_space<vmem>>) offsets(%dma_start3A_505 : memref<128xi32, #tpu.memory_space<vmem>>) semaphore(%arg19 : memref<!tpu.dma_semaphore, #tpu.memory_space<semaphore_mem>>)
      %lt3A_509 = arith.constant 12 : i32
      %lt3A_510 = arith.cmpi slt, %scan3A_311, %lt3A_509 : i32
      %convert_element_type3A_511 = arith.extui %lt3A_510 : i1 to i32
      %cond3A_512 = arith.constant 0 : i32
      %cond3A_513 = arith.cmpi ne, %convert_element_type3A_511, %cond3A_512 : i32
      scf.if %cond3A_513 {
        %add3A_575 = arith.constant 5 : i32
        %add3A_576 = arith.addi %add3A_457, %add3A_575 : i32
        %mul3A_577 = arith.constant 128 : i32
        %mul3A_578 = arith.muli %add3A_576, %mul3A_577 : i32
        %add3A_579 = arith.addi %mul3A_2, %mul3A_578 : i32
        %dma_start3A_580 = arith.constant 0 : i32
        %dma_start3A_581 = arith.constant 0 : i32
        %dma_start3A_582 = tpu.memref_slice %arg11[%dma_start3A_580, %dma_start3A_581] : memref<2x128xi32, #tpu.memory_space<vmem>> -> memref<1x128xi32, #tpu.memory_space<vmem>>
        %dma_start3A_583 = tpu.memref_squeeze %dma_start3A_582 : memref<1x128xi32, #tpu.memory_space<vmem>> -> memref<128xi32, #tpu.memory_space<vmem>>
        %dma_start3A_584 = tpu.memref_slice %arg3[%add3A_579] : memref<320000xi32, #tpu.memory_space<hbm>> -> memref<128xi32, #tpu.memory_space<hbm>>
        %dma_start3A_585 = arith.constant 0 : i32
        %dma_start3A_586 = tpu.memref_slice %arg11[%dma_start3A_580, %dma_start3A_585] : memref<2x128xi32, #tpu.memory_space<vmem>> -> memref<1x128xi32, #tpu.memory_space<vmem>>
        %dma_start3A_587 = tpu.memref_squeeze %dma_start3A_586 : memref<1x128xi32, #tpu.memory_space<vmem>> -> memref<128xi32, #tpu.memory_space<vmem>>
        %dma_start3A_588 = tpu.memref_slice %arg3[%add3A_579] : memref<320000xi32, #tpu.memory_space<hbm>> -> memref<128xi32, #tpu.memory_space<hbm>>
        tpu.enqueue_dma source(%dma_start3A_588 : memref<128xi32, #tpu.memory_space<hbm>>) target(%dma_start3A_587 : memref<128xi32, #tpu.memory_space<vmem>>) target_semaphore(%arg25 : memref<!tpu.dma_semaphore, #tpu.memory_space<semaphore_mem>>)
        %dma_start3A_589 = arith.constant 1 : i32
        %dma_start3A_590 = arith.constant 0 : i32
        %dma_start3A_591 = tpu.memref_slice %arg11[%dma_start3A_589, %dma_start3A_590] : memref<2x128xi32, #tpu.memory_space<vmem>> -> memref<1x128xi32, #tpu.memory_space<vmem>>
        %dma_start3A_592 = tpu.memref_squeeze %dma_start3A_591 : memref<1x128xi32, #tpu.memory_space<vmem>> -> memref<128xi32, #tpu.memory_space<vmem>>
        %dma_start3A_593 = tpu.memref_slice %arg4[%add3A_579] : memref<320000xi32, #tpu.memory_space<hbm>> -> memref<128xi32, #tpu.memory_space<hbm>>
        %dma_start3A_594 = arith.constant 0 : i32
        %dma_start3A_595 = tpu.memref_slice %arg11[%dma_start3A_589, %dma_start3A_594] : memref<2x128xi32, #tpu.memory_space<vmem>> -> memref<1x128xi32, #tpu.memory_space<vmem>>
        %dma_start3A_596 = tpu.memref_squeeze %dma_start3A_595 : memref<1x128xi32, #tpu.memory_space<vmem>> -> memref<128xi32, #tpu.memory_space<vmem>>
        %dma_start3A_597 = tpu.memref_slice %arg4[%add3A_579] : memref<320000xi32, #tpu.memory_space<hbm>> -> memref<128xi32, #tpu.memory_space<hbm>>
        tpu.enqueue_dma source(%dma_start3A_597 : memref<128xi32, #tpu.memory_space<hbm>>) target(%dma_start3A_596 : memref<128xi32, #tpu.memory_space<vmem>>) target_semaphore(%arg25 : memref<!tpu.dma_semaphore, #tpu.memory_space<semaphore_mem>>)
      } else {
      }
      %mul3A_514 = arith.constant 6 : i32
      %mul3A_515 = arith.muli %mul3A_514, %scan3A_311 : i32
      %add3A_516 = arith.constant 4 : i32
      %add3A_517 = arith.addi %mul3A_515, %add3A_516 : i32
      %dma_wait3A_518 = arith.constant 0 : i32
      %dma_wait3A_519 = arith.constant 0 : i32
      %dma_wait3A_520 = tpu.memref_slice %arg13[%dma_wait3A_518, %dma_wait3A_519] : memref<2x128xi32, #tpu.memory_space<vmem>> -> memref<1x128xi32, #tpu.memory_space<vmem>>
      %dma_wait3A_521 = tpu.memref_squeeze %dma_wait3A_520 : memref<1x128xi32, #tpu.memory_space<vmem>> -> memref<128xi32, #tpu.memory_space<vmem>>
      %dma_wait3A_522 = arith.constant 0 : i32
      %dma_wait3A_523 = arith.constant 0 : i32
      %dma_wait3A_524 = tpu.memref_slice %arg2[%dma_wait3A_522, %dma_wait3A_523] : memref<10000x128xf32, #tpu.memory_space<hbm>> -> memref<10000x128xf32, #tpu.memory_space<hbm>>
      tpu.wait_indirect_dma semaphore(%arg18 : memref<!tpu.dma_semaphore, #tpu.memory_space<semaphore_mem>>) src(%dma_wait3A_524 : memref<10000x128xf32, #tpu.memory_space<hbm>>) dst(%arg7 : memref<128x128xf32, #tpu.memory_space<vmem>>)
      %dma_start3A_525 = arith.constant 1 : i32
      %dma_start3A_526 = arith.constant 0 : i32
      %dma_start3A_527 = tpu.memref_slice %arg13[%dma_start3A_525, %dma_start3A_526] : memref<2x128xi32, #tpu.memory_space<vmem>> -> memref<1x128xi32, #tpu.memory_space<vmem>>
      %dma_start3A_528 = tpu.memref_squeeze %dma_start3A_527 : memref<1x128xi32, #tpu.memory_space<vmem>> -> memref<128xi32, #tpu.memory_space<vmem>>
      %dma_start3A_529 = arith.constant 0 : i32
      %dma_start3A_530 = arith.constant 0 : i32
      %dma_start3A_531 = tpu.memref_slice %arg16[%dma_start3A_529, %dma_start3A_530] : memref<10000x128xf32, #tpu.memory_space<vmem_shared>> -> memref<10000x128xf32, #tpu.memory_space<vmem_shared>>
      tpu.enqueue_indirect_dma source(%arg7 : memref<128x128xf32, #tpu.memory_space<vmem>>) target(%dma_start3A_531 : memref<10000x128xf32, #tpu.memory_space<vmem_shared>>) offsets(%dma_start3A_528 : memref<128xi32, #tpu.memory_space<vmem>>) semaphore(%arg21 : memref<!tpu.dma_semaphore, #tpu.memory_space<semaphore_mem>>) {add = true}
      %dma_wait3A_532 = arith.constant 1 : i32
      %dma_wait3A_533 = arith.constant 0 : i32
      %dma_wait3A_534 = tpu.memref_slice %arg12[%dma_wait3A_532, %dma_wait3A_533] : memref<2x128xi32, #tpu.memory_space<vmem>> -> memref<1x128xi32, #tpu.memory_space<vmem>>
      %dma_wait3A_535 = tpu.memref_squeeze %dma_wait3A_534 : memref<1x128xi32, #tpu.memory_space<vmem>> -> memref<128xi32, #tpu.memory_space<vmem>>
      %dma_wait3A_536 = arith.constant 0 : i32
      %dma_wait3A_537 = arith.constant 0 : i32
      %dma_wait3A_538 = tpu.memref_slice %arg16[%dma_wait3A_536, %dma_wait3A_537] : memref<10000x128xf32, #tpu.memory_space<vmem_shared>> -> memref<10000x128xf32, #tpu.memory_space<vmem_shared>>
      tpu.wait_indirect_dma semaphore(%arg20 : memref<!tpu.dma_semaphore, #tpu.memory_space<semaphore_mem>>) src(%arg6 : memref<128x128xf32, #tpu.memory_space<vmem>>) dst(%dma_wait3A_538 : memref<10000x128xf32, #tpu.memory_space<vmem_shared>>)
      %lt3A_539 = arith.constant 12 : i32
      %lt3A_540 = arith.cmpi slt, %scan3A_311, %lt3A_539 : i32
      %convert_element_type3A_541 = arith.extui %lt3A_540 : i1 to i32
      %cond3A_542 = arith.constant 0 : i32
      %cond3A_543 = arith.cmpi ne, %convert_element_type3A_541, %cond3A_542 : i32
      scf.if %cond3A_543 {
        %add3A_575 = arith.constant 2 : i32
        %add3A_576 = arith.addi %add3A_517, %add3A_575 : i32
        %mul3A_577 = arith.constant 128 : i32
        %mul3A_578 = arith.muli %add3A_576, %mul3A_577 : i32
        %add3A_579 = arith.addi %mul3A_2, %mul3A_578 : i32
        %dma_wait3A_580 = arith.constant 0 : i32
        %dma_wait3A_581 = arith.constant 0 : i32
        %dma_wait3A_582 = tpu.memref_slice %arg9[%dma_wait3A_580, %dma_wait3A_581] : memref<2x128xi32, #tpu.memory_space<vmem>> -> memref<1x128xi32, #tpu.memory_space<vmem>>
        %dma_wait3A_583 = tpu.memref_squeeze %dma_wait3A_582 : memref<1x128xi32, #tpu.memory_space<vmem>> -> memref<128xi32, #tpu.memory_space<vmem>>
        %dma_wait3A_584 = tpu.memref_slice %arg3[%add3A_579] : memref<320000xi32, #tpu.memory_space<hbm>> -> memref<128xi32, #tpu.memory_space<hbm>>
        %dma_wait3A_585 = arith.constant 0 : i32
        %dma_wait3A_586 = tpu.memref_slice %arg9[%dma_wait3A_580, %dma_wait3A_585] : memref<2x128xi32, #tpu.memory_space<vmem>> -> memref<1x128xi32, #tpu.memory_space<vmem>>
        %dma_wait3A_587 = tpu.memref_squeeze %dma_wait3A_586 : memref<1x128xi32, #tpu.memory_space<vmem>> -> memref<128xi32, #tpu.memory_space<vmem>>
        %dma_wait3A_588 = tpu.memref_slice %arg3[%add3A_579] : memref<320000xi32, #tpu.memory_space<hbm>> -> memref<128xi32, #tpu.memory_space<hbm>>
        tpu.wait_dma2 semaphore(%arg23 : memref<!tpu.dma_semaphore, #tpu.memory_space<semaphore_mem>>) src(%dma_wait3A_588 : memref<128xi32, #tpu.memory_space<hbm>>) dst(%dma_wait3A_587 : memref<128xi32, #tpu.memory_space<vmem>>)
        %dma_wait3A_589 = arith.constant 1 : i32
        %dma_wait3A_590 = arith.constant 0 : i32
        %dma_wait3A_591 = tpu.memref_slice %arg9[%dma_wait3A_589, %dma_wait3A_590] : memref<2x128xi32, #tpu.memory_space<vmem>> -> memref<1x128xi32, #tpu.memory_space<vmem>>
        %dma_wait3A_592 = tpu.memref_squeeze %dma_wait3A_591 : memref<1x128xi32, #tpu.memory_space<vmem>> -> memref<128xi32, #tpu.memory_space<vmem>>
        %dma_wait3A_593 = tpu.memref_slice %arg4[%add3A_579] : memref<320000xi32, #tpu.memory_space<hbm>> -> memref<128xi32, #tpu.memory_space<hbm>>
        %dma_wait3A_594 = arith.constant 0 : i32
        %dma_wait3A_595 = tpu.memref_slice %arg9[%dma_wait3A_589, %dma_wait3A_594] : memref<2x128xi32, #tpu.memory_space<vmem>> -> memref<1x128xi32, #tpu.memory_space<vmem>>
        %dma_wait3A_596 = tpu.memref_squeeze %dma_wait3A_595 : memref<1x128xi32, #tpu.memory_space<vmem>> -> memref<128xi32, #tpu.memory_space<vmem>>
        %dma_wait3A_597 = tpu.memref_slice %arg4[%add3A_579] : memref<320000xi32, #tpu.memory_space<hbm>> -> memref<128xi32, #tpu.memory_space<hbm>>
        tpu.wait_dma2 semaphore(%arg23 : memref<!tpu.dma_semaphore, #tpu.memory_space<semaphore_mem>>) src(%dma_wait3A_597 : memref<128xi32, #tpu.memory_space<hbm>>) dst(%dma_wait3A_596 : memref<128xi32, #tpu.memory_space<vmem>>)
        %dma_start3A_598 = arith.constant 0 : i32
        %dma_start3A_599 = arith.constant 0 : i32
        %dma_start3A_600 = tpu.memref_slice %arg9[%dma_start3A_598, %dma_start3A_599] : memref<2x128xi32, #tpu.memory_space<vmem>> -> memref<1x128xi32, #tpu.memory_space<vmem>>
        %dma_start3A_601 = tpu.memref_squeeze %dma_start3A_600 : memref<1x128xi32, #tpu.memory_space<vmem>> -> memref<128xi32, #tpu.memory_space<vmem>>
        %dma_start3A_602 = arith.constant 0 : i32
        %dma_start3A_603 = arith.constant 0 : i32
        %dma_start3A_604 = tpu.memref_slice %arg2[%dma_start3A_602, %dma_start3A_603] : memref<10000x128xf32, #tpu.memory_space<hbm>> -> memref<10000x128xf32, #tpu.memory_space<hbm>>
        tpu.enqueue_indirect_dma source(%dma_start3A_604 : memref<10000x128xf32, #tpu.memory_space<hbm>>) target(%arg6 : memref<128x128xf32, #tpu.memory_space<vmem>>) offsets(%dma_start3A_601 : memref<128xi32, #tpu.memory_space<vmem>>) semaphore(%arg17 : memref<!tpu.dma_semaphore, #tpu.memory_space<semaphore_mem>>)
        %add3A_605 = arith.constant 5 : i32
        %add3A_606 = arith.addi %add3A_517, %add3A_605 : i32
        %mul3A_607 = arith.constant 128 : i32
        %mul3A_608 = arith.muli %add3A_606, %mul3A_607 : i32
        %add3A_609 = arith.addi %mul3A_2, %mul3A_608 : i32
        %dma_start3A_610 = arith.constant 0 : i32
        %dma_start3A_611 = arith.constant 0 : i32
        %dma_start3A_612 = tpu.memref_slice %arg12[%dma_start3A_610, %dma_start3A_611] : memref<2x128xi32, #tpu.memory_space<vmem>> -> memref<1x128xi32, #tpu.memory_space<vmem>>
        %dma_start3A_613 = tpu.memref_squeeze %dma_start3A_612 : memref<1x128xi32, #tpu.memory_space<vmem>> -> memref<128xi32, #tpu.memory_space<vmem>>
        %dma_start3A_614 = tpu.memref_slice %arg3[%add3A_609] : memref<320000xi32, #tpu.memory_space<hbm>> -> memref<128xi32, #tpu.memory_space<hbm>>
        %dma_start3A_615 = arith.constant 0 : i32
        %dma_start3A_616 = tpu.memref_slice %arg12[%dma_start3A_610, %dma_start3A_615] : memref<2x128xi32, #tpu.memory_space<vmem>> -> memref<1x128xi32, #tpu.memory_space<vmem>>
        %dma_start3A_617 = tpu.memref_squeeze %dma_start3A_616 : memref<1x128xi32, #tpu.memory_space<vmem>> -> memref<128xi32, #tpu.memory_space<vmem>>
        %dma_start3A_618 = tpu.memref_slice %arg3[%add3A_609] : memref<320000xi32, #tpu.memory_space<hbm>> -> memref<128xi32, #tpu.memory_space<hbm>>
        tpu.enqueue_dma source(%dma_start3A_618 : memref<128xi32, #tpu.memory_space<hbm>>) target(%dma_start3A_617 : memref<128xi32, #tpu.memory_space<vmem>>) target_semaphore(%arg26 : memref<!tpu.dma_semaphore, #tpu.memory_space<semaphore_mem>>)
        %dma_start3A_619 = arith.constant 1 : i32
        %dma_start3A_620 = arith.constant 0 : i32
        %dma_start3A_621 = tpu.memref_slice %arg12[%dma_start3A_619, %dma_start3A_620] : memref<2x128xi32, #tpu.memory_space<vmem>> -> memref<1x128xi32, #tpu.memory_space<vmem>>
        %dma_start3A_622 = tpu.memref_squeeze %dma_start3A_621 : memref<1x128xi32, #tpu.memory_space<vmem>> -> memref<128xi32, #tpu.memory_space<vmem>>
        %dma_start3A_623 = tpu.memref_slice %arg4[%add3A_609] : memref<320000xi32, #tpu.memory_space<hbm>> -> memref<128xi32, #tpu.memory_space<hbm>>
        %dma_start3A_624 = arith.constant 0 : i32
        %dma_start3A_625 = tpu.memref_slice %arg12[%dma_start3A_619, %dma_start3A_624] : memref<2x128xi32, #tpu.memory_space<vmem>> -> memref<1x128xi32, #tpu.memory_space<vmem>>
        %dma_start3A_626 = tpu.memref_squeeze %dma_start3A_625 : memref<1x128xi32, #tpu.memory_space<vmem>> -> memref<128xi32, #tpu.memory_space<vmem>>
        %dma_start3A_627 = tpu.memref_slice %arg4[%add3A_609] : memref<320000xi32, #tpu.memory_space<hbm>> -> memref<128xi32, #tpu.memory_space<hbm>>
        tpu.enqueue_dma source(%dma_start3A_627 : memref<128xi32, #tpu.memory_space<hbm>>) target(%dma_start3A_626 : memref<128xi32, #tpu.memory_space<vmem>>) target_semaphore(%arg26 : memref<!tpu.dma_semaphore, #tpu.memory_space<semaphore_mem>>)
      } else {
      }
      %mul3A_544 = arith.constant 6 : i32
      %mul3A_545 = arith.muli %mul3A_544, %scan3A_311 : i32
      %add3A_546 = arith.constant 5 : i32
      %add3A_547 = arith.addi %mul3A_545, %add3A_546 : i32
      %dma_wait3A_548 = arith.constant 0 : i32
      %dma_wait3A_549 = arith.constant 0 : i32
      %dma_wait3A_550 = tpu.memref_slice %arg14[%dma_wait3A_548, %dma_wait3A_549] : memref<2x128xi32, #tpu.memory_space<vmem>> -> memref<1x128xi32, #tpu.memory_space<vmem>>
      %dma_wait3A_551 = tpu.memref_squeeze %dma_wait3A_550 : memref<1x128xi32, #tpu.memory_space<vmem>> -> memref<128xi32, #tpu.memory_space<vmem>>
      %dma_wait3A_552 = arith.constant 0 : i32
      %dma_wait3A_553 = arith.constant 0 : i32
      %dma_wait3A_554 = tpu.memref_slice %arg2[%dma_wait3A_552, %dma_wait3A_553] : memref<10000x128xf32, #tpu.memory_space<hbm>> -> memref<10000x128xf32, #tpu.memory_space<hbm>>
      tpu.wait_indirect_dma semaphore(%arg19 : memref<!tpu.dma_semaphore, #tpu.memory_space<semaphore_mem>>) src(%dma_wait3A_554 : memref<10000x128xf32, #tpu.memory_space<hbm>>) dst(%arg8 : memref<128x128xf32, #tpu.memory_space<vmem>>)
      %dma_start3A_555 = arith.constant 1 : i32
      %dma_start3A_556 = arith.constant 0 : i32
      %dma_start3A_557 = tpu.memref_slice %arg14[%dma_start3A_555, %dma_start3A_556] : memref<2x128xi32, #tpu.memory_space<vmem>> -> memref<1x128xi32, #tpu.memory_space<vmem>>
      %dma_start3A_558 = tpu.memref_squeeze %dma_start3A_557 : memref<1x128xi32, #tpu.memory_space<vmem>> -> memref<128xi32, #tpu.memory_space<vmem>>
      %dma_start3A_559 = arith.constant 0 : i32
      %dma_start3A_560 = arith.constant 0 : i32
      %dma_start3A_561 = tpu.memref_slice %arg16[%dma_start3A_559, %dma_start3A_560] : memref<10000x128xf32, #tpu.memory_space<vmem_shared>> -> memref<10000x128xf32, #tpu.memory_space<vmem_shared>>
      tpu.enqueue_indirect_dma source(%arg8 : memref<128x128xf32, #tpu.memory_space<vmem>>) target(%dma_start3A_561 : memref<10000x128xf32, #tpu.memory_space<vmem_shared>>) offsets(%dma_start3A_558 : memref<128xi32, #tpu.memory_space<vmem>>) semaphore(%arg22 : memref<!tpu.dma_semaphore, #tpu.memory_space<semaphore_mem>>) {add = true}
      %dma_wait3A_562 = arith.constant 1 : i32
      %dma_wait3A_563 = arith.constant 0 : i32
      %dma_wait3A_564 = tpu.memref_slice %arg13[%dma_wait3A_562, %dma_wait3A_563] : memref<2x128xi32, #tpu.memory_space<vmem>> -> memref<1x128xi32, #tpu.memory_space<vmem>>
      %dma_wait3A_565 = tpu.memref_squeeze %dma_wait3A_564 : memref<1x128xi32, #tpu.memory_space<vmem>> -> memref<128xi32, #tpu.memory_space<vmem>>
      %dma_wait3A_566 = arith.constant 0 : i32
      %dma_wait3A_567 = arith.constant 0 : i32
      %dma_wait3A_568 = tpu.memref_slice %arg16[%dma_wait3A_566, %dma_wait3A_567] : memref<10000x128xf32, #tpu.memory_space<vmem_shared>> -> memref<10000x128xf32, #tpu.memory_space<vmem_shared>>
      tpu.wait_indirect_dma semaphore(%arg21 : memref<!tpu.dma_semaphore, #tpu.memory_space<semaphore_mem>>) src(%arg7 : memref<128x128xf32, #tpu.memory_space<vmem>>) dst(%dma_wait3A_568 : memref<10000x128xf32, #tpu.memory_space<vmem_shared>>)
      %lt3A_569 = arith.constant 12 : i32
      %lt3A_570 = arith.cmpi slt, %scan3A_311, %lt3A_569 : i32
      %convert_element_type3A_571 = arith.extui %lt3A_570 : i1 to i32
      %cond3A_572 = arith.constant 0 : i32
      %cond3A_573 = arith.cmpi ne, %convert_element_type3A_571, %cond3A_572 : i32
      scf.if %cond3A_573 {
        %add3A_575 = arith.constant 2 : i32
        %add3A_576 = arith.addi %add3A_547, %add3A_575 : i32
        %mul3A_577 = arith.constant 128 : i32
        %mul3A_578 = arith.muli %add3A_576, %mul3A_577 : i32
        %add3A_579 = arith.addi %mul3A_2, %mul3A_578 : i32
        %dma_wait3A_580 = arith.constant 0 : i32
        %dma_wait3A_581 = arith.constant 0 : i32
        %dma_wait3A_582 = tpu.memref_slice %arg10[%dma_wait3A_580, %dma_wait3A_581] : memref<2x128xi32, #tpu.memory_space<vmem>> -> memref<1x128xi32, #tpu.memory_space<vmem>>
        %dma_wait3A_583 = tpu.memref_squeeze %dma_wait3A_582 : memref<1x128xi32, #tpu.memory_space<vmem>> -> memref<128xi32, #tpu.memory_space<vmem>>
        %dma_wait3A_584 = tpu.memref_slice %arg3[%add3A_579] : memref<320000xi32, #tpu.memory_space<hbm>> -> memref<128xi32, #tpu.memory_space<hbm>>
        %dma_wait3A_585 = arith.constant 0 : i32
        %dma_wait3A_586 = tpu.memref_slice %arg10[%dma_wait3A_580, %dma_wait3A_585] : memref<2x128xi32, #tpu.memory_space<vmem>> -> memref<1x128xi32, #tpu.memory_space<vmem>>
        %dma_wait3A_587 = tpu.memref_squeeze %dma_wait3A_586 : memref<1x128xi32, #tpu.memory_space<vmem>> -> memref<128xi32, #tpu.memory_space<vmem>>
        %dma_wait3A_588 = tpu.memref_slice %arg3[%add3A_579] : memref<320000xi32, #tpu.memory_space<hbm>> -> memref<128xi32, #tpu.memory_space<hbm>>
        tpu.wait_dma2 semaphore(%arg24 : memref<!tpu.dma_semaphore, #tpu.memory_space<semaphore_mem>>) src(%dma_wait3A_588 : memref<128xi32, #tpu.memory_space<hbm>>) dst(%dma_wait3A_587 : memref<128xi32, #tpu.memory_space<vmem>>)
        %dma_wait3A_589 = arith.constant 1 : i32
        %dma_wait3A_590 = arith.constant 0 : i32
        %dma_wait3A_591 = tpu.memref_slice %arg10[%dma_wait3A_589, %dma_wait3A_590] : memref<2x128xi32, #tpu.memory_space<vmem>> -> memref<1x128xi32, #tpu.memory_space<vmem>>
        %dma_wait3A_592 = tpu.memref_squeeze %dma_wait3A_591 : memref<1x128xi32, #tpu.memory_space<vmem>> -> memref<128xi32, #tpu.memory_space<vmem>>
        %dma_wait3A_593 = tpu.memref_slice %arg4[%add3A_579] : memref<320000xi32, #tpu.memory_space<hbm>> -> memref<128xi32, #tpu.memory_space<hbm>>
        %dma_wait3A_594 = arith.constant 0 : i32
        %dma_wait3A_595 = tpu.memref_slice %arg10[%dma_wait3A_589, %dma_wait3A_594] : memref<2x128xi32, #tpu.memory_space<vmem>> -> memref<1x128xi32, #tpu.memory_space<vmem>>
        %dma_wait3A_596 = tpu.memref_squeeze %dma_wait3A_595 : memref<1x128xi32, #tpu.memory_space<vmem>> -> memref<128xi32, #tpu.memory_space<vmem>>
        %dma_wait3A_597 = tpu.memref_slice %arg4[%add3A_579] : memref<320000xi32, #tpu.memory_space<hbm>> -> memref<128xi32, #tpu.memory_space<hbm>>
        tpu.wait_dma2 semaphore(%arg24 : memref<!tpu.dma_semaphore, #tpu.memory_space<semaphore_mem>>) src(%dma_wait3A_597 : memref<128xi32, #tpu.memory_space<hbm>>) dst(%dma_wait3A_596 : memref<128xi32, #tpu.memory_space<vmem>>)
        %dma_start3A_598 = arith.constant 0 : i32
        %dma_start3A_599 = arith.constant 0 : i32
        %dma_start3A_600 = tpu.memref_slice %arg10[%dma_start3A_598, %dma_start3A_599] : memref<2x128xi32, #tpu.memory_space<vmem>> -> memref<1x128xi32, #tpu.memory_space<vmem>>
        %dma_start3A_601 = tpu.memref_squeeze %dma_start3A_600 : memref<1x128xi32, #tpu.memory_space<vmem>> -> memref<128xi32, #tpu.memory_space<vmem>>
        %dma_start3A_602 = arith.constant 0 : i32
        %dma_start3A_603 = arith.constant 0 : i32
        %dma_start3A_604 = tpu.memref_slice %arg2[%dma_start3A_602, %dma_start3A_603] : memref<10000x128xf32, #tpu.memory_space<hbm>> -> memref<10000x128xf32, #tpu.memory_space<hbm>>
        tpu.enqueue_indirect_dma source(%dma_start3A_604 : memref<10000x128xf32, #tpu.memory_space<hbm>>) target(%arg7 : memref<128x128xf32, #tpu.memory_space<vmem>>) offsets(%dma_start3A_601 : memref<128xi32, #tpu.memory_space<vmem>>) semaphore(%arg18 : memref<!tpu.dma_semaphore, #tpu.memory_space<semaphore_mem>>)
        %add3A_605 = arith.constant 5 : i32
        %add3A_606 = arith.addi %add3A_547, %add3A_605 : i32
        %mul3A_607 = arith.constant 128 : i32
        %mul3A_608 = arith.muli %add3A_606, %mul3A_607 : i32
        %add3A_609 = arith.addi %mul3A_2, %mul3A_608 : i32
        %dma_start3A_610 = arith.constant 0 : i32
        %dma_start3A_611 = arith.constant 0 : i32
        %dma_start3A_612 = tpu.memref_slice %arg13[%dma_start3A_610, %dma_start3A_611] : memref<2x128xi32, #tpu.memory_space<vmem>> -> memref<1x128xi32, #tpu.memory_space<vmem>>
        %dma_start3A_613 = tpu.memref_squeeze %dma_start3A_612 : memref<1x128xi32, #tpu.memory_space<vmem>> -> memref<128xi32, #tpu.memory_space<vmem>>
        %dma_start3A_614 = tpu.memref_slice %arg3[%add3A_609] : memref<320000xi32, #tpu.memory_space<hbm>> -> memref<128xi32, #tpu.memory_space<hbm>>
        %dma_start3A_615 = arith.constant 0 : i32
        %dma_start3A_616 = tpu.memref_slice %arg13[%dma_start3A_610, %dma_start3A_615] : memref<2x128xi32, #tpu.memory_space<vmem>> -> memref<1x128xi32, #tpu.memory_space<vmem>>
        %dma_start3A_617 = tpu.memref_squeeze %dma_start3A_616 : memref<1x128xi32, #tpu.memory_space<vmem>> -> memref<128xi32, #tpu.memory_space<vmem>>
        %dma_start3A_618 = tpu.memref_slice %arg3[%add3A_609] : memref<320000xi32, #tpu.memory_space<hbm>> -> memref<128xi32, #tpu.memory_space<hbm>>
        tpu.enqueue_dma source(%dma_start3A_618 : memref<128xi32, #tpu.memory_space<hbm>>) target(%dma_start3A_617 : memref<128xi32, #tpu.memory_space<vmem>>) target_semaphore(%arg27 : memref<!tpu.dma_semaphore, #tpu.memory_space<semaphore_mem>>)
        %dma_start3A_619 = arith.constant 1 : i32
        %dma_start3A_620 = arith.constant 0 : i32
        %dma_start3A_621 = tpu.memref_slice %arg13[%dma_start3A_619, %dma_start3A_620] : memref<2x128xi32, #tpu.memory_space<vmem>> -> memref<1x128xi32, #tpu.memory_space<vmem>>
        %dma_start3A_622 = tpu.memref_squeeze %dma_start3A_621 : memref<1x128xi32, #tpu.memory_space<vmem>> -> memref<128xi32, #tpu.memory_space<vmem>>
        %dma_start3A_623 = tpu.memref_slice %arg4[%add3A_609] : memref<320000xi32, #tpu.memory_space<hbm>> -> memref<128xi32, #tpu.memory_space<hbm>>
        %dma_start3A_624 = arith.constant 0 : i32
        %dma_start3A_625 = tpu.memref_slice %arg13[%dma_start3A_619, %dma_start3A_624] : memref<2x128xi32, #tpu.memory_space<vmem>> -> memref<1x128xi32, #tpu.memory_space<vmem>>
        %dma_start3A_626 = tpu.memref_squeeze %dma_start3A_625 : memref<1x128xi32, #tpu.memory_space<vmem>> -> memref<128xi32, #tpu.memory_space<vmem>>
        %dma_start3A_627 = tpu.memref_slice %arg4[%add3A_609] : memref<320000xi32, #tpu.memory_space<hbm>> -> memref<128xi32, #tpu.memory_space<hbm>>
        tpu.enqueue_dma source(%dma_start3A_627 : memref<128xi32, #tpu.memory_space<hbm>>) target(%dma_start3A_626 : memref<128xi32, #tpu.memory_space<vmem>>) target_semaphore(%arg27 : memref<!tpu.dma_semaphore, #tpu.memory_space<semaphore_mem>>)
      } else {
      }
      %scan3A_574 = arith.constant 0 : i32
      scf.yield %scan3A_574 : i32
    }
    %scan3A_255 = arith.constant 13 : i32
    %dma_wait3A_256 = arith.constant 1 : i32
    %dma_wait3A_257 = arith.constant 0 : i32
    %dma_wait3A_258 = tpu.memref_slice %arg14[%dma_wait3A_256, %dma_wait3A_257] : memref<2x128xi32, #tpu.memory_space<vmem>> -> memref<1x128xi32, #tpu.memory_space<vmem>>
    %dma_wait3A_259 = tpu.memref_squeeze %dma_wait3A_258 : memref<1x128xi32, #tpu.memory_space<vmem>> -> memref<128xi32, #tpu.memory_space<vmem>>
    %dma_wait3A_260 = arith.constant 0 : i32
    %dma_wait3A_261 = arith.constant 0 : i32
    %dma_wait3A_262 = tpu.memref_slice %arg16[%dma_wait3A_260, %dma_wait3A_261] : memref<10000x128xf32, #tpu.memory_space<vmem_shared>> -> memref<10000x128xf32, #tpu.memory_space<vmem_shared>>
    tpu.wait_indirect_dma semaphore(%arg22 : memref<!tpu.dma_semaphore, #tpu.memory_space<semaphore_mem>>) src(%arg8 : memref<128x128xf32, #tpu.memory_space<vmem>>) dst(%dma_wait3A_262 : memref<10000x128xf32, #tpu.memory_space<vmem_shared>>)
    %dma_wait3A_263 = arith.constant 0 : i32
    %dma_wait3A_264 = arith.constant 0 : i32
    %dma_wait3A_265 = tpu.memref_slice %arg15[%dma_wait3A_263, %dma_wait3A_264] : memref<2x16xi32, #tpu.memory_space<vmem>> -> memref<1x16xi32, #tpu.memory_space<vmem>>
    %dma_wait3A_266 = tpu.memref_squeeze %dma_wait3A_265 : memref<1x16xi32, #tpu.memory_space<vmem>> -> memref<16xi32, #tpu.memory_space<vmem>>
    %dma_wait3A_267 = tpu.memref_slice %arg3[%add3A_123] : memref<320000xi32, #tpu.memory_space<hbm>> -> memref<16xi32, #tpu.memory_space<hbm>>
    %dma_wait3A_268 = arith.constant 0 : i32
    %dma_wait3A_269 = tpu.memref_slice %arg15[%dma_wait3A_263, %dma_wait3A_268] : memref<2x16xi32, #tpu.memory_space<vmem>> -> memref<1x16xi32, #tpu.memory_space<vmem>>
    %dma_wait3A_270 = tpu.memref_squeeze %dma_wait3A_269 : memref<1x16xi32, #tpu.memory_space<vmem>> -> memref<16xi32, #tpu.memory_space<vmem>>
    %dma_wait3A_271 = tpu.memref_slice %arg3[%add3A_123] : memref<320000xi32, #tpu.memory_space<hbm>> -> memref<16xi32, #tpu.memory_space<hbm>>
    tpu.wait_dma2 semaphore(%arg29 : memref<!tpu.dma_semaphore, #tpu.memory_space<semaphore_mem>>) src(%dma_wait3A_271 : memref<16xi32, #tpu.memory_space<hbm>>) dst(%dma_wait3A_270 : memref<16xi32, #tpu.memory_space<vmem>>)
    %dma_wait3A_272 = arith.constant 1 : i32
    %dma_wait3A_273 = arith.constant 0 : i32
    %dma_wait3A_274 = tpu.memref_slice %arg15[%dma_wait3A_272, %dma_wait3A_273] : memref<2x16xi32, #tpu.memory_space<vmem>> -> memref<1x16xi32, #tpu.memory_space<vmem>>
    %dma_wait3A_275 = tpu.memref_squeeze %dma_wait3A_274 : memref<1x16xi32, #tpu.memory_space<vmem>> -> memref<16xi32, #tpu.memory_space<vmem>>
    %dma_wait3A_276 = tpu.memref_slice %arg4[%add3A_123] : memref<320000xi32, #tpu.memory_space<hbm>> -> memref<16xi32, #tpu.memory_space<hbm>>
    %dma_wait3A_277 = arith.constant 0 : i32
    %dma_wait3A_278 = tpu.memref_slice %arg15[%dma_wait3A_272, %dma_wait3A_277] : memref<2x16xi32, #tpu.memory_space<vmem>> -> memref<1x16xi32, #tpu.memory_space<vmem>>
    %dma_wait3A_279 = tpu.memref_squeeze %dma_wait3A_278 : memref<1x16xi32, #tpu.memory_space<vmem>> -> memref<16xi32, #tpu.memory_space<vmem>>
    %dma_wait3A_280 = tpu.memref_slice %arg4[%add3A_123] : memref<320000xi32, #tpu.memory_space<hbm>> -> memref<16xi32, #tpu.memory_space<hbm>>
    tpu.wait_dma2 semaphore(%arg29 : memref<!tpu.dma_semaphore, #tpu.memory_space<semaphore_mem>>) src(%dma_wait3A_280 : memref<16xi32, #tpu.memory_space<hbm>>) dst(%dma_wait3A_279 : memref<16xi32, #tpu.memory_space<vmem>>)
    %dma_start3A_281 = arith.constant 0 : i32
    %dma_start3A_282 = arith.constant 0 : i32
    %dma_start3A_283 = arith.constant 0 : i32
    %dma_start3A_284 = tpu.memref_slice %arg6[%dma_start3A_282, %dma_start3A_283] : memref<128x128xf32, #tpu.memory_space<vmem>> -> memref<16x128xf32, #tpu.memory_space<vmem>>
    %dma_start3A_285 = arith.constant 0 : i32
    %dma_start3A_286 = tpu.memref_slice %arg15[%dma_start3A_281, %dma_start3A_285] : memref<2x16xi32, #tpu.memory_space<vmem>> -> memref<1x16xi32, #tpu.memory_space<vmem>>
    %dma_start3A_287 = tpu.memref_squeeze %dma_start3A_286 : memref<1x16xi32, #tpu.memory_space<vmem>> -> memref<16xi32, #tpu.memory_space<vmem>>
    %dma_start3A_288 = arith.constant 0 : i32
    %dma_start3A_289 = arith.constant 0 : i32
    %dma_start3A_290 = tpu.memref_slice %arg2[%dma_start3A_288, %dma_start3A_289] : memref<10000x128xf32, #tpu.memory_space<hbm>> -> memref<10000x128xf32, #tpu.memory_space<hbm>>
    tpu.enqueue_indirect_dma source(%dma_start3A_290 : memref<10000x128xf32, #tpu.memory_space<hbm>>) target(%dma_start3A_284 : memref<16x128xf32, #tpu.memory_space<vmem>>) offsets(%dma_start3A_287 : memref<16xi32, #tpu.memory_space<vmem>>) semaphore(%arg17 : memref<!tpu.dma_semaphore, #tpu.memory_space<semaphore_mem>>)
    %dma_wait3A_291 = arith.constant 0 : i32
    %dma_wait3A_292 = arith.constant 0 : i32
    %dma_wait3A_293 = arith.constant 0 : i32
    %dma_wait3A_294 = tpu.memref_slice %arg6[%dma_wait3A_292, %dma_wait3A_293] : memref<128x128xf32, #tpu.memory_space<vmem>> -> memref<16x128xf32, #tpu.memory_space<vmem>>
    %dma_wait3A_295 = arith.constant 0 : i32
    %dma_wait3A_296 = tpu.memref_slice %arg15[%dma_wait3A_291, %dma_wait3A_295] : memref<2x16xi32, #tpu.memory_space<vmem>> -> memref<1x16xi32, #tpu.memory_space<vmem>>
    %dma_wait3A_297 = tpu.memref_squeeze %dma_wait3A_296 : memref<1x16xi32, #tpu.memory_space<vmem>> -> memref<16xi32, #tpu.memory_space<vmem>>
    %dma_wait3A_298 = arith.constant 0 : i32
    %dma_wait3A_299 = arith.constant 0 : i32
    %dma_wait3A_300 = tpu.memref_slice %arg2[%dma_wait3A_298, %dma_wait3A_299] : memref<10000x128xf32, #tpu.memory_space<hbm>> -> memref<10000x128xf32, #tpu.memory_space<hbm>>
    tpu.wait_indirect_dma semaphore(%arg17 : memref<!tpu.dma_semaphore, #tpu.memory_space<semaphore_mem>>) src(%dma_wait3A_300 : memref<10000x128xf32, #tpu.memory_space<hbm>>) dst(%dma_wait3A_294 : memref<16x128xf32, #tpu.memory_space<vmem>>)
    %run_scoped3A = arith.constant 1 : i32
    "tpu.region"() ({
      %run_scoped3A_311 = tpu.sem_alloc : memref<!tpu.dma_semaphore, #tpu.memory_space<semaphore_mem>>
      %dma_start3A_312 = arith.constant 0 : i32
      %dma_start3A_313 = arith.constant 0 : i32
      %dma_start3A_314 = tpu.memref_slice %arg6[%dma_start3A_312, %dma_start3A_313] : memref<128x128xf32, #tpu.memory_space<vmem>> -> memref<16x128xf32, #tpu.memory_space<vmem>>
      %dma_start3A_315 = arith.constant 0 : i32
      %dma_start3A_316 = tpu.memref_slice %arg15[%run_scoped3A, %dma_start3A_315] : memref<2x16xi32, #tpu.memory_space<vmem>> -> memref<1x16xi32, #tpu.memory_space<vmem>>
      %dma_start3A_317 = tpu.memref_squeeze %dma_start3A_316 : memref<1x16xi32, #tpu.memory_space<vmem>> -> memref<16xi32, #tpu.memory_space<vmem>>
      %dma_start3A_318 = arith.constant 0 : i32
      %dma_start3A_319 = arith.constant 0 : i32
      %dma_start3A_320 = tpu.memref_slice %arg16[%dma_start3A_318, %dma_start3A_319] : memref<10000x128xf32, #tpu.memory_space<vmem_shared>> -> memref<10000x128xf32, #tpu.memory_space<vmem_shared>>
      tpu.enqueue_indirect_dma source(%dma_start3A_314 : memref<16x128xf32, #tpu.memory_space<vmem>>) target(%dma_start3A_320 : memref<10000x128xf32, #tpu.memory_space<vmem_shared>>) offsets(%dma_start3A_317 : memref<16xi32, #tpu.memory_space<vmem>>) semaphore(%run_scoped3A_311 : memref<!tpu.dma_semaphore, #tpu.memory_space<semaphore_mem>>) {add = true}
      %dma_wait3A_321 = arith.constant 0 : i32
      %dma_wait3A_322 = arith.constant 0 : i32
      %dma_wait3A_323 = tpu.memref_slice %arg6[%dma_wait3A_321, %dma_wait3A_322] : memref<128x128xf32, #tpu.memory_space<vmem>> -> memref<16x128xf32, #tpu.memory_space<vmem>>
      %dma_wait3A_324 = arith.constant 0 : i32
      %dma_wait3A_325 = tpu.memref_slice %arg15[%run_scoped3A, %dma_wait3A_324] : memref<2x16xi32, #tpu.memory_space<vmem>> -> memref<1x16xi32, #tpu.memory_space<vmem>>
      %dma_wait3A_326 = tpu.memref_squeeze %dma_wait3A_325 : memref<1x16xi32, #tpu.memory_space<vmem>> -> memref<16xi32, #tpu.memory_space<vmem>>
      %dma_wait3A_327 = arith.constant 0 : i32
      %dma_wait3A_328 = arith.constant 0 : i32
      %dma_wait3A_329 = tpu.memref_slice %arg16[%dma_wait3A_327, %dma_wait3A_328] : memref<10000x128xf32, #tpu.memory_space<vmem_shared>> -> memref<10000x128xf32, #tpu.memory_space<vmem_shared>>
      tpu.wait_indirect_dma semaphore(%run_scoped3A_311 : memref<!tpu.dma_semaphore, #tpu.memory_space<semaphore_mem>>) src(%dma_wait3A_323 : memref<16x128xf32, #tpu.memory_space<vmem>>) dst(%dma_wait3A_329 : memref<10000x128xf32, #tpu.memory_space<vmem_shared>>)
      tpu.yield
    }) : () -> ()
    %barrier3A_301 = arith.constant 0 : index
    tpu.barrier barrier_id(%barrier3A_301)
    %mul3A_302 = arith.constant 624 : i32
    %mul3A_303 = arith.muli %arg1, %mul3A_302 : i32
    %mul3A_304 = arith.constant 624 : i32
    %mul3A_305 = arith.muli %arg1, %mul3A_304 : i32
    "tpu.region"() ({
      %run_scoped3A_311 = tpu.sem_alloc : memref<!tpu.dma_semaphore, #tpu.memory_space<semaphore_mem>>
      %dma_start3A_312 = arith.constant 0 : i32
      %dma_start3A_313 = tpu.memref_slice %arg5[%arg0, %mul3A_305, %dma_start3A_312] : memref<2x10000x128xf32, #tpu.memory_space<hbm>> -> memref<1x624x128xf32, #tpu.memory_space<hbm>>
      %dma_start3A_314 = tpu.memref_squeeze %dma_start3A_313 : memref<1x624x128xf32, #tpu.memory_space<hbm>> -> memref<624x128xf32, #tpu.memory_space<hbm>>
      %dma_start3A_315 = arith.constant 0 : i32
      %dma_start3A_316 = tpu.memref_slice %arg16[%mul3A_303, %dma_start3A_315] : memref<10000x128xf32, #tpu.memory_space<vmem_shared>> -> memref<624x128xf32, #tpu.memory_space<vmem_shared>>
      tpu.enqueue_dma source(%dma_start3A_316 : memref<624x128xf32, #tpu.memory_space<vmem_shared>>) target(%dma_start3A_314 : memref<624x128xf32, #tpu.memory_space<hbm>>) target_semaphore(%run_scoped3A_311 : memref<!tpu.dma_semaphore, #tpu.memory_space<semaphore_mem>>)
      %dma_wait3A_317 = arith.constant 0 : i32
      %dma_wait3A_318 = tpu.memref_slice %arg5[%arg0, %mul3A_305, %dma_wait3A_317] : memref<2x10000x128xf32, #tpu.memory_space<hbm>> -> memref<1x624x128xf32, #tpu.memory_space<hbm>>
      %dma_wait3A_319 = tpu.memref_squeeze %dma_wait3A_318 : memref<1x624x128xf32, #tpu.memory_space<hbm>> -> memref<624x128xf32, #tpu.memory_space<hbm>>
      %dma_wait3A_320 = arith.constant 0 : i32
      %dma_wait3A_321 = tpu.memref_slice %arg16[%mul3A_303, %dma_wait3A_320] : memref<10000x128xf32, #tpu.memory_space<vmem_shared>> -> memref<624x128xf32, #tpu.memory_space<vmem_shared>>
      tpu.wait_dma2 semaphore(%run_scoped3A_311 : memref<!tpu.dma_semaphore, #tpu.memory_space<semaphore_mem>>) src(%dma_wait3A_321 : memref<624x128xf32, #tpu.memory_space<vmem_shared>>) dst(%dma_wait3A_319 : memref<624x128xf32, #tpu.memory_space<hbm>>)
      tpu.yield
    }) : () -> ()
    %eq3A_306 = arith.constant 15 : i32
    %eq3A_307 = arith.cmpi eq, %arg1, %eq3A_306 : i32
    %convert_element_type3A_308 = arith.extui %eq3A_307 : i1 to i32
    %cond3A_309 = arith.constant 0 : i32
    %cond3A_310 = arith.cmpi ne, %convert_element_type3A_308, %cond3A_309 : i32
    scf.if %cond3A_310 {
      "tpu.region"() ({
        %run_scoped3A_311 = tpu.sem_alloc : memref<!tpu.dma_semaphore, #tpu.memory_space<semaphore_mem>>
        %dma_start3A_312 = arith.constant 9984 : i32
        %dma_start3A_313 = arith.constant 0 : i32
        %dma_start3A_314 = tpu.memref_slice %arg5[%arg0, %dma_start3A_312, %dma_start3A_313] : memref<2x10000x128xf32, #tpu.memory_space<hbm>> -> memref<1x16x128xf32, #tpu.memory_space<hbm>>
        %dma_start3A_315 = tpu.memref_squeeze %dma_start3A_314 : memref<1x16x128xf32, #tpu.memory_space<hbm>> -> memref<16x128xf32, #tpu.memory_space<hbm>>
        %dma_start3A_316 = arith.constant 9984 : i32
        %dma_start3A_317 = arith.constant 0 : i32
        %dma_start3A_318 = tpu.memref_slice %arg16[%dma_start3A_316, %dma_start3A_317] : memref<10000x128xf32, #tpu.memory_space<vmem_shared>> -> memref<16x128xf32, #tpu.memory_space<vmem_shared>>
        tpu.enqueue_dma source(%dma_start3A_318 : memref<16x128xf32, #tpu.memory_space<vmem_shared>>) target(%dma_start3A_315 : memref<16x128xf32, #tpu.memory_space<hbm>>) target_semaphore(%run_scoped3A_311 : memref<!tpu.dma_semaphore, #tpu.memory_space<semaphore_mem>>)
        %dma_wait3A_319 = arith.constant 9984 : i32
        %dma_wait3A_320 = arith.constant 0 : i32
        %dma_wait3A_321 = tpu.memref_slice %arg5[%arg0, %dma_wait3A_319, %dma_wait3A_320] : memref<2x10000x128xf32, #tpu.memory_space<hbm>> -> memref<1x16x128xf32, #tpu.memory_space<hbm>>
        %dma_wait3A_322 = tpu.memref_squeeze %dma_wait3A_321 : memref<1x16x128xf32, #tpu.memory_space<hbm>> -> memref<16x128xf32, #tpu.memory_space<hbm>>
        %dma_wait3A_323 = arith.constant 9984 : i32
        %dma_wait3A_324 = arith.constant 0 : i32
        %dma_wait3A_325 = tpu.memref_slice %arg16[%dma_wait3A_323, %dma_wait3A_324] : memref<10000x128xf32, #tpu.memory_space<vmem_shared>> -> memref<16x128xf32, #tpu.memory_space<vmem_shared>>
        tpu.wait_dma2 semaphore(%run_scoped3A_311 : memref<!tpu.dma_semaphore, #tpu.memory_space<semaphore_mem>>) src(%dma_wait3A_325 : memref<16x128xf32, #tpu.memory_space<vmem_shared>>) dst(%dma_wait3A_322 : memref<16x128xf32, #tpu.memory_space<hbm>>)
        tpu.yield
      }) : () -> ()
    } else {
    }
    return
  }
}

module attributes {stable_mosaic.version = 14 : i64} {
  func.func @_layer1_body(%arg0: i32, %arg1: memref<2000x128xf32, #tpu.memory_space<vmem>>, %arg2: memref<1x2000x128xf32, #tpu.memory_space<vmem>>, %arg3: memref<1x2000x128xf32, #tpu.memory_space<vmem>>, %arg4: memref<1x1x2000xi32, #tpu.memory_space<vmem>>, %arg5: memref<128x128xf32, #tpu.memory_space<vmem>>, %arg6: memref<1x128xf32, #tpu.memory_space<vmem>>, %arg7: memref<1x128xf32, #tpu.memory_space<vmem>>, %arg8: memref<1x128xf32, #tpu.memory_space<vmem>>, %arg9: memref<128x128xf32, #tpu.memory_space<vmem>>, %arg10: memref<1x128xf32, #tpu.memory_space<vmem>>, %arg11: memref<1x128xf32, #tpu.memory_space<vmem>>, %arg12: memref<1x128xf32, #tpu.memory_space<vmem>>, %arg13: memref<2000x128xf32, #tpu.memory_space<vmem>>, %arg14: memref<64x128xf32, #tpu.memory_space<vmem>>, %arg15: memref<64x128xf32, #tpu.memory_space<vmem>>) attributes {dimension_semantics = [#tpu.dimension_semantics<arbitrary>], iteration_bounds = array<i64: 5>, scalar_prefetch = 0 : i64, scratch_operands = 0 : i64, tpu.core_type = #tpu.core_type<tc>, window_params = [{transform_indices = @transform_0, window_bounds = array<i64: 2000, 128>}, {transform_indices = @transform_1, window_bounds = array<i64: 1, 2000, 128>}, {transform_indices = @transform_2, window_bounds = array<i64: 1, 2000, 128>}, {transform_indices = @transform_3, window_bounds = array<i64: 1, 1, 2000>}, {pipeline_mode = #tpu.pipeline_mode<synchronous>, transform_indices = @transform_4, window_bounds = array<i64: 128, 128>}, {pipeline_mode = #tpu.pipeline_mode<synchronous>, transform_indices = @transform_5, window_bounds = array<i64: 1, 128>}, {pipeline_mode = #tpu.pipeline_mode<synchronous>, transform_indices = @transform_6, window_bounds = array<i64: 1, 128>}, {pipeline_mode = #tpu.pipeline_mode<synchronous>, transform_indices = @transform_7, window_bounds = array<i64: 1, 128>}, {pipeline_mode = #tpu.pipeline_mode<synchronous>, transform_indices = @transform_8, window_bounds = array<i64: 128, 128>}, {pipeline_mode = #tpu.pipeline_mode<synchronous>, transform_indices = @transform_9, window_bounds = array<i64: 1, 128>}, {pipeline_mode = #tpu.pipeline_mode<synchronous>, transform_indices = @transform_10, window_bounds = array<i64: 1, 128>}, {pipeline_mode = #tpu.pipeline_mode<synchronous>, transform_indices = @transform_11, window_bounds = array<i64: 1, 128>}, {transform_indices = @transform_12, window_bounds = array<i64: 2000, 128>}, {pipeline_mode = #tpu.pipeline_mode<synchronous>, transform_indices = @transform_13, window_bounds = array<i64: 64, 128>}, {pipeline_mode = #tpu.pipeline_mode<synchronous>, transform_indices = @transform_14, window_bounds = array<i64: 64, 128>}]} {
    %get3A = arith.constant 0 : index
    %get3A_0 = arith.constant 0 : index
    %get3A_1 = vector.load %arg1[%get3A, %get3A_0] : memref<2000x128xf32, #tpu.memory_space<vmem>>, vector<2000x128xf32>
    %get3A_2 = arith.constant 0 : index
    %get3A_3 = arith.constant 0 : index
    %get3A_4 = arith.constant 0 : index
    %get3A_5 = vector.load %arg2[%get3A_2, %get3A_3, %get3A_4] : memref<1x2000x128xf32, #tpu.memory_space<vmem>>, vector<1x2000x128xf32>
    %get3A_6 = vector.shape_cast %get3A_5 : vector<1x2000x128xf32> to vector<2000x128xf32>
    %add3A = arith.addf %get3A_1, %get3A_6 : vector<2000x128xf32>
    %get3A_7 = arith.constant 0 : index
    %get3A_8 = arith.constant 0 : index
    %get3A_9 = arith.constant 0 : index
    %get3A_10 = vector.load %arg3[%get3A_7, %get3A_8, %get3A_9] : memref<1x2000x128xf32, #tpu.memory_space<vmem>>, vector<1x2000x128xf32>
    %get3A_11 = vector.shape_cast %get3A_10 : vector<1x2000x128xf32> to vector<2000x128xf32>
    %add3A_12 = arith.addf %add3A, %get3A_11 : vector<2000x128xf32>
    %get3A_13 = arith.constant 0 : index
    %get3A_14 = arith.constant 0 : index
    %get3A_15 = vector.load %arg5[%get3A_13, %get3A_14] : memref<128x128xf32, #tpu.memory_space<vmem>>, vector<128x128xf32>
    %dot_general3A = arith.constant dense<0.000000e+00> : vector<2000x128xf32>
    %dot_general3A_16 = tpu.matmul %add3A_12, %get3A_15, %dot_general3A {dimension_numbers = #tpu.dot_dimension_numbers<[1], [0], [0], [1], [0, 0, 1, 1], [], []>, transpose_lhs_hint = false} : vector<2000x128xf32>, vector<128x128xf32>, vector<2000x128xf32> -> vector<2000x128xf32>
    %get3A_17 = arith.constant 0 : index
    %get3A_18 = arith.constant 0 : index
    %get3A_19 = vector.load %arg6[%get3A_17, %get3A_18] : memref<1x128xf32, #tpu.memory_space<vmem>>, vector<1x128xf32>
    %add3A_20 = vector.broadcast %get3A_19 : vector<1x128xf32> to vector<2000x128xf32>
    %add3A_21 = arith.addf %dot_general3A_16, %add3A_20 : vector<2000x128xf32>
    %get3A_22 = arith.constant 0 : index
    %get3A_23 = arith.constant 0 : index
    %get3A_24 = vector.load %arg7[%get3A_22, %get3A_23] : memref<1x128xf32, #tpu.memory_space<vmem>>, vector<1x128xf32>
    %mul3A = arith.constant 0.999994993 : f32
    %mul3A_25 = vector.broadcast %mul3A : f32 to vector<1x128xf32>
    %mul3A_26 = arith.mulf %get3A_24, %mul3A_25 : vector<1x128xf32>
    %mul3A_27 = vector.broadcast %mul3A_26 : vector<1x128xf32> to vector<2000x128xf32>
    %mul3A_28 = arith.mulf %add3A_21, %mul3A_27 : vector<2000x128xf32>
    %get3A_29 = arith.constant 0 : index
    %get3A_30 = arith.constant 0 : index
    %get3A_31 = vector.load %arg8[%get3A_29, %get3A_30] : memref<1x128xf32, #tpu.memory_space<vmem>>, vector<1x128xf32>
    %add3A_32 = vector.broadcast %get3A_31 : vector<1x128xf32> to vector<2000x128xf32>
    %add3A_33 = arith.addf %mul3A_28, %add3A_32 : vector<2000x128xf32>
    %max3A = arith.constant 0.000000e+00 : f32
    %max3A_34 = vector.broadcast %max3A : f32 to vector<2000x128xf32>
    %max3A_35 = arith.maximumf %add3A_33, %max3A_34 : vector<2000x128xf32>
    %get3A_36 = arith.constant 0 : index
    %get3A_37 = arith.constant 0 : index
    %get3A_38 = vector.load %arg9[%get3A_36, %get3A_37] : memref<128x128xf32, #tpu.memory_space<vmem>>, vector<128x128xf32>
    %dot_general3A_39 = arith.constant dense<0.000000e+00> : vector<2000x128xf32>
    %dot_general3A_40 = tpu.matmul %max3A_35, %get3A_38, %dot_general3A_39 {dimension_numbers = #tpu.dot_dimension_numbers<[1], [0], [0], [1], [0, 0, 1, 1], [], []>, transpose_lhs_hint = false} : vector<2000x128xf32>, vector<128x128xf32>, vector<2000x128xf32> -> vector<2000x128xf32>
    %get3A_41 = arith.constant 0 : index
    %get3A_42 = arith.constant 0 : index
    %get3A_43 = vector.load %arg10[%get3A_41, %get3A_42] : memref<1x128xf32, #tpu.memory_space<vmem>>, vector<1x128xf32>
    %add3A_44 = vector.broadcast %get3A_43 : vector<1x128xf32> to vector<2000x128xf32>
    %add3A_45 = arith.addf %dot_general3A_40, %add3A_44 : vector<2000x128xf32>
    %get3A_46 = arith.constant 0 : index
    %get3A_47 = arith.constant 0 : index
    %get3A_48 = vector.load %arg11[%get3A_46, %get3A_47] : memref<1x128xf32, #tpu.memory_space<vmem>>, vector<1x128xf32>
    %mul3A_49 = arith.constant 0.999994993 : f32
    %mul3A_50 = vector.broadcast %mul3A_49 : f32 to vector<1x128xf32>
    %mul3A_51 = arith.mulf %get3A_48, %mul3A_50 : vector<1x128xf32>
    %mul3A_52 = vector.broadcast %mul3A_51 : vector<1x128xf32> to vector<2000x128xf32>
    %mul3A_53 = arith.mulf %add3A_45, %mul3A_52 : vector<2000x128xf32>
    %get3A_54 = arith.constant 0 : index
    %get3A_55 = arith.constant 0 : index
    %get3A_56 = vector.load %arg12[%get3A_54, %get3A_55] : memref<1x128xf32, #tpu.memory_space<vmem>>, vector<1x128xf32>
    %add3A_57 = vector.broadcast %get3A_56 : vector<1x128xf32> to vector<2000x128xf32>
    %add3A_58 = arith.addf %mul3A_53, %add3A_57 : vector<2000x128xf32>
    %max3A_59 = arith.constant 0.000000e+00 : f32
    %max3A_60 = vector.broadcast %max3A_59 : f32 to vector<2000x128xf32>
    %max3A_61 = arith.maximumf %add3A_58, %max3A_60 : vector<2000x128xf32>
    %swap3A = arith.constant 0 : index
    %swap3A_62 = arith.constant 0 : index
    %swap3A_63 = vector.load %arg13[%swap3A, %swap3A_62] : memref<2000x128xf32, #tpu.memory_space<vmem>>, vector<2000x128xf32>
    tpu.vector_store %arg13[%swap3A, %swap3A_62], %max3A_61 {strides = array<i32>} : memref<2000x128xf32, #tpu.memory_space<vmem>>, vector<2000x128xf32>,
    %get3A_64 = arith.constant 0 : index
    %get3A_65 = arith.constant 0 : index
    %get3A_66 = arith.constant 0 : index
    %get3A_67 = vector.load %arg4[%get3A_64, %get3A_65, %get3A_66] : memref<1x1x2000xi32, #tpu.memory_space<vmem>>, vector<1x1x2000xi32>
    %get3A_68 = vector.shape_cast %get3A_67 : vector<1x1x2000xi32> to vector<2000xi32>
    %iota3A = tpu.iota {dimensions = array<i32: 0>} : vector<64x2000xi32>
    %broadcast_in_dim3A = vector.shape_cast %get3A_68 : vector<2000xi32> to vector<1x2000xi32>
    %eq3A = vector.broadcast %broadcast_in_dim3A : vector<1x2000xi32> to vector<64x2000xi32>
    %eq3A_69 = arith.cmpi eq, %eq3A, %iota3A : vector<64x2000xi32>
    %convert_element_type3A = arith.extui %eq3A_69 : vector<64x2000xi1> to vector<64x2000xi32>
    %convert_element_type3A_70 = arith.sitofp %convert_element_type3A : vector<64x2000xi32> to vector<64x2000xf32>
    %eq3A_71 = arith.constant 0 : i32
    %eq3A_72 = arith.cmpi eq, %arg0, %eq3A_71 : i32
    %convert_element_type3A_73 = arith.extui %eq3A_72 : i1 to i32
    %cond3A = arith.constant 0 : i32
    %cond3A_74 = arith.cmpi ne, %convert_element_type3A_73, %cond3A : i32
    scf.if %cond3A_74 {
      %broadcast_in_dim3A_95 = arith.constant 0.000000e+00 : f32
      %broadcast_in_dim3A_96 = vector.broadcast %broadcast_in_dim3A_95 : f32 to vector<64x128xf32>
      %swap3A_97 = arith.constant 0 : index
      %swap3A_98 = arith.constant 0 : index
      %swap3A_99 = vector.load %arg14[%swap3A_97, %swap3A_98] : memref<64x128xf32, #tpu.memory_space<vmem>>, vector<64x128xf32>
      tpu.vector_store %arg14[%swap3A_97, %swap3A_98], %broadcast_in_dim3A_96 {strides = array<i32>} : memref<64x128xf32, #tpu.memory_space<vmem>>, vector<64x128xf32>,
      %broadcast_in_dim3A_100 = arith.constant 0.000000e+00 : f32
      %broadcast_in_dim3A_101 = vector.broadcast %broadcast_in_dim3A_100 : f32 to vector<64x128xf32>
      %swap3A_102 = arith.constant 0 : index
      %swap3A_103 = arith.constant 0 : index
      %swap3A_104 = vector.load %arg15[%swap3A_102, %swap3A_103] : memref<64x128xf32, #tpu.memory_space<vmem>>, vector<64x128xf32>
      tpu.vector_store %arg15[%swap3A_102, %swap3A_103], %broadcast_in_dim3A_101 {strides = array<i32>} : memref<64x128xf32, #tpu.memory_space<vmem>>, vector<64x128xf32>,
    } else {
    }
    %get3A_75 = arith.constant 0 : index
    %get3A_76 = arith.constant 0 : index
    %get3A_77 = vector.load %arg14[%get3A_75, %get3A_76] : memref<64x128xf32, #tpu.memory_space<vmem>>, vector<64x128xf32>
    %dot_general3A_78 = arith.constant dense<0.000000e+00> : vector<64x128xf32>
    %dot_general3A_79 = tpu.matmul %convert_element_type3A_70, %max3A_61, %dot_general3A_78 {dimension_numbers = #tpu.dot_dimension_numbers<[1], [0], [0], [1], [0, 0, 1, 1], [], []>, transpose_lhs_hint = false} : vector<64x2000xf32>, vector<2000x128xf32>, vector<64x128xf32> -> vector<64x128xf32>
    %add3A_80 = arith.addf %get3A_77, %dot_general3A_79 : vector<64x128xf32>
    %swap3A_81 = arith.constant 0 : index
    %swap3A_82 = arith.constant 0 : index
    %swap3A_83 = vector.load %arg14[%swap3A_81, %swap3A_82] : memref<64x128xf32, #tpu.memory_space<vmem>>, vector<64x128xf32>
    tpu.vector_store %arg14[%swap3A_81, %swap3A_82], %add3A_80 {strides = array<i32>} : memref<64x128xf32, #tpu.memory_space<vmem>>, vector<64x128xf32>,
    %get3A_84 = arith.constant 0 : index
    %get3A_85 = arith.constant 0 : index
    %get3A_86 = vector.load %arg15[%get3A_84, %get3A_85] : memref<64x128xf32, #tpu.memory_space<vmem>>, vector<64x128xf32>
    %reduce_sum3A = arith.constant dense<0.000000e+00> : vector<64xf32>
    %reduce_sum3A_87 = vector.multi_reduction <add>, %convert_element_type3A_70, %reduce_sum3A [1] : vector<64x2000xf32> to vector<64xf32>
    %broadcast_in_dim3A_88 = vector.shape_cast %reduce_sum3A_87 : vector<64xf32> to vector<64x1xf32>
    %broadcast_in_dim3A_89 = vector.shape_cast %broadcast_in_dim3A_88 : vector<64x1xf32> to vector<64x1xf32>
    %broadcast_in_dim3A_90 = vector.broadcast %broadcast_in_dim3A_89 : vector<64x1xf32> to vector<64x128xf32>
    %add3A_91 = arith.addf %get3A_86, %broadcast_in_dim3A_90 : vector<64x128xf32>
    %swap3A_92 = arith.constant 0 : index
    %swap3A_93 = arith.constant 0 : index
    %swap3A_94 = vector.load %arg15[%swap3A_92, %swap3A_93] : memref<64x128xf32, #tpu.memory_space<vmem>>, vector<64x128xf32>
    tpu.vector_store %arg15[%swap3A_92, %swap3A_93], %add3A_91 {strides = array<i32>} : memref<64x128xf32, #tpu.memory_space<vmem>>, vector<64x128xf32>,
    return
  }
  func.func @transform_0(%arg0: i32) -> (i32, i32) {
    %c0_i32 = arith.constant 0 : i32
    %c0_i32_0 = arith.constant 0 : i32
    return %arg0, %c0_i32 : i32, i32
  }
  func.func @transform_1(%arg0: i32) -> (i32, i32, i32) {
    %c0_i32 = arith.constant 0 : i32
    %c0_i32_0 = arith.constant 0 : i32
    %c0_i32_1 = arith.constant 0 : i32
    return %c0_i32, %arg0, %c0_i32_0 : i32, i32, i32
  }
  func.func @transform_2(%arg0: i32) -> (i32, i32, i32) {
    %c1_i32 = arith.constant 1 : i32
    %c0_i32 = arith.constant 0 : i32
    %c0_i32_0 = arith.constant 0 : i32
    return %c1_i32, %arg0, %c0_i32 : i32, i32, i32
  }
  func.func @transform_3(%arg0: i32) -> (i32, i32, i32) {
    %c0_i32 = arith.constant 0 : i32
    %c0_i32_0 = arith.constant 0 : i32
    %c0_i32_1 = arith.constant 0 : i32
    return %arg0, %c0_i32, %c0_i32_0 : i32, i32, i32
  }
  func.func @transform_4(%arg0: i32) -> (i32, i32) {
    %c0_i32 = arith.constant 0 : i32
    %c0_i32_0 = arith.constant 0 : i32
    %c0_i32_1 = arith.constant 0 : i32
    return %c0_i32, %c0_i32_0 : i32, i32
  }
  func.func @transform_5(%arg0: i32) -> (i32, i32) {
    %c0_i32 = arith.constant 0 : i32
    %c0_i32_0 = arith.constant 0 : i32
    %c0_i32_1 = arith.constant 0 : i32
    return %c0_i32, %c0_i32_0 : i32, i32
  }
  func.func @transform_6(%arg0: i32) -> (i32, i32) {
    %c0_i32 = arith.constant 0 : i32
    %c0_i32_0 = arith.constant 0 : i32
    %c0_i32_1 = arith.constant 0 : i32
    return %c0_i32, %c0_i32_0 : i32, i32
  }
  func.func @transform_7(%arg0: i32) -> (i32, i32) {
    %c0_i32 = arith.constant 0 : i32
    %c0_i32_0 = arith.constant 0 : i32
    %c0_i32_1 = arith.constant 0 : i32
    return %c0_i32, %c0_i32_0 : i32, i32
  }
  func.func @transform_8(%arg0: i32) -> (i32, i32) {
    %c0_i32 = arith.constant 0 : i32
    %c0_i32_0 = arith.constant 0 : i32
    %c0_i32_1 = arith.constant 0 : i32
    return %c0_i32, %c0_i32_0 : i32, i32
  }
  func.func @transform_9(%arg0: i32) -> (i32, i32) {
    %c0_i32 = arith.constant 0 : i32
    %c0_i32_0 = arith.constant 0 : i32
    %c0_i32_1 = arith.constant 0 : i32
    return %c0_i32, %c0_i32_0 : i32, i32
  }
  func.func @transform_10(%arg0: i32) -> (i32, i32) {
    %c0_i32 = arith.constant 0 : i32
    %c0_i32_0 = arith.constant 0 : i32
    %c0_i32_1 = arith.constant 0 : i32
    return %c0_i32, %c0_i32_0 : i32, i32
  }
  func.func @transform_11(%arg0: i32) -> (i32, i32) {
    %c0_i32 = arith.constant 0 : i32
    %c0_i32_0 = arith.constant 0 : i32
    %c0_i32_1 = arith.constant 0 : i32
    return %c0_i32, %c0_i32_0 : i32, i32
  }
  func.func @transform_12(%arg0: i32) -> (i32, i32) {
    %c0_i32 = arith.constant 0 : i32
    %c0_i32_0 = arith.constant 0 : i32
    return %arg0, %c0_i32 : i32, i32
  }
  func.func @transform_13(%arg0: i32) -> (i32, i32) {
    %c0_i32 = arith.constant 0 : i32
    %c0_i32_0 = arith.constant 0 : i32
    %c0_i32_1 = arith.constant 0 : i32
    return %c0_i32, %c0_i32_0 : i32, i32
  }
  func.func @transform_14(%arg0: i32) -> (i32, i32) {
    %c0_i32 = arith.constant 0 : i32
    %c0_i32_0 = arith.constant 0 : i32
    %c0_i32_1 = arith.constant 0 : i32
    return %c0_i32, %c0_i32_0 : i32, i32
  }
}

module attributes {stable_mosaic.version = 14 : i64} {
  func.func @_layer2_body(%arg0: i32, %arg1: memref<2000x128xf32, #tpu.memory_space<vmem>>, %arg2: memref<1x2000x128xf32, #tpu.memory_space<vmem>>, %arg3: memref<1x2000x128xf32, #tpu.memory_space<vmem>>, %arg4: memref<1x1x2000xi32, #tpu.memory_space<vmem>>, %arg5: memref<128x128xf32, #tpu.memory_space<vmem>>, %arg6: memref<1x128xf32, #tpu.memory_space<vmem>>, %arg7: memref<1x128xf32, #tpu.memory_space<vmem>>, %arg8: memref<1x128xf32, #tpu.memory_space<vmem>>, %arg9: memref<128x128xf32, #tpu.memory_space<vmem>>, %arg10: memref<1x128xf32, #tpu.memory_space<vmem>>, %arg11: memref<1x128xf32, #tpu.memory_space<vmem>>, %arg12: memref<1x128xf32, #tpu.memory_space<vmem>>, %arg13: memref<64x128xf32, #tpu.memory_space<vmem>>, %arg14: memref<64x128xf32, #tpu.memory_space<vmem>>, %arg15: memref<1x128x64xf32, #tpu.memory_space<vmem>>, %arg16: memref<1x128x64xf32, #tpu.memory_space<vmem>>, %arg17: memref<1x64xf32, #tpu.memory_space<vmem>>, %arg18: memref<64x64xf32, #tpu.memory_space<vmem>>, %arg19: memref<64x128xf32, #tpu.memory_space<vmem>>) attributes {dimension_semantics = [#tpu.dimension_semantics<arbitrary>], iteration_bounds = array<i64: 5>, scalar_prefetch = 0 : i64, scratch_operands = 1 : i64, tpu.core_type = #tpu.core_type<tc>, window_params = [{transform_indices = @transform_0, window_bounds = array<i64: 2000, 128>}, {transform_indices = @transform_1, window_bounds = array<i64: 1, 2000, 128>}, {transform_indices = @transform_2, window_bounds = array<i64: 1, 2000, 128>}, {transform_indices = @transform_3, window_bounds = array<i64: 1, 1, 2000>}, {pipeline_mode = #tpu.pipeline_mode<synchronous>, transform_indices = @transform_4, window_bounds = array<i64: 128, 128>}, {pipeline_mode = #tpu.pipeline_mode<synchronous>, transform_indices = @transform_5, window_bounds = array<i64: 1, 128>}, {pipeline_mode = #tpu.pipeline_mode<synchronous>, transform_indices = @transform_6, window_bounds = array<i64: 1, 128>}, {pipeline_mode = #tpu.pipeline_mode<synchronous>, transform_indices = @transform_7, window_bounds = array<i64: 1, 128>}, {pipeline_mode = #tpu.pipeline_mode<synchronous>, transform_indices = @transform_8, window_bounds = array<i64: 128, 128>}, {pipeline_mode = #tpu.pipeline_mode<synchronous>, transform_indices = @transform_9, window_bounds = array<i64: 1, 128>}, {pipeline_mode = #tpu.pipeline_mode<synchronous>, transform_indices = @transform_10, window_bounds = array<i64: 1, 128>}, {pipeline_mode = #tpu.pipeline_mode<synchronous>, transform_indices = @transform_11, window_bounds = array<i64: 1, 128>}, {pipeline_mode = #tpu.pipeline_mode<synchronous>, transform_indices = @transform_12, window_bounds = array<i64: 64, 128>}, {pipeline_mode = #tpu.pipeline_mode<synchronous>, transform_indices = @transform_13, window_bounds = array<i64: 64, 128>}, {transform_indices = @transform_14, window_bounds = array<i64: 1, 128, 64>}, {transform_indices = @transform_15, window_bounds = array<i64: 1, 128, 64>}, {pipeline_mode = #tpu.pipeline_mode<synchronous>, transform_indices = @transform_16, window_bounds = array<i64: 1, 64>}, {pipeline_mode = #tpu.pipeline_mode<synchronous>, transform_indices = @transform_17, window_bounds = array<i64: 64, 64>}]} {
    %get3A = arith.constant 0 : index
    %get3A_0 = arith.constant 0 : index
    %get3A_1 = vector.load %arg1[%get3A, %get3A_0] : memref<2000x128xf32, #tpu.memory_space<vmem>>, vector<2000x128xf32>
    %get3A_2 = arith.constant 0 : index
    %get3A_3 = arith.constant 0 : index
    %get3A_4 = arith.constant 0 : index
    %get3A_5 = vector.load %arg2[%get3A_2, %get3A_3, %get3A_4] : memref<1x2000x128xf32, #tpu.memory_space<vmem>>, vector<1x2000x128xf32>
    %get3A_6 = vector.shape_cast %get3A_5 : vector<1x2000x128xf32> to vector<2000x128xf32>
    %add3A = arith.addf %get3A_1, %get3A_6 : vector<2000x128xf32>
    %get3A_7 = arith.constant 0 : index
    %get3A_8 = arith.constant 0 : index
    %get3A_9 = arith.constant 0 : index
    %get3A_10 = vector.load %arg3[%get3A_7, %get3A_8, %get3A_9] : memref<1x2000x128xf32, #tpu.memory_space<vmem>>, vector<1x2000x128xf32>
    %get3A_11 = vector.shape_cast %get3A_10 : vector<1x2000x128xf32> to vector<2000x128xf32>
    %add3A_12 = arith.addf %add3A, %get3A_11 : vector<2000x128xf32>
    %get3A_13 = arith.constant 0 : index
    %get3A_14 = arith.constant 0 : index
    %get3A_15 = vector.load %arg5[%get3A_13, %get3A_14] : memref<128x128xf32, #tpu.memory_space<vmem>>, vector<128x128xf32>
    %dot_general3A = arith.constant dense<0.000000e+00> : vector<2000x128xf32>
    %dot_general3A_16 = tpu.matmul %add3A_12, %get3A_15, %dot_general3A {dimension_numbers = #tpu.dot_dimension_numbers<[1], [0], [0], [1], [0, 0, 1, 1], [], []>, transpose_lhs_hint = false} : vector<2000x128xf32>, vector<128x128xf32>, vector<2000x128xf32> -> vector<2000x128xf32>
    %get3A_17 = arith.constant 0 : index
    %get3A_18 = arith.constant 0 : index
    %get3A_19 = vector.load %arg6[%get3A_17, %get3A_18] : memref<1x128xf32, #tpu.memory_space<vmem>>, vector<1x128xf32>
    %add3A_20 = vector.broadcast %get3A_19 : vector<1x128xf32> to vector<2000x128xf32>
    %add3A_21 = arith.addf %dot_general3A_16, %add3A_20 : vector<2000x128xf32>
    %get3A_22 = arith.constant 0 : index
    %get3A_23 = arith.constant 0 : index
    %get3A_24 = vector.load %arg7[%get3A_22, %get3A_23] : memref<1x128xf32, #tpu.memory_space<vmem>>, vector<1x128xf32>
    %mul3A = arith.constant 0.999994993 : f32
    %mul3A_25 = vector.broadcast %mul3A : f32 to vector<1x128xf32>
    %mul3A_26 = arith.mulf %get3A_24, %mul3A_25 : vector<1x128xf32>
    %mul3A_27 = vector.broadcast %mul3A_26 : vector<1x128xf32> to vector<2000x128xf32>
    %mul3A_28 = arith.mulf %add3A_21, %mul3A_27 : vector<2000x128xf32>
    %get3A_29 = arith.constant 0 : index
    %get3A_30 = arith.constant 0 : index
    %get3A_31 = vector.load %arg8[%get3A_29, %get3A_30] : memref<1x128xf32, #tpu.memory_space<vmem>>, vector<1x128xf32>
    %add3A_32 = vector.broadcast %get3A_31 : vector<1x128xf32> to vector<2000x128xf32>
    %add3A_33 = arith.addf %mul3A_28, %add3A_32 : vector<2000x128xf32>
    %max3A = arith.constant 0.000000e+00 : f32
    %max3A_34 = vector.broadcast %max3A : f32 to vector<2000x128xf32>
    %max3A_35 = arith.maximumf %add3A_33, %max3A_34 : vector<2000x128xf32>
    %get3A_36 = arith.constant 0 : index
    %get3A_37 = arith.constant 0 : index
    %get3A_38 = vector.load %arg9[%get3A_36, %get3A_37] : memref<128x128xf32, #tpu.memory_space<vmem>>, vector<128x128xf32>
    %dot_general3A_39 = arith.constant dense<0.000000e+00> : vector<2000x128xf32>
    %dot_general3A_40 = tpu.matmul %max3A_35, %get3A_38, %dot_general3A_39 {dimension_numbers = #tpu.dot_dimension_numbers<[1], [0], [0], [1], [0, 0, 1, 1], [], []>, transpose_lhs_hint = false} : vector<2000x128xf32>, vector<128x128xf32>, vector<2000x128xf32> -> vector<2000x128xf32>
    %get3A_41 = arith.constant 0 : index
    %get3A_42 = arith.constant 0 : index
    %get3A_43 = vector.load %arg10[%get3A_41, %get3A_42] : memref<1x128xf32, #tpu.memory_space<vmem>>, vector<1x128xf32>
    %add3A_44 = vector.broadcast %get3A_43 : vector<1x128xf32> to vector<2000x128xf32>
    %add3A_45 = arith.addf %dot_general3A_40, %add3A_44 : vector<2000x128xf32>
    %get3A_46 = arith.constant 0 : index
    %get3A_47 = arith.constant 0 : index
    %get3A_48 = vector.load %arg11[%get3A_46, %get3A_47] : memref<1x128xf32, #tpu.memory_space<vmem>>, vector<1x128xf32>
    %mul3A_49 = arith.constant 0.999994993 : f32
    %mul3A_50 = vector.broadcast %mul3A_49 : f32 to vector<1x128xf32>
    %mul3A_51 = arith.mulf %get3A_48, %mul3A_50 : vector<1x128xf32>
    %mul3A_52 = vector.broadcast %mul3A_51 : vector<1x128xf32> to vector<2000x128xf32>
    %mul3A_53 = arith.mulf %add3A_45, %mul3A_52 : vector<2000x128xf32>
    %get3A_54 = arith.constant 0 : index
    %get3A_55 = arith.constant 0 : index
    %get3A_56 = vector.load %arg12[%get3A_54, %get3A_55] : memref<1x128xf32, #tpu.memory_space<vmem>>, vector<1x128xf32>
    %add3A_57 = vector.broadcast %get3A_56 : vector<1x128xf32> to vector<2000x128xf32>
    %add3A_58 = arith.addf %mul3A_53, %add3A_57 : vector<2000x128xf32>
    %max3A_59 = arith.constant 0.000000e+00 : f32
    %max3A_60 = vector.broadcast %max3A_59 : f32 to vector<2000x128xf32>
    %max3A_61 = arith.maximumf %add3A_58, %max3A_60 : vector<2000x128xf32>
    %get3A_62 = arith.constant 0 : index
    %get3A_63 = arith.constant 0 : index
    %get3A_64 = arith.constant 0 : index
    %get3A_65 = vector.load %arg4[%get3A_62, %get3A_63, %get3A_64] : memref<1x1x2000xi32, #tpu.memory_space<vmem>>, vector<1x1x2000xi32>
    %get3A_66 = vector.shape_cast %get3A_65 : vector<1x1x2000xi32> to vector<2000xi32>
    %iota3A = tpu.iota {dimensions = array<i32: 0>} : vector<64x2000xi32>
    %broadcast_in_dim3A = vector.shape_cast %get3A_66 : vector<2000xi32> to vector<1x2000xi32>
    %eq3A = vector.broadcast %broadcast_in_dim3A : vector<1x2000xi32> to vector<64x2000xi32>
    %eq3A_67 = arith.cmpi eq, %eq3A, %iota3A : vector<64x2000xi32>
    %convert_element_type3A = arith.extui %eq3A_67 : vector<64x2000xi1> to vector<64x2000xi32>
    %convert_element_type3A_68 = arith.sitofp %convert_element_type3A : vector<64x2000xi32> to vector<64x2000xf32>
    %eq3A_69 = arith.constant 0 : i32
    %eq3A_70 = arith.cmpi eq, %arg0, %eq3A_69 : i32
    %convert_element_type3A_71 = arith.extui %eq3A_70 : i1 to i32
    %cond3A = arith.constant 0 : i32
    %cond3A_72 = arith.cmpi ne, %convert_element_type3A_71, %cond3A : i32
    scf.if %cond3A_72 {
      %broadcast_in_dim3A_86 = arith.constant 0.000000e+00 : f32
      %broadcast_in_dim3A_87 = vector.broadcast %broadcast_in_dim3A_86 : f32 to vector<64x128xf32>
      %swap3A_88 = arith.constant 0 : index
      %swap3A_89 = arith.constant 0 : index
      %swap3A_90 = vector.load %arg19[%swap3A_88, %swap3A_89] : memref<64x128xf32, #tpu.memory_space<vmem>>, vector<64x128xf32>
      tpu.vector_store %arg19[%swap3A_88, %swap3A_89], %broadcast_in_dim3A_87 {strides = array<i32>} : memref<64x128xf32, #tpu.memory_space<vmem>>, vector<64x128xf32>,
    } else {
    }
    %get3A_73 = arith.constant 0 : index
    %get3A_74 = arith.constant 0 : index
    %get3A_75 = vector.load %arg19[%get3A_73, %get3A_74] : memref<64x128xf32, #tpu.memory_space<vmem>>, vector<64x128xf32>
    %dot_general3A_76 = arith.constant dense<0.000000e+00> : vector<64x128xf32>
    %dot_general3A_77 = tpu.matmul %convert_element_type3A_68, %max3A_61, %dot_general3A_76 {dimension_numbers = #tpu.dot_dimension_numbers<[1], [0], [0], [1], [0, 0, 1, 1], [], []>, transpose_lhs_hint = false} : vector<64x2000xf32>, vector<2000x128xf32>, vector<64x128xf32> -> vector<64x128xf32>
    %add3A_78 = arith.addf %get3A_75, %dot_general3A_77 : vector<64x128xf32>
    %swap3A = arith.constant 0 : index
    %swap3A_79 = arith.constant 0 : index
    %swap3A_80 = vector.load %arg19[%swap3A, %swap3A_79] : memref<64x128xf32, #tpu.memory_space<vmem>>, vector<64x128xf32>
    tpu.vector_store %arg19[%swap3A, %swap3A_79], %add3A_78 {strides = array<i32>} : memref<64x128xf32, #tpu.memory_space<vmem>>, vector<64x128xf32>,
    %eq3A_81 = arith.constant 4 : i32
    %eq3A_82 = arith.cmpi eq, %arg0, %eq3A_81 : i32
    %convert_element_type3A_83 = arith.extui %eq3A_82 : i1 to i32
    %cond3A_84 = arith.constant 0 : i32
    %cond3A_85 = arith.cmpi ne, %convert_element_type3A_83, %cond3A_84 : i32
    scf.if %cond3A_85 {
      %get3A_86 = arith.constant 0 : index
      %get3A_87 = arith.constant 0 : index
      %get3A_88 = vector.load %arg14[%get3A_86, %get3A_87] : memref<64x128xf32, #tpu.memory_space<vmem>>, vector<64x128xf32>
      %max3A_89 = arith.constant 1.000000e+00 : f32
      %max3A_90 = vector.broadcast %max3A_89 : f32 to vector<64x128xf32>
      %max3A_91 = arith.maximumf %get3A_88, %max3A_90 : vector<64x128xf32>
      %get3A_92 = arith.constant 0 : index
      %get3A_93 = arith.constant 0 : index
      %get3A_94 = vector.load %arg13[%get3A_92, %get3A_93] : memref<64x128xf32, #tpu.memory_space<vmem>>, vector<64x128xf32>
      %div3A = arith.divf %get3A_94, %max3A_91 : vector<64x128xf32>
      %get3A_95 = arith.constant 0 : index
      %get3A_96 = arith.constant 0 : index
      %get3A_97 = vector.load %arg19[%get3A_95, %get3A_96] : memref<64x128xf32, #tpu.memory_space<vmem>>, vector<64x128xf32>
      %div3A_98 = arith.divf %get3A_97, %max3A_91 : vector<64x128xf32>
      %get3A_99 = arith.constant 0 : index
      %get3A_100 = arith.constant 0 : index
      %get3A_101 = arith.constant 0 : index
      %get3A_102 = vector.load %arg15[%get3A_99, %get3A_100, %get3A_101] : memref<1x128x64xf32, #tpu.memory_space<vmem>>, vector<1x128x64xf32>
      %get3A_103 = vector.shape_cast %get3A_102 : vector<1x128x64xf32> to vector<128x64xf32>
      %dot_general3A_104 = arith.constant dense<0.000000e+00> : vector<64x64xf32>
      %dot_general3A_105 = tpu.matmul %div3A, %get3A_103, %dot_general3A_104 {dimension_numbers = #tpu.dot_dimension_numbers<[1], [0], [0], [1], [0, 0, 1, 1], [], []>, transpose_lhs_hint = false} : vector<64x128xf32>, vector<128x64xf32>, vector<64x64xf32> -> vector<64x64xf32>
      %get3A_106 = arith.constant 0 : index
      %get3A_107 = arith.constant 0 : index
      %get3A_108 = arith.constant 0 : index
      %get3A_109 = vector.load %arg16[%get3A_106, %get3A_107, %get3A_108] : memref<1x128x64xf32, #tpu.memory_space<vmem>>, vector<1x128x64xf32>
      %get3A_110 = vector.shape_cast %get3A_109 : vector<1x128x64xf32> to vector<128x64xf32>
      %dot_general3A_111 = arith.constant dense<0.000000e+00> : vector<64x64xf32>
      %dot_general3A_112 = tpu.matmul %div3A_98, %get3A_110, %dot_general3A_111 {dimension_numbers = #tpu.dot_dimension_numbers<[1], [0], [0], [1], [0, 0, 1, 1], [], []>, transpose_lhs_hint = false} : vector<64x128xf32>, vector<128x64xf32>, vector<64x64xf32> -> vector<64x64xf32>
      %add3A_113 = arith.addf %dot_general3A_105, %dot_general3A_112 : vector<64x64xf32>
      %get3A_114 = arith.constant 0 : index
      %get3A_115 = arith.constant 0 : index
      %get3A_116 = vector.load %arg17[%get3A_114, %get3A_115] : memref<1x64xf32, #tpu.memory_space<vmem>>, vector<1x64xf32>
      %add3A_117 = vector.broadcast %get3A_116 : vector<1x64xf32> to vector<64x64xf32>
      %add3A_118 = arith.addf %add3A_113, %add3A_117 : vector<64x64xf32>
      %swap3A_119 = arith.constant 0 : index
      %swap3A_120 = arith.constant 0 : index
      %swap3A_121 = vector.load %arg18[%swap3A_119, %swap3A_120] : memref<64x64xf32, #tpu.memory_space<vmem>>, vector<64x64xf32>
      tpu.vector_store %arg18[%swap3A_119, %swap3A_120], %add3A_118 {strides = array<i32>} : memref<64x64xf32, #tpu.memory_space<vmem>>, vector<64x64xf32>,
    } else {
    }
    return
  }
  func.func @transform_0(%arg0: i32) -> (i32, i32) {
    %c0_i32 = arith.constant 0 : i32
    %c0_i32_0 = arith.constant 0 : i32
    return %arg0, %c0_i32 : i32, i32
  }
  func.func @transform_1(%arg0: i32) -> (i32, i32, i32) {
    %c0_i32 = arith.constant 0 : i32
    %c0_i32_0 = arith.constant 0 : i32
    %c0_i32_1 = arith.constant 0 : i32
    return %c0_i32, %arg0, %c0_i32_0 : i32, i32, i32
  }
  func.func @transform_2(%arg0: i32) -> (i32, i32, i32) {
    %c1_i32 = arith.constant 1 : i32
    %c0_i32 = arith.constant 0 : i32
    %c0_i32_0 = arith.constant 0 : i32
    return %c1_i32, %arg0, %c0_i32 : i32, i32, i32
  }
  func.func @transform_3(%arg0: i32) -> (i32, i32, i32) {
    %c0_i32 = arith.constant 0 : i32
    %c0_i32_0 = arith.constant 0 : i32
    %c0_i32_1 = arith.constant 0 : i32
    return %arg0, %c0_i32, %c0_i32_0 : i32, i32, i32
  }
  func.func @transform_4(%arg0: i32) -> (i32, i32) {
    %c0_i32 = arith.constant 0 : i32
    %c0_i32_0 = arith.constant 0 : i32
    %c0_i32_1 = arith.constant 0 : i32
    return %c0_i32, %c0_i32_0 : i32, i32
  }
  func.func @transform_5(%arg0: i32) -> (i32, i32) {
    %c0_i32 = arith.constant 0 : i32
    %c0_i32_0 = arith.constant 0 : i32
    %c0_i32_1 = arith.constant 0 : i32
    return %c0_i32, %c0_i32_0 : i32, i32
  }
  func.func @transform_6(%arg0: i32) -> (i32, i32) {
    %c0_i32 = arith.constant 0 : i32
    %c0_i32_0 = arith.constant 0 : i32
    %c0_i32_1 = arith.constant 0 : i32
    return %c0_i32, %c0_i32_0 : i32, i32
  }
  func.func @transform_7(%arg0: i32) -> (i32, i32) {
    %c0_i32 = arith.constant 0 : i32
    %c0_i32_0 = arith.constant 0 : i32
    %c0_i32_1 = arith.constant 0 : i32
    return %c0_i32, %c0_i32_0 : i32, i32
  }
  func.func @transform_8(%arg0: i32) -> (i32, i32) {
    %c0_i32 = arith.constant 0 : i32
    %c0_i32_0 = arith.constant 0 : i32
    %c0_i32_1 = arith.constant 0 : i32
    return %c0_i32, %c0_i32_0 : i32, i32
  }
  func.func @transform_9(%arg0: i32) -> (i32, i32) {
    %c0_i32 = arith.constant 0 : i32
    %c0_i32_0 = arith.constant 0 : i32
    %c0_i32_1 = arith.constant 0 : i32
    return %c0_i32, %c0_i32_0 : i32, i32
  }
  func.func @transform_10(%arg0: i32) -> (i32, i32) {
    %c0_i32 = arith.constant 0 : i32
    %c0_i32_0 = arith.constant 0 : i32
    %c0_i32_1 = arith.constant 0 : i32
    return %c0_i32, %c0_i32_0 : i32, i32
  }
  func.func @transform_11(%arg0: i32) -> (i32, i32) {
    %c0_i32 = arith.constant 0 : i32
    %c0_i32_0 = arith.constant 0 : i32
    %c0_i32_1 = arith.constant 0 : i32
    return %c0_i32, %c0_i32_0 : i32, i32
  }
  func.func @transform_12(%arg0: i32) -> (i32, i32) {
    %c0_i32 = arith.constant 0 : i32
    %c0_i32_0 = arith.constant 0 : i32
    %c0_i32_1 = arith.constant 0 : i32
    return %c0_i32, %c0_i32_0 : i32, i32
  }
  func.func @transform_13(%arg0: i32) -> (i32, i32) {
    %c0_i32 = arith.constant 0 : i32
    %c0_i32_0 = arith.constant 0 : i32
    %c0_i32_1 = arith.constant 0 : i32
    return %c0_i32, %c0_i32_0 : i32, i32
  }
  func.func @transform_14(%arg0: i32) -> (i32, i32, i32) {
    %c0_i32 = arith.constant 0 : i32
    %c0_i32_0 = arith.constant 0 : i32
    %c0_i32_1 = arith.constant 0 : i32
    %c0_i32_2 = arith.constant 0 : i32
    return %c0_i32, %c0_i32_0, %c0_i32_1 : i32, i32, i32
  }
  func.func @transform_15(%arg0: i32) -> (i32, i32, i32) {
    %c1_i32 = arith.constant 1 : i32
    %c0_i32 = arith.constant 0 : i32
    %c0_i32_0 = arith.constant 0 : i32
    %c0_i32_1 = arith.constant 0 : i32
    return %c1_i32, %c0_i32, %c0_i32_0 : i32, i32, i32
  }
  func.func @transform_16(%arg0: i32) -> (i32, i32) {
    %c0_i32 = arith.constant 0 : i32
    %c0_i32_0 = arith.constant 0 : i32
    %c0_i32_1 = arith.constant 0 : i32
    return %c0_i32, %c0_i32_0 : i32, i32
  }
  func.func @transform_17(%arg0: i32) -> (i32, i32) {
    %c0_i32 = arith.constant 0 : i32
    %c0_i32_0 = arith.constant 0 : i32
    %c0_i32_1 = arith.constant 0 : i32
    return %c0_i32, %c0_i32_0 : i32, i32
  }
}

</mosaic_0001>

<sc_bundles>
// kernel: kernel.6.cloned.1.call-start
scs
__scs_entry_jumppad:
0x0: {  	(pc) =	sbr.rel $0x88, $3  }
0x1: {  	(tag) =	ssettag $0x0;
	lr =	simm.s32 $0x1  }
0x2: {  	[smem:$0x3F8C] =	sst lr;
	_ =	strace $0xD0000000  }
0x3: {  	_ = 	snop  }
0x4: {  	_ = 	snop  }
0x5: {  	_ = 	snop  }
0x6: {  	_ = 	snop  }
0x7: {  	_ = 	snop  }
__scs_overlays_trampoline_lowered:
0x8: {  	[smem:$0x3F9B] =	sst s0  }
0x9: {  	[smem:$0x3F9C] =	sst s1  }
0xa: {  	[smem:$0x3F9D] =	sst s2  }
0xb: {  	[smem:$0x3F9E] =	sst s3  }
0xc: {  	[smem:$0x3F9F] =	sst s4  }
0xd: {  	[smem:$0x3FA0] =	sst s5  }
0xe: {  	[smem:$0x3FA1] =	sst s6  }
0xf: {  	[smem:$0x3FA2] =	sst s7  }
0x10: {  	[smem:$0x3FA3] =	sst s8  }
0x11: {  	[smem:$0x3FA4] =	sst s9;
	s0 =	simm.s32 @!p0 $0x0  }
0x12: {  	s1 =	sld [smem:$0x3F8A];
	s0 =	simm.s32 @p0 $0x1  }
0x13: {  	[smem:$0x3FA5] =	sst s0;
	s0 =	simm.s32 @!p1 $0x0  }
0x14: {  	s2 =	sld [smem:$0x3F89];
	s0 =	simm.s32 @p1 $0x1  }
0x15: {  	[smem:$0x3FA6] =	sst s0;
	s0 =	simm.s32 @!p2 $0x0  }
0x16: {  	s3 =	sld [smem:$0x3FDB];
	s0 =	simm.s32 @p2 $0x1  }
0x17: {  	s4 =	simm.s32 $0x1BF5;
	[smem:$0x3FA8] =	sst s0  }
0x18: {  	s0 =	sld [smem:$0x3F8B];
	_ =	swait.ge [sflag:s4], $0x0  }
0x19: {  	s7 =	sld [smem:$0x3F8C]  }
0x1a: {  	s8 =	sadd.s32 $0xFFFFE003, lr  }
0x1b: {  	s9 =	sadd.s32 $0xFFFFFEF7, lr;
	s5 =	simm.s32 $0xFFFFFFFF;
	p2 =	slt.u32 s8, $0xFFFFF086  }
0x1c: {  	p1 =	slt.u32 s9, $0xF7A;
	s5 =	simm.s32 @!p2 $0x0  }
0x1d: {  	s5 =	simm.s32 @p1 $0x1;
	p0 =	seq.s32 s7, s2  }
0x1e: {  	s7 =	smul.u32 @!p0 $0xF7A, s2;
	p2 =	seq.s32 @!p0 s5, $0x0  }
0x1f: {  	s9 =	smul.u32 $0xF7A, s1;
	s8 =	simm.s32 @!p0 $0x1BF5;
	p2 =	por !p2, p0  }
0x20: {  	[sflag:s8] =	ssyncset.s32 @!p0 $0xFFFFF086;
	s6 =	sadd.s32 @!p0 s3, s7;
	s7 =	simm.s32 @!p0 $0x108  }
0x21: {  	s3 =	sadd.s32 s3, s9;
	s6 =	sadd.s32 @!p0 $0x88, s6;
	s7 =	simm.s32 @p2 $0x1082  }
0x22: {  	[simem:s7], [sflag:s8] =	dma.local @!p0 [hbm:s6], $0xF7A  }
0x23: {  	s9 =	sor.u32 $0xD0000000, s2;
	s6 =	simm.s32 $0x108;
	_ =	swait.ge @!p0 [sflag:s8], $0x0  }
0x24: {  	s3 =	sadd.s32 $0x88, s3;
	s6 =	simm.s32 @!p1 $0x1082;
	[sflag:s4] =	ssyncset.s32 $0xFFFFF086  }
0x25: {  	[simem:s6], [sflag:s4] =	dma.local [hbm:s3], $0xF7A  }
0x26: {  	[smem:$0x3F8C] =	sst s1;
	(tag) =	ssettag s2;
	_ =	strace s9  }
0x27: {  	s1 =	sld [smem:$0x3F9C]  }
0x28: {  	s2 =	sld [smem:$0x3F9D]  }
0x29: {  	s4 =	sld [smem:$0x3F9F]  }
0x2a: {  	p0 =	seq.s32 s5, $0x0;
	s5 =	sld [smem:$0x3FA0]  }
0x2b: {  	s6 =	sld [smem:$0x3FA1]  }
0x2c: {  	s7 =	sld [smem:$0x3FA2]  }
0x2d: {  	s3 =	simm.s32 $0x108;
	s8 =	sld [smem:$0x3FA3]  }
0x2e: {  	s3 =	simm.s32 @!p0 $0x1082;
	s9 =	sld [smem:$0x3FA4]  }
0x2f: {  	lr =	sadd.s32 s0, s3;
	s0 =	sld [smem:$0x3F9B]  }
0x30: {  	s3 =	sld [smem:$0x3F9E]  }
0x31: {  	[smem:$0x3FA7] =	sst s10  }
0x32: {  	s10 =	sld [smem:$0x3FA5];
	_ =	sdelay $0x3  }
0x33: {  	p0 =	seq.s32 s10, $0x1;
	s10 =	sld [smem:$0x3FA7];
	_ =	sdelay $0x3  }
0x34: {  	[smem:$0x3FA7] =	sst s10  }
0x35: {  	s10 =	sld [smem:$0x3FA6];
	_ =	sdelay $0x3  }
0x36: {  	p1 =	seq.s32 s10, $0x1;
	s10 =	sld [smem:$0x3FA7];
	_ =	sdelay $0x3  }
0x37: {  	[smem:$0x3FA7] =	sst s10  }
0x38: {  	s10 =	sld [smem:$0x3FA8]  }
0x39: {  	_ = 	snop;
	(pc) =	sbr.ind lr, $3  }
0x3a: {  	_ = 	snop  }
0x3b: {  	_ = 	snop  }
0x3c: {  	p2 =	seq.s32 s10, $0x1;
	s10 =	sld [smem:$0x3FA7]  }
0x3d: {  	_ =	shalt  }
0x3e: {  	_ =	shalt  }
0x3f: {  	_ =	shalt  }
0x40: {  	_ =	shalt  }
0x41: {  	_ =	shalt  }
0x42: {  	_ =	shalt  }
0x43: {  	_ =	shalt  }
0x44: {  	_ =	shalt  }
0x45: {  	_ =	shalt  }
0x46: {  	_ =	shalt  }
0x47: {  	_ =	shalt  }
0x48: {  	_ =	shalt  }
0x49: {  	_ =	shalt  }
0x4a: {  	_ =	shalt  }
0x4b: {  	_ =	shalt  }
0x4c: {  	_ =	shalt  }
0x4d: {  	_ =	shalt  }
0x4e: {  	_ =	shalt  }
0x4f: {  	_ =	shalt  }
0x50: {  	_ =	shalt  }
0x51: {  	_ =	shalt  }
0x52: {  	_ =	shalt  }
0x53: {  	_ =	shalt  }
0x54: {  	_ =	shalt  }
0x55: {  	_ =	shalt  }
0x56: {  	_ =	shalt  }
0x57: {  	_ =	shalt  }
0x58: {  	_ =	shalt  }
0x59: {  	_ =	shalt  }
0x5a: {  	_ =	shalt  }
0x5b: {  	_ =	shalt  }
0x5c: {  	_ =	shalt  }
0x5d: {  	_ =	shalt  }
0x5e: {  	_ =	shalt  }
0x5f: {  	_ =	shalt  }
0x60: {  	_ =	shalt  }
0x61: {  	_ =	shalt  }
0x62: {  	_ =	shalt  }
0x63: {  	_ =	shalt  }
0x64: {  	_ =	shalt  }
0x65: {  	_ =	shalt  }
0x66: {  	_ =	shalt  }
0x67: {  	_ =	shalt  }
0x68: {  	_ =	shalt  }
0x69: {  	_ =	shalt  }
0x6a: {  	_ =	shalt  }
0x6b: {  	_ =	shalt  }
0x6c: {  	_ =	shalt  }
0x6d: {  	_ =	shalt  }
0x6e: {  	_ =	shalt  }
0x6f: {  	_ =	shalt  }
0x70: {  	_ =	shalt  }
0x71: {  	_ =	shalt  }
0x72: {  	_ =	shalt  }
0x73: {  	_ =	shalt  }
0x74: {  	_ =	shalt  }
0x75: {  	_ =	shalt  }
0x76: {  	_ =	shalt  }
0x77: {  	_ =	shalt  }
0x78: {  	_ =	shalt  }
0x79: {  	_ =	shalt  }
0x7a: {  	_ =	shalt  }
0x7b: {  	_ =	shalt  }
0x7c: {  	_ =	shalt  }
0x7d: {  	_ =	shalt  }
0x7e: {  	_ =	shalt  }
0x7f: {  	_ =	shalt  }
0x80: {  	_ =	shalt  }
0x81: {  	_ =	shalt  }
0x82: {  	_ =	shalt  }
0x83: {  	_ =	shalt  }
0x84: {  	_ =	shalt  }
0x85: {  	_ =	shalt  }
0x86: {  	_ =	shalt  }
0x87: {  	_ =	shalt  }
.Lfunc_end0:
.L_simem_size_0:
called_computation_lowered:
.L_overlay_start_0:
0x88: {  	s2 =	sld [smem:$0x3FD9]  }
0x89: {  	s3 =	sld [smem:$0x3FFE];
	_ =	sdelay $0x1  }
0x8a: {  	s1 =	srdreg.scid  }
0x8b: {  	s0 =	sand.u32 $0x1, s1  }
0x8c: {  	s17 =	sshll.u32 s0, $0xA;
	s2 =	sadd.s32 s3, s2  }
0x8d: {  	s2 =	sadd.s32 s2, s17  }
0x8e: {  	[smem:$0x3FB3] =	sst s2  }
0x8f: {  	_ = 	snop  }
0x90: {  	s2 =	sld [smem:$0x3FC9];
	(tm) =	ssettm $0x1  }
0x91: {  	s18 =	sld [smem:$0x3FFB];
	_ =	sdelay $0x3  }
0x92: {  	_ =	strace s18  }
0x93: {  	s3 =	sld [smem:$0x3FFC];
	_ =	sdelay $0x3  }
0x94: {  	_ =	strace s3  }
0x95: {  	s3 =	sld [smem:$0x3FFD];
	_ =	sdelay $0x3  }
0x96: {  	_ =	strace s3  }
0x97: {  	_ =	strace $0x8FFFFFFF  }
0x98: {  	s19 =	sld [smem:$0x3FDB];
	_ =	sdelay $0x1  }
0x99: {  	s4 =	simm.s32 $_scs_section_size  }
0x9a: {  	s5 =	simm.s32 $_size__tile_overlayer_lowered;
	s6 =	simm.s32 $_tile_overlayer_lowered  }
0x9b: {  	s22 =	simm.s32 $0x1BFF;
	s21 =	sshll.u32 s6, $0x1;
	s3 =	sadd.s32 s4, s19  }
0x9c: {  	s7 =	simm.s32 $0x0;
	s20 =	sshll.u32 s5, $0x1;
	s5 =	sadd.s32 s21, s3  }
0x9d: {  	[timem:s7], [sflag:s22] =	dma.local [hbm:s5], s20  }
0x9e: {  	_ =	swait.ge [sflag:s22], s20  }
0x9f: {  	s4 =	ssub.s32 $0x0, s20;
	[sflag:s22] =	ssyncset.done $0x0  }
0xa0: {  	[sflag:s22] =	ssyncadd.s32 s4;
	_ =	sdelay $0x1  }
0xa1: {  	s23 =	simm.s32 $0x1B8B  }
0xa2: {  	_ =	swait.ge [sflag:s23], $0x1  }
0xa3: {  	[sflag:s23] =	ssyncset.done $0x0  }
0xa4: {  	s25 =	simm.s32 $0x1B8E;
	s24 =	sld [smem:$0x3FFE];
	[sflag:s23] =	ssyncadd.s32 $0xFFFFFFFF  }
0xa5: {  	s26 =	simm.s32 $execute0_lowered;
	[smem:$0x3FD2] =	sst s25  }
0xa6: {  	s5 =	sshll.u32 s26, $0x1;
	_ =	strace $0x80000046;
	[dreg:$0x1] =	wrdreg $0xFFFFFFFF  }
0xa7: {  	s28 =	simm.s32 $_size_execute0_lowered;
	s3 =	sadd.s32 s3, s5;
	[dreg:$0x0] =	wrdreg $0x0  }
0xa8: {  	s5 =	sshll.u32 s28, $0x1;
	[dreg:$0x2] =	wrdreg s3  }
0xa9: {  	[dreg:$0x3] =	wrdreg s5  }
0xaa: {  	[dreg:$0x4] =	wrdreg $0xC0  }
0xab: {  	_ =	task [dreg:s7], $0x5FFFF  }
0xac: {  	[dreg:$0x1] =	wrdreg $0xFFFFFFFF  }
0xad: {  	[dreg:$0x0] =	wrdreg $0x60  }
0xae: {  	[dreg:$0x2] =	wrdreg s2  }
0xaf: {  	[dreg:$0x3] =	wrdreg s24  }
0xb0: {  	[dreg:$0x4] =	wrdreg $0xC7000  }
0xb1: {  	[dreg:$0x5] =	wrdreg $0x9  }
0xb2: {  	_ =	task.clear_ibuf [dreg:s7], $0x6FFFF;
	_ =	strace $0x90000046  }
0xb3: {  	s29 =	simm.s32 $0x9;
	_ =	strace $0x80000048  }
0xb4: {  	_ =	swait.ge [sflag:s29], $0x1  }
0xb5: {  	[sflag:s29] =	ssyncadd.s32 $0xFFFFFFFF  }
0xb6: {  	_ =	strace $0x90000048  }
0xb7: {  	_ =	sfence  }
0xb8: {  	s30 =	sld [smem:$0x0];
	_ =	sdelay $0x2  }
0xb9: {  	s31 =	sshll.u32 s1, $0xD;
	s1 =	sshrl.u32 s1, $0x2  }
0xba: {  	s3 =	sand.u32 $0x4000, s31;
	s1 =	sadd.s32 s1, s30  }
0xbb: {  	s0 =	sor.u32 s3, s0;
	s1 =	sshll.u32 s1, $0x11  }
0xbc: {  	s0 =	sor.u32 s1, s0  }
0xbd: {  	s0 =	sadd.s32 $0x8F2B, s0  }
0xbe: {  	[sflag:s0] =	ssyncadd.remote.s32 $0x1  }
0xbf: {  	_ =	sfence.sel $0xFFFF  }
0xc0: {  	[dreg:$0x0] =	wrdreg $0xFFFFFFFF;
	(pc) =	sbr.abs _section_cstart, $3  }
0xc1: {  	[dreg:$0x1] =	wrdreg $0xFFFFFFFF  }
0xc2: {  	_ =	task.clear_ibuf [dreg:s7], $0x2FFFF;
	_ =	strace $0x9FFFFFFF  }
0xc3: {  	(tm) =	ssettm $0x7FFFFFFF  }
tec
execute0_lowered:
.L_overlay_start_1:
0x0: {  	(tag) =	ssettag $0x1  }
0x1: {  	s1 =	srdreg.scid  }
0x2: {  	s1 =	sand.u32 $0x1, s1  }
0x3: {  	s0 =	rddreg [dreg:$0x0];
	s11 =	stileid.u32;
	s5 =	sshll.u32 s1, $0x4  }
0x4: {  	s2 =	rddreg [dreg:$0x1];
	s5 =	sor.u32 s11, s5  }
0x5: {  	s3 =	rddreg [dreg:$0x2];
	s4 =	simm.s32 $0x0;
	s5 =	smul.u32 $0x2710, s5  }
0x6: {  	[smem:$0x7FF] =	sst s4;
	s12 =	sadd.s32 $0xDC00, s2  }
0x7: {  	s13 =	sadd.s32 $0x3E00, s2;
	s6 =	ssub.s32 $0x2, s1;
	s5 =	sshrl.u32 s5, $0x3  }
0x8: {  	_ =	strace $0x80000047;
	s7 =	sshrl.u32 s6, $0x1;
	s9 =	sadd.s32 s12, s5  }
0x9: {  	s10 =	sadd.s32 s13, s5;
	s14 =	sadd.s32 $0x10, s5;
	[dreg:$0x4] =	wrdreg s9  }
0xa: {  	s6 =	ssub.s32 s6, s7;
	[dreg:$0x5] =	wrdreg s10;
	s9 =	sadd.s32 s12, s14  }
0xb: {  	s8 =	sadd.s32 $0x20, s5;
	s7 =	sadd.s32 s13, s14;
	[dreg:$0x6] =	wrdreg s9  }
0xc: {  	s25 =	smul.u32 $0x2710, s11;
	s15 =	sadd.s32 s12, s8;
	[dreg:$0x7] =	wrdreg s7  }
0xd: {  	s17 =	sadd.s32 $0x30, s5;
	s16 =	sadd.s32 s13, s8;
	[dreg:$0x8] =	wrdreg s15  }
0xe: {  	s20 =	sadd.s32 $0x40, s5;
	s19 =	sadd.s32 s12, s17;
	[dreg:$0x9] =	wrdreg s16  }
0xf: {  	s18 =	smul.u32 $0x138800, s1;
	s21 =	sadd.s32 s12, s20;
	[dreg:$0xa] =	wrdreg s19  }
0x10: {  	s23 =	sadd.s32 $0x50, s5;
	s22 =	sadd.s32 s13, s20;
	[dreg:$0xc] =	wrdreg s21  }
0x11: {  	s1 =	smul.u32 $0x27100, s1;
	s26 =	sadd.s32 s12, s23;
	[dreg:$0xd] =	wrdreg s22  }
0x12: {  	s7 =	sadd.s32 s13, s17;
	[dreg:$0xf] =	wrdreg s26  }
0x13: {  	s28 =	sadd.s32 s25, s1;
	s15 =	smax.u32 s6, $0x1;
	[dreg:$0xb] =	wrdreg s7  }
0x14: {  	s24 =	smul.u32 $0x4E000, s11;
	s22 =	sadd.s32 $0x300, s28;
	[dreg:$0x15] =	wrdreg s15  }
0x15: {  	s26 =	sadd.s32 $0x138000, s3;
	[dreg:$0x1c] =	wrdreg s22  }
0x16: {  	s9 =	sshrl.u32 s24, $0x2;
	s7 =	sadd.s32 s13, s23;
	[dreg:$0x1d] =	wrdreg s26  }
0x17: {  	s25 =	sadd.s32 s9, s3;
	[dreg:$0x10] =	wrdreg s7  }
0x18: {  	s23 =	sadd.s32 $0x800, s25;
	[dreg:$0x13] =	wrdreg s25  }
0x19: {  	s2 =	sadd.s32 $0x17A00, s2;
	s24 =	sadd.s32 $0x1000, s25;
	[dreg:$0x1e] =	wrdreg s23  }
0x1a: {  	p0 =	sne.s32 s11, $0xF;
	s6 =	sadd.s32 $0x2000, s25;
	[dreg:$0x1f] =	wrdreg s24  }
0x1b: {  	s10 =	smul.u32 $0x13800, s11;
	s7 =	sadd.s32 $0x2800, s25;
	[smem:$0x7DA] =	sst s6  }
0x1c: {  	s5 =	sadd.s32 $0x4E0, s5;
	s11 =	sadd.s32 $0x3800, s25;
	[smem:$0x7DB] =	sst s7  }
0x1d: {  	s10 =	sadd.s32 s10, s18;
	s15 =	sadd.s32 $0x5800, s25;
	[smem:$0x7DD] =	sst s11  }
0x1e: {  	s10 =	sshrl.u32 s10, $0x3;
	s22 =	sadd.s32 $0x9000, s25;
	[smem:$0x7E1] =	sst s15  }
0x1f: {  	s8 =	sshrl.u32 s18, $0x3;
	s10 =	sadd.s32 s2, s10;
	[smem:$0x7E8] =	sst s22  }
0x20: {  	s2 =	sadd.s32 s2, s8;
	s8 =	sadd.s32 s12, s5;
	[dreg:$0xe] =	wrdreg s10  }
0x21: {  	s5 =	sadd.s32 s13, s5;
	[dreg:$0x11] =	wrdreg s8  }
0x22: {  	s23 =	sadd.s32 $0x9800, s25;
	[dreg:$0x12] =	wrdreg s5  }
0x23: {  	s24 =	sadd.s32 $0xA000, s25;
	[smem:$0x7E9] =	sst s23  }
0x24: {  	s6 =	sadd.s32 $0xB000, s25;
	[smem:$0x7EA] =	sst s24  }
0x25: {  	s7 =	sadd.s32 $0xB800, s25;
	[smem:$0x7EC] =	sst s6  }
0x26: {  	s14 =	sadd.s32 $0x480, s28;
	s11 =	sadd.s32 $0xC800, s25;
	[smem:$0x7ED] =	sst s7  }
0x27: {  	s19 =	sadd.s32 $0x380, s28;
	s15 =	sadd.s32 $0xE800, s25;
	[smem:$0x7EF] =	sst s11  }
0x28: {  	s21 =	sadd.s32 $0x280, s28;
	s22 =	sadd.s32 $0x12000, s25;
	[smem:$0x7F3] =	sst s15  }
0x29: {  	s18 =	sadd.s32 $0x400, s28;
	s2 =	sadd.s32 $0x27000, s2;
	[smem:$0x7FA] =	sst s22  }
0x2a: {  	s10 =	sadd.s32 $0x500, s28;
	s28 =	sadd.s32 $0x1800, s25;
	[dreg:$0x14] =	wrdreg s2  }
0x2b: {  	s5 =	sshrl.u32 s21, $0x3;
	s21 =	sadd.s32 $0x8800, s25;
	[smem:$0x7D9] =	sst s28  }
0x2c: {  	s23 =	sadd.s32 $0x12800, s25;
	[smem:$0x7E7] =	sst s21  }
0x2d: {  	s24 =	sadd.s32 $0x13000, s25;
	[smem:$0x7FB] =	sst s23  }
0x2e: {  	s1 =	sshrl.u32 s10, $0x3;
	s10 =	sadd.s32 $0x3000, s25;
	[smem:$0x7FC] =	sst s24  }
0x2f: {  	s2 =	sshrl.u32 s14, $0x3;
	s14 =	sadd.s32 $0x5000, s25;
	[smem:$0x7DC] =	sst s10  }
0x30: {  	s28 =	sadd.s32 $0xA800, s25;
	[smem:$0x7E0] =	sst s14  }
0x31: {  	s21 =	sadd.s32 $0x11800, s25;
	[smem:$0x7EB] =	sst s28  }
0x32: {  	s16 =	sadd.s32 s1, s13;
	[smem:$0x7F9] =	sst s21  }
0x33: {  	s29 =	simm.s32 $0xC680;
	s1 =	sadd.s32 s1, s12;
	[dreg:$0x16] =	wrdreg s16  }
0x34: {  	s31 =	smov.u32 s13;
	s17 =	sadd.s32 s2, s13;
	[dreg:$0x17] =	wrdreg s1  }
0x35: {  	s30 =	smov.u32 s12;
	s2 =	sadd.s32 s2, s12;
	[dreg:$0x18] =	wrdreg s17  }
0x36: {  	s6 =	simm.s32 $0xC000;
	s10 =	sadd.s32 $0xC000, s25;
	[dreg:$0x19] =	wrdreg s2  }
0x37: {  	s15 =	simm.s32 $0xC400;
	s14 =	sadd.s32 $0xE000, s25;
	[smem:$0x7EE] =	sst s10  }
0x38: {  	s11 =	simm.s32 $0xE;
	s28 =	simm.s32 $0x0;
	[smem:$0x7F2] =	sst s14  }
0x39: {  	s22 =	simm.s32 $0x1;
	s16 =	sadd.s32 $0x6000, s25;
	[smem:$0x7FD] =	sst s28  }
0x3a: {  	s7 =	simm.s32 $0x3;
	s17 =	sadd.s32 $0x6800, s25;
	[smem:$0x7E2] =	sst s16  }
0x3b: {  	s1 =	sshrl.u32 s18, $0x3;
	s18 =	sadd.s32 $0x7000, s25;
	[smem:$0x7E3] =	sst s17  }
0x3c: {  	s2 =	sshrl.u32 s19, $0x3;
	s19 =	sadd.s32 $0x7800, s25;
	[smem:$0x7E4] =	sst s18  }
0x3d: {  	s8 =	sadd.s32 s5, s13;
	s20 =	sadd.s32 s1, s13;
	[smem:$0x7E5] =	sst s19  }
0x3e: {  	s9 =	sadd.s32 s5, s12;
	s1 =	sadd.s32 s1, s12;
	[dreg:$0x1a] =	wrdreg s20  }
0x3f: {  	s23 =	simm.s32 $0x4;
	s16 =	sadd.s32 $0xF000, s25;
	[dreg:$0x1b] =	wrdreg s1  }
0x40: {  	s24 =	simm.s32 $0xA;
	s17 =	sadd.s32 $0xF800, s25;
	[smem:$0x7F4] =	sst s16  }
0x41: {  	s21 =	simm.s32 $0x2;
	s18 =	sadd.s32 $0x10000, s25;
	[smem:$0x7F5] =	sst s17  }
0x42: {  	s19 =	sadd.s32 $0x10800, s25;
	s1 =	sadd.s32 s2, s13;
	[smem:$0x7F6] =	sst s18  }
0x43: {  	s2 =	sadd.s32 s2, s12;
	s12 =	sadd.s32 $0x4000, s25;
	[smem:$0x7F7] =	sst s19  }
0x44: {  	s10 =	simm.s32 $0x4000;
	s13 =	sadd.s32 $0x4800, s25;
	[smem:$0x7DE] =	sst s12  }
0x45: {  	s14 =	simm.s32 $0x6;
	s20 =	sadd.s32 $0x8000, s25;
	[smem:$0x7DF] =	sst s13  }
.Ltmp0:
0x46: {  	[smem:$0x7E6] =	sst s20;
	s12 =	sadd.s32 $0xD000, s25;
	(pc) =	sbr.rel .LBB2_1-.Ltmp0, $4  }
0x47: {  	s17 =	simm.s32 $0xC600;
	s13 =	sadd.s32 $0xD800, s25;
	[smem:$0x7F0] =	sst s12  }
0x48: {  	s18 =	simm.s32 $0x80;
	s20 =	sadd.s32 $0x11000, s25;
	[smem:$0x7F1] =	sst s13  }
0x49: {  	s19 =	simm.s32 $0x8;
	s16 =	simm.s32 $0xC;
	[smem:$0x7F8] =	sst s20  }
0x4a: {  	v0 =	vimm.f32 $0.0e+00;
	s20 =	simm.s32 $0x8000;
	s12 =	simm.s32 $0x5;
	s13 =	simm.s32 $0xB  }
.LBB2_8:
0x4b: {  	_ =	swait.ge [sflag:s14], $0x4000  }
0x4c: {  	[sflag:s14] =	ssyncset.done $0x0  }
0x4d: {  	s5 =	simm.s32 $0xD;
	[sflag:s14] =	ssyncadd.s32 $0xFFFFC000  }
0x4e: {  	_ =	swait.ge [sflag:s5], $0x10  }
0x4f: {  	[sflag:s5] =	ssyncset.done $0x0  }
0x50: {  	[sflag:s5] =	ssyncadd.s32 $0xFFFFFFF0  }
0x51: {  	_ =	swait.ge [sflag:s5], $0x10  }
0x52: {  	[sflag:s5] =	ssyncset.done $0x0  }
0x53: {  	s17 =	simm.s32 $0xC600;
	s6 =	simm.s32 $0x10;
	[sflag:s5] =	ssyncadd.s32 $0xFFFFFFF0  }
0x54: {  	[tilespmem:s4], [sflag:$0x1] =	stream.indirect.gather [hbm4b:s0+s6], $0x80, s17, s6, $0xb8;
	[tilespmem:$0x1FF80] =	vst v63  }
0x55: {  	_ =	swait.ge [sflag:s22], $0x800  }
0x56: {  	[sflag:s22] =	ssyncset.done $0x0  }
0x57: {  	s29 =	simm.s32 $0xC680;
	s26 =	simm.s32 $0xF;
	[sflag:s22] =	ssyncadd.s32 $0xFFFFF800  }
0x58: {  	[spmem:s3] =	stream.indirect.scatter.add.f32 [tilespmem:s4], [sflag:$0xF], $0x80, s29, s6, $0xb8;
	[tilespmem:$0x1FF80] =	vst v63  }
0x59: {  	_ =	swait.ge [sflag:s26], $0x800  }
0x5a: {  	[sflag:s26] =	ssyncset.done $0x0  }
0x5b: {  	[sflag:s26] =	ssyncadd.s32 $0xFFFFF800  }
0x5c: {  	s25 =	stileid.u32;
	[bflag:$0x0] =	sbarrier.arrive $0xFFFF  }
0x5d: {  	s5 =	sshll.u32 s25, $0x6;
	s25 =	rddreg [dreg:$0x13]  }
0x5e: {  	s5 =	sor.u32 $0x1C0F, s5;
	s17 =	rddreg [dreg:$0xe];
	s28 =	sshrl.u32 s25, $0x3  }
0x5f: {  	[hbm:s17], [sflag:s5] =	dma.local [spmem:s28], $0x2700  }
0x60: {  	_ =	swait.ge [sflag:s26], $0x2700  }
0x61: {  	[sflag:s26] =	ssyncset.done $0x0  }
0x62: {  	[sflag:s26] =	ssyncadd.s32 $0xFFFFD900;
	s26 =	rddreg [dreg:$0x1d]  }
0x63: {  	s17 =	rddreg [dreg:$0x14];
	s6 =	sshrl.u32 @!p0 s26, $0x3  }
0x64: {  	[hbm:s17], [sflag:s5] =	dma.local @!p0 [spmem:s6], $0x100  }
0x65: {  	s5 =	simm.s32 @!p0 $0xF  }
0x66: {  	_ =	swait.ge @!p0 [sflag:s5], $0x100  }
0x67: {  	s28 =	sld [smem:$0x7FD];
	_ =	sdelay $0x2  }
0x68: {  	s6 =	rddreg [dreg:$0x15];
	s28 =	sadd.s32 $0x1, s28  }
0x69: {  	p1 =	sne.s32 s28, s6  }
.Ltmp1:
0x6a: {  	_ = 	snop;
	(pc) =	sbr.rel @!p1 .LBB2_9-.Ltmp1, $3  }
0x6b: {  	_ =	sdelay $0x1  }
0x6c: {  	s17 =	simm.s32 $0xC600;
	[sflag:s5] =	ssyncset.done @!p0 $0x0  }
0x6d: {  	[sflag:s5] =	ssyncadd.s32 @!p0 $0xFFFFFF00;
	[smem:$0x7FD] =	sst s28;
	s6 =	simm.s32 $0xC000  }
.LBB2_1:
0x6e: {  	s5 =	rddreg [dreg:$0x4]  }
0x6f: {  	[tilespmem:s6], [sflag:$0x7] =	stream.linear.gather [hbm4b:s5+s4], $0x80, $0x38;
	[tilespmem:$0x1FF80] =	vst v63  }
0x70: {  	s5 =	rddreg [dreg:$0x5];
	s6 =	simm.s32 $0xC080  }
0x71: {  	[tilespmem:s6], [sflag:$0x7] =	stream.linear.gather [hbm4b:s5+s4], $0x80, $0x38;
	[tilespmem:$0x1FF80] =	vst v63  }
0x72: {  	s5 =	rddreg [dreg:$0x6];
	s6 =	simm.s32 $0xC100  }
0x73: {  	[tilespmem:s6], [sflag:$0x8] =	stream.linear.gather [hbm4b:s5+s4], $0x80, $0x38;
	[tilespmem:$0x1FF80] =	vst v63  }
0x74: {  	s5 =	rddreg [dreg:$0x7];
	s6 =	simm.s32 $0xC180  }
0x75: {  	[tilespmem:s6], [sflag:$0x8] =	stream.linear.gather [hbm4b:s5+s4], $0x80, $0x38;
	[tilespmem:$0x1FF80] =	vst v63  }
0x76: {  	s28 =	simm.s32 $0xC200;
	s6 =	rddreg [dreg:$0x8]  }
0x77: {  	[tilespmem:s28], [sflag:$0x9] =	stream.linear.gather [hbm4b:s6+s4], $0x80, $0x38;
	[tilespmem:$0x1FF80] =	vst v63  }
0x78: {  	s6 =	rddreg [dreg:$0x9];
	s28 =	simm.s32 $0xC280  }
0x79: {  	[tilespmem:s28], [sflag:$0x9] =	stream.linear.gather [hbm4b:s6+s4], $0x80, $0x38;
	[tilespmem:$0x1FF80] =	vst v63  }
0x7a: {  	s6 =	rddreg [dreg:$0xa];
	s28 =	simm.s32 $0xC300  }
0x7b: {  	[tilespmem:s28], [sflag:$0xA] =	stream.linear.gather [hbm4b:s6+s4], $0x80, $0x38;
	[tilespmem:$0x1FF80] =	vst v63  }
0x7c: {  	s6 =	rddreg [dreg:$0xb];
	s28 =	simm.s32 $0xC380  }
0x7d: {  	[tilespmem:s28], [sflag:$0xA] =	stream.linear.gather [hbm4b:s6+s4], $0x80, $0x38;
	[tilespmem:$0x1FF80] =	vst v63  }
0x7e: {  	s28 =	rddreg [dreg:$0xc]  }
0x7f: {  	[tilespmem:s15], [sflag:$0xB] =	stream.linear.gather [hbm4b:s28+s4], $0x80, $0x38;
	[tilespmem:$0x1FF80] =	vst v63  }
0x80: {  	s6 =	rddreg [dreg:$0xd];
	s28 =	simm.s32 $0xC480  }
0x81: {  	[tilespmem:s28], [sflag:$0xB] =	stream.linear.gather [hbm4b:s6+s4], $0x80, $0x38;
	[tilespmem:$0x1FF80] =	vst v63  }
0x82: {  	s6 =	rddreg [dreg:$0xf];
	s28 =	simm.s32 $0xC500  }
0x83: {  	[tilespmem:s28], [sflag:$0xC] =	stream.linear.gather [hbm4b:s6+s4], $0x80, $0x38;
	[tilespmem:$0x1FF80] =	vst v63  }
0x84: {  	s6 =	rddreg [dreg:$0x10];
	s28 =	simm.s32 $0xC580  }
0x85: {  	[tilespmem:s28], [sflag:$0xC] =	stream.linear.gather [hbm4b:s6+s4], $0x80, $0x38;
	[tilespmem:$0x1FF80] =	vst v63  }
0x86: {  	s6 =	rddreg [dreg:$0x11]  }
0x87: {  	[tilespmem:s17], [sflag:$0xD] =	stream.linear.gather [hbm4b:s6+s4], $0x10, $0x38;
	[tilespmem:$0x1FF80] =	vst v63  }
0x88: {  	s5 =	simm.s32 $0x0;
	s28 =	rddreg [dreg:$0x12];
	s6 =	simm.s32 $0x200  }
0x89: {  	[tilespmem:s29], [sflag:$0xD] =	stream.linear.gather [hbm4b:s28+s4], $0x10, $0x38;
	[tilespmem:$0x1FF80] =	vst v63  }
.LBB2_2:
0x8a: {  	p1 =	sne.s32 s6, $0x1E00;
	[tilespmem:s5+$0x70] =	vst v0  }
0x8b: {  	[tilespmem:s5+$0x0] =	vst v0  }
0x8c: {  	[tilespmem:s5+$0x10] =	vst v0  }
.Ltmp2:
0x8d: {  	[tilespmem:s5+$0x20] =	vst v0;
	(pc) =	sbr.rel @p1 .LBB2_2-.Ltmp2, $4  }
0x8e: {  	[tilespmem:s5+$0x30] =	vst v0  }
0x8f: {  	[tilespmem:s5+$0x40] =	vst v0  }
0x90: {  	[tilespmem:s5+$0x50] =	vst v0  }
0x91: {  	[tilespmem:s5+$0x60] =	vst v0;
	s5 =	sshra.s32 s6, $0x2;
	s6 =	sadd.s32 $0x200, s6  }
0x92: {  	[tilespmem:s5+$0x70] =	vst v0  }
0x93: {  	[tilespmem:s5+$0x0] =	vst v0  }
0x94: {  	[tilespmem:s5+$0x10] =	vst v0  }
0x95: {  	[tilespmem:s5+$0x20] =	vst v0  }
0x96: {  	[tilespmem:s5+$0x30] =	vst v0  }
0x97: {  	[tilespmem:s5+$0x40] =	vst v0  }
0x98: {  	[tilespmem:s5+$0x50] =	vst v0  }
0x99: {  	[tilespmem:s5+$0x60] =	vst v0;
	s28 =	rddreg [dreg:$0x1f]  }
0x9a: {  	[spmem:s25] =	stream.linear.scatter [tilespmem:s4], [sflag:$0xE], $0x800, $0x38;
	[tilespmem:$0x1FF80] =	vst v63  }
0x9b: {  	s25 =	rddreg [dreg:$0x1e]  }
0x9c: {  	[spmem:s25] =	stream.linear.scatter [tilespmem:s4], [sflag:$0xE], $0x800, $0x38;
	[tilespmem:$0x1FF80] =	vst v63  }
0x9d: {  	s29 =	sld [smem:$0x7D9]  }
0x9e: {  	[spmem:s28] =	stream.linear.scatter [tilespmem:s4], [sflag:$0xE], $0x800, $0x38;
	[tilespmem:$0x1FF80] =	vst v63  }
0x9f: {  	s6 =	sld [smem:$0x7DA]  }
0xa0: {  	[spmem:s29] =	stream.linear.scatter [tilespmem:s4], [sflag:$0xE], $0x800, $0x38;
	[tilespmem:$0x1FF80] =	vst v63  }
0xa1: {  	s17 =	sld [smem:$0x7DB]  }
0xa2: {  	[spmem:s6] =	stream.linear.scatter [tilespmem:s4], [sflag:$0xE], $0x800, $0x38;
	[tilespmem:$0x1FF80] =	vst v63  }
0xa3: {  	s25 =	sld [smem:$0x7DC]  }
0xa4: {  	[spmem:s17] =	stream.linear.scatter [tilespmem:s4], [sflag:$0xE], $0x800, $0x38;
	[tilespmem:$0x1FF80] =	vst v63  }
0xa5: {  	s28 =	sld [smem:$0x7DD]  }
0xa6: {  	[spmem:s25] =	stream.linear.scatter [tilespmem:s4], [sflag:$0xE], $0x800, $0x38;
	[tilespmem:$0x1FF80] =	vst v63  }
0xa7: {  	s29 =	sld [smem:$0x7DE]  }
0xa8: {  	[spmem:s28] =	stream.linear.scatter [tilespmem:s4], [sflag:$0xE], $0x800, $0x38;
	[tilespmem:$0x1FF80] =	vst v63  }
0xa9: {  	s6 =	sld [smem:$0x7DF]  }
0xaa: {  	[spmem:s29] =	stream.linear.scatter [tilespmem:s4], [sflag:$0xE], $0x800, $0x38;
	[tilespmem:$0x1FF80] =	vst v63  }
0xab: {  	s17 =	sld [smem:$0x7E0]  }
0xac: {  	[spmem:s6] =	stream.linear.scatter [tilespmem:s4], [sflag:$0xE], $0x800, $0x38;
	[tilespmem:$0x1FF80] =	vst v63  }
0xad: {  	s25 =	sld [smem:$0x7E1]  }
0xae: {  	[spmem:s17] =	stream.linear.scatter [tilespmem:s4], [sflag:$0xE], $0x800, $0x38;
	[tilespmem:$0x1FF80] =	vst v63  }
0xaf: {  	s28 =	sld [smem:$0x7E2]  }
0xb0: {  	[spmem:s25] =	stream.linear.scatter [tilespmem:s4], [sflag:$0xE], $0x800, $0x38;
	[tilespmem:$0x1FF80] =	vst v63  }
0xb1: {  	s29 =	sld [smem:$0x7E3]  }
0xb2: {  	[spmem:s28] =	stream.linear.scatter [tilespmem:s4], [sflag:$0xE], $0x800, $0x38;
	[tilespmem:$0x1FF80] =	vst v63  }
0xb3: {  	s6 =	sld [smem:$0x7E4]  }
0xb4: {  	[spmem:s29] =	stream.linear.scatter [tilespmem:s4], [sflag:$0xE], $0x800, $0x38;
	[tilespmem:$0x1FF80] =	vst v63  }
0xb5: {  	s17 =	sld [smem:$0x7E5]  }
0xb6: {  	[spmem:s6] =	stream.linear.scatter [tilespmem:s4], [sflag:$0xE], $0x800, $0x38;
	[tilespmem:$0x1FF80] =	vst v63  }
0xb7: {  	s25 =	sld [smem:$0x7E6]  }
0xb8: {  	[spmem:s17] =	stream.linear.scatter [tilespmem:s4], [sflag:$0xE], $0x800, $0x38;
	[tilespmem:$0x1FF80] =	vst v63  }
0xb9: {  	s28 =	sld [smem:$0x7E7]  }
0xba: {  	[spmem:s25] =	stream.linear.scatter [tilespmem:s4], [sflag:$0xE], $0x800, $0x38;
	[tilespmem:$0x1FF80] =	vst v63  }
0xbb: {  	s29 =	sld [smem:$0x7E8]  }
0xbc: {  	[spmem:s28] =	stream.linear.scatter [tilespmem:s4], [sflag:$0xE], $0x800, $0x38;
	[tilespmem:$0x1FF80] =	vst v63  }
0xbd: {  	s6 =	sld [smem:$0x7E9]  }
0xbe: {  	[spmem:s29] =	stream.linear.scatter [tilespmem:s4], [sflag:$0xE], $0x800, $0x38;
	[tilespmem:$0x1FF80] =	vst v63  }
0xbf: {  	s17 =	sld [smem:$0x7EA]  }
0xc0: {  	[spmem:s6] =	stream.linear.scatter [tilespmem:s4], [sflag:$0xE], $0x800, $0x38;
	[tilespmem:$0x1FF80] =	vst v63  }
0xc1: {  	s25 =	sld [smem:$0x7EB]  }
0xc2: {  	[spmem:s17] =	stream.linear.scatter [tilespmem:s4], [sflag:$0xE], $0x800, $0x38;
	[tilespmem:$0x1FF80] =	vst v63  }
0xc3: {  	s28 =	sld [smem:$0x7EC]  }
0xc4: {  	[spmem:s25] =	stream.linear.scatter [tilespmem:s4], [sflag:$0xE], $0x800, $0x38;
	[tilespmem:$0x1FF80] =	vst v63  }
0xc5: {  	s29 =	sld [smem:$0x7ED]  }
0xc6: {  	[spmem:s28] =	stream.linear.scatter [tilespmem:s4], [sflag:$0xE], $0x800, $0x38;
	[tilespmem:$0x1FF80] =	vst v63  }
0xc7: {  	s6 =	sld [smem:$0x7EE]  }
0xc8: {  	[spmem:s29] =	stream.linear.scatter [tilespmem:s4], [sflag:$0xE], $0x800, $0x38;
	[tilespmem:$0x1FF80] =	vst v63  }
0xc9: {  	s17 =	sld [smem:$0x7EF]  }
0xca: {  	[spmem:s6] =	stream.linear.scatter [tilespmem:s4], [sflag:$0xE], $0x800, $0x38;
	[tilespmem:$0x1FF80] =	vst v63  }
0xcb: {  	s25 =	sld [smem:$0x7F0]  }
0xcc: {  	[spmem:s17] =	stream.linear.scatter [tilespmem:s4], [sflag:$0xE], $0x800, $0x38;
	[tilespmem:$0x1FF80] =	vst v63  }
0xcd: {  	s28 =	sld [smem:$0x7F1]  }
0xce: {  	[spmem:s25] =	stream.linear.scatter [tilespmem:s4], [sflag:$0xE], $0x800, $0x38;
	[tilespmem:$0x1FF80] =	vst v63  }
0xcf: {  	s29 =	sld [smem:$0x7F2]  }
0xd0: {  	[spmem:s28] =	stream.linear.scatter [tilespmem:s4], [sflag:$0xE], $0x800, $0x38;
	[tilespmem:$0x1FF80] =	vst v63  }
0xd1: {  	s6 =	sld [smem:$0x7F3]  }
0xd2: {  	[spmem:s29] =	stream.linear.scatter [tilespmem:s4], [sflag:$0xE], $0x800, $0x38;
	[tilespmem:$0x1FF80] =	vst v63  }
0xd3: {  	s17 =	sld [smem:$0x7F4]  }
0xd4: {  	[spmem:s6] =	stream.linear.scatter [tilespmem:s4], [sflag:$0xE], $0x800, $0x38;
	[tilespmem:$0x1FF80] =	vst v63  }
0xd5: {  	s25 =	sld [smem:$0x7F5]  }
0xd6: {  	[spmem:s17] =	stream.linear.scatter [tilespmem:s4], [sflag:$0xE], $0x800, $0x38;
	[tilespmem:$0x1FF80] =	vst v63  }
0xd7: {  	s28 =	sld [smem:$0x7F6]  }
0xd8: {  	[spmem:s25] =	stream.linear.scatter [tilespmem:s4], [sflag:$0xE], $0x800, $0x38;
	[tilespmem:$0x1FF80] =	vst v63  }
0xd9: {  	s29 =	sld [smem:$0x7F7]  }
0xda: {  	[spmem:s28] =	stream.linear.scatter [tilespmem:s4], [sflag:$0xE], $0x800, $0x38;
	[tilespmem:$0x1FF80] =	vst v63  }
0xdb: {  	s6 =	sld [smem:$0x7F8]  }
0xdc: {  	[spmem:s29] =	stream.linear.scatter [tilespmem:s4], [sflag:$0xE], $0x800, $0x38;
	[tilespmem:$0x1FF80] =	vst v63  }
0xdd: {  	s17 =	sld [smem:$0x7F9]  }
0xde: {  	[spmem:s6] =	stream.linear.scatter [tilespmem:s4], [sflag:$0xE], $0x800, $0x38;
	[tilespmem:$0x1FF80] =	vst v63  }
0xdf: {  	s25 =	sld [smem:$0x7FA]  }
0xe0: {  	[spmem:s17] =	stream.linear.scatter [tilespmem:s4], [sflag:$0xE], $0x800, $0x38;
	[tilespmem:$0x1FF80] =	vst v63  }
0xe1: {  	s28 =	sld [smem:$0x7FB]  }
0xe2: {  	[spmem:s25] =	stream.linear.scatter [tilespmem:s4], [sflag:$0xE], $0x800, $0x38;
	[tilespmem:$0x1FF80] =	vst v63  }
0xe3: {  	s29 =	sld [smem:$0x7FC]  }
0xe4: {  	[spmem:s28] =	stream.linear.scatter [tilespmem:s4], [sflag:$0xE], $0x800, $0x38;
	[tilespmem:$0x1FF80] =	vst v63  }
0xe5: {  	_ = 	snop  }
0xe6: {  	[spmem:s29] =	stream.linear.scatter [tilespmem:s4], [sflag:$0xE], $0x800, $0x38;
	[tilespmem:$0x1FF80] =	vst v63  }
0xe7: {  	s5 =	simm.s32 @!p0 $0x0  }
0xe8: {  	[spmem:s26] =	stream.linear.scatter @!p0 [tilespmem:s5], [sflag:$0xE], $0x800, $0x38;
	[tilespmem:$0x1FF80] =	vst v63  }
0xe9: {  	_ =	swait.ge [sflag:s11], $0x800  }
0xea: {  	s5 =	simm.s32 $0x26;
	[sflag:s11] =	ssyncset.done $0x0  }
.LBB2_4:
0xeb: {  	p1 =	sne.s32 s5, $0x1;
	s5 =	sadd.s32 $0xFFFFFFFF, s5;
	[sflag:s11] =	ssyncadd.s32 $0xFFFFF800  }
.Ltmp3:
0xec: {  	(pc) =	sbr.rel @p1 .LBB2_4-.Ltmp3, $3  }
0xed: {  	_ =	sdelay $0x1  }
0xee: {  	_ =	swait.ge [sflag:s11], $0x800  }
0xef: {  	[sflag:s11] =	ssyncset.done $0x0  }
0xf0: {  	[sflag:s11] =	ssyncadd.s32 $0xFFFFF800;
	s5 =	simm.s32 @!p0 $0xE  }
0xf1: {  	_ =	swait.ge @!p0 [sflag:s5], $0x800  }
0xf2: {  	[sflag:s5] =	ssyncset.done @!p0 $0x0  }
0xf3: {  	[sflag:s5] =	ssyncadd.s32 @!p0 $0xFFFFF800  }
0xf4: {  	s17 =	simm.s32 $0x7;
	[bflag:$0x0] =	sbarrier.arrive $0xFFFF  }
0xf5: {  	_ =	swait.ge [sflag:s17], $0x80  }
0xf6: {  	[sflag:s17] =	ssyncset.done $0x0  }
0xf7: {  	[sflag:s17] =	ssyncadd.s32 $0xFFFFFF80  }
0xf8: {  	_ =	swait.ge [sflag:s17], $0x80  }
0xf9: {  	[sflag:s17] =	ssyncset.done $0x0  }
0xfa: {  	s25 =	simm.s32 $0xC000;
	[sflag:s17] =	ssyncadd.s32 $0xFFFFFF80;
	s17 =	simm.s32 $0x0  }
0xfb: {  	[tilespmem:s17], [sflag:$0x1] =	stream.indirect.gather [hbm4b:s0+s18], $0x80, s25, s18, $0xb8;
	[tilespmem:$0x1FF80] =	vst v63  }
0xfc: {  	_ =	swait.ge [sflag:s19], $0x80  }
0xfd: {  	[sflag:s19] =	ssyncset.done $0x0  }
0xfe: {  	[sflag:s19] =	ssyncadd.s32 $0xFFFFFF80  }
0xff: {  	_ =	swait.ge [sflag:s19], $0x80  }
0x100: {  	[sflag:s19] =	ssyncset.done $0x0  }
0x101: {  	s26 =	simm.s32 $0xC100;
	s28 =	simm.s32 $0x9;
	[sflag:s19] =	ssyncadd.s32 $0xFFFFFF80  }
0x102: {  	[tilespmem:s10], [sflag:$0x2] =	stream.indirect.gather [hbm4b:s0+s18], $0x80, s26, s18, $0xb8;
	[tilespmem:$0x1FF80] =	vst v63  }
0x103: {  	_ =	swait.ge [sflag:s28], $0x80  }
0x104: {  	[sflag:s28] =	ssyncset.done $0x0  }
0x105: {  	[sflag:s28] =	ssyncadd.s32 $0xFFFFFF80  }
0x106: {  	_ =	swait.ge [sflag:s28], $0x80  }
0x107: {  	[sflag:s28] =	ssyncset.done $0x0  }
0x108: {  	s29 =	simm.s32 $0xC200;
	s5 =	rddreg [dreg:$0x1c];
	[sflag:s28] =	ssyncadd.s32 $0xFFFFFF80  }
0x109: {  	[tilespmem:s20], [sflag:$0x3] =	stream.indirect.gather [hbm4b:s0+s18], $0x80, s29, s18, $0xb8;
	[tilespmem:$0x1FF80] =	vst v63  }
.LBB2_6:
0x10a: {  	_ =	swait.ge [sflag:s22], $0x4000  }
0x10b: {  	[sflag:s22] =	ssyncset.done $0x0  }
0x10c: {  	s6 =	simm.s32 $0xC080;
	p1 =	seq.s32 s17, $0x0;
	[sflag:s22] =	ssyncadd.s32 $0xFFFFC000  }
0x10d: {  	[spmem:s3] =	stream.indirect.scatter.add.f32 [tilespmem:s4], [sflag:$0x4], $0x80, s6, s18, $0xb8;
	[tilespmem:$0x1FF80] =	vst v63  }
0x10e: {  	s6 =	simm.s32 @!p1 $0x6  }
0x10f: {  	_ =	swait.ge @!p1 [sflag:s6], $0x4000  }
0x110: {  	[sflag:s6] =	ssyncset.done @!p1 $0x0  }
0x111: {  	[sflag:s6] =	ssyncadd.s32 @!p1 $0xFFFFC000;
	s6 =	simm.s32 @!p1 $0x9  }
0x112: {  	_ =	swait.ge @!p1 [sflag:s6], $0x80  }
0x113: {  	[sflag:s6] =	ssyncset.done @!p1 $0x0  }
0x114: {  	[sflag:s6] =	ssyncadd.s32 @!p1 $0xFFFFFF80  }
0x115: {  	_ =	swait.ge @!p1 [sflag:s6], $0x80  }
0x116: {  	s25 =	simm.s32 @!p1 $0xC200;
	[sflag:s6] =	ssyncset.done @!p1 $0x0  }
0x117: {  	s26 =	simm.s32 @!p1 $0x8000;
	[sflag:s6] =	ssyncadd.s32 @!p1 $0xFFFFFF80;
	s6 =	simm.s32 @!p1 $0x80  }
0x118: {  	[tilespmem:s26], [sflag:$0x3] =	stream.indirect.gather @!p1 [hbm4b:s0+s6], $0x80, s25, s6, $0xb8;
	[tilespmem:$0x1FF80] =	vst v63  }
0x119: {  	s6 =	sadd.s32 @!p1 s17, s9;
	s25 =	simm.s32 @!p1 $0x0;
	s26 =	simm.s32 @!p1 $0xC500  }
0x11a: {  	[tilespmem:s26], [sflag:$0xC] =	stream.linear.gather @!p1 [hbm4b:s6+s25], $0x80, $0x38;
	[tilespmem:$0x1FF80] =	vst v63  }
0x11b: {  	s6 =	sadd.s32 @!p1 s17, s8;
	s26 =	simm.s32 @!p1 $0xC580  }
0x11c: {  	[tilespmem:s26], [sflag:$0xC] =	stream.linear.gather @!p1 [hbm4b:s6+s25], $0x80, $0x38;
	[tilespmem:$0x1FF80] =	vst v63  }
0x11d: {  	_ =	swait.ge [sflag:s21], $0x4000  }
0x11e: {  	[sflag:s21] =	ssyncset.done $0x0  }
0x11f: {  	s25 =	simm.s32 $0xC180;
	[sflag:s21] =	ssyncadd.s32 $0xFFFFC000  }
0x120: {  	[spmem:s3] =	stream.indirect.scatter.add.f32 [tilespmem:s10], [sflag:$0x5], $0x80, s25, s18, $0xb8;
	[tilespmem:$0x1FF80] =	vst v63  }
0x121: {  	_ =	swait.ge [sflag:s23], $0x4000  }
0x122: {  	[sflag:s23] =	ssyncset.done $0x0  }
0x123: {  	[sflag:s23] =	ssyncadd.s32 $0xFFFFC000  }
0x124: {  	_ =	swait.ge [sflag:s24], $0x80  }
0x125: {  	[sflag:s24] =	ssyncset.done $0x0  }
0x126: {  	[sflag:s24] =	ssyncadd.s32 $0xFFFFFF80  }
0x127: {  	_ =	swait.ge [sflag:s24], $0x80  }
0x128: {  	[sflag:s24] =	ssyncset.done $0x0  }
0x129: {  	s26 =	simm.s32 $0xC300;
	p1 =	seq.s32 s17, $0x480;
	[sflag:s24] =	ssyncadd.s32 $0xFFFFFF80  }
0x12a: {  	[tilespmem:s4], [sflag:$0x1] =	stream.indirect.gather [hbm4b:s0+s18], $0x80, s26, s18, $0xb8;
	[tilespmem:$0x1FF80] =	vst v63  }
0x12b: {  	s26 =	sshrl.u32 @!p1 s5, $0x3  }
0x12c: {  	s6 =	simm.s32 @!p1 $0x0;
	s25 =	simm.s32 @!p1 $0xC000;
	s28 =	sadd.s32 @!p1 s30, s26  }
0x12d: {  	[tilespmem:s25], [sflag:$0x7] =	stream.linear.gather @!p1 [hbm4b:s28+s6], $0x80, $0x38;
	[tilespmem:$0x1FF80] =	vst v63  }
0x12e: {  	s26 =	sadd.s32 @!p1 s31, s26;
	s28 =	simm.s32 @!p1 $0xC080  }
0x12f: {  	[tilespmem:s28], [sflag:$0x7] =	stream.linear.gather @!p1 [hbm4b:s26+s6], $0x80, $0x38;
	[tilespmem:$0x1FF80] =	vst v63  }
0x130: {  	_ =	swait.ge [sflag:s7], $0x4000  }
0x131: {  	[sflag:s7] =	ssyncset.done $0x0  }
0x132: {  	s28 =	simm.s32 $0xC280;
	[sflag:s7] =	ssyncadd.s32 $0xFFFFC000  }
0x133: {  	[spmem:s3] =	stream.indirect.scatter.add.f32 [tilespmem:s20], [sflag:$0x6], $0x80, s28, s18, $0xb8;
	[tilespmem:$0x1FF80] =	vst v63  }
0x134: {  	_ =	swait.ge [sflag:s12], $0x4000  }
0x135: {  	[sflag:s12] =	ssyncset.done $0x0  }
0x136: {  	[sflag:s12] =	ssyncadd.s32 $0xFFFFC000  }
0x137: {  	_ =	swait.ge [sflag:s13], $0x80  }
0x138: {  	[sflag:s13] =	ssyncset.done $0x0  }
0x139: {  	[sflag:s13] =	ssyncadd.s32 $0xFFFFFF80  }
0x13a: {  	_ =	swait.ge [sflag:s13], $0x80  }
0x13b: {  	[sflag:s13] =	ssyncset.done $0x0  }
0x13c: {  	[sflag:s13] =	ssyncadd.s32 $0xFFFFFF80  }
0x13d: {  	[tilespmem:s10], [sflag:$0x2] =	stream.indirect.gather [hbm4b:s0+s18], $0x80, s15, s18, $0xb8;
	[tilespmem:$0x1FF80] =	vst v63  }
0x13e: {  	s26 =	sadd.s32 @!p1 s17, s2;
	s28 =	simm.s32 @!p1 $0xC100  }
0x13f: {  	[tilespmem:s28], [sflag:$0x8] =	stream.linear.gather @!p1 [hbm4b:s26+s6], $0x80, $0x38;
	[tilespmem:$0x1FF80] =	vst v63  }
0x140: {  	s26 =	sadd.s32 @!p1 s17, s1;
	s28 =	simm.s32 @!p1 $0xC180  }
0x141: {  	[tilespmem:s28], [sflag:$0x8] =	stream.linear.gather @!p1 [hbm4b:s26+s6], $0x80, $0x38;
	[tilespmem:$0x1FF80] =	vst v63  }
0x142: {  	_ =	swait.ge [sflag:s22], $0x4000  }
0x143: {  	[sflag:s22] =	ssyncset.done $0x0  }
0x144: {  	s29 =	simm.s32 $0xC380;
	[sflag:s22] =	ssyncadd.s32 $0xFFFFC000  }
0x145: {  	[spmem:s3] =	stream.indirect.scatter.add.f32 [tilespmem:s4], [sflag:$0x4], $0x80, s29, s18, $0xb8;
	[tilespmem:$0x1FF80] =	vst v63  }
0x146: {  	_ =	swait.ge [sflag:s14], $0x4000  }
0x147: {  	[sflag:s14] =	ssyncset.done $0x0  }
0x148: {  	[sflag:s14] =	ssyncadd.s32 $0xFFFFC000  }
0x149: {  	_ =	swait.ge [sflag:s16], $0x80  }
0x14a: {  	[sflag:s16] =	ssyncset.done $0x0  }
0x14b: {  	[sflag:s16] =	ssyncadd.s32 $0xFFFFFF80  }
0x14c: {  	_ =	swait.ge [sflag:s16], $0x80  }
0x14d: {  	[sflag:s16] =	ssyncset.done $0x0  }
0x14e: {  	s28 =	simm.s32 $0xC500;
	s26 =	simm.s32 @p1 $0x2;
	[sflag:s16] =	ssyncadd.s32 $0xFFFFFF80  }
0x14f: {  	[tilespmem:s20], [sflag:$0x3] =	stream.indirect.gather [hbm4b:s0+s18], $0x80, s28, s18, $0xb8;
	[tilespmem:$0x1FF80] =	vst v63  }
0x150: {  	_ =	swait.ge @p1 [sflag:s26], $0x4000  }
0x151: {  	s29 =	simm.s32 @p1 $0x4000;
	[sflag:s26] =	ssyncset.done @p1 $0x0  }
0x152: {  	s28 =	simm.s32 @p1 $0xC480;
	[sflag:s26] =	ssyncadd.s32 @p1 $0xFFFFC000;
	s26 =	simm.s32 @p1 $0x80  }
0x153: {  	[spmem:s3] =	stream.indirect.scatter.add.f32 @p1 [tilespmem:s29], [sflag:$0x5], $0x80, s28, s26, $0xb8;
	[tilespmem:$0x1FF80] =	vst v63  }
0x154: {  	s26 =	simm.s32 @p1 $0x4  }
0x155: {  	_ =	swait.ge @p1 [sflag:s26], $0x4000  }
0x156: {  	[sflag:s26] =	ssyncset.done @p1 $0x0  }
0x157: {  	[sflag:s26] =	ssyncadd.s32 @p1 $0xFFFFC000;
	s26 =	rddreg [dreg:$0x1b]  }
0x158: {  	s28 =	simm.s32 @!p1 $0xC200;
	s26 =	sadd.s32 @!p1 s17, s26  }
0x159: {  	[tilespmem:s28], [sflag:$0x9] =	stream.linear.gather @!p1 [hbm4b:s26+s6], $0x80, $0x38;
	[tilespmem:$0x1FF80] =	vst v63  }
0x15a: {  	s26 =	rddreg [dreg:$0x1a]  }
0x15b: {  	s28 =	simm.s32 @!p1 $0xC280;
	s26 =	sadd.s32 @!p1 s17, s26  }
0x15c: {  	[tilespmem:s28], [sflag:$0x9] =	stream.linear.gather @!p1 [hbm4b:s26+s6], $0x80, $0x38;
	[tilespmem:$0x1FF80] =	vst v63  }
0x15d: {  	s26 =	simm.s32 @!p1 $0x2  }
0x15e: {  	_ =	swait.ge @!p1 [sflag:s26], $0x4000  }
0x15f: {  	s29 =	simm.s32 @!p1 $0x4000;
	[sflag:s26] =	ssyncset.done @!p1 $0x0  }
0x160: {  	s28 =	simm.s32 @!p1 $0xC480;
	[sflag:s26] =	ssyncadd.s32 @!p1 $0xFFFFC000;
	s26 =	simm.s32 @!p1 $0x80  }
0x161: {  	[spmem:s3] =	stream.indirect.scatter.add.f32 @!p1 [tilespmem:s29], [sflag:$0x5], $0x80, s28, s26, $0xb8;
	[tilespmem:$0x1FF80] =	vst v63  }
0x162: {  	s28 =	simm.s32 @!p1 $0x4  }
0x163: {  	_ =	swait.ge @!p1 [sflag:s28], $0x4000  }
0x164: {  	[sflag:s28] =	ssyncset.done @!p1 $0x0  }
0x165: {  	[sflag:s28] =	ssyncadd.s32 @!p1 $0xFFFFC000;
	s28 =	simm.s32 @!p1 $0x7  }
0x166: {  	_ =	swait.ge @!p1 [sflag:s28], $0x80  }
0x167: {  	[sflag:s28] =	ssyncset.done @!p1 $0x0  }
0x168: {  	[sflag:s28] =	ssyncadd.s32 @!p1 $0xFFFFFF80  }
0x169: {  	_ =	swait.ge @!p1 [sflag:s28], $0x80  }
0x16a: {  	[sflag:s28] =	ssyncset.done @!p1 $0x0  }
0x16b: {  	[sflag:s28] =	ssyncadd.s32 @!p1 $0xFFFFFF80  }
0x16c: {  	[tilespmem:s6], [sflag:$0x1] =	stream.indirect.gather @!p1 [hbm4b:s0+s26], $0x80, s25, s26, $0xb8;
	[tilespmem:$0x1FF80] =	vst v63  }
0x16d: {  	s25 =	rddreg [dreg:$0x19]  }
0x16e: {  	s26 =	simm.s32 @!p1 $0xC300;
	s25 =	sadd.s32 @!p1 s17, s25  }
0x16f: {  	[tilespmem:s26], [sflag:$0xA] =	stream.linear.gather @!p1 [hbm4b:s25+s6], $0x80, $0x38;
	[tilespmem:$0x1FF80] =	vst v63  }
0x170: {  	s25 =	rddreg [dreg:$0x18]  }
0x171: {  	s26 =	simm.s32 @!p1 $0xC380;
	s25 =	sadd.s32 @!p1 s17, s25  }
0x172: {  	[tilespmem:s26], [sflag:$0xA] =	stream.linear.gather @!p1 [hbm4b:s25+s6], $0x80, $0x38;
	[tilespmem:$0x1FF80] =	vst v63  }
0x173: {  	_ =	swait.ge [sflag:s7], $0x4000  }
0x174: {  	[sflag:s7] =	ssyncset.done $0x0  }
.Ltmp4:
0x175: {  	s29 =	simm.s32 $0xC580;
	[sflag:s7] =	ssyncadd.s32 $0xFFFFC000;
	(pc) =	sbr.rel @p1 .LBB2_8-.Ltmp4, $4  }
0x176: {  	[spmem:s3] =	stream.indirect.scatter.add.f32 [tilespmem:s20], [sflag:$0x6], $0x80, s29, s18, $0xb8;
	[tilespmem:$0x1FF80] =	vst v63  }
0x177: {  	_ =	swait.ge [sflag:s12], $0x4000  }
0x178: {  	[sflag:s12] =	ssyncset.done $0x0  }
0x179: {  	[sflag:s12] =	ssyncadd.s32 $0xFFFFC000  }
0x17a: {  	_ =	swait.ge [sflag:s19], $0x80  }
0x17b: {  	[sflag:s19] =	ssyncset.done $0x0  }
0x17c: {  	[sflag:s19] =	ssyncadd.s32 $0xFFFFFF80  }
0x17d: {  	_ =	swait.ge [sflag:s19], $0x80  }
0x17e: {  	[sflag:s19] =	ssyncset.done $0x0  }
0x17f: {  	s6 =	simm.s32 $0xC100;
	[sflag:s19] =	ssyncadd.s32 $0xFFFFFF80  }
0x180: {  	[tilespmem:s10], [sflag:$0x2] =	stream.indirect.gather [hbm4b:s0+s18], $0x80, s6, s18, $0xb8;
	[tilespmem:$0x1FF80] =	vst v63  }
.Ltmp5:
0x181: {  	s28 =	rddreg [dreg:$0x17];
	(pc) =	sbr.rel .LBB2_6-.Ltmp5, $4  }
0x182: {  	s25 =	simm.s32 $0xC480;
	s29 =	rddreg [dreg:$0x16];
	s6 =	sadd.s32 s17, s28  }
0x183: {  	[tilespmem:s15], [sflag:$0xB] =	stream.linear.gather [hbm4b:s6+s4], $0x80, $0x38;
	[tilespmem:$0x1FF80] =	vst v63  }
0x184: {  	s5 =	sadd.s32 $0x300, s5;
	s6 =	sadd.s32 s17, s29;
	s17 =	sadd.s32 $0x60, s17  }
0x185: {  	[tilespmem:s25], [sflag:$0xB] =	stream.linear.gather [hbm4b:s6+s4], $0x80, $0x38;
	[tilespmem:$0x1FF80] =	vst v63  }
.LBB2_9:
0x186: {  	_ =	sfence.sel $0x180000  }
0x187: {  	[bflag:$0x0] =	sbarrier.arrive $0xFFFF  }
0x188: {  	_ =	strace $0x90000047  }
0x189: {  	s0 =	stileid.u32;
	[bflag:$0x2] =	sbarrier.arrive $0xFFFF  }
0x18a: {  	p0 =	sne.s32 s0, $0x0;
	s0 =	rddreg [dreg:$0x3]  }
0x18b: {  	s0 =	sadd.s32 @!p0 $0x100000, s0  }
0x18c: {  	[sflag:s0] =	ssyncadd.tile.s32 @!p0 $0x1;
	_ =	shalt  }
.Lfunc_end2:
_tile_overlayer_lowered:
.L_overlay_start_2:
0x18d: {  	(tag) =	ssettag $0x2  }
0x18e: {  	s0 =	rddreg [dreg:$0x0];
	s2 =	stileid.u32  }
0x18f: {  	s1 =	rddreg [dreg:$0x1];
	p0 =	sne.s32 s2, $0x0  }
0x190: {  	s3 =	rddreg [dreg:$0x2];
	[bflag:$0x3] =	sbarrier.arrive $0xFFFF;
	s2 =	simm.s32 @!p0 $0x1C0F  }
0x191: {  	[timem:s3], [sflag:s2] =	dma.local @!p0 [hbm:s0], s1  }
0x192: {  	s0 =	simm.s32 @!p0 $0xF  }
0x193: {  	_ =	swait.ge @!p0 [sflag:s0], s1  }
0x194: {  	s1 =	ssub.s32 @!p0 $0x0, s1;
	[sflag:s0] =	ssyncset.done @!p0 $0x0  }
0x195: {  	[sflag:s0] =	ssyncadd.s32 @!p0 s1  }
0x196: {  	[bflag:$0x3] =	sbarrier.arrive $0xFFFF  }
0x197: {  	_ =	shalt  }

// kernel: kernel.9.cloned.1.call-start
scs
__scs_entry_jumppad:
0x0: {  	(pc) =	sbr.rel $0x88, $3  }
0x1: {  	(tag) =	ssettag $0x0;
	lr =	simm.s32 $0x1  }
0x2: {  	[smem:$0x3F8C] =	sst lr;
	_ =	strace $0xD0000000  }
0x3: {  	_ = 	snop  }
0x4: {  	_ = 	snop  }
0x5: {  	_ = 	snop  }
0x6: {  	_ = 	snop  }
0x7: {  	_ = 	snop  }
__scs_overlays_trampoline_lowered:
0x8: {  	[smem:$0x3F9B] =	sst s0  }
0x9: {  	[smem:$0x3F9C] =	sst s1  }
0xa: {  	[smem:$0x3F9D] =	sst s2  }
0xb: {  	[smem:$0x3F9E] =	sst s3  }
0xc: {  	[smem:$0x3F9F] =	sst s4  }
0xd: {  	[smem:$0x3FA0] =	sst s5  }
0xe: {  	[smem:$0x3FA1] =	sst s6  }
0xf: {  	[smem:$0x3FA2] =	sst s7  }
0x10: {  	[smem:$0x3FA3] =	sst s8  }
0x11: {  	[smem:$0x3FA4] =	sst s9;
	s0 =	simm.s32 @!p0 $0x0  }
0x12: {  	s1 =	sld [smem:$0x3F8A];
	s0 =	simm.s32 @p0 $0x1  }
0x13: {  	[smem:$0x3FA5] =	sst s0;
	s0 =	simm.s32 @!p1 $0x0  }
0x14: {  	s2 =	sld [smem:$0x3F89];
	s0 =	simm.s32 @p1 $0x1  }
0x15: {  	[smem:$0x3FA6] =	sst s0;
	s0 =	simm.s32 @!p2 $0x0  }
0x16: {  	s3 =	sld [smem:$0x3FDB];
	s0 =	simm.s32 @p2 $0x1  }
0x17: {  	s4 =	simm.s32 $0x1BF5;
	[smem:$0x3FA8] =	sst s0  }
0x18: {  	s0 =	sld [smem:$0x3F8B];
	_ =	swait.ge [sflag:s4], $0x0  }
0x19: {  	s7 =	sld [smem:$0x3F8C]  }
0x1a: {  	s8 =	sadd.s32 $0xFFFFE003, lr  }
0x1b: {  	s9 =	sadd.s32 $0xFFFFFEF7, lr;
	s5 =	simm.s32 $0xFFFFFFFF;
	p2 =	slt.u32 s8, $0xFFFFF086  }
0x1c: {  	p1 =	slt.u32 s9, $0xF7A;
	s5 =	simm.s32 @!p2 $0x0  }
0x1d: {  	s5 =	simm.s32 @p1 $0x1;
	p0 =	seq.s32 s7, s2  }
0x1e: {  	s7 =	smul.u32 @!p0 $0xF7A, s2;
	p2 =	seq.s32 @!p0 s5, $0x0  }
0x1f: {  	s9 =	smul.u32 $0xF7A, s1;
	s8 =	simm.s32 @!p0 $0x1BF5;
	p2 =	por !p2, p0  }
0x20: {  	[sflag:s8] =	ssyncset.s32 @!p0 $0xFFFFF086;
	s6 =	sadd.s32 @!p0 s3, s7;
	s7 =	simm.s32 @!p0 $0x108  }
0x21: {  	s3 =	sadd.s32 s3, s9;
	s6 =	sadd.s32 @!p0 $0x88, s6;
	s7 =	simm.s32 @p2 $0x1082  }
0x22: {  	[simem:s7], [sflag:s8] =	dma.local @!p0 [hbm:s6], $0xF7A  }
0x23: {  	s9 =	sor.u32 $0xD0000000, s2;
	s6 =	simm.s32 $0x108;
	_ =	swait.ge @!p0 [sflag:s8], $0x0  }
0x24: {  	s3 =	sadd.s32 $0x88, s3;
	s6 =	simm.s32 @!p1 $0x1082;
	[sflag:s4] =	ssyncset.s32 $0xFFFFF086  }
0x25: {  	[simem:s6], [sflag:s4] =	dma.local [hbm:s3], $0xF7A  }
0x26: {  	[smem:$0x3F8C] =	sst s1;
	(tag) =	ssettag s2;
	_ =	strace s9  }
0x27: {  	s1 =	sld [smem:$0x3F9C]  }
0x28: {  	s2 =	sld [smem:$0x3F9D]  }
0x29: {  	s4 =	sld [smem:$0x3F9F]  }
0x2a: {  	p0 =	seq.s32 s5, $0x0;
	s5 =	sld [smem:$0x3FA0]  }
0x2b: {  	s6 =	sld [smem:$0x3FA1]  }
0x2c: {  	s7 =	sld [smem:$0x3FA2]  }
0x2d: {  	s3 =	simm.s32 $0x108;
	s8 =	sld [smem:$0x3FA3]  }
0x2e: {  	s3 =	simm.s32 @!p0 $0x1082;
	s9 =	sld [smem:$0x3FA4]  }
0x2f: {  	lr =	sadd.s32 s0, s3;
	s0 =	sld [smem:$0x3F9B]  }
0x30: {  	s3 =	sld [smem:$0x3F9E]  }
0x31: {  	[smem:$0x3FA7] =	sst s10  }
0x32: {  	s10 =	sld [smem:$0x3FA5];
	_ =	sdelay $0x3  }
0x33: {  	p0 =	seq.s32 s10, $0x1;
	s10 =	sld [smem:$0x3FA7];
	_ =	sdelay $0x3  }
0x34: {  	[smem:$0x3FA7] =	sst s10  }
0x35: {  	s10 =	sld [smem:$0x3FA6];
	_ =	sdelay $0x3  }
0x36: {  	p1 =	seq.s32 s10, $0x1;
	s10 =	sld [smem:$0x3FA7];
	_ =	sdelay $0x3  }
0x37: {  	[smem:$0x3FA7] =	sst s10  }
0x38: {  	s10 =	sld [smem:$0x3FA8]  }
0x39: {  	_ = 	snop;
	(pc) =	sbr.ind lr, $3  }
0x3a: {  	_ = 	snop  }
0x3b: {  	_ = 	snop  }
0x3c: {  	p2 =	seq.s32 s10, $0x1;
	s10 =	sld [smem:$0x3FA7]  }
0x3d: {  	_ =	shalt  }
0x3e: {  	_ =	shalt  }
0x3f: {  	_ =	shalt  }
0x40: {  	_ =	shalt  }
0x41: {  	_ =	shalt  }
0x42: {  	_ =	shalt  }
0x43: {  	_ =	shalt  }
0x44: {  	_ =	shalt  }
0x45: {  	_ =	shalt  }
0x46: {  	_ =	shalt  }
0x47: {  	_ =	shalt  }
0x48: {  	_ =	shalt  }
0x49: {  	_ =	shalt  }
0x4a: {  	_ =	shalt  }
0x4b: {  	_ =	shalt  }
0x4c: {  	_ =	shalt  }
0x4d: {  	_ =	shalt  }
0x4e: {  	_ =	shalt  }
0x4f: {  	_ =	shalt  }
0x50: {  	_ =	shalt  }
0x51: {  	_ =	shalt  }
0x52: {  	_ =	shalt  }
0x53: {  	_ =	shalt  }
0x54: {  	_ =	shalt  }
0x55: {  	_ =	shalt  }
0x56: {  	_ =	shalt  }
0x57: {  	_ =	shalt  }
0x58: {  	_ =	shalt  }
0x59: {  	_ =	shalt  }
0x5a: {  	_ =	shalt  }
0x5b: {  	_ =	shalt  }
0x5c: {  	_ =	shalt  }
0x5d: {  	_ =	shalt  }
0x5e: {  	_ =	shalt  }
0x5f: {  	_ =	shalt  }
0x60: {  	_ =	shalt  }
0x61: {  	_ =	shalt  }
0x62: {  	_ =	shalt  }
0x63: {  	_ =	shalt  }
0x64: {  	_ =	shalt  }
0x65: {  	_ =	shalt  }
0x66: {  	_ =	shalt  }
0x67: {  	_ =	shalt  }
0x68: {  	_ =	shalt  }
0x69: {  	_ =	shalt  }
0x6a: {  	_ =	shalt  }
0x6b: {  	_ =	shalt  }
0x6c: {  	_ =	shalt  }
0x6d: {  	_ =	shalt  }
0x6e: {  	_ =	shalt  }
0x6f: {  	_ =	shalt  }
0x70: {  	_ =	shalt  }
0x71: {  	_ =	shalt  }
0x72: {  	_ =	shalt  }
0x73: {  	_ =	shalt  }
0x74: {  	_ =	shalt  }
0x75: {  	_ =	shalt  }
0x76: {  	_ =	shalt  }
0x77: {  	_ =	shalt  }
0x78: {  	_ =	shalt  }
0x79: {  	_ =	shalt  }
0x7a: {  	_ =	shalt  }
0x7b: {  	_ =	shalt  }
0x7c: {  	_ =	shalt  }
0x7d: {  	_ =	shalt  }
0x7e: {  	_ =	shalt  }
0x7f: {  	_ =	shalt  }
0x80: {  	_ =	shalt  }
0x81: {  	_ =	shalt  }
0x82: {  	_ =	shalt  }
0x83: {  	_ =	shalt  }
0x84: {  	_ =	shalt  }
0x85: {  	_ =	shalt  }
0x86: {  	_ =	shalt  }
0x87: {  	_ =	shalt  }
.Lfunc_end0:
.L_simem_size_0:
called_computation.1_lowered:
.L_overlay_start_0:
0x88: {  	s2 =	sld [smem:$0x3FD9]  }
0x89: {  	s3 =	sld [smem:$0x3FFE];
	_ =	sdelay $0x1  }
0x8a: {  	s1 =	srdreg.scid  }
0x8b: {  	s0 =	sand.u32 $0x1, s1  }
0x8c: {  	s16 =	sshll.u32 s0, $0xA;
	s2 =	sadd.s32 s3, s2  }
0x8d: {  	s2 =	sadd.s32 s2, s16  }
0x8e: {  	[smem:$0x3FB3] =	sst s2  }
0x8f: {  	_ = 	snop  }
0x90: {  	(tm) =	ssettm $0x1  }
0x91: {  	s17 =	sld [smem:$0x3FFB];
	_ =	sdelay $0x3  }
0x92: {  	_ =	strace s17  }
0x93: {  	s2 =	sld [smem:$0x3FFC];
	_ =	sdelay $0x3  }
0x94: {  	_ =	strace s2  }
0x95: {  	s2 =	sld [smem:$0x3FFD];
	_ =	sdelay $0x3  }
0x96: {  	_ =	strace s2  }
0x97: {  	_ =	strace $0x8FFFFFFF  }
0x98: {  	s18 =	sld [smem:$0x3FDB];
	_ =	sdelay $0x1  }
0x99: {  	s19 =	simm.s32 $_scs_section_size  }
0x9a: {  	s4 =	simm.s32 $_size__tile_overlayer_lowered;
	s5 =	simm.s32 $_tile_overlayer_lowered  }
0x9b: {  	s22 =	simm.s32 $0x1BFF;
	s21 =	sshll.u32 s5, $0x1;
	s2 =	sadd.s32 s19, s18  }
0x9c: {  	s6 =	simm.s32 $0x0;
	s20 =	sshll.u32 s4, $0x1;
	s4 =	sadd.s32 s21, s2  }
0x9d: {  	[timem:s6], [sflag:s22] =	dma.local [hbm:s4], s20  }
0x9e: {  	_ =	swait.ge [sflag:s22], s20  }
0x9f: {  	s3 =	ssub.s32 $0x0, s20;
	[sflag:s22] =	ssyncset.done $0x0  }
0xa0: {  	[sflag:s22] =	ssyncadd.s32 s3;
	_ =	sdelay $0x1  }
0xa1: {  	s23 =	simm.s32 $0x1B8B  }
0xa2: {  	_ =	swait.ge [sflag:s23], $0x1  }
0xa3: {  	[sflag:s23] =	ssyncset.done $0x0  }
0xa4: {  	s25 =	simm.s32 $0x1B8E;
	s24 =	sld [smem:$0x3FFE];
	[sflag:s23] =	ssyncadd.s32 $0xFFFFFFFF  }
0xa5: {  	s26 =	simm.s32 $execute0_lowered;
	[smem:$0x3FD2] =	sst s25  }
0xa6: {  	s4 =	sshll.u32 s26, $0x1;
	_ =	strace $0x80000049;
	[dreg:$0x1] =	wrdreg $0xFFFFFFFF  }
0xa7: {  	s28 =	simm.s32 $_size_execute0_lowered;
	s2 =	sadd.s32 s2, s4;
	[dreg:$0x0] =	wrdreg $0x0  }
0xa8: {  	s4 =	sshll.u32 s28, $0x1;
	[dreg:$0x2] =	wrdreg s2  }
0xa9: {  	[dreg:$0x3] =	wrdreg s4  }
0xaa: {  	[dreg:$0x4] =	wrdreg $0xC0  }
0xab: {  	_ =	task [dreg:s6], $0x5FFFF  }
0xac: {  	[dreg:$0x1] =	wrdreg $0xFFFFFFFF  }
0xad: {  	[dreg:$0x0] =	wrdreg $0x60  }
0xae: {  	[dreg:$0x2] =	wrdreg s24  }
0xaf: {  	[dreg:$0x3] =	wrdreg $0xC7000  }
0xb0: {  	[dreg:$0x4] =	wrdreg $0x9  }
0xb1: {  	_ =	task.clear_ibuf [dreg:s6], $0x5FFFF;
	_ =	strace $0x90000049  }
0xb2: {  	s29 =	simm.s32 $0x9;
	_ =	strace $0x8000004B  }
0xb3: {  	_ =	swait.ge [sflag:s29], $0x1  }
0xb4: {  	[sflag:s29] =	ssyncadd.s32 $0xFFFFFFFF  }
0xb5: {  	_ =	strace $0x9000004B  }
0xb6: {  	_ =	sfence  }
0xb7: {  	s30 =	sld [smem:$0x0];
	_ =	sdelay $0x2  }
0xb8: {  	s31 =	sshll.u32 s1, $0xD;
	s1 =	sshrl.u32 s1, $0x2  }
0xb9: {  	s3 =	sand.u32 $0x4000, s31;
	s1 =	sadd.s32 s1, s30  }
0xba: {  	s0 =	sor.u32 s3, s0;
	s1 =	sshll.u32 s1, $0x11  }
0xbb: {  	s0 =	sor.u32 s1, s0  }
0xbc: {  	s0 =	sadd.s32 $0x8F2B, s0  }
0xbd: {  	[sflag:s0] =	ssyncadd.remote.s32 $0x1  }
0xbe: {  	_ =	sfence.sel $0xFFFF  }
0xbf: {  	[dreg:$0x0] =	wrdreg $0xFFFFFFFF;
	(pc) =	sbr.abs _section_cstart, $3  }
0xc0: {  	[dreg:$0x1] =	wrdreg $0xFFFFFFFF  }
0xc1: {  	_ =	task.clear_ibuf [dreg:s6], $0x2FFFF;
	_ =	strace $0x9FFFFFFF  }
0xc2: {  	(tm) =	ssettm $0x7FFFFFFF  }
0xc3: {  	_ =	shalt  }
tec
execute0_lowered:
.L_overlay_start_1:
0x0: {  	(tag) =	ssettag $0x1  }
0x1: {  	s0 =	rddreg [dreg:$0x0];
	s2 =	srdreg.scid  }
0x2: {  	s1 =	rddreg [dreg:$0x1];
	s11 =	stileid.u32;
	s2 =	sand.u32 $0x1, s2  }
0x3: {  	s3 =	simm.s32 $0x0;
	s23 =	smul.u32 $0x4E000, s11;
	s4 =	sshll.u32 s2, $0x4  }
0x4: {  	[smem:$0x7FF] =	sst s3;
	s24 =	smul.u32 $0x2710, s11;
	s4 =	sor.u32 s11, s4  }
0x5: {  	s12 =	sadd.s32 $0xDC00, s0;
	s13 =	sadd.s32 $0x3E00, s0;
	s5 =	smul.u32 $0x2710, s4  }
0x6: {  	_ =	strace $0x8000004A;
	s6 =	ssub.s32 $0x2, s2;
	s17 =	smul.u32 $0x138800, s2  }
0x7: {  	s2 =	smul.u32 $0x27100, s2;
	s7 =	sshrl.u32 s6, $0x1;
	s5 =	sshrl.u32 s5, $0x3  }
0x8: {  	s4 =	sadd.s32 $0x17A00, s0;
	s0 =	sadd.s32 $0x3EC00, s0;
	s8 =	sadd.s32 s12, s5  }
0x9: {  	s9 =	sadd.s32 s13, s5;
	s10 =	sadd.s32 $0x10, s5;
	[dreg:$0x3] =	wrdreg s8  }
0xa: {  	s6 =	ssub.s32 s6, s7;
	[dreg:$0x4] =	wrdreg s9;
	s9 =	sadd.s32 s12, s10  }
0xb: {  	s16 =	sadd.s32 $0x30, s5;
	s7 =	sadd.s32 s13, s10;
	[dreg:$0x5] =	wrdreg s9  }
0xc: {  	s19 =	sadd.s32 $0x40, s5;
	s18 =	sadd.s32 s12, s16;
	[dreg:$0x6] =	wrdreg s7  }
0xd: {  	s26 =	sadd.s32 s24, s2;
	s20 =	sadd.s32 s12, s19;
	[dreg:$0x9] =	wrdreg s18  }
0xe: {  	s22 =	sadd.s32 $0x50, s5;
	s21 =	sadd.s32 s13, s19;
	[dreg:$0xb] =	wrdreg s20  }
0xf: {  	s8 =	sadd.s32 $0x20, s5;
	s25 =	sadd.s32 s12, s22;
	[dreg:$0xc] =	wrdreg s21  }
0x10: {  	s10 =	smul.u32 $0x13800, s11;
	s14 =	sadd.s32 s12, s8;
	[dreg:$0xe] =	wrdreg s25  }
0x11: {  	s5 =	sadd.s32 $0x4E0, s5;
	s15 =	sadd.s32 s13, s8;
	[dreg:$0x7] =	wrdreg s14  }
0x12: {  	s19 =	sadd.s32 $0x380, s26;
	s7 =	sadd.s32 s13, s16;
	[dreg:$0x8] =	wrdreg s15  }
0x13: {  	s28 =	sadd.s32 s12, s5;
	s5 =	sadd.s32 s13, s5;
	[dreg:$0xa] =	wrdreg s7  }
0x14: {  	s9 =	sadd.s32 $0x500, s26;
	s18 =	sadd.s32 $0x400, s26;
	[dreg:$0x10] =	wrdreg s28  }
0x15: {  	s21 =	sadd.s32 $0x280, s26;
	s7 =	sadd.s32 s13, s22;
	[dreg:$0x11] =	wrdreg s5  }
0x16: {  	s10 =	sadd.s32 s10, s17;
	s15 =	smax.u32 s6, $0x1;
	[dreg:$0xf] =	wrdreg s7  }
0x17: {  	s14 =	sadd.s32 $0x480, s26;
	s22 =	sadd.s32 $0x300, s26;
	[dreg:$0x14] =	wrdreg s15  }
0x18: {  	s26 =	sadd.s32 $0x138000, s1;
	s10 =	sshrl.u32 s10, $0x3;
	[dreg:$0x1b] =	wrdreg s22  }
0x19: {  	s2 =	sshrl.u32 s14, $0x3;
	[dreg:$0x1c] =	wrdreg s26;
	s10 =	sadd.s32 s0, s10  }
0x1a: {  	s8 =	sshrl.u32 s17, $0x3;
	s17 =	sadd.s32 s2, s13;
	[dreg:$0xd] =	wrdreg s10  }
0x1b: {  	s0 =	sadd.s32 s0, s8;
	s2 =	sadd.s32 s2, s12;
	[dreg:$0x17] =	wrdreg s17  }
0x1c: {  	s8 =	sshrl.u32 s23, $0x2;
	s0 =	sadd.s32 $0x27000, s0;
	[dreg:$0x18] =	wrdreg s2  }
0x1d: {  	s25 =	sadd.s32 s8, s1;
	s10 =	sshrl.u32 s9, $0x3;
	[dreg:$0x13] =	wrdreg s0  }
0x1e: {  	s16 =	sadd.s32 s10, s13;
	[dreg:$0x12] =	wrdreg s25  }
0x1f: {  	s0 =	sadd.s32 s10, s12;
	[dreg:$0x15] =	wrdreg s16  }
0x20: {  	s23 =	sadd.s32 $0x800, s25;
	[dreg:$0x16] =	wrdreg s0  }
0x21: {  	s24 =	sadd.s32 $0x1000, s25;
	[dreg:$0x1d] =	wrdreg s23  }
0x22: {  	s28 =	sadd.s32 $0x1800, s25;
	[dreg:$0x1e] =	wrdreg s24  }
0x23: {  	s6 =	sadd.s32 $0x2000, s25;
	[dreg:$0x1f] =	wrdreg s28  }
0x24: {  	s7 =	sadd.s32 $0x2800, s25;
	[smem:$0x7DA] =	sst s6  }
0x25: {  	s10 =	sadd.s32 $0x3000, s25;
	[smem:$0x7DB] =	sst s7  }
0x26: {  	p0 =	sne.s32 s11, $0xF;
	s11 =	sadd.s32 $0x3800, s25;
	[smem:$0x7DC] =	sst s10  }
0x27: {  	s14 =	sadd.s32 $0x5000, s25;
	[smem:$0x7DD] =	sst s11  }
0x28: {  	s15 =	sadd.s32 $0x5800, s25;
	[smem:$0x7E0] =	sst s14  }
0x29: {  	s17 =	sadd.s32 $0x6800, s25;
	[smem:$0x7E1] =	sst s15  }
0x2a: {  	s2 =	sshrl.u32 s19, $0x3;
	s19 =	sadd.s32 $0x7800, s25;
	[smem:$0x7E3] =	sst s17  }
0x2b: {  	s5 =	sshrl.u32 s21, $0x3;
	s21 =	sadd.s32 $0x8800, s25;
	[smem:$0x7E5] =	sst s19  }
0x2c: {  	s22 =	sadd.s32 $0x9000, s25;
	[smem:$0x7E7] =	sst s21  }
0x2d: {  	s16 =	sadd.s32 $0x6000, s25;
	[smem:$0x7E8] =	sst s22  }
0x2e: {  	s0 =	sshrl.u32 s18, $0x3;
	s18 =	sadd.s32 $0x7000, s25;
	[smem:$0x7E2] =	sst s16  }
0x2f: {  	s23 =	sadd.s32 $0x9800, s25;
	[smem:$0x7E4] =	sst s18  }
0x30: {  	s24 =	sadd.s32 $0xA000, s25;
	[smem:$0x7E9] =	sst s23  }
0x31: {  	s28 =	sadd.s32 $0xA800, s25;
	[smem:$0x7EA] =	sst s24  }
0x32: {  	s6 =	sadd.s32 $0xB000, s25;
	[smem:$0x7EB] =	sst s28  }
0x33: {  	s7 =	sadd.s32 $0xB800, s25;
	[smem:$0x7EC] =	sst s6  }
0x34: {  	s10 =	sadd.s32 $0xC000, s25;
	[smem:$0x7ED] =	sst s7  }
0x35: {  	s29 =	simm.s32 $0xC680;
	s11 =	sadd.s32 $0xC800, s25;
	[smem:$0x7EE] =	sst s10  }
0x36: {  	s31 =	smov.u32 s13;
	s14 =	sadd.s32 $0xE000, s25;
	[smem:$0x7EF] =	sst s11  }
0x37: {  	s30 =	smov.u32 s12;
	s15 =	sadd.s32 $0xE800, s25;
	[smem:$0x7F2] =	sst s14  }
0x38: {  	s8 =	sadd.s32 s5, s13;
	s17 =	sadd.s32 $0xF800, s25;
	[smem:$0x7F3] =	sst s15  }
0x39: {  	s9 =	sadd.s32 s5, s12;
	s19 =	sadd.s32 $0x10800, s25;
	[smem:$0x7F5] =	sst s17  }
0x3a: {  	s21 =	sadd.s32 $0x11800, s25;
	s22 =	sadd.s32 $0x12000, s25;
	[smem:$0x7F7] =	sst s19  }
0x3b: {  	s20 =	sadd.s32 s0, s13;
	s0 =	sadd.s32 s0, s12;
	[smem:$0x7F9] =	sst s21  }
0x3c: {  	s16 =	sadd.s32 $0xF000, s25;
	s18 =	sadd.s32 $0x10000, s25;
	[smem:$0x7FA] =	sst s22  }
0x3d: {  	s23 =	sadd.s32 $0x12800, s25;
	s24 =	sadd.s32 $0x13000, s25;
	[dreg:$0x19] =	wrdreg s20  }
0x3e: {  	s6 =	simm.s32 $0xC000;
	s15 =	simm.s32 $0xC400;
	[dreg:$0x1a] =	wrdreg s0  }
0x3f: {  	s17 =	simm.s32 $0xC600;
	s11 =	simm.s32 $0xE;
	[smem:$0x7F4] =	sst s16  }
0x40: {  	s19 =	simm.s32 $0x8;
	s10 =	simm.s32 $0x4000;
	[smem:$0x7F6] =	sst s18  }
0x41: {  	s22 =	simm.s32 $0x1;
	s21 =	simm.s32 $0x2;
	[smem:$0x7FB] =	sst s23  }
0x42: {  	s28 =	simm.s32 $0x0;
	s0 =	sadd.s32 s2, s13;
	[smem:$0x7FC] =	sst s24  }
0x43: {  	s2 =	sadd.s32 s2, s12;
	s12 =	sadd.s32 $0x4000, s25;
	[smem:$0x7FD] =	sst s28  }
0x44: {  	s7 =	simm.s32 $0x3;
	s13 =	sadd.s32 $0x4800, s25;
	[smem:$0x7DE] =	sst s12  }
0x45: {  	s14 =	simm.s32 $0x6;
	s20 =	sadd.s32 $0x8000, s25;
	[smem:$0x7DF] =	sst s13  }
.Ltmp0:
0x46: {  	[smem:$0x7E6] =	sst s20;
	s12 =	sadd.s32 $0xD000, s25;
	(pc) =	sbr.rel .LBB2_1-.Ltmp0, $4  }
0x47: {  	s18 =	simm.s32 $0x80;
	s13 =	sadd.s32 $0xD800, s25;
	[smem:$0x7F0] =	sst s12  }
0x48: {  	s23 =	simm.s32 $0x4;
	s20 =	sadd.s32 $0x11000, s25;
	[smem:$0x7F1] =	sst s13  }
0x49: {  	s24 =	simm.s32 $0xA;
	s16 =	simm.s32 $0xC;
	[smem:$0x7F8] =	sst s20  }
0x4a: {  	v0 =	vimm.f32 $0.0e+00;
	s20 =	simm.s32 $0x8000;
	s12 =	simm.s32 $0x5;
	s13 =	simm.s32 $0xB  }
.LBB2_8:
0x4b: {  	_ =	swait.ge [sflag:s14], $0x4000  }
0x4c: {  	[sflag:s14] =	ssyncset.done $0x0  }
0x4d: {  	s5 =	simm.s32 $0xD;
	[sflag:s14] =	ssyncadd.s32 $0xFFFFC000  }
0x4e: {  	_ =	swait.ge [sflag:s5], $0x10  }
0x4f: {  	[sflag:s5] =	ssyncset.done $0x0  }
0x50: {  	[sflag:s5] =	ssyncadd.s32 $0xFFFFFFF0  }
0x51: {  	_ =	swait.ge [sflag:s5], $0x10  }
0x52: {  	[sflag:s5] =	ssyncset.done $0x0  }
0x53: {  	s17 =	simm.s32 $0xC600;
	s6 =	simm.s32 $0x10;
	[sflag:s5] =	ssyncadd.s32 $0xFFFFFFF0  }
0x54: {  	[tilespmem:s3], [sflag:$0x1] =	stream.indirect.gather [hbm4b:s4+s6], $0x80, s17, s6, $0xb8;
	[tilespmem:$0x1FF80] =	vst v63  }
0x55: {  	_ =	swait.ge [sflag:s22], $0x800  }
0x56: {  	[sflag:s22] =	ssyncset.done $0x0  }
0x57: {  	s29 =	simm.s32 $0xC680;
	s26 =	simm.s32 $0xF;
	[sflag:s22] =	ssyncadd.s32 $0xFFFFF800  }
0x58: {  	[spmem:s1] =	stream.indirect.scatter.add.f32 [tilespmem:s3], [sflag:$0xF], $0x80, s29, s6, $0xb8;
	[tilespmem:$0x1FF80] =	vst v63  }
0x59: {  	_ =	swait.ge [sflag:s26], $0x800  }
0x5a: {  	[sflag:s26] =	ssyncset.done $0x0  }
0x5b: {  	[sflag:s26] =	ssyncadd.s32 $0xFFFFF800  }
0x5c: {  	s25 =	stileid.u32;
	[bflag:$0x0] =	sbarrier.arrive $0xFFFF  }
0x5d: {  	s5 =	sshll.u32 s25, $0x6;
	s25 =	rddreg [dreg:$0x12]  }
0x5e: {  	s5 =	sor.u32 $0x1C0F, s5;
	s17 =	rddreg [dreg:$0xd];
	s28 =	sshrl.u32 s25, $0x3  }
0x5f: {  	[hbm:s17], [sflag:s5] =	dma.local [spmem:s28], $0x2700  }
0x60: {  	_ =	swait.ge [sflag:s26], $0x2700  }
0x61: {  	[sflag:s26] =	ssyncset.done $0x0  }
0x62: {  	[sflag:s26] =	ssyncadd.s32 $0xFFFFD900;
	s26 =	rddreg [dreg:$0x1c]  }
0x63: {  	s17 =	rddreg [dreg:$0x13];
	s6 =	sshrl.u32 @!p0 s26, $0x3  }
0x64: {  	[hbm:s17], [sflag:s5] =	dma.local @!p0 [spmem:s6], $0x100  }
0x65: {  	s5 =	simm.s32 @!p0 $0xF  }
0x66: {  	_ =	swait.ge @!p0 [sflag:s5], $0x100  }
0x67: {  	s28 =	sld [smem:$0x7FD];
	_ =	sdelay $0x2  }
0x68: {  	s6 =	rddreg [dreg:$0x14];
	s28 =	sadd.s32 $0x1, s28  }
0x69: {  	p1 =	sne.s32 s28, s6  }
.Ltmp1:
0x6a: {  	_ = 	snop;
	(pc) =	sbr.rel @!p1 .LBB2_9-.Ltmp1, $3  }
0x6b: {  	_ =	sdelay $0x1  }
0x6c: {  	s17 =	simm.s32 $0xC600;
	[sflag:s5] =	ssyncset.done @!p0 $0x0  }
0x6d: {  	[sflag:s5] =	ssyncadd.s32 @!p0 $0xFFFFFF00;
	[smem:$0x7FD] =	sst s28;
	s6 =	simm.s32 $0xC000  }
.LBB2_1:
0x6e: {  	s5 =	rddreg [dreg:$0x3]  }
0x6f: {  	[tilespmem:s6], [sflag:$0x7] =	stream.linear.gather [hbm4b:s5+s3], $0x80, $0x38;
	[tilespmem:$0x1FF80] =	vst v63  }
0x70: {  	s5 =	rddreg [dreg:$0x4];
	s6 =	simm.s32 $0xC080  }
0x71: {  	[tilespmem:s6], [sflag:$0x7] =	stream.linear.gather [hbm4b:s5+s3], $0x80, $0x38;
	[tilespmem:$0x1FF80] =	vst v63  }
0x72: {  	s5 =	rddreg [dreg:$0x5];
	s6 =	simm.s32 $0xC100  }
0x73: {  	[tilespmem:s6], [sflag:$0x8] =	stream.linear.gather [hbm4b:s5+s3], $0x80, $0x38;
	[tilespmem:$0x1FF80] =	vst v63  }
0x74: {  	s5 =	rddreg [dreg:$0x6];
	s6 =	simm.s32 $0xC180  }
0x75: {  	[tilespmem:s6], [sflag:$0x8] =	stream.linear.gather [hbm4b:s5+s3], $0x80, $0x38;
	[tilespmem:$0x1FF80] =	vst v63  }
0x76: {  	s28 =	simm.s32 $0xC200;
	s6 =	rddreg [dreg:$0x7]  }
0x77: {  	[tilespmem:s28], [sflag:$0x9] =	stream.linear.gather [hbm4b:s6+s3], $0x80, $0x38;
	[tilespmem:$0x1FF80] =	vst v63  }
0x78: {  	s6 =	rddreg [dreg:$0x8];
	s28 =	simm.s32 $0xC280  }
0x79: {  	[tilespmem:s28], [sflag:$0x9] =	stream.linear.gather [hbm4b:s6+s3], $0x80, $0x38;
	[tilespmem:$0x1FF80] =	vst v63  }
0x7a: {  	s6 =	rddreg [dreg:$0x9];
	s28 =	simm.s32 $0xC300  }
0x7b: {  	[tilespmem:s28], [sflag:$0xA] =	stream.linear.gather [hbm4b:s6+s3], $0x80, $0x38;
	[tilespmem:$0x1FF80] =	vst v63  }
0x7c: {  	s6 =	rddreg [dreg:$0xa];
	s28 =	simm.s32 $0xC380  }
0x7d: {  	[tilespmem:s28], [sflag:$0xA] =	stream.linear.gather [hbm4b:s6+s3], $0x80, $0x38;
	[tilespmem:$0x1FF80] =	vst v63  }
0x7e: {  	s28 =	rddreg [dreg:$0xb]  }
0x7f: {  	[tilespmem:s15], [sflag:$0xB] =	stream.linear.gather [hbm4b:s28+s3], $0x80, $0x38;
	[tilespmem:$0x1FF80] =	vst v63  }
0x80: {  	s6 =	rddreg [dreg:$0xc];
	s28 =	simm.s32 $0xC480  }
0x81: {  	[tilespmem:s28], [sflag:$0xB] =	stream.linear.gather [hbm4b:s6+s3], $0x80, $0x38;
	[tilespmem:$0x1FF80] =	vst v63  }
0x82: {  	s6 =	rddreg [dreg:$0xe];
	s28 =	simm.s32 $0xC500  }
0x83: {  	[tilespmem:s28], [sflag:$0xC] =	stream.linear.gather [hbm4b:s6+s3], $0x80, $0x38;
	[tilespmem:$0x1FF80] =	vst v63  }
0x84: {  	s6 =	rddreg [dreg:$0xf];
	s28 =	simm.s32 $0xC580  }
0x85: {  	[tilespmem:s28], [sflag:$0xC] =	stream.linear.gather [hbm4b:s6+s3], $0x80, $0x38;
	[tilespmem:$0x1FF80] =	vst v63  }
0x86: {  	s6 =	rddreg [dreg:$0x10]  }
0x87: {  	[tilespmem:s17], [sflag:$0xD] =	stream.linear.gather [hbm4b:s6+s3], $0x10, $0x38;
	[tilespmem:$0x1FF80] =	vst v63  }
0x88: {  	s5 =	simm.s32 $0x0;
	s28 =	rddreg [dreg:$0x11];
	s6 =	simm.s32 $0x200  }
0x89: {  	[tilespmem:s29], [sflag:$0xD] =	stream.linear.gather [hbm4b:s28+s3], $0x10, $0x38;
	[tilespmem:$0x1FF80] =	vst v63  }
.LBB2_2:
0x8a: {  	p1 =	sne.s32 s6, $0x1E00;
	[tilespmem:s5+$0x70] =	vst v0  }
0x8b: {  	[tilespmem:s5+$0x0] =	vst v0  }
0x8c: {  	[tilespmem:s5+$0x10] =	vst v0  }
.Ltmp2:
0x8d: {  	[tilespmem:s5+$0x20] =	vst v0;
	(pc) =	sbr.rel @p1 .LBB2_2-.Ltmp2, $4  }
0x8e: {  	[tilespmem:s5+$0x30] =	vst v0  }
0x8f: {  	[tilespmem:s5+$0x40] =	vst v0  }
0x90: {  	[tilespmem:s5+$0x50] =	vst v0  }
0x91: {  	[tilespmem:s5+$0x60] =	vst v0;
	s5 =	sshra.s32 s6, $0x2;
	s6 =	sadd.s32 $0x200, s6  }
0x92: {  	[tilespmem:s5+$0x70] =	vst v0  }
0x93: {  	[tilespmem:s5+$0x0] =	vst v0  }
0x94: {  	[tilespmem:s5+$0x10] =	vst v0  }
0x95: {  	[tilespmem:s5+$0x20] =	vst v0  }
0x96: {  	[tilespmem:s5+$0x30] =	vst v0  }
0x97: {  	[tilespmem:s5+$0x40] =	vst v0  }
0x98: {  	[tilespmem:s5+$0x50] =	vst v0  }
0x99: {  	[tilespmem:s5+$0x60] =	vst v0;
	s28 =	rddreg [dreg:$0x1e]  }
0x9a: {  	[spmem:s25] =	stream.linear.scatter [tilespmem:s3], [sflag:$0xE], $0x800, $0x38;
	[tilespmem:$0x1FF80] =	vst v63  }
0x9b: {  	s25 =	rddreg [dreg:$0x1d]  }
0x9c: {  	[spmem:s25] =	stream.linear.scatter [tilespmem:s3], [sflag:$0xE], $0x800, $0x38;
	[tilespmem:$0x1FF80] =	vst v63  }
0x9d: {  	s29 =	rddreg [dreg:$0x1f]  }
0x9e: {  	[spmem:s28] =	stream.linear.scatter [tilespmem:s3], [sflag:$0xE], $0x800, $0x38;
	[tilespmem:$0x1FF80] =	vst v63  }
0x9f: {  	s6 =	sld [smem:$0x7DA]  }
0xa0: {  	[spmem:s29] =	stream.linear.scatter [tilespmem:s3], [sflag:$0xE], $0x800, $0x38;
	[tilespmem:$0x1FF80] =	vst v63  }
0xa1: {  	s17 =	sld [smem:$0x7DB]  }
0xa2: {  	[spmem:s6] =	stream.linear.scatter [tilespmem:s3], [sflag:$0xE], $0x800, $0x38;
	[tilespmem:$0x1FF80] =	vst v63  }
0xa3: {  	s25 =	sld [smem:$0x7DC]  }
0xa4: {  	[spmem:s17] =	stream.linear.scatter [tilespmem:s3], [sflag:$0xE], $0x800, $0x38;
	[tilespmem:$0x1FF80] =	vst v63  }
0xa5: {  	s28 =	sld [smem:$0x7DD]  }
0xa6: {  	[spmem:s25] =	stream.linear.scatter [tilespmem:s3], [sflag:$0xE], $0x800, $0x38;
	[tilespmem:$0x1FF80] =	vst v63  }
0xa7: {  	s29 =	sld [smem:$0x7DE]  }
0xa8: {  	[spmem:s28] =	stream.linear.scatter [tilespmem:s3], [sflag:$0xE], $0x800, $0x38;
	[tilespmem:$0x1FF80] =	vst v63  }
0xa9: {  	s6 =	sld [smem:$0x7DF]  }
0xaa: {  	[spmem:s29] =	stream.linear.scatter [tilespmem:s3], [sflag:$0xE], $0x800, $0x38;
	[tilespmem:$0x1FF80] =	vst v63  }
0xab: {  	s17 =	sld [smem:$0x7E0]  }
0xac: {  	[spmem:s6] =	stream.linear.scatter [tilespmem:s3], [sflag:$0xE], $0x800, $0x38;
	[tilespmem:$0x1FF80] =	vst v63  }
0xad: {  	s25 =	sld [smem:$0x7E1]  }
0xae: {  	[spmem:s17] =	stream.linear.scatter [tilespmem:s3], [sflag:$0xE], $0x800, $0x38;
	[tilespmem:$0x1FF80] =	vst v63  }
0xaf: {  	s28 =	sld [smem:$0x7E2]  }
0xb0: {  	[spmem:s25] =	stream.linear.scatter [tilespmem:s3], [sflag:$0xE], $0x800, $0x38;
	[tilespmem:$0x1FF80] =	vst v63  }
0xb1: {  	s29 =	sld [smem:$0x7E3]  }
0xb2: {  	[spmem:s28] =	stream.linear.scatter [tilespmem:s3], [sflag:$0xE], $0x800, $0x38;
	[tilespmem:$0x1FF80] =	vst v63  }
0xb3: {  	s6 =	sld [smem:$0x7E4]  }
0xb4: {  	[spmem:s29] =	stream.linear.scatter [tilespmem:s3], [sflag:$0xE], $0x800, $0x38;
	[tilespmem:$0x1FF80] =	vst v63  }
0xb5: {  	s17 =	sld [smem:$0x7E5]  }
0xb6: {  	[spmem:s6] =	stream.linear.scatter [tilespmem:s3], [sflag:$0xE], $0x800, $0x38;
	[tilespmem:$0x1FF80] =	vst v63  }
0xb7: {  	s25 =	sld [smem:$0x7E6]  }
0xb8: {  	[spmem:s17] =	stream.linear.scatter [tilespmem:s3], [sflag:$0xE], $0x800, $0x38;
	[tilespmem:$0x1FF80] =	vst v63  }
0xb9: {  	s28 =	sld [smem:$0x7E7]  }
0xba: {  	[spmem:s25] =	stream.linear.scatter [tilespmem:s3], [sflag:$0xE], $0x800, $0x38;
	[tilespmem:$0x1FF80] =	vst v63  }
0xbb: {  	s29 =	sld [smem:$0x7E8]  }
0xbc: {  	[spmem:s28] =	stream.linear.scatter [tilespmem:s3], [sflag:$0xE], $0x800, $0x38;
	[tilespmem:$0x1FF80] =	vst v63  }
0xbd: {  	s6 =	sld [smem:$0x7E9]  }
0xbe: {  	[spmem:s29] =	stream.linear.scatter [tilespmem:s3], [sflag:$0xE], $0x800, $0x38;
	[tilespmem:$0x1FF80] =	vst v63  }
0xbf: {  	s17 =	sld [smem:$0x7EA]  }
0xc0: {  	[spmem:s6] =	stream.linear.scatter [tilespmem:s3], [sflag:$0xE], $0x800, $0x38;
	[tilespmem:$0x1FF80] =	vst v63  }
0xc1: {  	s25 =	sld [smem:$0x7EB]  }
0xc2: {  	[spmem:s17] =	stream.linear.scatter [tilespmem:s3], [sflag:$0xE], $0x800, $0x38;
	[tilespmem:$0x1FF80] =	vst v63  }
0xc3: {  	s28 =	sld [smem:$0x7EC]  }
0xc4: {  	[spmem:s25] =	stream.linear.scatter [tilespmem:s3], [sflag:$0xE], $0x800, $0x38;
	[tilespmem:$0x1FF80] =	vst v63  }
0xc5: {  	s29 =	sld [smem:$0x7ED]  }
0xc6: {  	[spmem:s28] =	stream.linear.scatter [tilespmem:s3], [sflag:$0xE], $0x800, $0x38;
	[tilespmem:$0x1FF80] =	vst v63  }
0xc7: {  	s6 =	sld [smem:$0x7EE]  }
0xc8: {  	[spmem:s29] =	stream.linear.scatter [tilespmem:s3], [sflag:$0xE], $0x800, $0x38;
	[tilespmem:$0x1FF80] =	vst v63  }
0xc9: {  	s17 =	sld [smem:$0x7EF]  }
0xca: {  	[spmem:s6] =	stream.linear.scatter [tilespmem:s3], [sflag:$0xE], $0x800, $0x38;
	[tilespmem:$0x1FF80] =	vst v63  }
0xcb: {  	s25 =	sld [smem:$0x7F0]  }
0xcc: {  	[spmem:s17] =	stream.linear.scatter [tilespmem:s3], [sflag:$0xE], $0x800, $0x38;
	[tilespmem:$0x1FF80] =	vst v63  }
0xcd: {  	s28 =	sld [smem:$0x7F1]  }
0xce: {  	[spmem:s25] =	stream.linear.scatter [tilespmem:s3], [sflag:$0xE], $0x800, $0x38;
	[tilespmem:$0x1FF80] =	vst v63  }
0xcf: {  	s29 =	sld [smem:$0x7F2]  }
0xd0: {  	[spmem:s28] =	stream.linear.scatter [tilespmem:s3], [sflag:$0xE], $0x800, $0x38;
	[tilespmem:$0x1FF80] =	vst v63  }
0xd1: {  	s6 =	sld [smem:$0x7F3]  }
0xd2: {  	[spmem:s29] =	stream.linear.scatter [tilespmem:s3], [sflag:$0xE], $0x800, $0x38;
	[tilespmem:$0x1FF80] =	vst v63  }
0xd3: {  	s17 =	sld [smem:$0x7F4]  }
0xd4: {  	[spmem:s6] =	stream.linear.scatter [tilespmem:s3], [sflag:$0xE], $0x800, $0x38;
	[tilespmem:$0x1FF80] =	vst v63  }
0xd5: {  	s25 =	sld [smem:$0x7F5]  }
0xd6: {  	[spmem:s17] =	stream.linear.scatter [tilespmem:s3], [sflag:$0xE], $0x800, $0x38;
	[tilespmem:$0x1FF80] =	vst v63  }
0xd7: {  	s28 =	sld [smem:$0x7F6]  }
0xd8: {  	[spmem:s25] =	stream.linear.scatter [tilespmem:s3], [sflag:$0xE], $0x800, $0x38;
	[tilespmem:$0x1FF80] =	vst v63  }
0xd9: {  	s29 =	sld [smem:$0x7F7]  }
0xda: {  	[spmem:s28] =	stream.linear.scatter [tilespmem:s3], [sflag:$0xE], $0x800, $0x38;
	[tilespmem:$0x1FF80] =	vst v63  }
0xdb: {  	s6 =	sld [smem:$0x7F8]  }
0xdc: {  	[spmem:s29] =	stream.linear.scatter [tilespmem:s3], [sflag:$0xE], $0x800, $0x38;
	[tilespmem:$0x1FF80] =	vst v63  }
0xdd: {  	s17 =	sld [smem:$0x7F9]  }
0xde: {  	[spmem:s6] =	stream.linear.scatter [tilespmem:s3], [sflag:$0xE], $0x800, $0x38;
	[tilespmem:$0x1FF80] =	vst v63  }
0xdf: {  	s25 =	sld [smem:$0x7FA]  }
0xe0: {  	[spmem:s17] =	stream.linear.scatter [tilespmem:s3], [sflag:$0xE], $0x800, $0x38;
	[tilespmem:$0x1FF80] =	vst v63  }
0xe1: {  	s28 =	sld [smem:$0x7FB]  }
0xe2: {  	[spmem:s25] =	stream.linear.scatter [tilespmem:s3], [sflag:$0xE], $0x800, $0x38;
	[tilespmem:$0x1FF80] =	vst v63  }
0xe3: {  	s29 =	sld [smem:$0x7FC]  }
0xe4: {  	[spmem:s28] =	stream.linear.scatter [tilespmem:s3], [sflag:$0xE], $0x800, $0x38;
	[tilespmem:$0x1FF80] =	vst v63  }
0xe5: {  	_ = 	snop  }
0xe6: {  	[spmem:s29] =	stream.linear.scatter [tilespmem:s3], [sflag:$0xE], $0x800, $0x38;
	[tilespmem:$0x1FF80] =	vst v63  }
0xe7: {  	s5 =	simm.s32 @!p0 $0x0  }
0xe8: {  	[spmem:s26] =	stream.linear.scatter @!p0 [tilespmem:s5], [sflag:$0xE], $0x800, $0x38;
	[tilespmem:$0x1FF80] =	vst v63  }
0xe9: {  	_ =	swait.ge [sflag:s11], $0x800  }
0xea: {  	s5 =	simm.s32 $0x26;
	[sflag:s11] =	ssyncset.done $0x0  }
.LBB2_4:
0xeb: {  	p1 =	sne.s32 s5, $0x1;
	s5 =	sadd.s32 $0xFFFFFFFF, s5;
	[sflag:s11] =	ssyncadd.s32 $0xFFFFF800  }
.Ltmp3:
0xec: {  	(pc) =	sbr.rel @p1 .LBB2_4-.Ltmp3, $3  }
0xed: {  	_ =	sdelay $0x1  }
0xee: {  	_ =	swait.ge [sflag:s11], $0x800  }
0xef: {  	[sflag:s11] =	ssyncset.done $0x0  }
0xf0: {  	[sflag:s11] =	ssyncadd.s32 $0xFFFFF800;
	s5 =	simm.s32 @!p0 $0xE  }
0xf1: {  	_ =	swait.ge @!p0 [sflag:s5], $0x800  }
0xf2: {  	[sflag:s5] =	ssyncset.done @!p0 $0x0  }
0xf3: {  	[sflag:s5] =	ssyncadd.s32 @!p0 $0xFFFFF800  }
0xf4: {  	s17 =	simm.s32 $0x7;
	[bflag:$0x0] =	sbarrier.arrive $0xFFFF  }
0xf5: {  	_ =	swait.ge [sflag:s17], $0x80  }
0xf6: {  	[sflag:s17] =	ssyncset.done $0x0  }
0xf7: {  	[sflag:s17] =	ssyncadd.s32 $0xFFFFFF80  }
0xf8: {  	_ =	swait.ge [sflag:s17], $0x80  }
0xf9: {  	[sflag:s17] =	ssyncset.done $0x0  }
0xfa: {  	s25 =	simm.s32 $0xC000;
	[sflag:s17] =	ssyncadd.s32 $0xFFFFFF80;
	s17 =	simm.s32 $0x0  }
0xfb: {  	[tilespmem:s17], [sflag:$0x1] =	stream.indirect.gather [hbm4b:s4+s18], $0x80, s25, s18, $0xb8;
	[tilespmem:$0x1FF80] =	vst v63  }
0xfc: {  	_ =	swait.ge [sflag:s19], $0x80  }
0xfd: {  	[sflag:s19] =	ssyncset.done $0x0  }
0xfe: {  	[sflag:s19] =	ssyncadd.s32 $0xFFFFFF80  }
0xff: {  	_ =	swait.ge [sflag:s19], $0x80  }
0x100: {  	[sflag:s19] =	ssyncset.done $0x0  }
0x101: {  	s26 =	simm.s32 $0xC100;
	s28 =	simm.s32 $0x9;
	[sflag:s19] =	ssyncadd.s32 $0xFFFFFF80  }
0x102: {  	[tilespmem:s10], [sflag:$0x2] =	stream.indirect.gather [hbm4b:s4+s18], $0x80, s26, s18, $0xb8;
	[tilespmem:$0x1FF80] =	vst v63  }
0x103: {  	_ =	swait.ge [sflag:s28], $0x80  }
0x104: {  	[sflag:s28] =	ssyncset.done $0x0  }
0x105: {  	[sflag:s28] =	ssyncadd.s32 $0xFFFFFF80  }
0x106: {  	_ =	swait.ge [sflag:s28], $0x80  }
0x107: {  	[sflag:s28] =	ssyncset.done $0x0  }
0x108: {  	s29 =	simm.s32 $0xC200;
	s5 =	rddreg [dreg:$0x1b];
	[sflag:s28] =	ssyncadd.s32 $0xFFFFFF80  }
0x109: {  	[tilespmem:s20], [sflag:$0x3] =	stream.indirect.gather [hbm4b:s4+s18], $0x80, s29, s18, $0xb8;
	[tilespmem:$0x1FF80] =	vst v63  }
.LBB2_6:
0x10a: {  	_ =	swait.ge [sflag:s22], $0x4000  }
0x10b: {  	[sflag:s22] =	ssyncset.done $0x0  }
0x10c: {  	s6 =	simm.s32 $0xC080;
	p1 =	seq.s32 s17, $0x0;
	[sflag:s22] =	ssyncadd.s32 $0xFFFFC000  }
0x10d: {  	[spmem:s1] =	stream.indirect.scatter.add.f32 [tilespmem:s3], [sflag:$0x4], $0x80, s6, s18, $0xb8;
	[tilespmem:$0x1FF80] =	vst v63  }
0x10e: {  	s6 =	simm.s32 @!p1 $0x6  }
0x10f: {  	_ =	swait.ge @!p1 [sflag:s6], $0x4000  }
0x110: {  	[sflag:s6] =	ssyncset.done @!p1 $0x0  }
0x111: {  	[sflag:s6] =	ssyncadd.s32 @!p1 $0xFFFFC000;
	s6 =	simm.s32 @!p1 $0x9  }
0x112: {  	_ =	swait.ge @!p1 [sflag:s6], $0x80  }
0x113: {  	[sflag:s6] =	ssyncset.done @!p1 $0x0  }
0x114: {  	[sflag:s6] =	ssyncadd.s32 @!p1 $0xFFFFFF80  }
0x115: {  	_ =	swait.ge @!p1 [sflag:s6], $0x80  }
0x116: {  	s25 =	simm.s32 @!p1 $0xC200;
	[sflag:s6] =	ssyncset.done @!p1 $0x0  }
0x117: {  	s26 =	simm.s32 @!p1 $0x8000;
	[sflag:s6] =	ssyncadd.s32 @!p1 $0xFFFFFF80;
	s6 =	simm.s32 @!p1 $0x80  }
0x118: {  	[tilespmem:s26], [sflag:$0x3] =	stream.indirect.gather @!p1 [hbm4b:s4+s6], $0x80, s25, s6, $0xb8;
	[tilespmem:$0x1FF80] =	vst v63  }
0x119: {  	s6 =	sadd.s32 @!p1 s17, s9;
	s25 =	simm.s32 @!p1 $0x0;
	s26 =	simm.s32 @!p1 $0xC500  }
0x11a: {  	[tilespmem:s26], [sflag:$0xC] =	stream.linear.gather @!p1 [hbm4b:s6+s25], $0x80, $0x38;
	[tilespmem:$0x1FF80] =	vst v63  }
0x11b: {  	s6 =	sadd.s32 @!p1 s17, s8;
	s26 =	simm.s32 @!p1 $0xC580  }
0x11c: {  	[tilespmem:s26], [sflag:$0xC] =	stream.linear.gather @!p1 [hbm4b:s6+s25], $0x80, $0x38;
	[tilespmem:$0x1FF80] =	vst v63  }
0x11d: {  	_ =	swait.ge [sflag:s21], $0x4000  }
0x11e: {  	[sflag:s21] =	ssyncset.done $0x0  }
0x11f: {  	s25 =	simm.s32 $0xC180;
	[sflag:s21] =	ssyncadd.s32 $0xFFFFC000  }
0x120: {  	[spmem:s1] =	stream.indirect.scatter.add.f32 [tilespmem:s10], [sflag:$0x5], $0x80, s25, s18, $0xb8;
	[tilespmem:$0x1FF80] =	vst v63  }
0x121: {  	_ =	swait.ge [sflag:s23], $0x4000  }
0x122: {  	[sflag:s23] =	ssyncset.done $0x0  }
0x123: {  	[sflag:s23] =	ssyncadd.s32 $0xFFFFC000  }
0x124: {  	_ =	swait.ge [sflag:s24], $0x80  }
0x125: {  	[sflag:s24] =	ssyncset.done $0x0  }
0x126: {  	[sflag:s24] =	ssyncadd.s32 $0xFFFFFF80  }
0x127: {  	_ =	swait.ge [sflag:s24], $0x80  }
0x128: {  	[sflag:s24] =	ssyncset.done $0x0  }
0x129: {  	s26 =	simm.s32 $0xC300;
	p1 =	seq.s32 s17, $0x480;
	[sflag:s24] =	ssyncadd.s32 $0xFFFFFF80  }
0x12a: {  	[tilespmem:s3], [sflag:$0x1] =	stream.indirect.gather [hbm4b:s4+s18], $0x80, s26, s18, $0xb8;
	[tilespmem:$0x1FF80] =	vst v63  }
0x12b: {  	s26 =	sshrl.u32 @!p1 s5, $0x3  }
0x12c: {  	s6 =	simm.s32 @!p1 $0x0;
	s25 =	simm.s32 @!p1 $0xC000;
	s28 =	sadd.s32 @!p1 s30, s26  }
0x12d: {  	[tilespmem:s25], [sflag:$0x7] =	stream.linear.gather @!p1 [hbm4b:s28+s6], $0x80, $0x38;
	[tilespmem:$0x1FF80] =	vst v63  }
0x12e: {  	s26 =	sadd.s32 @!p1 s31, s26;
	s28 =	simm.s32 @!p1 $0xC080  }
0x12f: {  	[tilespmem:s28], [sflag:$0x7] =	stream.linear.gather @!p1 [hbm4b:s26+s6], $0x80, $0x38;
	[tilespmem:$0x1FF80] =	vst v63  }
0x130: {  	_ =	swait.ge [sflag:s7], $0x4000  }
0x131: {  	[sflag:s7] =	ssyncset.done $0x0  }
0x132: {  	s28 =	simm.s32 $0xC280;
	[sflag:s7] =	ssyncadd.s32 $0xFFFFC000  }
0x133: {  	[spmem:s1] =	stream.indirect.scatter.add.f32 [tilespmem:s20], [sflag:$0x6], $0x80, s28, s18, $0xb8;
	[tilespmem:$0x1FF80] =	vst v63  }
0x134: {  	_ =	swait.ge [sflag:s12], $0x4000  }
0x135: {  	[sflag:s12] =	ssyncset.done $0x0  }
0x136: {  	[sflag:s12] =	ssyncadd.s32 $0xFFFFC000  }
0x137: {  	_ =	swait.ge [sflag:s13], $0x80  }
0x138: {  	[sflag:s13] =	ssyncset.done $0x0  }
0x139: {  	[sflag:s13] =	ssyncadd.s32 $0xFFFFFF80  }
0x13a: {  	_ =	swait.ge [sflag:s13], $0x80  }
0x13b: {  	[sflag:s13] =	ssyncset.done $0x0  }
0x13c: {  	[sflag:s13] =	ssyncadd.s32 $0xFFFFFF80  }
0x13d: {  	[tilespmem:s10], [sflag:$0x2] =	stream.indirect.gather [hbm4b:s4+s18], $0x80, s15, s18, $0xb8;
	[tilespmem:$0x1FF80] =	vst v63  }
0x13e: {  	s26 =	sadd.s32 @!p1 s17, s2;
	s28 =	simm.s32 @!p1 $0xC100  }
0x13f: {  	[tilespmem:s28], [sflag:$0x8] =	stream.linear.gather @!p1 [hbm4b:s26+s6], $0x80, $0x38;
	[tilespmem:$0x1FF80] =	vst v63  }
0x140: {  	s26 =	sadd.s32 @!p1 s17, s0;
	s28 =	simm.s32 @!p1 $0xC180  }
0x141: {  	[tilespmem:s28], [sflag:$0x8] =	stream.linear.gather @!p1 [hbm4b:s26+s6], $0x80, $0x38;
	[tilespmem:$0x1FF80] =	vst v63  }
0x142: {  	_ =	swait.ge [sflag:s22], $0x4000  }
0x143: {  	[sflag:s22] =	ssyncset.done $0x0  }
0x144: {  	s29 =	simm.s32 $0xC380;
	[sflag:s22] =	ssyncadd.s32 $0xFFFFC000  }
0x145: {  	[spmem:s1] =	stream.indirect.scatter.add.f32 [tilespmem:s3], [sflag:$0x4], $0x80, s29, s18, $0xb8;
	[tilespmem:$0x1FF80] =	vst v63  }
0x146: {  	_ =	swait.ge [sflag:s14], $0x4000  }
0x147: {  	[sflag:s14] =	ssyncset.done $0x0  }
0x148: {  	[sflag:s14] =	ssyncadd.s32 $0xFFFFC000  }
0x149: {  	_ =	swait.ge [sflag:s16], $0x80  }
0x14a: {  	[sflag:s16] =	ssyncset.done $0x0  }
0x14b: {  	[sflag:s16] =	ssyncadd.s32 $0xFFFFFF80  }
0x14c: {  	_ =	swait.ge [sflag:s16], $0x80  }
0x14d: {  	[sflag:s16] =	ssyncset.done $0x0  }
0x14e: {  	s28 =	simm.s32 $0xC500;
	s26 =	simm.s32 @p1 $0x2;
	[sflag:s16] =	ssyncadd.s32 $0xFFFFFF80  }
0x14f: {  	[tilespmem:s20], [sflag:$0x3] =	stream.indirect.gather [hbm4b:s4+s18], $0x80, s28, s18, $0xb8;
	[tilespmem:$0x1FF80] =	vst v63  }
0x150: {  	_ =	swait.ge @p1 [sflag:s26], $0x4000  }
0x151: {  	s29 =	simm.s32 @p1 $0x4000;
	[sflag:s26] =	ssyncset.done @p1 $0x0  }
0x152: {  	s28 =	simm.s32 @p1 $0xC480;
	[sflag:s26] =	ssyncadd.s32 @p1 $0xFFFFC000;
	s26 =	simm.s32 @p1 $0x80  }
0x153: {  	[spmem:s1] =	stream.indirect.scatter.add.f32 @p1 [tilespmem:s29], [sflag:$0x5], $0x80, s28, s26, $0xb8;
	[tilespmem:$0x1FF80] =	vst v63  }
0x154: {  	s26 =	simm.s32 @p1 $0x4  }
0x155: {  	_ =	swait.ge @p1 [sflag:s26], $0x4000  }
0x156: {  	[sflag:s26] =	ssyncset.done @p1 $0x0  }
0x157: {  	[sflag:s26] =	ssyncadd.s32 @p1 $0xFFFFC000;
	s26 =	rddreg [dreg:$0x1a]  }
0x158: {  	s28 =	simm.s32 @!p1 $0xC200;
	s26 =	sadd.s32 @!p1 s17, s26  }
0x159: {  	[tilespmem:s28], [sflag:$0x9] =	stream.linear.gather @!p1 [hbm4b:s26+s6], $0x80, $0x38;
	[tilespmem:$0x1FF80] =	vst v63  }
0x15a: {  	s26 =	rddreg [dreg:$0x19]  }
0x15b: {  	s28 =	simm.s32 @!p1 $0xC280;
	s26 =	sadd.s32 @!p1 s17, s26  }
0x15c: {  	[tilespmem:s28], [sflag:$0x9] =	stream.linear.gather @!p1 [hbm4b:s26+s6], $0x80, $0x38;
	[tilespmem:$0x1FF80] =	vst v63  }
0x15d: {  	s26 =	simm.s32 @!p1 $0x2  }
0x15e: {  	_ =	swait.ge @!p1 [sflag:s26], $0x4000  }
0x15f: {  	s29 =	simm.s32 @!p1 $0x4000;
	[sflag:s26] =	ssyncset.done @!p1 $0x0  }
0x160: {  	s28 =	simm.s32 @!p1 $0xC480;
	[sflag:s26] =	ssyncadd.s32 @!p1 $0xFFFFC000;
	s26 =	simm.s32 @!p1 $0x80  }
0x161: {  	[spmem:s1] =	stream.indirect.scatter.add.f32 @!p1 [tilespmem:s29], [sflag:$0x5], $0x80, s28, s26, $0xb8;
	[tilespmem:$0x1FF80] =	vst v63  }
0x162: {  	s28 =	simm.s32 @!p1 $0x4  }
0x163: {  	_ =	swait.ge @!p1 [sflag:s28], $0x4000  }
0x164: {  	[sflag:s28] =	ssyncset.done @!p1 $0x0  }
0x165: {  	[sflag:s28] =	ssyncadd.s32 @!p1 $0xFFFFC000;
	s28 =	simm.s32 @!p1 $0x7  }
0x166: {  	_ =	swait.ge @!p1 [sflag:s28], $0x80  }
0x167: {  	[sflag:s28] =	ssyncset.done @!p1 $0x0  }
0x168: {  	[sflag:s28] =	ssyncadd.s32 @!p1 $0xFFFFFF80  }
0x169: {  	_ =	swait.ge @!p1 [sflag:s28], $0x80  }
0x16a: {  	[sflag:s28] =	ssyncset.done @!p1 $0x0  }
0x16b: {  	[sflag:s28] =	ssyncadd.s32 @!p1 $0xFFFFFF80  }
0x16c: {  	[tilespmem:s6], [sflag:$0x1] =	stream.indirect.gather @!p1 [hbm4b:s4+s26], $0x80, s25, s26, $0xb8;
	[tilespmem:$0x1FF80] =	vst v63  }
0x16d: {  	s25 =	rddreg [dreg:$0x18]  }
0x16e: {  	s26 =	simm.s32 @!p1 $0xC300;
	s25 =	sadd.s32 @!p1 s17, s25  }
0x16f: {  	[tilespmem:s26], [sflag:$0xA] =	stream.linear.gather @!p1 [hbm4b:s25+s6], $0x80, $0x38;
	[tilespmem:$0x1FF80] =	vst v63  }
0x170: {  	s25 =	rddreg [dreg:$0x17]  }
0x171: {  	s26 =	simm.s32 @!p1 $0xC380;
	s25 =	sadd.s32 @!p1 s17, s25  }
0x172: {  	[tilespmem:s26], [sflag:$0xA] =	stream.linear.gather @!p1 [hbm4b:s25+s6], $0x80, $0x38;
	[tilespmem:$0x1FF80] =	vst v63  }
0x173: {  	_ =	swait.ge [sflag:s7], $0x4000  }
0x174: {  	[sflag:s7] =	ssyncset.done $0x0  }
.Ltmp4:
0x175: {  	s29 =	simm.s32 $0xC580;
	[sflag:s7] =	ssyncadd.s32 $0xFFFFC000;
	(pc) =	sbr.rel @p1 .LBB2_8-.Ltmp4, $4  }
0x176: {  	[spmem:s1] =	stream.indirect.scatter.add.f32 [tilespmem:s20], [sflag:$0x6], $0x80, s29, s18, $0xb8;
	[tilespmem:$0x1FF80] =	vst v63  }
0x177: {  	_ =	swait.ge [sflag:s12], $0x4000  }
0x178: {  	[sflag:s12] =	ssyncset.done $0x0  }
0x179: {  	[sflag:s12] =	ssyncadd.s32 $0xFFFFC000  }
0x17a: {  	_ =	swait.ge [sflag:s19], $0x80  }
0x17b: {  	[sflag:s19] =	ssyncset.done $0x0  }
0x17c: {  	[sflag:s19] =	ssyncadd.s32 $0xFFFFFF80  }
0x17d: {  	_ =	swait.ge [sflag:s19], $0x80  }
0x17e: {  	[sflag:s19] =	ssyncset.done $0x0  }
0x17f: {  	s6 =	simm.s32 $0xC100;
	[sflag:s19] =	ssyncadd.s32 $0xFFFFFF80  }
0x180: {  	[tilespmem:s10], [sflag:$0x2] =	stream.indirect.gather [hbm4b:s4+s18], $0x80, s6, s18, $0xb8;
	[tilespmem:$0x1FF80] =	vst v63  }
.Ltmp5:
0x181: {  	s28 =	rddreg [dreg:$0x16];
	(pc) =	sbr.rel .LBB2_6-.Ltmp5, $4  }
0x182: {  	s25 =	simm.s32 $0xC480;
	s29 =	rddreg [dreg:$0x15];
	s6 =	sadd.s32 s17, s28  }
0x183: {  	[tilespmem:s15], [sflag:$0xB] =	stream.linear.gather [hbm4b:s6+s3], $0x80, $0x38;
	[tilespmem:$0x1FF80] =	vst v63  }
0x184: {  	s5 =	sadd.s32 $0x300, s5;
	s6 =	sadd.s32 s17, s29;
	s17 =	sadd.s32 $0x60, s17  }
0x185: {  	[tilespmem:s25], [sflag:$0xB] =	stream.linear.gather [hbm4b:s6+s3], $0x80, $0x38;
	[tilespmem:$0x1FF80] =	vst v63  }
.LBB2_9:
0x186: {  	_ =	sfence.sel $0x180000  }
0x187: {  	[bflag:$0x0] =	sbarrier.arrive $0xFFFF  }
0x188: {  	_ =	strace $0x9000004A  }
0x189: {  	s0 =	stileid.u32;
	[bflag:$0x2] =	sbarrier.arrive $0xFFFF  }
0x18a: {  	p0 =	sne.s32 s0, $0x0;
	s0 =	rddreg [dreg:$0x2]  }
0x18b: {  	s0 =	sadd.s32 @!p0 $0x100000, s0  }
0x18c: {  	[sflag:s0] =	ssyncadd.tile.s32 @!p0 $0x1;
	_ =	shalt  }
.Lfunc_end2:
_tile_overlayer_lowered:
.L_overlay_start_2:
0x18d: {  	(tag) =	ssettag $0x2  }
0x18e: {  	s0 =	rddreg [dreg:$0x0];
	s2 =	stileid.u32  }
0x18f: {  	s1 =	rddreg [dreg:$0x1];
	p0 =	sne.s32 s2, $0x0  }
0x190: {  	s3 =	rddreg [dreg:$0x2];
	[bflag:$0x3] =	sbarrier.arrive $0xFFFF;
	s2 =	simm.s32 @!p0 $0x1C0F  }
0x191: {  	[timem:s3], [sflag:s2] =	dma.local @!p0 [hbm:s0], s1  }
0x192: {  	s0 =	simm.s32 @!p0 $0xF  }
0x193: {  	_ =	swait.ge @!p0 [sflag:s0], s1  }
0x194: {  	s1 =	ssub.s32 @!p0 $0x0, s1;
	[sflag:s0] =	ssyncset.done @!p0 $0x0  }
0x195: {  	[sflag:s0] =	ssyncadd.s32 @!p0 s1  }
0x196: {  	[bflag:$0x3] =	sbarrier.arrive $0xFFFF  }
0x197: {  	_ =	shalt  }

</sc_bundles>
